<compile_context>
chip_gen: v7x
topology: tpu7x:2x2x1
jax: 0.10.2.dev20260603
libtpu: 0.0.44.dev20260713+nightly
codegen_flags: <defaults>
</compile_context>

<pallas_src>
import functools

import jax
import jax.numpy as jnp
from jax import lax
from jax.experimental import pallas as pl
from jax.experimental.pallas import tpu as pltpu
from jax.experimental.pallas import tpu_sc as plsc

N_NODES = 10000
N_EDGES = 320000
D = 128

NC, NS, L = 2, 16, 16
NW = NC * NS
EPW = N_EDGES // NW
CH = 40
NCHUNK = EPW // CH
NB = 8
NG = NCHUNK // NB - 1
CSLAB = 128
NG_A = CSLAB // NB
ONES_LEN = ((CH + 15) // 16) * 16
N_PAD = 10240
ROWS_PER_TILE = N_PAD // NS


def _sc_scatter(x, eflat):
    mesh = plsc.VectorSubcoreMesh(core_axis_name="c", subcore_axis_name="s")

    @functools.partial(
        pl.kernel,
        out_type=(
            jax.ShapeDtypeStruct((NC, N_PAD, D), jnp.float32),
            jax.ShapeDtypeStruct((NC, N_PAD), jnp.float32),
        ),
        mesh=mesh,
        scratch_types=(
            [pltpu.VMEM((CH,), jnp.int32) for _ in range(NB)]
            + [pltpu.VMEM((CSLAB * CH,), jnp.int32)]
            + [pltpu.VMEM((CH, D), jnp.float32) for _ in range(NB)]
            + [
                pltpu.VMEM((ONES_LEN,), jnp.float32),
                pltpu.VMEM((ONES_LEN,), jnp.float32),
                pltpu.VMEM_SHARED((N_PAD, D), jnp.float32),
                pltpu.VMEM_SHARED((N_PAD,), jnp.float32),
            ]
            + [pltpu.SemaphoreType.DMA for _ in range(3 * NB)]
        ),
    )
    def sc_kernel(x_hbm, e_hbm, s_out, deg_out, *scr):
        rowb = scr[0:NB]
        colslab = scr[NB]
        gbuf = scr[NB + 1:2 * NB + 1]
        ones_v, z80, acc, dacc = scr[2 * NB + 1:2 * NB + 5]
        semi = scr[2 * NB + 5:3 * NB + 5]
        semg = scr[3 * NB + 5:4 * NB + 5]
        sems = scr[4 * NB + 5:5 * NB + 5]

        c = lax.axis_index("c")
        s = lax.axis_index("s")
        wid = s * NC + c
        ebase = wid * EPW

        zero16 = jnp.zeros((L,), jnp.float32)
        one16 = jnp.ones((L,), jnp.float32)

        cbase = N_EDGES + ebase
        pltpu.async_copy(e_hbm.at[pl.ds(cbase, CSLAB * CH)], colslab, semg[NB - 1])
        for b in range(NB):
            eb = ebase + b * CH
            pltpu.async_copy(e_hbm.at[pl.ds(eb, CH)], rowb[b], semi[b])

        for i in range(ONES_LEN // L):
            ones_v[pl.ds(i * L, L)] = one16
            z80[pl.ds(i * L, L)] = zero16

        def fill_buf(i, carry):
            for j in range(D // L):
                gbuf[0][i, pl.ds(j * L, L)] = zero16
            return carry
        lax.fori_loop(0, CH, fill_buf, 0)

        base = s * ROWS_PER_TILE
        for kk in range(ROWS_PER_TILE // CH):
            pltpu.async_copy(gbuf[0], acc.at[pl.ds(base + kk * CH, CH)],
                             semg[1 + (kk % 2)])
            pltpu.async_copy(z80.at[pl.ds(0, CH)], dacc.at[pl.ds(base + kk * CH, CH)],
                             semg[3])
        pltpu.make_async_copy(e_hbm.at[pl.ds(cbase, CSLAB * CH)], colslab,
                              semg[NB - 1]).wait()
        for kk in range(ROWS_PER_TILE // CH):
            pltpu.make_async_copy(gbuf[0], acc.at[pl.ds(base, CH)],
                                  semg[1 + (kk % 2)]).wait()
            pltpu.make_async_copy(z80.at[pl.ds(0, CH)], dacc.at[pl.ds(base, CH)],
                                  semg[3]).wait()

        plsc.subcore_barrier()

        def idx_start(cc, b):
            eb = ebase + cc * CH
            pltpu.async_copy(e_hbm.at[pl.ds(eb, CH)], rowb[b], semi[b])

        def idx_wait(cc, b):
            eb = ebase + cc * CH
            pltpu.make_async_copy(e_hbm.at[pl.ds(eb, CH)], rowb[b], semi[b]).wait()

        def cidx(cc, coff):
            return colslab.at[pl.ds((cc - coff) * CH, CH)]

        def gather_start(cc, b, coff):
            pltpu.async_copy(x_hbm.at[cidx(cc, coff)], gbuf[b], semg[b])

        def gather_wait(cc, b, coff):
            pltpu.make_async_copy(x_hbm.at[cidx(cc, coff)], gbuf[b], semg[b]).wait()

        def scatter_start(b):
            pltpu.async_copy(gbuf[b], acc.at[rowb[b]], sems[b], add=True)
            pltpu.async_copy(ones_v.at[pl.ds(0, CH)], dacc.at[rowb[b]], sems[b], add=True)

        def scatter_wait(b):
            pltpu.make_async_copy(gbuf[b], acc.at[rowb[b]], sems[b]).wait()
            pltpu.make_async_copy(ones_v.at[pl.ds(0, CH)], dacc.at[rowb[b]], sems[b]).wait()

        def make_group_body(coff):
            def group_body(g, carry):
                cg = g * NB
                for b in range(NB):
                    idx_wait(cg + b, b)
                    gather_start(cg + b, b, coff)
                for b in range(NB):
                    gather_wait(cg + b, b, coff)
                    scatter_start(b)
                for b in range(NB):
                    scatter_wait(b)
                    idx_start(cg + NB + b, b)
                return carry
            return group_body

        lax.fori_loop(0, NG_A, make_group_body(0), 0)
        nb_rest = (NCHUNK - CSLAB) * CH
        pltpu.sync_copy(e_hbm.at[pl.ds(cbase + CSLAB * CH, nb_rest)],
                        colslab.at[pl.ds(0, nb_rest)])
        lax.fori_loop(NG_A, NG, make_group_body(CSLAB), 0)

        ce = NG * NB
        for b in range(NB):
            idx_wait(ce + b, b)
            gather_start(ce + b, b, CSLAB)
        for b in range(NB):
            gather_wait(ce + b, b, CSLAB)
            scatter_start(b)
        LEFT = NCHUNK - (NG + 1) * NB
        for j in range(LEFT):
            cl = (NG + 1) * NB + j
            scatter_wait(j)
            pltpu.sync_copy(e_hbm.at[pl.ds(ebase + cl * CH, CH)], rowb[j])
            pltpu.async_copy(x_hbm.at[cidx(cl, CSLAB)], gbuf[j], semg[j]).wait()
            pltpu.sync_copy(gbuf[j], acc.at[rowb[j]], add=True)
            pltpu.sync_copy(ones_v.at[pl.ds(0, CH)], dacc.at[rowb[j]], add=True)
        for b in range(LEFT, NB):
            scatter_wait(b)

        plsc.subcore_barrier()

        pltpu.sync_copy(acc.at[pl.ds(base, ROWS_PER_TILE)],
                        s_out.at[c, pl.ds(base, ROWS_PER_TILE)])
        pltpu.sync_copy(dacc.at[pl.ds(base, ROWS_PER_TILE)],
                        deg_out.at[c, pl.ds(base, ROWS_PER_TILE)])

    return sc_kernel(x, eflat)


def _tc_precompute(x, W, b2):
    BLK = 1000

    def body(x_ref, w_ref, b_ref, p_ref):
        Wa = w_ref[0:D, :]
        Wb = w_ref[D:2 * D, :]
        p_ref[...] = jnp.dot(x_ref[...], Wa - Wb,
                             preferred_element_type=jnp.float32) + b_ref[...]

    return pl.pallas_call(
        body,
        grid=(N_NODES // BLK,),
        in_specs=[
            pl.BlockSpec((BLK, D), lambda i: (i, 0)),
            pl.BlockSpec((2 * D, D), lambda i: (0, 0)),
            pl.BlockSpec((1, D), lambda i: (0, 0)),
        ],
        out_specs=pl.BlockSpec((BLK, D), lambda i: (i, 0)),
        out_shape=jax.ShapeDtypeStruct((N_NODES, D), jnp.float32),
    )(x, W, b2)


def _tc_combine(P, W, s2, deg_col):
    BLK = 1000

    def body(p_ref, w_ref, s_ref, d_ref, o_ref):
        S = s_ref[0] + s_ref[1]
        deg = d_ref[...]
        Wb = w_ref[D:2 * D, :]
        o_ref[...] = deg * p_ref[...] + jnp.dot(
            S, Wb, preferred_element_type=jnp.float32)

    return pl.pallas_call(
        body,
        grid=(N_NODES // BLK,),
        in_specs=[
            pl.BlockSpec((BLK, D), lambda i: (i, 0)),
            pl.BlockSpec((2 * D, D), lambda i: (0, 0)),
            pl.BlockSpec((NC, BLK, D), lambda i: (0, i, 0)),
            pl.BlockSpec((BLK, 1), lambda i: (i, 0)),
        ],
        out_specs=pl.BlockSpec((BLK, D), lambda i: (i, 0)),
        out_shape=jax.ShapeDtypeStruct((N_NODES, D), jnp.float32),
    )(P, W, s2, deg_col)


@jax.jit
def kernel(x, edge_index, W, b):
    eflat = edge_index.astype(jnp.int32).reshape(2 * N_EDGES)
    s2, d2 = _sc_scatter(x, eflat)
    P = _tc_precompute(x, W, b.reshape(1, D))
    deg_col = (d2[0, :N_NODES] + d2[1, :N_NODES]).reshape(N_NODES, 1)
    return _tc_combine(P, W, s2, deg_col)

# --- scband reference (transcript-rebuilt; emitter-appended) ---
"""Pipeline reference for scband-edge-conv-15101105013037 (READ-ONLY COPY).

The authoritative reference and input builder live on the scoring server;
editing this copy changes nothing except your own understanding.
"""

import jax, jax.numpy as jnp
import numpy as np

N_NODES = 10000
N_EDGES = 320000
D_FEAT = 128


def setup_inputs(seed: int = 0) -> dict:
    key = jax.random.key(seed)
    k1, k2, k3 = jax.random.split(key, 3)
    x = jax.random.normal(k1, (N_NODES, D_FEAT), dtype=jnp.float32)
    edge_index = jax.random.randint(k2, (2, N_EDGES), 0, N_NODES, dtype=jnp.int64)
    # h_Theta MLP: single Linear(2*D_FEAT -> D_FEAT)
    W = jax.random.normal(k3, (2 * D_FEAT, D_FEAT), dtype=jnp.float32) * 0.05
    b = jnp.zeros((D_FEAT,), dtype=jnp.float32)
    return {"x": x, "edge_index": edge_index, "W": W, "b": b}


def reference(x, edge_index, W, b):
    # EdgeConv: out_i = sum_{j in N(i)} h([x_i || x_j - x_i])
    row = edge_index[0]
    col = edge_index[1]
    x_row = jnp.take(x, row, axis=0)          # gather x_i per edge
    x_col = jnp.take(x, col, axis=0)          # gather x_j per edge
    h = jnp.concatenate([x_row, x_col - x_row], axis=1)  # [E, 2*D]
    h = h @ W + b                              # h_Theta (Linear)
    out = jax.ops.segment_sum(h, row, num_segments=x.shape[0])  # scatter-add aggr
    return out

if __name__ == "__main__":
    import jax
    _d = setup_inputs()
    print(jax.jit(kernel)(*tuple(_d.values())))

</pallas_src>

<mosaic_0001>
#map = affine_map<(d0, d1) -> (0, 0)>
#map1 = affine_map<(d0, d1) -> (0)>
#map2 = affine_map<(d0, d1) -> (0, 0, 0)>
module attributes {stable_mosaic.version = 14 : i64} {
  func.func @sc_kernel(%arg0: i32, %arg1: i32, %arg2: memref<10000x128xf32, #tpu.memory_space<hbm>>, %arg3: memref<640000xi32, #tpu.memory_space<hbm>>, %arg4: memref<2x10240x128xf32, #tpu.memory_space<hbm>>, %arg5: memref<2x10240xf32, #tpu.memory_space<hbm>>, %arg6: memref<40xi32, #tpu.memory_space<vmem>>, %arg7: memref<40xi32, #tpu.memory_space<vmem>>, %arg8: memref<40xi32, #tpu.memory_space<vmem>>, %arg9: memref<40xi32, #tpu.memory_space<vmem>>, %arg10: memref<40xi32, #tpu.memory_space<vmem>>, %arg11: memref<40xi32, #tpu.memory_space<vmem>>, %arg12: memref<40xi32, #tpu.memory_space<vmem>>, %arg13: memref<40xi32, #tpu.memory_space<vmem>>, %arg14: memref<5120xi32, #tpu.memory_space<vmem>>, %arg15: memref<40x128xf32, #tpu.memory_space<vmem>>, %arg16: memref<40x128xf32, #tpu.memory_space<vmem>>, %arg17: memref<40x128xf32, #tpu.memory_space<vmem>>, %arg18: memref<40x128xf32, #tpu.memory_space<vmem>>, %arg19: memref<40x128xf32, #tpu.memory_space<vmem>>, %arg20: memref<40x128xf32, #tpu.memory_space<vmem>>, %arg21: memref<40x128xf32, #tpu.memory_space<vmem>>, %arg22: memref<40x128xf32, #tpu.memory_space<vmem>>, %arg23: memref<48xf32, #tpu.memory_space<vmem>>, %arg24: memref<48xf32, #tpu.memory_space<vmem>>, %arg25: memref<10240x128xf32, #tpu.memory_space<vmem_shared>>, %arg26: memref<10240xf32, #tpu.memory_space<vmem_shared>>, %arg27: memref<!tpu.dma_semaphore, #tpu.memory_space<semaphore_mem>>, %arg28: memref<!tpu.dma_semaphore, #tpu.memory_space<semaphore_mem>>, %arg29: memref<!tpu.dma_semaphore, #tpu.memory_space<semaphore_mem>>, %arg30: memref<!tpu.dma_semaphore, #tpu.memory_space<semaphore_mem>>, %arg31: memref<!tpu.dma_semaphore, #tpu.memory_space<semaphore_mem>>, %arg32: memref<!tpu.dma_semaphore, #tpu.memory_space<semaphore_mem>>, %arg33: memref<!tpu.dma_semaphore, #tpu.memory_space<semaphore_mem>>, %arg34: memref<!tpu.dma_semaphore, #tpu.memory_space<semaphore_mem>>, %arg35: memref<!tpu.dma_semaphore, #tpu.memory_space<semaphore_mem>>, %arg36: memref<!tpu.dma_semaphore, #tpu.memory_space<semaphore_mem>>, %arg37: memref<!tpu.dma_semaphore, #tpu.memory_space<semaphore_mem>>, %arg38: memref<!tpu.dma_semaphore, #tpu.memory_space<semaphore_mem>>, %arg39: memref<!tpu.dma_semaphore, #tpu.memory_space<semaphore_mem>>, %arg40: memref<!tpu.dma_semaphore, #tpu.memory_space<semaphore_mem>>, %arg41: memref<!tpu.dma_semaphore, #tpu.memory_space<semaphore_mem>>, %arg42: memref<!tpu.dma_semaphore, #tpu.memory_space<semaphore_mem>>, %arg43: memref<!tpu.dma_semaphore, #tpu.memory_space<semaphore_mem>>, %arg44: memref<!tpu.dma_semaphore, #tpu.memory_space<semaphore_mem>>, %arg45: memref<!tpu.dma_semaphore, #tpu.memory_space<semaphore_mem>>, %arg46: memref<!tpu.dma_semaphore, #tpu.memory_space<semaphore_mem>>, %arg47: memref<!tpu.dma_semaphore, #tpu.memory_space<semaphore_mem>>, %arg48: memref<!tpu.dma_semaphore, #tpu.memory_space<semaphore_mem>>, %arg49: memref<!tpu.dma_semaphore, #tpu.memory_space<semaphore_mem>>, %arg50: memref<!tpu.dma_semaphore, #tpu.memory_space<semaphore_mem>>) attributes {dimension_semantics = [#tpu.dimension_semantics<core_parallel>, #tpu.dimension_semantics<subcore_parallel>], iteration_bounds = array<i64: 2, 16>, scalar_prefetch = 0 : i64, scratch_operands = 45 : i64, tpu.core_type = #tpu.core_type<sc_vector_subcore>, window_params = [{transform_indices = #map}, {transform_indices = #map1}, {transform_indices = #map2}, {transform_indices = #map}]} {
    %mul3A = arith.constant 2 : i32
    %mul3A_0 = arith.muli %arg1, %mul3A : i32
    %add3A = arith.addi %mul3A_0, %arg0 : i32
    %mul3A_1 = arith.constant 10000 : i32
    %mul3A_2 = arith.muli %add3A, %mul3A_1 : i32
    %broadcast_in_dim3A = arith.constant 0.000000e+00 : f32
    %broadcast_in_dim3A_3 = vector.broadcast %broadcast_in_dim3A : f32 to vector<16xf32>
    %broadcast_in_dim3A_4 = arith.constant 1.000000e+00 : f32
    %broadcast_in_dim3A_5 = vector.broadcast %broadcast_in_dim3A_4 : f32 to vector<16xf32>
    %add3A_6 = arith.constant 320000 : i32
    %add3A_7 = arith.addi %add3A_6, %mul3A_2 : i32
    %dma_start3A = tpu.memref_slice %arg3[%add3A_7] : memref<640000xi32, #tpu.memory_space<hbm>> -> memref<5120xi32, #tpu.memory_space<hbm>>
    %dma_start3A_8 = tpu.memref_slice %arg3[%add3A_7] : memref<640000xi32, #tpu.memory_space<hbm>> -> memref<5120xi32, #tpu.memory_space<hbm>>
    tpu.enqueue_dma source(%dma_start3A_8 : memref<5120xi32, #tpu.memory_space<hbm>>) target(%arg14 : memref<5120xi32, #tpu.memory_space<vmem>>) target_semaphore(%arg42 : memref<!tpu.dma_semaphore, #tpu.memory_space<semaphore_mem>>)
    %add3A_9 = arith.constant 0 : i32
    %add3A_10 = arith.addi %mul3A_2, %add3A_9 : i32
    %dma_start3A_11 = tpu.memref_slice %arg3[%add3A_10] : memref<640000xi32, #tpu.memory_space<hbm>> -> memref<40xi32, #tpu.memory_space<hbm>>
    %dma_start3A_12 = tpu.memref_slice %arg3[%add3A_10] : memref<640000xi32, #tpu.memory_space<hbm>> -> memref<40xi32, #tpu.memory_space<hbm>>
    tpu.enqueue_dma source(%dma_start3A_12 : memref<40xi32, #tpu.memory_space<hbm>>) target(%arg6 : memref<40xi32, #tpu.memory_space<vmem>>) target_semaphore(%arg27 : memref<!tpu.dma_semaphore, #tpu.memory_space<semaphore_mem>>)
    %add3A_13 = arith.constant 40 : i32
    %add3A_14 = arith.addi %mul3A_2, %add3A_13 : i32
    %dma_start3A_15 = tpu.memref_slice %arg3[%add3A_14] : memref<640000xi32, #tpu.memory_space<hbm>> -> memref<40xi32, #tpu.memory_space<hbm>>
    %dma_start3A_16 = tpu.memref_slice %arg3[%add3A_14] : memref<640000xi32, #tpu.memory_space<hbm>> -> memref<40xi32, #tpu.memory_space<hbm>>
    tpu.enqueue_dma source(%dma_start3A_16 : memref<40xi32, #tpu.memory_space<hbm>>) target(%arg7 : memref<40xi32, #tpu.memory_space<vmem>>) target_semaphore(%arg28 : memref<!tpu.dma_semaphore, #tpu.memory_space<semaphore_mem>>)
    %add3A_17 = arith.constant 80 : i32
    %add3A_18 = arith.addi %mul3A_2, %add3A_17 : i32
    %dma_start3A_19 = tpu.memref_slice %arg3[%add3A_18] : memref<640000xi32, #tpu.memory_space<hbm>> -> memref<40xi32, #tpu.memory_space<hbm>>
    %dma_start3A_20 = tpu.memref_slice %arg3[%add3A_18] : memref<640000xi32, #tpu.memory_space<hbm>> -> memref<40xi32, #tpu.memory_space<hbm>>
    tpu.enqueue_dma source(%dma_start3A_20 : memref<40xi32, #tpu.memory_space<hbm>>) target(%arg8 : memref<40xi32, #tpu.memory_space<vmem>>) target_semaphore(%arg29 : memref<!tpu.dma_semaphore, #tpu.memory_space<semaphore_mem>>)
    %add3A_21 = arith.constant 120 : i32
    %add3A_22 = arith.addi %mul3A_2, %add3A_21 : i32
    %dma_start3A_23 = tpu.memref_slice %arg3[%add3A_22] : memref<640000xi32, #tpu.memory_space<hbm>> -> memref<40xi32, #tpu.memory_space<hbm>>
    %dma_start3A_24 = tpu.memref_slice %arg3[%add3A_22] : memref<640000xi32, #tpu.memory_space<hbm>> -> memref<40xi32, #tpu.memory_space<hbm>>
    tpu.enqueue_dma source(%dma_start3A_24 : memref<40xi32, #tpu.memory_space<hbm>>) target(%arg9 : memref<40xi32, #tpu.memory_space<vmem>>) target_semaphore(%arg30 : memref<!tpu.dma_semaphore, #tpu.memory_space<semaphore_mem>>)
    %add3A_25 = arith.constant 160 : i32
    %add3A_26 = arith.addi %mul3A_2, %add3A_25 : i32
    %dma_start3A_27 = tpu.memref_slice %arg3[%add3A_26] : memref<640000xi32, #tpu.memory_space<hbm>> -> memref<40xi32, #tpu.memory_space<hbm>>
    %dma_start3A_28 = tpu.memref_slice %arg3[%add3A_26] : memref<640000xi32, #tpu.memory_space<hbm>> -> memref<40xi32, #tpu.memory_space<hbm>>
    tpu.enqueue_dma source(%dma_start3A_28 : memref<40xi32, #tpu.memory_space<hbm>>) target(%arg10 : memref<40xi32, #tpu.memory_space<vmem>>) target_semaphore(%arg31 : memref<!tpu.dma_semaphore, #tpu.memory_space<semaphore_mem>>)
    %add3A_29 = arith.constant 200 : i32
    %add3A_30 = arith.addi %mul3A_2, %add3A_29 : i32
    %dma_start3A_31 = tpu.memref_slice %arg3[%add3A_30] : memref<640000xi32, #tpu.memory_space<hbm>> -> memref<40xi32, #tpu.memory_space<hbm>>
    %dma_start3A_32 = tpu.memref_slice %arg3[%add3A_30] : memref<640000xi32, #tpu.memory_space<hbm>> -> memref<40xi32, #tpu.memory_space<hbm>>
    tpu.enqueue_dma source(%dma_start3A_32 : memref<40xi32, #tpu.memory_space<hbm>>) target(%arg11 : memref<40xi32, #tpu.memory_space<vmem>>) target_semaphore(%arg32 : memref<!tpu.dma_semaphore, #tpu.memory_space<semaphore_mem>>)
    %add3A_33 = arith.constant 240 : i32
    %add3A_34 = arith.addi %mul3A_2, %add3A_33 : i32
    %dma_start3A_35 = tpu.memref_slice %arg3[%add3A_34] : memref<640000xi32, #tpu.memory_space<hbm>> -> memref<40xi32, #tpu.memory_space<hbm>>
    %dma_start3A_36 = tpu.memref_slice %arg3[%add3A_34] : memref<640000xi32, #tpu.memory_space<hbm>> -> memref<40xi32, #tpu.memory_space<hbm>>
    tpu.enqueue_dma source(%dma_start3A_36 : memref<40xi32, #tpu.memory_space<hbm>>) target(%arg12 : memref<40xi32, #tpu.memory_space<vmem>>) target_semaphore(%arg33 : memref<!tpu.dma_semaphore, #tpu.memory_space<semaphore_mem>>)
    %add3A_37 = arith.constant 280 : i32
    %add3A_38 = arith.addi %mul3A_2, %add3A_37 : i32
    %dma_start3A_39 = tpu.memref_slice %arg3[%add3A_38] : memref<640000xi32, #tpu.memory_space<hbm>> -> memref<40xi32, #tpu.memory_space<hbm>>
    %dma_start3A_40 = tpu.memref_slice %arg3[%add3A_38] : memref<640000xi32, #tpu.memory_space<hbm>> -> memref<40xi32, #tpu.memory_space<hbm>>
    tpu.enqueue_dma source(%dma_start3A_40 : memref<40xi32, #tpu.memory_space<hbm>>) target(%arg13 : memref<40xi32, #tpu.memory_space<vmem>>) target_semaphore(%arg34 : memref<!tpu.dma_semaphore, #tpu.memory_space<semaphore_mem>>)
    %swap3A = arith.constant 0 : index
    %swap3A_41 = tpu.vector_load %arg23[%swap3A] {strides = array<i32>} : memref<48xf32, #tpu.memory_space<vmem>>, vector<16xf32>,
    %swap3A_42 = vector.shape_cast %swap3A_41 : vector<16xf32> to vector<16xf32>
    %swap3A_43 = vector.shape_cast %broadcast_in_dim3A_5 : vector<16xf32> to vector<16xf32>
    tpu.vector_store %arg23[%swap3A], %swap3A_43 {strides = array<i32>} : memref<48xf32, #tpu.memory_space<vmem>>, vector<16xf32>,
    %swap3A_44 = arith.constant 0 : index
    %swap3A_45 = tpu.vector_load %arg24[%swap3A_44] {strides = array<i32>} : memref<48xf32, #tpu.memory_space<vmem>>, vector<16xf32>,
    %swap3A_46 = vector.shape_cast %swap3A_45 : vector<16xf32> to vector<16xf32>
    %swap3A_47 = vector.shape_cast %broadcast_in_dim3A_3 : vector<16xf32> to vector<16xf32>
    tpu.vector_store %arg24[%swap3A_44], %swap3A_47 {strides = array<i32>} : memref<48xf32, #tpu.memory_space<vmem>>, vector<16xf32>,
    %swap3A_48 = arith.constant 16 : index
    %swap3A_49 = tpu.vector_load %arg23[%swap3A_48] {strides = array<i32>} : memref<48xf32, #tpu.memory_space<vmem>>, vector<16xf32>,
    %swap3A_50 = vector.shape_cast %swap3A_49 : vector<16xf32> to vector<16xf32>
    %swap3A_51 = vector.shape_cast %broadcast_in_dim3A_5 : vector<16xf32> to vector<16xf32>
    tpu.vector_store %arg23[%swap3A_48], %swap3A_51 {strides = array<i32>} : memref<48xf32, #tpu.memory_space<vmem>>, vector<16xf32>,
    %swap3A_52 = arith.constant 16 : index
    %swap3A_53 = tpu.vector_load %arg24[%swap3A_52] {strides = array<i32>} : memref<48xf32, #tpu.memory_space<vmem>>, vector<16xf32>,
    %swap3A_54 = vector.shape_cast %swap3A_53 : vector<16xf32> to vector<16xf32>
    %swap3A_55 = vector.shape_cast %broadcast_in_dim3A_3 : vector<16xf32> to vector<16xf32>
    tpu.vector_store %arg24[%swap3A_52], %swap3A_55 {strides = array<i32>} : memref<48xf32, #tpu.memory_space<vmem>>, vector<16xf32>,
    %swap3A_56 = arith.constant 32 : index
    %swap3A_57 = tpu.vector_load %arg23[%swap3A_56] {strides = array<i32>} : memref<48xf32, #tpu.memory_space<vmem>>, vector<16xf32>,
    %swap3A_58 = vector.shape_cast %swap3A_57 : vector<16xf32> to vector<16xf32>
    %swap3A_59 = vector.shape_cast %broadcast_in_dim3A_5 : vector<16xf32> to vector<16xf32>
    tpu.vector_store %arg23[%swap3A_56], %swap3A_59 {strides = array<i32>} : memref<48xf32, #tpu.memory_space<vmem>>, vector<16xf32>,
    %swap3A_60 = arith.constant 32 : index
    %swap3A_61 = tpu.vector_load %arg24[%swap3A_60] {strides = array<i32>} : memref<48xf32, #tpu.memory_space<vmem>>, vector<16xf32>,
    %swap3A_62 = vector.shape_cast %swap3A_61 : vector<16xf32> to vector<16xf32>
    %swap3A_63 = vector.shape_cast %broadcast_in_dim3A_3 : vector<16xf32> to vector<16xf32>
    tpu.vector_store %arg24[%swap3A_60], %swap3A_63 {strides = array<i32>} : memref<48xf32, #tpu.memory_space<vmem>>, vector<16xf32>,
    %scan3A = arith.constant 0 : i32
    %scan3A_64 = arith.constant 0 : i32
    %scan3A_65 = arith.constant 40 : i32
    %scan3A_66 = arith.addi %scan3A_64, %scan3A_65 : i32
    %scan3A_67 = arith.constant 1 : i32
    scf.for %scan3A_719 = %scan3A_64 to %scan3A_66 step %scan3A_67  : i32 {
      %swap3A_720 = arith.index_cast %scan3A_719 : i32 to index
      %swap3A_721 = arith.constant 0 : index
      %swap3A_722 = tpu.vector_load %arg15[%swap3A_720, %swap3A_721] {strides = array<i32>} : memref<40x128xf32, #tpu.memory_space<vmem>>, vector<1x16xf32>,
      %swap3A_723 = vector.shape_cast %swap3A_722 : vector<1x16xf32> to vector<16xf32>
      %swap3A_724 = vector.shape_cast %broadcast_in_dim3A_3 : vector<16xf32> to vector<1x16xf32>
      tpu.vector_store %arg15[%swap3A_720, %swap3A_721], %swap3A_724 {strides = array<i32>} : memref<40x128xf32, #tpu.memory_space<vmem>>, vector<1x16xf32>,
      %swap3A_725 = arith.index_cast %scan3A_719 : i32 to index
      %swap3A_726 = arith.constant 16 : index
      %swap3A_727 = tpu.vector_load %arg15[%swap3A_725, %swap3A_726] {strides = array<i32>} : memref<40x128xf32, #tpu.memory_space<vmem>>, vector<1x16xf32>,
      %swap3A_728 = vector.shape_cast %swap3A_727 : vector<1x16xf32> to vector<16xf32>
      %swap3A_729 = vector.shape_cast %broadcast_in_dim3A_3 : vector<16xf32> to vector<1x16xf32>
      tpu.vector_store %arg15[%swap3A_725, %swap3A_726], %swap3A_729 {strides = array<i32>} : memref<40x128xf32, #tpu.memory_space<vmem>>, vector<1x16xf32>,
      %swap3A_730 = arith.index_cast %scan3A_719 : i32 to index
      %swap3A_731 = arith.constant 32 : index
      %swap3A_732 = tpu.vector_load %arg15[%swap3A_730, %swap3A_731] {strides = array<i32>} : memref<40x128xf32, #tpu.memory_space<vmem>>, vector<1x16xf32>,
      %swap3A_733 = vector.shape_cast %swap3A_732 : vector<1x16xf32> to vector<16xf32>
      %swap3A_734 = vector.shape_cast %broadcast_in_dim3A_3 : vector<16xf32> to vector<1x16xf32>
      tpu.vector_store %arg15[%swap3A_730, %swap3A_731], %swap3A_734 {strides = array<i32>} : memref<40x128xf32, #tpu.memory_space<vmem>>, vector<1x16xf32>,
      %swap3A_735 = arith.index_cast %scan3A_719 : i32 to index
      %swap3A_736 = arith.constant 48 : index
      %swap3A_737 = tpu.vector_load %arg15[%swap3A_735, %swap3A_736] {strides = array<i32>} : memref<40x128xf32, #tpu.memory_space<vmem>>, vector<1x16xf32>,
      %swap3A_738 = vector.shape_cast %swap3A_737 : vector<1x16xf32> to vector<16xf32>
      %swap3A_739 = vector.shape_cast %broadcast_in_dim3A_3 : vector<16xf32> to vector<1x16xf32>
      tpu.vector_store %arg15[%swap3A_735, %swap3A_736], %swap3A_739 {strides = array<i32>} : memref<40x128xf32, #tpu.memory_space<vmem>>, vector<1x16xf32>,
      %swap3A_740 = arith.index_cast %scan3A_719 : i32 to index
      %swap3A_741 = arith.constant 64 : index
      %swap3A_742 = tpu.vector_load %arg15[%swap3A_740, %swap3A_741] {strides = array<i32>} : memref<40x128xf32, #tpu.memory_space<vmem>>, vector<1x16xf32>,
      %swap3A_743 = vector.shape_cast %swap3A_742 : vector<1x16xf32> to vector<16xf32>
      %swap3A_744 = vector.shape_cast %broadcast_in_dim3A_3 : vector<16xf32> to vector<1x16xf32>
      tpu.vector_store %arg15[%swap3A_740, %swap3A_741], %swap3A_744 {strides = array<i32>} : memref<40x128xf32, #tpu.memory_space<vmem>>, vector<1x16xf32>,
      %swap3A_745 = arith.index_cast %scan3A_719 : i32 to index
      %swap3A_746 = arith.constant 80 : index
      %swap3A_747 = tpu.vector_load %arg15[%swap3A_745, %swap3A_746] {strides = array<i32>} : memref<40x128xf32, #tpu.memory_space<vmem>>, vector<1x16xf32>,
      %swap3A_748 = vector.shape_cast %swap3A_747 : vector<1x16xf32> to vector<16xf32>
      %swap3A_749 = vector.shape_cast %broadcast_in_dim3A_3 : vector<16xf32> to vector<1x16xf32>
      tpu.vector_store %arg15[%swap3A_745, %swap3A_746], %swap3A_749 {strides = array<i32>} : memref<40x128xf32, #tpu.memory_space<vmem>>, vector<1x16xf32>,
      %swap3A_750 = arith.index_cast %scan3A_719 : i32 to index
      %swap3A_751 = arith.constant 96 : index
      %swap3A_752 = tpu.vector_load %arg15[%swap3A_750, %swap3A_751] {strides = array<i32>} : memref<40x128xf32, #tpu.memory_space<vmem>>, vector<1x16xf32>,
      %swap3A_753 = vector.shape_cast %swap3A_752 : vector<1x16xf32> to vector<16xf32>
      %swap3A_754 = vector.shape_cast %broadcast_in_dim3A_3 : vector<16xf32> to vector<1x16xf32>
      tpu.vector_store %arg15[%swap3A_750, %swap3A_751], %swap3A_754 {strides = array<i32>} : memref<40x128xf32, #tpu.memory_space<vmem>>, vector<1x16xf32>,
      %swap3A_755 = arith.index_cast %scan3A_719 : i32 to index
      %swap3A_756 = arith.constant 112 : index
      %swap3A_757 = tpu.vector_load %arg15[%swap3A_755, %swap3A_756] {strides = array<i32>} : memref<40x128xf32, #tpu.memory_space<vmem>>, vector<1x16xf32>,
      %swap3A_758 = vector.shape_cast %swap3A_757 : vector<1x16xf32> to vector<16xf32>
      %swap3A_759 = vector.shape_cast %broadcast_in_dim3A_3 : vector<16xf32> to vector<1x16xf32>
      tpu.vector_store %arg15[%swap3A_755, %swap3A_756], %swap3A_759 {strides = array<i32>} : memref<40x128xf32, #tpu.memory_space<vmem>>, vector<1x16xf32>,
    }
    %scan3A_68 = arith.constant 40 : i32
    %mul3A_69 = arith.constant 640 : i32
    %mul3A_70 = arith.muli %arg1, %mul3A_69 : i32
    %add3A_71 = arith.constant 0 : i32
    %add3A_72 = arith.addi %mul3A_70, %add3A_71 : i32
    %dma_start3A_73 = arith.constant 0 : i32
    %dma_start3A_74 = tpu.memref_slice %arg25[%add3A_72, %dma_start3A_73] : memref<10240x128xf32, #tpu.memory_space<vmem_shared>> -> memref<40x128xf32, #tpu.memory_space<vmem_shared>>
    %dma_start3A_75 = arith.constant 0 : i32
    %dma_start3A_76 = tpu.memref_slice %arg25[%add3A_72, %dma_start3A_75] : memref<10240x128xf32, #tpu.memory_space<vmem_shared>> -> memref<40x128xf32, #tpu.memory_space<vmem_shared>>
    tpu.enqueue_dma source(%arg15 : memref<40x128xf32, #tpu.memory_space<vmem>>) target(%dma_start3A_76 : memref<40x128xf32, #tpu.memory_space<vmem_shared>>) target_semaphore(%arg36 : memref<!tpu.dma_semaphore, #tpu.memory_space<semaphore_mem>>)
    %add3A_77 = arith.constant 0 : i32
    %add3A_78 = arith.addi %mul3A_70, %add3A_77 : i32
    %dma_start3A_79 = arith.constant 0 : i32
    %dma_start3A_80 = tpu.memref_slice %arg24[%dma_start3A_79] : memref<48xf32, #tpu.memory_space<vmem>> -> memref<40xf32, #tpu.memory_space<vmem>>
    %dma_start3A_81 = tpu.memref_slice %arg26[%add3A_78] : memref<10240xf32, #tpu.memory_space<vmem_shared>> -> memref<40xf32, #tpu.memory_space<vmem_shared>>
    %dma_start3A_82 = tpu.memref_slice %arg26[%add3A_78] : memref<10240xf32, #tpu.memory_space<vmem_shared>> -> memref<40xf32, #tpu.memory_space<vmem_shared>>
    %dma_start3A_83 = arith.constant 0 : i32
    %dma_start3A_84 = tpu.memref_slice %arg24[%dma_start3A_83] : memref<48xf32, #tpu.memory_space<vmem>> -> memref<40xf32, #tpu.memory_space<vmem>>
    tpu.enqueue_dma source(%dma_start3A_84 : memref<40xf32, #tpu.memory_space<vmem>>) target(%dma_start3A_82 : memref<40xf32, #tpu.memory_space<vmem_shared>>) target_semaphore(%arg38 : memref<!tpu.dma_semaphore, #tpu.memory_space<semaphore_mem>>)
    %add3A_85 = arith.constant 40 : i32
    %add3A_86 = arith.addi %mul3A_70, %add3A_85 : i32
    %dma_start3A_87 = arith.constant 0 : i32
    %dma_start3A_88 = tpu.memref_slice %arg25[%add3A_86, %dma_start3A_87] : memref<10240x128xf32, #tpu.memory_space<vmem_shared>> -> memref<40x128xf32, #tpu.memory_space<vmem_shared>>
    %dma_start3A_89 = arith.constant 0 : i32
    %dma_start3A_90 = tpu.memref_slice %arg25[%add3A_86, %dma_start3A_89] : memref<10240x128xf32, #tpu.memory_space<vmem_shared>> -> memref<40x128xf32, #tpu.memory_space<vmem_shared>>
    tpu.enqueue_dma source(%arg15 : memref<40x128xf32, #tpu.memory_space<vmem>>) target(%dma_start3A_90 : memref<40x128xf32, #tpu.memory_space<vmem_shared>>) target_semaphore(%arg37 : memref<!tpu.dma_semaphore, #tpu.memory_space<semaphore_mem>>)
    %add3A_91 = arith.constant 40 : i32
    %add3A_92 = arith.addi %mul3A_70, %add3A_91 : i32
    %dma_start3A_93 = arith.constant 0 : i32
    %dma_start3A_94 = tpu.memref_slice %arg24[%dma_start3A_93] : memref<48xf32, #tpu.memory_space<vmem>> -> memref<40xf32, #tpu.memory_space<vmem>>
    %dma_start3A_95 = tpu.memref_slice %arg26[%add3A_92] : memref<10240xf32, #tpu.memory_space<vmem_shared>> -> memref<40xf32, #tpu.memory_space<vmem_shared>>
    %dma_start3A_96 = tpu.memref_slice %arg26[%add3A_92] : memref<10240xf32, #tpu.memory_space<vmem_shared>> -> memref<40xf32, #tpu.memory_space<vmem_shared>>
    %dma_start3A_97 = arith.constant 0 : i32
    %dma_start3A_98 = tpu.memref_slice %arg24[%dma_start3A_97] : memref<48xf32, #tpu.memory_space<vmem>> -> memref<40xf32, #tpu.memory_space<vmem>>
    tpu.enqueue_dma source(%dma_start3A_98 : memref<40xf32, #tpu.memory_space<vmem>>) target(%dma_start3A_96 : memref<40xf32, #tpu.memory_space<vmem_shared>>) target_semaphore(%arg38 : memref<!tpu.dma_semaphore, #tpu.memory_space<semaphore_mem>>)
    %add3A_99 = arith.constant 80 : i32
    %add3A_100 = arith.addi %mul3A_70, %add3A_99 : i32
    %dma_start3A_101 = arith.constant 0 : i32
    %dma_start3A_102 = tpu.memref_slice %arg25[%add3A_100, %dma_start3A_101] : memref<10240x128xf32, #tpu.memory_space<vmem_shared>> -> memref<40x128xf32, #tpu.memory_space<vmem_shared>>
    %dma_start3A_103 = arith.constant 0 : i32
    %dma_start3A_104 = tpu.memref_slice %arg25[%add3A_100, %dma_start3A_103] : memref<10240x128xf32, #tpu.memory_space<vmem_shared>> -> memref<40x128xf32, #tpu.memory_space<vmem_shared>>
    tpu.enqueue_dma source(%arg15 : memref<40x128xf32, #tpu.memory_space<vmem>>) target(%dma_start3A_104 : memref<40x128xf32, #tpu.memory_space<vmem_shared>>) target_semaphore(%arg36 : memref<!tpu.dma_semaphore, #tpu.memory_space<semaphore_mem>>)
    %add3A_105 = arith.constant 80 : i32
    %add3A_106 = arith.addi %mul3A_70, %add3A_105 : i32
    %dma_start3A_107 = arith.constant 0 : i32
    %dma_start3A_108 = tpu.memref_slice %arg24[%dma_start3A_107] : memref<48xf32, #tpu.memory_space<vmem>> -> memref<40xf32, #tpu.memory_space<vmem>>
    %dma_start3A_109 = tpu.memref_slice %arg26[%add3A_106] : memref<10240xf32, #tpu.memory_space<vmem_shared>> -> memref<40xf32, #tpu.memory_space<vmem_shared>>
    %dma_start3A_110 = tpu.memref_slice %arg26[%add3A_106] : memref<10240xf32, #tpu.memory_space<vmem_shared>> -> memref<40xf32, #tpu.memory_space<vmem_shared>>
    %dma_start3A_111 = arith.constant 0 : i32
    %dma_start3A_112 = tpu.memref_slice %arg24[%dma_start3A_111] : memref<48xf32, #tpu.memory_space<vmem>> -> memref<40xf32, #tpu.memory_space<vmem>>
    tpu.enqueue_dma source(%dma_start3A_112 : memref<40xf32, #tpu.memory_space<vmem>>) target(%dma_start3A_110 : memref<40xf32, #tpu.memory_space<vmem_shared>>) target_semaphore(%arg38 : memref<!tpu.dma_semaphore, #tpu.memory_space<semaphore_mem>>)
    %add3A_113 = arith.constant 120 : i32
    %add3A_114 = arith.addi %mul3A_70, %add3A_113 : i32
    %dma_start3A_115 = arith.constant 0 : i32
    %dma_start3A_116 = tpu.memref_slice %arg25[%add3A_114, %dma_start3A_115] : memref<10240x128xf32, #tpu.memory_space<vmem_shared>> -> memref<40x128xf32, #tpu.memory_space<vmem_shared>>
    %dma_start3A_117 = arith.constant 0 : i32
    %dma_start3A_118 = tpu.memref_slice %arg25[%add3A_114, %dma_start3A_117] : memref<10240x128xf32, #tpu.memory_space<vmem_shared>> -> memref<40x128xf32, #tpu.memory_space<vmem_shared>>
    tpu.enqueue_dma source(%arg15 : memref<40x128xf32, #tpu.memory_space<vmem>>) target(%dma_start3A_118 : memref<40x128xf32, #tpu.memory_space<vmem_shared>>) target_semaphore(%arg37 : memref<!tpu.dma_semaphore, #tpu.memory_space<semaphore_mem>>)
    %add3A_119 = arith.constant 120 : i32
    %add3A_120 = arith.addi %mul3A_70, %add3A_119 : i32
    %dma_start3A_121 = arith.constant 0 : i32
    %dma_start3A_122 = tpu.memref_slice %arg24[%dma_start3A_121] : memref<48xf32, #tpu.memory_space<vmem>> -> memref<40xf32, #tpu.memory_space<vmem>>
    %dma_start3A_123 = tpu.memref_slice %arg26[%add3A_120] : memref<10240xf32, #tpu.memory_space<vmem_shared>> -> memref<40xf32, #tpu.memory_space<vmem_shared>>
    %dma_start3A_124 = tpu.memref_slice %arg26[%add3A_120] : memref<10240xf32, #tpu.memory_space<vmem_shared>> -> memref<40xf32, #tpu.memory_space<vmem_shared>>
    %dma_start3A_125 = arith.constant 0 : i32
    %dma_start3A_126 = tpu.memref_slice %arg24[%dma_start3A_125] : memref<48xf32, #tpu.memory_space<vmem>> -> memref<40xf32, #tpu.memory_space<vmem>>
    tpu.enqueue_dma source(%dma_start3A_126 : memref<40xf32, #tpu.memory_space<vmem>>) target(%dma_start3A_124 : memref<40xf32, #tpu.memory_space<vmem_shared>>) target_semaphore(%arg38 : memref<!tpu.dma_semaphore, #tpu.memory_space<semaphore_mem>>)
    %add3A_127 = arith.constant 160 : i32
    %add3A_128 = arith.addi %mul3A_70, %add3A_127 : i32
    %dma_start3A_129 = arith.constant 0 : i32
    %dma_start3A_130 = tpu.memref_slice %arg25[%add3A_128, %dma_start3A_129] : memref<10240x128xf32, #tpu.memory_space<vmem_shared>> -> memref<40x128xf32, #tpu.memory_space<vmem_shared>>
    %dma_start3A_131 = arith.constant 0 : i32
    %dma_start3A_132 = tpu.memref_slice %arg25[%add3A_128, %dma_start3A_131] : memref<10240x128xf32, #tpu.memory_space<vmem_shared>> -> memref<40x128xf32, #tpu.memory_space<vmem_shared>>
    tpu.enqueue_dma source(%arg15 : memref<40x128xf32, #tpu.memory_space<vmem>>) target(%dma_start3A_132 : memref<40x128xf32, #tpu.memory_space<vmem_shared>>) target_semaphore(%arg36 : memref<!tpu.dma_semaphore, #tpu.memory_space<semaphore_mem>>)
    %add3A_133 = arith.constant 160 : i32
    %add3A_134 = arith.addi %mul3A_70, %add3A_133 : i32
    %dma_start3A_135 = arith.constant 0 : i32
    %dma_start3A_136 = tpu.memref_slice %arg24[%dma_start3A_135] : memref<48xf32, #tpu.memory_space<vmem>> -> memref<40xf32, #tpu.memory_space<vmem>>
    %dma_start3A_137 = tpu.memref_slice %arg26[%add3A_134] : memref<10240xf32, #tpu.memory_space<vmem_shared>> -> memref<40xf32, #tpu.memory_space<vmem_shared>>
    %dma_start3A_138 = tpu.memref_slice %arg26[%add3A_134] : memref<10240xf32, #tpu.memory_space<vmem_shared>> -> memref<40xf32, #tpu.memory_space<vmem_shared>>
    %dma_start3A_139 = arith.constant 0 : i32
    %dma_start3A_140 = tpu.memref_slice %arg24[%dma_start3A_139] : memref<48xf32, #tpu.memory_space<vmem>> -> memref<40xf32, #tpu.memory_space<vmem>>
    tpu.enqueue_dma source(%dma_start3A_140 : memref<40xf32, #tpu.memory_space<vmem>>) target(%dma_start3A_138 : memref<40xf32, #tpu.memory_space<vmem_shared>>) target_semaphore(%arg38 : memref<!tpu.dma_semaphore, #tpu.memory_space<semaphore_mem>>)
    %add3A_141 = arith.constant 200 : i32
    %add3A_142 = arith.addi %mul3A_70, %add3A_141 : i32
    %dma_start3A_143 = arith.constant 0 : i32
    %dma_start3A_144 = tpu.memref_slice %arg25[%add3A_142, %dma_start3A_143] : memref<10240x128xf32, #tpu.memory_space<vmem_shared>> -> memref<40x128xf32, #tpu.memory_space<vmem_shared>>
    %dma_start3A_145 = arith.constant 0 : i32
    %dma_start3A_146 = tpu.memref_slice %arg25[%add3A_142, %dma_start3A_145] : memref<10240x128xf32, #tpu.memory_space<vmem_shared>> -> memref<40x128xf32, #tpu.memory_space<vmem_shared>>
    tpu.enqueue_dma source(%arg15 : memref<40x128xf32, #tpu.memory_space<vmem>>) target(%dma_start3A_146 : memref<40x128xf32, #tpu.memory_space<vmem_shared>>) target_semaphore(%arg37 : memref<!tpu.dma_semaphore, #tpu.memory_space<semaphore_mem>>)
    %add3A_147 = arith.constant 200 : i32
    %add3A_148 = arith.addi %mul3A_70, %add3A_147 : i32
    %dma_start3A_149 = arith.constant 0 : i32
    %dma_start3A_150 = tpu.memref_slice %arg24[%dma_start3A_149] : memref<48xf32, #tpu.memory_space<vmem>> -> memref<40xf32, #tpu.memory_space<vmem>>
    %dma_start3A_151 = tpu.memref_slice %arg26[%add3A_148] : memref<10240xf32, #tpu.memory_space<vmem_shared>> -> memref<40xf32, #tpu.memory_space<vmem_shared>>
    %dma_start3A_152 = tpu.memref_slice %arg26[%add3A_148] : memref<10240xf32, #tpu.memory_space<vmem_shared>> -> memref<40xf32, #tpu.memory_space<vmem_shared>>
    %dma_start3A_153 = arith.constant 0 : i32
    %dma_start3A_154 = tpu.memref_slice %arg24[%dma_start3A_153] : memref<48xf32, #tpu.memory_space<vmem>> -> memref<40xf32, #tpu.memory_space<vmem>>
    tpu.enqueue_dma source(%dma_start3A_154 : memref<40xf32, #tpu.memory_space<vmem>>) target(%dma_start3A_152 : memref<40xf32, #tpu.memory_space<vmem_shared>>) target_semaphore(%arg38 : memref<!tpu.dma_semaphore, #tpu.memory_space<semaphore_mem>>)
    %add3A_155 = arith.constant 240 : i32
    %add3A_156 = arith.addi %mul3A_70, %add3A_155 : i32
    %dma_start3A_157 = arith.constant 0 : i32
    %dma_start3A_158 = tpu.memref_slice %arg25[%add3A_156, %dma_start3A_157] : memref<10240x128xf32, #tpu.memory_space<vmem_shared>> -> memref<40x128xf32, #tpu.memory_space<vmem_shared>>
    %dma_start3A_159 = arith.constant 0 : i32
    %dma_start3A_160 = tpu.memref_slice %arg25[%add3A_156, %dma_start3A_159] : memref<10240x128xf32, #tpu.memory_space<vmem_shared>> -> memref<40x128xf32, #tpu.memory_space<vmem_shared>>
    tpu.enqueue_dma source(%arg15 : memref<40x128xf32, #tpu.memory_space<vmem>>) target(%dma_start3A_160 : memref<40x128xf32, #tpu.memory_space<vmem_shared>>) target_semaphore(%arg36 : memref<!tpu.dma_semaphore, #tpu.memory_space<semaphore_mem>>)
    %add3A_161 = arith.constant 240 : i32
    %add3A_162 = arith.addi %mul3A_70, %add3A_161 : i32
    %dma_start3A_163 = arith.constant 0 : i32
    %dma_start3A_164 = tpu.memref_slice %arg24[%dma_start3A_163] : memref<48xf32, #tpu.memory_space<vmem>> -> memref<40xf32, #tpu.memory_space<vmem>>
    %dma_start3A_165 = tpu.memref_slice %arg26[%add3A_162] : memref<10240xf32, #tpu.memory_space<vmem_shared>> -> memref<40xf32, #tpu.memory_space<vmem_shared>>
    %dma_start3A_166 = tpu.memref_slice %arg26[%add3A_162] : memref<10240xf32, #tpu.memory_space<vmem_shared>> -> memref<40xf32, #tpu.memory_space<vmem_shared>>
    %dma_start3A_167 = arith.constant 0 : i32
    %dma_start3A_168 = tpu.memref_slice %arg24[%dma_start3A_167] : memref<48xf32, #tpu.memory_space<vmem>> -> memref<40xf32, #tpu.memory_space<vmem>>
    tpu.enqueue_dma source(%dma_start3A_168 : memref<40xf32, #tpu.memory_space<vmem>>) target(%dma_start3A_166 : memref<40xf32, #tpu.memory_space<vmem_shared>>) target_semaphore(%arg38 : memref<!tpu.dma_semaphore, #tpu.memory_space<semaphore_mem>>)
    %add3A_169 = arith.constant 280 : i32
    %add3A_170 = arith.addi %mul3A_70, %add3A_169 : i32
    %dma_start3A_171 = arith.constant 0 : i32
    %dma_start3A_172 = tpu.memref_slice %arg25[%add3A_170, %dma_start3A_171] : memref<10240x128xf32, #tpu.memory_space<vmem_shared>> -> memref<40x128xf32, #tpu.memory_space<vmem_shared>>
    %dma_start3A_173 = arith.constant 0 : i32
    %dma_start3A_174 = tpu.memref_slice %arg25[%add3A_170, %dma_start3A_173] : memref<10240x128xf32, #tpu.memory_space<vmem_shared>> -> memref<40x128xf32, #tpu.memory_space<vmem_shared>>
    tpu.enqueue_dma source(%arg15 : memref<40x128xf32, #tpu.memory_space<vmem>>) target(%dma_start3A_174 : memref<40x128xf32, #tpu.memory_space<vmem_shared>>) target_semaphore(%arg37 : memref<!tpu.dma_semaphore, #tpu.memory_space<semaphore_mem>>)
    %add3A_175 = arith.constant 280 : i32
    %add3A_176 = arith.addi %mul3A_70, %add3A_175 : i32
    %dma_start3A_177 = arith.constant 0 : i32
    %dma_start3A_178 = tpu.memref_slice %arg24[%dma_start3A_177] : memref<48xf32, #tpu.memory_space<vmem>> -> memref<40xf32, #tpu.memory_space<vmem>>
    %dma_start3A_179 = tpu.memref_slice %arg26[%add3A_176] : memref<10240xf32, #tpu.memory_space<vmem_shared>> -> memref<40xf32, #tpu.memory_space<vmem_shared>>
    %dma_start3A_180 = tpu.memref_slice %arg26[%add3A_176] : memref<10240xf32, #tpu.memory_space<vmem_shared>> -> memref<40xf32, #tpu.memory_space<vmem_shared>>
    %dma_start3A_181 = arith.constant 0 : i32
    %dma_start3A_182 = tpu.memref_slice %arg24[%dma_start3A_181] : memref<48xf32, #tpu.memory_space<vmem>> -> memref<40xf32, #tpu.memory_space<vmem>>
    tpu.enqueue_dma source(%dma_start3A_182 : memref<40xf32, #tpu.memory_space<vmem>>) target(%dma_start3A_180 : memref<40xf32, #tpu.memory_space<vmem_shared>>) target_semaphore(%arg38 : memref<!tpu.dma_semaphore, #tpu.memory_space<semaphore_mem>>)
    %add3A_183 = arith.constant 320 : i32
    %add3A_184 = arith.addi %mul3A_70, %add3A_183 : i32
    %dma_start3A_185 = arith.constant 0 : i32
    %dma_start3A_186 = tpu.memref_slice %arg25[%add3A_184, %dma_start3A_185] : memref<10240x128xf32, #tpu.memory_space<vmem_shared>> -> memref<40x128xf32, #tpu.memory_space<vmem_shared>>
    %dma_start3A_187 = arith.constant 0 : i32
    %dma_start3A_188 = tpu.memref_slice %arg25[%add3A_184, %dma_start3A_187] : memref<10240x128xf32, #tpu.memory_space<vmem_shared>> -> memref<40x128xf32, #tpu.memory_space<vmem_shared>>
    tpu.enqueue_dma source(%arg15 : memref<40x128xf32, #tpu.memory_space<vmem>>) target(%dma_start3A_188 : memref<40x128xf32, #tpu.memory_space<vmem_shared>>) target_semaphore(%arg36 : memref<!tpu.dma_semaphore, #tpu.memory_space<semaphore_mem>>)
    %add3A_189 = arith.constant 320 : i32
    %add3A_190 = arith.addi %mul3A_70, %add3A_189 : i32
    %dma_start3A_191 = arith.constant 0 : i32
    %dma_start3A_192 = tpu.memref_slice %arg24[%dma_start3A_191] : memref<48xf32, #tpu.memory_space<vmem>> -> memref<40xf32, #tpu.memory_space<vmem>>
    %dma_start3A_193 = tpu.memref_slice %arg26[%add3A_190] : memref<10240xf32, #tpu.memory_space<vmem_shared>> -> memref<40xf32, #tpu.memory_space<vmem_shared>>
    %dma_start3A_194 = tpu.memref_slice %arg26[%add3A_190] : memref<10240xf32, #tpu.memory_space<vmem_shared>> -> memref<40xf32, #tpu.memory_space<vmem_shared>>
    %dma_start3A_195 = arith.constant 0 : i32
    %dma_start3A_196 = tpu.memref_slice %arg24[%dma_start3A_195] : memref<48xf32, #tpu.memory_space<vmem>> -> memref<40xf32, #tpu.memory_space<vmem>>
    tpu.enqueue_dma source(%dma_start3A_196 : memref<40xf32, #tpu.memory_space<vmem>>) target(%dma_start3A_194 : memref<40xf32, #tpu.memory_space<vmem_shared>>) target_semaphore(%arg38 : memref<!tpu.dma_semaphore, #tpu.memory_space<semaphore_mem>>)
    %add3A_197 = arith.constant 360 : i32
    %add3A_198 = arith.addi %mul3A_70, %add3A_197 : i32
    %dma_start3A_199 = arith.constant 0 : i32
    %dma_start3A_200 = tpu.memref_slice %arg25[%add3A_198, %dma_start3A_199] : memref<10240x128xf32, #tpu.memory_space<vmem_shared>> -> memref<40x128xf32, #tpu.memory_space<vmem_shared>>
    %dma_start3A_201 = arith.constant 0 : i32
    %dma_start3A_202 = tpu.memref_slice %arg25[%add3A_198, %dma_start3A_201] : memref<10240x128xf32, #tpu.memory_space<vmem_shared>> -> memref<40x128xf32, #tpu.memory_space<vmem_shared>>
    tpu.enqueue_dma source(%arg15 : memref<40x128xf32, #tpu.memory_space<vmem>>) target(%dma_start3A_202 : memref<40x128xf32, #tpu.memory_space<vmem_shared>>) target_semaphore(%arg37 : memref<!tpu.dma_semaphore, #tpu.memory_space<semaphore_mem>>)
    %add3A_203 = arith.constant 360 : i32
    %add3A_204 = arith.addi %mul3A_70, %add3A_203 : i32
    %dma_start3A_205 = arith.constant 0 : i32
    %dma_start3A_206 = tpu.memref_slice %arg24[%dma_start3A_205] : memref<48xf32, #tpu.memory_space<vmem>> -> memref<40xf32, #tpu.memory_space<vmem>>
    %dma_start3A_207 = tpu.memref_slice %arg26[%add3A_204] : memref<10240xf32, #tpu.memory_space<vmem_shared>> -> memref<40xf32, #tpu.memory_space<vmem_shared>>
    %dma_start3A_208 = tpu.memref_slice %arg26[%add3A_204] : memref<10240xf32, #tpu.memory_space<vmem_shared>> -> memref<40xf32, #tpu.memory_space<vmem_shared>>
    %dma_start3A_209 = arith.constant 0 : i32
    %dma_start3A_210 = tpu.memref_slice %arg24[%dma_start3A_209] : memref<48xf32, #tpu.memory_space<vmem>> -> memref<40xf32, #tpu.memory_space<vmem>>
    tpu.enqueue_dma source(%dma_start3A_210 : memref<40xf32, #tpu.memory_space<vmem>>) target(%dma_start3A_208 : memref<40xf32, #tpu.memory_space<vmem_shared>>) target_semaphore(%arg38 : memref<!tpu.dma_semaphore, #tpu.memory_space<semaphore_mem>>)
    %add3A_211 = arith.constant 400 : i32
    %add3A_212 = arith.addi %mul3A_70, %add3A_211 : i32
    %dma_start3A_213 = arith.constant 0 : i32
    %dma_start3A_214 = tpu.memref_slice %arg25[%add3A_212, %dma_start3A_213] : memref<10240x128xf32, #tpu.memory_space<vmem_shared>> -> memref<40x128xf32, #tpu.memory_space<vmem_shared>>
    %dma_start3A_215 = arith.constant 0 : i32
    %dma_start3A_216 = tpu.memref_slice %arg25[%add3A_212, %dma_start3A_215] : memref<10240x128xf32, #tpu.memory_space<vmem_shared>> -> memref<40x128xf32, #tpu.memory_space<vmem_shared>>
    tpu.enqueue_dma source(%arg15 : memref<40x128xf32, #tpu.memory_space<vmem>>) target(%dma_start3A_216 : memref<40x128xf32, #tpu.memory_space<vmem_shared>>) target_semaphore(%arg36 : memref<!tpu.dma_semaphore, #tpu.memory_space<semaphore_mem>>)
    %add3A_217 = arith.constant 400 : i32
    %add3A_218 = arith.addi %mul3A_70, %add3A_217 : i32
    %dma_start3A_219 = arith.constant 0 : i32
    %dma_start3A_220 = tpu.memref_slice %arg24[%dma_start3A_219] : memref<48xf32, #tpu.memory_space<vmem>> -> memref<40xf32, #tpu.memory_space<vmem>>
    %dma_start3A_221 = tpu.memref_slice %arg26[%add3A_218] : memref<10240xf32, #tpu.memory_space<vmem_shared>> -> memref<40xf32, #tpu.memory_space<vmem_shared>>
    %dma_start3A_222 = tpu.memref_slice %arg26[%add3A_218] : memref<10240xf32, #tpu.memory_space<vmem_shared>> -> memref<40xf32, #tpu.memory_space<vmem_shared>>
    %dma_start3A_223 = arith.constant 0 : i32
    %dma_start3A_224 = tpu.memref_slice %arg24[%dma_start3A_223] : memref<48xf32, #tpu.memory_space<vmem>> -> memref<40xf32, #tpu.memory_space<vmem>>
    tpu.enqueue_dma source(%dma_start3A_224 : memref<40xf32, #tpu.memory_space<vmem>>) target(%dma_start3A_222 : memref<40xf32, #tpu.memory_space<vmem_shared>>) target_semaphore(%arg38 : memref<!tpu.dma_semaphore, #tpu.memory_space<semaphore_mem>>)
    %add3A_225 = arith.constant 440 : i32
    %add3A_226 = arith.addi %mul3A_70, %add3A_225 : i32
    %dma_start3A_227 = arith.constant 0 : i32
    %dma_start3A_228 = tpu.memref_slice %arg25[%add3A_226, %dma_start3A_227] : memref<10240x128xf32, #tpu.memory_space<vmem_shared>> -> memref<40x128xf32, #tpu.memory_space<vmem_shared>>
    %dma_start3A_229 = arith.constant 0 : i32
    %dma_start3A_230 = tpu.memref_slice %arg25[%add3A_226, %dma_start3A_229] : memref<10240x128xf32, #tpu.memory_space<vmem_shared>> -> memref<40x128xf32, #tpu.memory_space<vmem_shared>>
    tpu.enqueue_dma source(%arg15 : memref<40x128xf32, #tpu.memory_space<vmem>>) target(%dma_start3A_230 : memref<40x128xf32, #tpu.memory_space<vmem_shared>>) target_semaphore(%arg37 : memref<!tpu.dma_semaphore, #tpu.memory_space<semaphore_mem>>)
    %add3A_231 = arith.constant 440 : i32
    %add3A_232 = arith.addi %mul3A_70, %add3A_231 : i32
    %dma_start3A_233 = arith.constant 0 : i32
    %dma_start3A_234 = tpu.memref_slice %arg24[%dma_start3A_233] : memref<48xf32, #tpu.memory_space<vmem>> -> memref<40xf32, #tpu.memory_space<vmem>>
    %dma_start3A_235 = tpu.memref_slice %arg26[%add3A_232] : memref<10240xf32, #tpu.memory_space<vmem_shared>> -> memref<40xf32, #tpu.memory_space<vmem_shared>>
    %dma_start3A_236 = tpu.memref_slice %arg26[%add3A_232] : memref<10240xf32, #tpu.memory_space<vmem_shared>> -> memref<40xf32, #tpu.memory_space<vmem_shared>>
    %dma_start3A_237 = arith.constant 0 : i32
    %dma_start3A_238 = tpu.memref_slice %arg24[%dma_start3A_237] : memref<48xf32, #tpu.memory_space<vmem>> -> memref<40xf32, #tpu.memory_space<vmem>>
    tpu.enqueue_dma source(%dma_start3A_238 : memref<40xf32, #tpu.memory_space<vmem>>) target(%dma_start3A_236 : memref<40xf32, #tpu.memory_space<vmem_shared>>) target_semaphore(%arg38 : memref<!tpu.dma_semaphore, #tpu.memory_space<semaphore_mem>>)
    %add3A_239 = arith.constant 480 : i32
    %add3A_240 = arith.addi %mul3A_70, %add3A_239 : i32
    %dma_start3A_241 = arith.constant 0 : i32
    %dma_start3A_242 = tpu.memref_slice %arg25[%add3A_240, %dma_start3A_241] : memref<10240x128xf32, #tpu.memory_space<vmem_shared>> -> memref<40x128xf32, #tpu.memory_space<vmem_shared>>
    %dma_start3A_243 = arith.constant 0 : i32
    %dma_start3A_244 = tpu.memref_slice %arg25[%add3A_240, %dma_start3A_243] : memref<10240x128xf32, #tpu.memory_space<vmem_shared>> -> memref<40x128xf32, #tpu.memory_space<vmem_shared>>
    tpu.enqueue_dma source(%arg15 : memref<40x128xf32, #tpu.memory_space<vmem>>) target(%dma_start3A_244 : memref<40x128xf32, #tpu.memory_space<vmem_shared>>) target_semaphore(%arg36 : memref<!tpu.dma_semaphore, #tpu.memory_space<semaphore_mem>>)
    %add3A_245 = arith.constant 480 : i32
    %add3A_246 = arith.addi %mul3A_70, %add3A_245 : i32
    %dma_start3A_247 = arith.constant 0 : i32
    %dma_start3A_248 = tpu.memref_slice %arg24[%dma_start3A_247] : memref<48xf32, #tpu.memory_space<vmem>> -> memref<40xf32, #tpu.memory_space<vmem>>
    %dma_start3A_249 = tpu.memref_slice %arg26[%add3A_246] : memref<10240xf32, #tpu.memory_space<vmem_shared>> -> memref<40xf32, #tpu.memory_space<vmem_shared>>
    %dma_start3A_250 = tpu.memref_slice %arg26[%add3A_246] : memref<10240xf32, #tpu.memory_space<vmem_shared>> -> memref<40xf32, #tpu.memory_space<vmem_shared>>
    %dma_start3A_251 = arith.constant 0 : i32
    %dma_start3A_252 = tpu.memref_slice %arg24[%dma_start3A_251] : memref<48xf32, #tpu.memory_space<vmem>> -> memref<40xf32, #tpu.memory_space<vmem>>
    tpu.enqueue_dma source(%dma_start3A_252 : memref<40xf32, #tpu.memory_space<vmem>>) target(%dma_start3A_250 : memref<40xf32, #tpu.memory_space<vmem_shared>>) target_semaphore(%arg38 : memref<!tpu.dma_semaphore, #tpu.memory_space<semaphore_mem>>)
    %add3A_253 = arith.constant 520 : i32
    %add3A_254 = arith.addi %mul3A_70, %add3A_253 : i32
    %dma_start3A_255 = arith.constant 0 : i32
    %dma_start3A_256 = tpu.memref_slice %arg25[%add3A_254, %dma_start3A_255] : memref<10240x128xf32, #tpu.memory_space<vmem_shared>> -> memref<40x128xf32, #tpu.memory_space<vmem_shared>>
    %dma_start3A_257 = arith.constant 0 : i32
    %dma_start3A_258 = tpu.memref_slice %arg25[%add3A_254, %dma_start3A_257] : memref<10240x128xf32, #tpu.memory_space<vmem_shared>> -> memref<40x128xf32, #tpu.memory_space<vmem_shared>>
    tpu.enqueue_dma source(%arg15 : memref<40x128xf32, #tpu.memory_space<vmem>>) target(%dma_start3A_258 : memref<40x128xf32, #tpu.memory_space<vmem_shared>>) target_semaphore(%arg37 : memref<!tpu.dma_semaphore, #tpu.memory_space<semaphore_mem>>)
    %add3A_259 = arith.constant 520 : i32
    %add3A_260 = arith.addi %mul3A_70, %add3A_259 : i32
    %dma_start3A_261 = arith.constant 0 : i32
    %dma_start3A_262 = tpu.memref_slice %arg24[%dma_start3A_261] : memref<48xf32, #tpu.memory_space<vmem>> -> memref<40xf32, #tpu.memory_space<vmem>>
    %dma_start3A_263 = tpu.memref_slice %arg26[%add3A_260] : memref<10240xf32, #tpu.memory_space<vmem_shared>> -> memref<40xf32, #tpu.memory_space<vmem_shared>>
    %dma_start3A_264 = tpu.memref_slice %arg26[%add3A_260] : memref<10240xf32, #tpu.memory_space<vmem_shared>> -> memref<40xf32, #tpu.memory_space<vmem_shared>>
    %dma_start3A_265 = arith.constant 0 : i32
    %dma_start3A_266 = tpu.memref_slice %arg24[%dma_start3A_265] : memref<48xf32, #tpu.memory_space<vmem>> -> memref<40xf32, #tpu.memory_space<vmem>>
    tpu.enqueue_dma source(%dma_start3A_266 : memref<40xf32, #tpu.memory_space<vmem>>) target(%dma_start3A_264 : memref<40xf32, #tpu.memory_space<vmem_shared>>) target_semaphore(%arg38 : memref<!tpu.dma_semaphore, #tpu.memory_space<semaphore_mem>>)
    %add3A_267 = arith.constant 560 : i32
    %add3A_268 = arith.addi %mul3A_70, %add3A_267 : i32
    %dma_start3A_269 = arith.constant 0 : i32
    %dma_start3A_270 = tpu.memref_slice %arg25[%add3A_268, %dma_start3A_269] : memref<10240x128xf32, #tpu.memory_space<vmem_shared>> -> memref<40x128xf32, #tpu.memory_space<vmem_shared>>
    %dma_start3A_271 = arith.constant 0 : i32
    %dma_start3A_272 = tpu.memref_slice %arg25[%add3A_268, %dma_start3A_271] : memref<10240x128xf32, #tpu.memory_space<vmem_shared>> -> memref<40x128xf32, #tpu.memory_space<vmem_shared>>
    tpu.enqueue_dma source(%arg15 : memref<40x128xf32, #tpu.memory_space<vmem>>) target(%dma_start3A_272 : memref<40x128xf32, #tpu.memory_space<vmem_shared>>) target_semaphore(%arg36 : memref<!tpu.dma_semaphore, #tpu.memory_space<semaphore_mem>>)
    %add3A_273 = arith.constant 560 : i32
    %add3A_274 = arith.addi %mul3A_70, %add3A_273 : i32
    %dma_start3A_275 = arith.constant 0 : i32
    %dma_start3A_276 = tpu.memref_slice %arg24[%dma_start3A_275] : memref<48xf32, #tpu.memory_space<vmem>> -> memref<40xf32, #tpu.memory_space<vmem>>
    %dma_start3A_277 = tpu.memref_slice %arg26[%add3A_274] : memref<10240xf32, #tpu.memory_space<vmem_shared>> -> memref<40xf32, #tpu.memory_space<vmem_shared>>
    %dma_start3A_278 = tpu.memref_slice %arg26[%add3A_274] : memref<10240xf32, #tpu.memory_space<vmem_shared>> -> memref<40xf32, #tpu.memory_space<vmem_shared>>
    %dma_start3A_279 = arith.constant 0 : i32
    %dma_start3A_280 = tpu.memref_slice %arg24[%dma_start3A_279] : memref<48xf32, #tpu.memory_space<vmem>> -> memref<40xf32, #tpu.memory_space<vmem>>
    tpu.enqueue_dma source(%dma_start3A_280 : memref<40xf32, #tpu.memory_space<vmem>>) target(%dma_start3A_278 : memref<40xf32, #tpu.memory_space<vmem_shared>>) target_semaphore(%arg38 : memref<!tpu.dma_semaphore, #tpu.memory_space<semaphore_mem>>)
    %add3A_281 = arith.constant 600 : i32
    %add3A_282 = arith.addi %mul3A_70, %add3A_281 : i32
    %dma_start3A_283 = arith.constant 0 : i32
    %dma_start3A_284 = tpu.memref_slice %arg25[%add3A_282, %dma_start3A_283] : memref<10240x128xf32, #tpu.memory_space<vmem_shared>> -> memref<40x128xf32, #tpu.memory_space<vmem_shared>>
    %dma_start3A_285 = arith.constant 0 : i32
    %dma_start3A_286 = tpu.memref_slice %arg25[%add3A_282, %dma_start3A_285] : memref<10240x128xf32, #tpu.memory_space<vmem_shared>> -> memref<40x128xf32, #tpu.memory_space<vmem_shared>>
    tpu.enqueue_dma source(%arg15 : memref<40x128xf32, #tpu.memory_space<vmem>>) target(%dma_start3A_286 : memref<40x128xf32, #tpu.memory_space<vmem_shared>>) target_semaphore(%arg37 : memref<!tpu.dma_semaphore, #tpu.memory_space<semaphore_mem>>)
    %add3A_287 = arith.constant 600 : i32
    %add3A_288 = arith.addi %mul3A_70, %add3A_287 : i32
    %dma_start3A_289 = arith.constant 0 : i32
    %dma_start3A_290 = tpu.memref_slice %arg24[%dma_start3A_289] : memref<48xf32, #tpu.memory_space<vmem>> -> memref<40xf32, #tpu.memory_space<vmem>>
    %dma_start3A_291 = tpu.memref_slice %arg26[%add3A_288] : memref<10240xf32, #tpu.memory_space<vmem_shared>> -> memref<40xf32, #tpu.memory_space<vmem_shared>>
    %dma_start3A_292 = tpu.memref_slice %arg26[%add3A_288] : memref<10240xf32, #tpu.memory_space<vmem_shared>> -> memref<40xf32, #tpu.memory_space<vmem_shared>>
    %dma_start3A_293 = arith.constant 0 : i32
    %dma_start3A_294 = tpu.memref_slice %arg24[%dma_start3A_293] : memref<48xf32, #tpu.memory_space<vmem>> -> memref<40xf32, #tpu.memory_space<vmem>>
    tpu.enqueue_dma source(%dma_start3A_294 : memref<40xf32, #tpu.memory_space<vmem>>) target(%dma_start3A_292 : memref<40xf32, #tpu.memory_space<vmem_shared>>) target_semaphore(%arg38 : memref<!tpu.dma_semaphore, #tpu.memory_space<semaphore_mem>>)
    %dma_wait3A = tpu.memref_slice %arg3[%add3A_7] : memref<640000xi32, #tpu.memory_space<hbm>> -> memref<5120xi32, #tpu.memory_space<hbm>>
    %dma_wait3A_295 = tpu.memref_slice %arg3[%add3A_7] : memref<640000xi32, #tpu.memory_space<hbm>> -> memref<5120xi32, #tpu.memory_space<hbm>>
    tpu.wait_dma2 semaphore(%arg42 : memref<!tpu.dma_semaphore, #tpu.memory_space<semaphore_mem>>) src(%dma_wait3A_295 : memref<5120xi32, #tpu.memory_space<hbm>>) dst(%arg14 : memref<5120xi32, #tpu.memory_space<vmem>>)
    %dma_wait3A_296 = arith.constant 0 : i32
    %dma_wait3A_297 = tpu.memref_slice %arg25[%mul3A_70, %dma_wait3A_296] : memref<10240x128xf32, #tpu.memory_space<vmem_shared>> -> memref<40x128xf32, #tpu.memory_space<vmem_shared>>
    %dma_wait3A_298 = arith.constant 0 : i32
    %dma_wait3A_299 = tpu.memref_slice %arg25[%mul3A_70, %dma_wait3A_298] : memref<10240x128xf32, #tpu.memory_space<vmem_shared>> -> memref<40x128xf32, #tpu.memory_space<vmem_shared>>
    tpu.wait_dma2 semaphore(%arg36 : memref<!tpu.dma_semaphore, #tpu.memory_space<semaphore_mem>>) src(%arg15 : memref<40x128xf32, #tpu.memory_space<vmem>>) dst(%dma_wait3A_299 : memref<40x128xf32, #tpu.memory_space<vmem_shared>>)
    %dma_wait3A_300 = arith.constant 0 : i32
    %dma_wait3A_301 = tpu.memref_slice %arg24[%dma_wait3A_300] : memref<48xf32, #tpu.memory_space<vmem>> -> memref<40xf32, #tpu.memory_space<vmem>>
    %dma_wait3A_302 = tpu.memref_slice %arg26[%mul3A_70] : memref<10240xf32, #tpu.memory_space<vmem_shared>> -> memref<40xf32, #tpu.memory_space<vmem_shared>>
    %dma_wait3A_303 = tpu.memref_slice %arg26[%mul3A_70] : memref<10240xf32, #tpu.memory_space<vmem_shared>> -> memref<40xf32, #tpu.memory_space<vmem_shared>>
    %dma_wait3A_304 = arith.constant 0 : i32
    %dma_wait3A_305 = tpu.memref_slice %arg24[%dma_wait3A_304] : memref<48xf32, #tpu.memory_space<vmem>> -> memref<40xf32, #tpu.memory_space<vmem>>
    tpu.wait_dma2 semaphore(%arg38 : memref<!tpu.dma_semaphore, #tpu.memory_space<semaphore_mem>>) src(%dma_wait3A_305 : memref<40xf32, #tpu.memory_space<vmem>>) dst(%dma_wait3A_303 : memref<40xf32, #tpu.memory_space<vmem_shared>>)
    %dma_wait3A_306 = arith.constant 0 : i32
    %dma_wait3A_307 = tpu.memref_slice %arg25[%mul3A_70, %dma_wait3A_306] : memref<10240x128xf32, #tpu.memory_space<vmem_shared>> -> memref<40x128xf32, #tpu.memory_space<vmem_shared>>
    %dma_wait3A_308 = arith.constant 0 : i32
    %dma_wait3A_309 = tpu.memref_slice %arg25[%mul3A_70, %dma_wait3A_308] : memref<10240x128xf32, #tpu.memory_space<vmem_shared>> -> memref<40x128xf32, #tpu.memory_space<vmem_shared>>
    tpu.wait_dma2 semaphore(%arg37 : memref<!tpu.dma_semaphore, #tpu.memory_space<semaphore_mem>>) src(%arg15 : memref<40x128xf32, #tpu.memory_space<vmem>>) dst(%dma_wait3A_309 : memref<40x128xf32, #tpu.memory_space<vmem_shared>>)
    %dma_wait3A_310 = arith.constant 0 : i32
    %dma_wait3A_311 = tpu.memref_slice %arg24[%dma_wait3A_310] : memref<48xf32, #tpu.memory_space<vmem>> -> memref<40xf32, #tpu.memory_space<vmem>>
    %dma_wait3A_312 = tpu.memref_slice %arg26[%mul3A_70] : memref<10240xf32, #tpu.memory_space<vmem_shared>> -> memref<40xf32, #tpu.memory_space<vmem_shared>>
    %dma_wait3A_313 = tpu.memref_slice %arg26[%mul3A_70] : memref<10240xf32, #tpu.memory_space<vmem_shared>> -> memref<40xf32, #tpu.memory_space<vmem_shared>>
    %dma_wait3A_314 = arith.constant 0 : i32
    %dma_wait3A_315 = tpu.memref_slice %arg24[%dma_wait3A_314] : memref<48xf32, #tpu.memory_space<vmem>> -> memref<40xf32, #tpu.memory_space<vmem>>
    tpu.wait_dma2 semaphore(%arg38 : memref<!tpu.dma_semaphore, #tpu.memory_space<semaphore_mem>>) src(%dma_wait3A_315 : memref<40xf32, #tpu.memory_space<vmem>>) dst(%dma_wait3A_313 : memref<40xf32, #tpu.memory_space<vmem_shared>>)
    %dma_wait3A_316 = arith.constant 0 : i32
    %dma_wait3A_317 = tpu.memref_slice %arg25[%mul3A_70, %dma_wait3A_316] : memref<10240x128xf32, #tpu.memory_space<vmem_shared>> -> memref<40x128xf32, #tpu.memory_space<vmem_shared>>
    %dma_wait3A_318 = arith.constant 0 : i32
    %dma_wait3A_319 = tpu.memref_slice %arg25[%mul3A_70, %dma_wait3A_318] : memref<10240x128xf32, #tpu.memory_space<vmem_shared>> -> memref<40x128xf32, #tpu.memory_space<vmem_shared>>
    tpu.wait_dma2 semaphore(%arg36 : memref<!tpu.dma_semaphore, #tpu.memory_space<semaphore_mem>>) src(%arg15 : memref<40x128xf32, #tpu.memory_space<vmem>>) dst(%dma_wait3A_319 : memref<40x128xf32, #tpu.memory_space<vmem_shared>>)
    %dma_wait3A_320 = arith.constant 0 : i32
    %dma_wait3A_321 = tpu.memref_slice %arg24[%dma_wait3A_320] : memref<48xf32, #tpu.memory_space<vmem>> -> memref<40xf32, #tpu.memory_space<vmem>>
    %dma_wait3A_322 = tpu.memref_slice %arg26[%mul3A_70] : memref<10240xf32, #tpu.memory_space<vmem_shared>> -> memref<40xf32, #tpu.memory_space<vmem_shared>>
    %dma_wait3A_323 = tpu.memref_slice %arg26[%mul3A_70] : memref<10240xf32, #tpu.memory_space<vmem_shared>> -> memref<40xf32, #tpu.memory_space<vmem_shared>>
    %dma_wait3A_324 = arith.constant 0 : i32
    %dma_wait3A_325 = tpu.memref_slice %arg24[%dma_wait3A_324] : memref<48xf32, #tpu.memory_space<vmem>> -> memref<40xf32, #tpu.memory_space<vmem>>
    tpu.wait_dma2 semaphore(%arg38 : memref<!tpu.dma_semaphore, #tpu.memory_space<semaphore_mem>>) src(%dma_wait3A_325 : memref<40xf32, #tpu.memory_space<vmem>>) dst(%dma_wait3A_323 : memref<40xf32, #tpu.memory_space<vmem_shared>>)
    %dma_wait3A_326 = arith.constant 0 : i32
    %dma_wait3A_327 = tpu.memref_slice %arg25[%mul3A_70, %dma_wait3A_326] : memref<10240x128xf32, #tpu.memory_space<vmem_shared>> -> memref<40x128xf32, #tpu.memory_space<vmem_shared>>
    %dma_wait3A_328 = arith.constant 0 : i32
    %dma_wait3A_329 = tpu.memref_slice %arg25[%mul3A_70, %dma_wait3A_328] : memref<10240x128xf32, #tpu.memory_space<vmem_shared>> -> memref<40x128xf32, #tpu.memory_space<vmem_shared>>
    tpu.wait_dma2 semaphore(%arg37 : memref<!tpu.dma_semaphore, #tpu.memory_space<semaphore_mem>>) src(%arg15 : memref<40x128xf32, #tpu.memory_space<vmem>>) dst(%dma_wait3A_329 : memref<40x128xf32, #tpu.memory_space<vmem_shared>>)
    %dma_wait3A_330 = arith.constant 0 : i32
    %dma_wait3A_331 = tpu.memref_slice %arg24[%dma_wait3A_330] : memref<48xf32, #tpu.memory_space<vmem>> -> memref<40xf32, #tpu.memory_space<vmem>>
    %dma_wait3A_332 = tpu.memref_slice %arg26[%mul3A_70] : memref<10240xf32, #tpu.memory_space<vmem_shared>> -> memref<40xf32, #tpu.memory_space<vmem_shared>>
    %dma_wait3A_333 = tpu.memref_slice %arg26[%mul3A_70] : memref<10240xf32, #tpu.memory_space<vmem_shared>> -> memref<40xf32, #tpu.memory_space<vmem_shared>>
    %dma_wait3A_334 = arith.constant 0 : i32
    %dma_wait3A_335 = tpu.memref_slice %arg24[%dma_wait3A_334] : memref<48xf32, #tpu.memory_space<vmem>> -> memref<40xf32, #tpu.memory_space<vmem>>
    tpu.wait_dma2 semaphore(%arg38 : memref<!tpu.dma_semaphore, #tpu.memory_space<semaphore_mem>>) src(%dma_wait3A_335 : memref<40xf32, #tpu.memory_space<vmem>>) dst(%dma_wait3A_333 : memref<40xf32, #tpu.memory_space<vmem_shared>>)
    %dma_wait3A_336 = arith.constant 0 : i32
    %dma_wait3A_337 = tpu.memref_slice %arg25[%mul3A_70, %dma_wait3A_336] : memref<10240x128xf32, #tpu.memory_space<vmem_shared>> -> memref<40x128xf32, #tpu.memory_space<vmem_shared>>
    %dma_wait3A_338 = arith.constant 0 : i32
    %dma_wait3A_339 = tpu.memref_slice %arg25[%mul3A_70, %dma_wait3A_338] : memref<10240x128xf32, #tpu.memory_space<vmem_shared>> -> memref<40x128xf32, #tpu.memory_space<vmem_shared>>
    tpu.wait_dma2 semaphore(%arg36 : memref<!tpu.dma_semaphore, #tpu.memory_space<semaphore_mem>>) src(%arg15 : memref<40x128xf32, #tpu.memory_space<vmem>>) dst(%dma_wait3A_339 : memref<40x128xf32, #tpu.memory_space<vmem_shared>>)
    %dma_wait3A_340 = arith.constant 0 : i32
    %dma_wait3A_341 = tpu.memref_slice %arg24[%dma_wait3A_340] : memref<48xf32, #tpu.memory_space<vmem>> -> memref<40xf32, #tpu.memory_space<vmem>>
    %dma_wait3A_342 = tpu.memref_slice %arg26[%mul3A_70] : memref<10240xf32, #tpu.memory_space<vmem_shared>> -> memref<40xf32, #tpu.memory_space<vmem_shared>>
    %dma_wait3A_343 = tpu.memref_slice %arg26[%mul3A_70] : memref<10240xf32, #tpu.memory_space<vmem_shared>> -> memref<40xf32, #tpu.memory_space<vmem_shared>>
    %dma_wait3A_344 = arith.constant 0 : i32
    %dma_wait3A_345 = tpu.memref_slice %arg24[%dma_wait3A_344] : memref<48xf32, #tpu.memory_space<vmem>> -> memref<40xf32, #tpu.memory_space<vmem>>
    tpu.wait_dma2 semaphore(%arg38 : memref<!tpu.dma_semaphore, #tpu.memory_space<semaphore_mem>>) src(%dma_wait3A_345 : memref<40xf32, #tpu.memory_space<vmem>>) dst(%dma_wait3A_343 : memref<40xf32, #tpu.memory_space<vmem_shared>>)
    %dma_wait3A_346 = arith.constant 0 : i32
    %dma_wait3A_347 = tpu.memref_slice %arg25[%mul3A_70, %dma_wait3A_346] : memref<10240x128xf32, #tpu.memory_space<vmem_shared>> -> memref<40x128xf32, #tpu.memory_space<vmem_shared>>
    %dma_wait3A_348 = arith.constant 0 : i32
    %dma_wait3A_349 = tpu.memref_slice %arg25[%mul3A_70, %dma_wait3A_348] : memref<10240x128xf32, #tpu.memory_space<vmem_shared>> -> memref<40x128xf32, #tpu.memory_space<vmem_shared>>
    tpu.wait_dma2 semaphore(%arg37 : memref<!tpu.dma_semaphore, #tpu.memory_space<semaphore_mem>>) src(%arg15 : memref<40x128xf32, #tpu.memory_space<vmem>>) dst(%dma_wait3A_349 : memref<40x128xf32, #tpu.memory_space<vmem_shared>>)
    %dma_wait3A_350 = arith.constant 0 : i32
    %dma_wait3A_351 = tpu.memref_slice %arg24[%dma_wait3A_350] : memref<48xf32, #tpu.memory_space<vmem>> -> memref<40xf32, #tpu.memory_space<vmem>>
    %dma_wait3A_352 = tpu.memref_slice %arg26[%mul3A_70] : memref<10240xf32, #tpu.memory_space<vmem_shared>> -> memref<40xf32, #tpu.memory_space<vmem_shared>>
    %dma_wait3A_353 = tpu.memref_slice %arg26[%mul3A_70] : memref<10240xf32, #tpu.memory_space<vmem_shared>> -> memref<40xf32, #tpu.memory_space<vmem_shared>>
    %dma_wait3A_354 = arith.constant 0 : i32
    %dma_wait3A_355 = tpu.memref_slice %arg24[%dma_wait3A_354] : memref<48xf32, #tpu.memory_space<vmem>> -> memref<40xf32, #tpu.memory_space<vmem>>
    tpu.wait_dma2 semaphore(%arg38 : memref<!tpu.dma_semaphore, #tpu.memory_space<semaphore_mem>>) src(%dma_wait3A_355 : memref<40xf32, #tpu.memory_space<vmem>>) dst(%dma_wait3A_353 : memref<40xf32, #tpu.memory_space<vmem_shared>>)
    %dma_wait3A_356 = arith.constant 0 : i32
    %dma_wait3A_357 = tpu.memref_slice %arg25[%mul3A_70, %dma_wait3A_356] : memref<10240x128xf32, #tpu.memory_space<vmem_shared>> -> memref<40x128xf32, #tpu.memory_space<vmem_shared>>
    %dma_wait3A_358 = arith.constant 0 : i32
    %dma_wait3A_359 = tpu.memref_slice %arg25[%mul3A_70, %dma_wait3A_358] : memref<10240x128xf32, #tpu.memory_space<vmem_shared>> -> memref<40x128xf32, #tpu.memory_space<vmem_shared>>
    tpu.wait_dma2 semaphore(%arg36 : memref<!tpu.dma_semaphore, #tpu.memory_space<semaphore_mem>>) src(%arg15 : memref<40x128xf32, #tpu.memory_space<vmem>>) dst(%dma_wait3A_359 : memref<40x128xf32, #tpu.memory_space<vmem_shared>>)
    %dma_wait3A_360 = arith.constant 0 : i32
    %dma_wait3A_361 = tpu.memref_slice %arg24[%dma_wait3A_360] : memref<48xf32, #tpu.memory_space<vmem>> -> memref<40xf32, #tpu.memory_space<vmem>>
    %dma_wait3A_362 = tpu.memref_slice %arg26[%mul3A_70] : memref<10240xf32, #tpu.memory_space<vmem_shared>> -> memref<40xf32, #tpu.memory_space<vmem_shared>>
    %dma_wait3A_363 = tpu.memref_slice %arg26[%mul3A_70] : memref<10240xf32, #tpu.memory_space<vmem_shared>> -> memref<40xf32, #tpu.memory_space<vmem_shared>>
    %dma_wait3A_364 = arith.constant 0 : i32
    %dma_wait3A_365 = tpu.memref_slice %arg24[%dma_wait3A_364] : memref<48xf32, #tpu.memory_space<vmem>> -> memref<40xf32, #tpu.memory_space<vmem>>
    tpu.wait_dma2 semaphore(%arg38 : memref<!tpu.dma_semaphore, #tpu.memory_space<semaphore_mem>>) src(%dma_wait3A_365 : memref<40xf32, #tpu.memory_space<vmem>>) dst(%dma_wait3A_363 : memref<40xf32, #tpu.memory_space<vmem_shared>>)
    %dma_wait3A_366 = arith.constant 0 : i32
    %dma_wait3A_367 = tpu.memref_slice %arg25[%mul3A_70, %dma_wait3A_366] : memref<10240x128xf32, #tpu.memory_space<vmem_shared>> -> memref<40x128xf32, #tpu.memory_space<vmem_shared>>
    %dma_wait3A_368 = arith.constant 0 : i32
    %dma_wait3A_369 = tpu.memref_slice %arg25[%mul3A_70, %dma_wait3A_368] : memref<10240x128xf32, #tpu.memory_space<vmem_shared>> -> memref<40x128xf32, #tpu.memory_space<vmem_shared>>
    tpu.wait_dma2 semaphore(%arg37 : memref<!tpu.dma_semaphore, #tpu.memory_space<semaphore_mem>>) src(%arg15 : memref<40x128xf32, #tpu.memory_space<vmem>>) dst(%dma_wait3A_369 : memref<40x128xf32, #tpu.memory_space<vmem_shared>>)
    %dma_wait3A_370 = arith.constant 0 : i32
    %dma_wait3A_371 = tpu.memref_slice %arg24[%dma_wait3A_370] : memref<48xf32, #tpu.memory_space<vmem>> -> memref<40xf32, #tpu.memory_space<vmem>>
    %dma_wait3A_372 = tpu.memref_slice %arg26[%mul3A_70] : memref<10240xf32, #tpu.memory_space<vmem_shared>> -> memref<40xf32, #tpu.memory_space<vmem_shared>>
    %dma_wait3A_373 = tpu.memref_slice %arg26[%mul3A_70] : memref<10240xf32, #tpu.memory_space<vmem_shared>> -> memref<40xf32, #tpu.memory_space<vmem_shared>>
    %dma_wait3A_374 = arith.constant 0 : i32
    %dma_wait3A_375 = tpu.memref_slice %arg24[%dma_wait3A_374] : memref<48xf32, #tpu.memory_space<vmem>> -> memref<40xf32, #tpu.memory_space<vmem>>
    tpu.wait_dma2 semaphore(%arg38 : memref<!tpu.dma_semaphore, #tpu.memory_space<semaphore_mem>>) src(%dma_wait3A_375 : memref<40xf32, #tpu.memory_space<vmem>>) dst(%dma_wait3A_373 : memref<40xf32, #tpu.memory_space<vmem_shared>>)
    %dma_wait3A_376 = arith.constant 0 : i32
    %dma_wait3A_377 = tpu.memref_slice %arg25[%mul3A_70, %dma_wait3A_376] : memref<10240x128xf32, #tpu.memory_space<vmem_shared>> -> memref<40x128xf32, #tpu.memory_space<vmem_shared>>
    %dma_wait3A_378 = arith.constant 0 : i32
    %dma_wait3A_379 = tpu.memref_slice %arg25[%mul3A_70, %dma_wait3A_378] : memref<10240x128xf32, #tpu.memory_space<vmem_shared>> -> memref<40x128xf32, #tpu.memory_space<vmem_shared>>
    tpu.wait_dma2 semaphore(%arg36 : memref<!tpu.dma_semaphore, #tpu.memory_space<semaphore_mem>>) src(%arg15 : memref<40x128xf32, #tpu.memory_space<vmem>>) dst(%dma_wait3A_379 : memref<40x128xf32, #tpu.memory_space<vmem_shared>>)
    %dma_wait3A_380 = arith.constant 0 : i32
    %dma_wait3A_381 = tpu.memref_slice %arg24[%dma_wait3A_380] : memref<48xf32, #tpu.memory_space<vmem>> -> memref<40xf32, #tpu.memory_space<vmem>>
    %dma_wait3A_382 = tpu.memref_slice %arg26[%mul3A_70] : memref<10240xf32, #tpu.memory_space<vmem_shared>> -> memref<40xf32, #tpu.memory_space<vmem_shared>>
    %dma_wait3A_383 = tpu.memref_slice %arg26[%mul3A_70] : memref<10240xf32, #tpu.memory_space<vmem_shared>> -> memref<40xf32, #tpu.memory_space<vmem_shared>>
    %dma_wait3A_384 = arith.constant 0 : i32
    %dma_wait3A_385 = tpu.memref_slice %arg24[%dma_wait3A_384] : memref<48xf32, #tpu.memory_space<vmem>> -> memref<40xf32, #tpu.memory_space<vmem>>
    tpu.wait_dma2 semaphore(%arg38 : memref<!tpu.dma_semaphore, #tpu.memory_space<semaphore_mem>>) src(%dma_wait3A_385 : memref<40xf32, #tpu.memory_space<vmem>>) dst(%dma_wait3A_383 : memref<40xf32, #tpu.memory_space<vmem_shared>>)
    %dma_wait3A_386 = arith.constant 0 : i32
    %dma_wait3A_387 = tpu.memref_slice %arg25[%mul3A_70, %dma_wait3A_386] : memref<10240x128xf32, #tpu.memory_space<vmem_shared>> -> memref<40x128xf32, #tpu.memory_space<vmem_shared>>
    %dma_wait3A_388 = arith.constant 0 : i32
    %dma_wait3A_389 = tpu.memref_slice %arg25[%mul3A_70, %dma_wait3A_388] : memref<10240x128xf32, #tpu.memory_space<vmem_shared>> -> memref<40x128xf32, #tpu.memory_space<vmem_shared>>
    tpu.wait_dma2 semaphore(%arg37 : memref<!tpu.dma_semaphore, #tpu.memory_space<semaphore_mem>>) src(%arg15 : memref<40x128xf32, #tpu.memory_space<vmem>>) dst(%dma_wait3A_389 : memref<40x128xf32, #tpu.memory_space<vmem_shared>>)
    %dma_wait3A_390 = arith.constant 0 : i32
    %dma_wait3A_391 = tpu.memref_slice %arg24[%dma_wait3A_390] : memref<48xf32, #tpu.memory_space<vmem>> -> memref<40xf32, #tpu.memory_space<vmem>>
    %dma_wait3A_392 = tpu.memref_slice %arg26[%mul3A_70] : memref<10240xf32, #tpu.memory_space<vmem_shared>> -> memref<40xf32, #tpu.memory_space<vmem_shared>>
    %dma_wait3A_393 = tpu.memref_slice %arg26[%mul3A_70] : memref<10240xf32, #tpu.memory_space<vmem_shared>> -> memref<40xf32, #tpu.memory_space<vmem_shared>>
    %dma_wait3A_394 = arith.constant 0 : i32
    %dma_wait3A_395 = tpu.memref_slice %arg24[%dma_wait3A_394] : memref<48xf32, #tpu.memory_space<vmem>> -> memref<40xf32, #tpu.memory_space<vmem>>
    tpu.wait_dma2 semaphore(%arg38 : memref<!tpu.dma_semaphore, #tpu.memory_space<semaphore_mem>>) src(%dma_wait3A_395 : memref<40xf32, #tpu.memory_space<vmem>>) dst(%dma_wait3A_393 : memref<40xf32, #tpu.memory_space<vmem_shared>>)
    %dma_wait3A_396 = arith.constant 0 : i32
    %dma_wait3A_397 = tpu.memref_slice %arg25[%mul3A_70, %dma_wait3A_396] : memref<10240x128xf32, #tpu.memory_space<vmem_shared>> -> memref<40x128xf32, #tpu.memory_space<vmem_shared>>
    %dma_wait3A_398 = arith.constant 0 : i32
    %dma_wait3A_399 = tpu.memref_slice %arg25[%mul3A_70, %dma_wait3A_398] : memref<10240x128xf32, #tpu.memory_space<vmem_shared>> -> memref<40x128xf32, #tpu.memory_space<vmem_shared>>
    tpu.wait_dma2 semaphore(%arg36 : memref<!tpu.dma_semaphore, #tpu.memory_space<semaphore_mem>>) src(%arg15 : memref<40x128xf32, #tpu.memory_space<vmem>>) dst(%dma_wait3A_399 : memref<40x128xf32, #tpu.memory_space<vmem_shared>>)
    %dma_wait3A_400 = arith.constant 0 : i32
    %dma_wait3A_401 = tpu.memref_slice %arg24[%dma_wait3A_400] : memref<48xf32, #tpu.memory_space<vmem>> -> memref<40xf32, #tpu.memory_space<vmem>>
    %dma_wait3A_402 = tpu.memref_slice %arg26[%mul3A_70] : memref<10240xf32, #tpu.memory_space<vmem_shared>> -> memref<40xf32, #tpu.memory_space<vmem_shared>>
    %dma_wait3A_403 = tpu.memref_slice %arg26[%mul3A_70] : memref<10240xf32, #tpu.memory_space<vmem_shared>> -> memref<40xf32, #tpu.memory_space<vmem_shared>>
    %dma_wait3A_404 = arith.constant 0 : i32
    %dma_wait3A_405 = tpu.memref_slice %arg24[%dma_wait3A_404] : memref<48xf32, #tpu.memory_space<vmem>> -> memref<40xf32, #tpu.memory_space<vmem>>
    tpu.wait_dma2 semaphore(%arg38 : memref<!tpu.dma_semaphore, #tpu.memory_space<semaphore_mem>>) src(%dma_wait3A_405 : memref<40xf32, #tpu.memory_space<vmem>>) dst(%dma_wait3A_403 : memref<40xf32, #tpu.memory_space<vmem_shared>>)
    %dma_wait3A_406 = arith.constant 0 : i32
    %dma_wait3A_407 = tpu.memref_slice %arg25[%mul3A_70, %dma_wait3A_406] : memref<10240x128xf32, #tpu.memory_space<vmem_shared>> -> memref<40x128xf32, #tpu.memory_space<vmem_shared>>
    %dma_wait3A_408 = arith.constant 0 : i32
    %dma_wait3A_409 = tpu.memref_slice %arg25[%mul3A_70, %dma_wait3A_408] : memref<10240x128xf32, #tpu.memory_space<vmem_shared>> -> memref<40x128xf32, #tpu.memory_space<vmem_shared>>
    tpu.wait_dma2 semaphore(%arg37 : memref<!tpu.dma_semaphore, #tpu.memory_space<semaphore_mem>>) src(%arg15 : memref<40x128xf32, #tpu.memory_space<vmem>>) dst(%dma_wait3A_409 : memref<40x128xf32, #tpu.memory_space<vmem_shared>>)
    %dma_wait3A_410 = arith.constant 0 : i32
    %dma_wait3A_411 = tpu.memref_slice %arg24[%dma_wait3A_410] : memref<48xf32, #tpu.memory_space<vmem>> -> memref<40xf32, #tpu.memory_space<vmem>>
    %dma_wait3A_412 = tpu.memref_slice %arg26[%mul3A_70] : memref<10240xf32, #tpu.memory_space<vmem_shared>> -> memref<40xf32, #tpu.memory_space<vmem_shared>>
    %dma_wait3A_413 = tpu.memref_slice %arg26[%mul3A_70] : memref<10240xf32, #tpu.memory_space<vmem_shared>> -> memref<40xf32, #tpu.memory_space<vmem_shared>>
    %dma_wait3A_414 = arith.constant 0 : i32
    %dma_wait3A_415 = tpu.memref_slice %arg24[%dma_wait3A_414] : memref<48xf32, #tpu.memory_space<vmem>> -> memref<40xf32, #tpu.memory_space<vmem>>
    tpu.wait_dma2 semaphore(%arg38 : memref<!tpu.dma_semaphore, #tpu.memory_space<semaphore_mem>>) src(%dma_wait3A_415 : memref<40xf32, #tpu.memory_space<vmem>>) dst(%dma_wait3A_413 : memref<40xf32, #tpu.memory_space<vmem_shared>>)
    %dma_wait3A_416 = arith.constant 0 : i32
    %dma_wait3A_417 = tpu.memref_slice %arg25[%mul3A_70, %dma_wait3A_416] : memref<10240x128xf32, #tpu.memory_space<vmem_shared>> -> memref<40x128xf32, #tpu.memory_space<vmem_shared>>
    %dma_wait3A_418 = arith.constant 0 : i32
    %dma_wait3A_419 = tpu.memref_slice %arg25[%mul3A_70, %dma_wait3A_418] : memref<10240x128xf32, #tpu.memory_space<vmem_shared>> -> memref<40x128xf32, #tpu.memory_space<vmem_shared>>
    tpu.wait_dma2 semaphore(%arg36 : memref<!tpu.dma_semaphore, #tpu.memory_space<semaphore_mem>>) src(%arg15 : memref<40x128xf32, #tpu.memory_space<vmem>>) dst(%dma_wait3A_419 : memref<40x128xf32, #tpu.memory_space<vmem_shared>>)
    %dma_wait3A_420 = arith.constant 0 : i32
    %dma_wait3A_421 = tpu.memref_slice %arg24[%dma_wait3A_420] : memref<48xf32, #tpu.memory_space<vmem>> -> memref<40xf32, #tpu.memory_space<vmem>>
    %dma_wait3A_422 = tpu.memref_slice %arg26[%mul3A_70] : memref<10240xf32, #tpu.memory_space<vmem_shared>> -> memref<40xf32, #tpu.memory_space<vmem_shared>>
    %dma_wait3A_423 = tpu.memref_slice %arg26[%mul3A_70] : memref<10240xf32, #tpu.memory_space<vmem_shared>> -> memref<40xf32, #tpu.memory_space<vmem_shared>>
    %dma_wait3A_424 = arith.constant 0 : i32
    %dma_wait3A_425 = tpu.memref_slice %arg24[%dma_wait3A_424] : memref<48xf32, #tpu.memory_space<vmem>> -> memref<40xf32, #tpu.memory_space<vmem>>
    tpu.wait_dma2 semaphore(%arg38 : memref<!tpu.dma_semaphore, #tpu.memory_space<semaphore_mem>>) src(%dma_wait3A_425 : memref<40xf32, #tpu.memory_space<vmem>>) dst(%dma_wait3A_423 : memref<40xf32, #tpu.memory_space<vmem_shared>>)
    %dma_wait3A_426 = arith.constant 0 : i32
    %dma_wait3A_427 = tpu.memref_slice %arg25[%mul3A_70, %dma_wait3A_426] : memref<10240x128xf32, #tpu.memory_space<vmem_shared>> -> memref<40x128xf32, #tpu.memory_space<vmem_shared>>
    %dma_wait3A_428 = arith.constant 0 : i32
    %dma_wait3A_429 = tpu.memref_slice %arg25[%mul3A_70, %dma_wait3A_428] : memref<10240x128xf32, #tpu.memory_space<vmem_shared>> -> memref<40x128xf32, #tpu.memory_space<vmem_shared>>
    tpu.wait_dma2 semaphore(%arg37 : memref<!tpu.dma_semaphore, #tpu.memory_space<semaphore_mem>>) src(%arg15 : memref<40x128xf32, #tpu.memory_space<vmem>>) dst(%dma_wait3A_429 : memref<40x128xf32, #tpu.memory_space<vmem_shared>>)
    %dma_wait3A_430 = arith.constant 0 : i32
    %dma_wait3A_431 = tpu.memref_slice %arg24[%dma_wait3A_430] : memref<48xf32, #tpu.memory_space<vmem>> -> memref<40xf32, #tpu.memory_space<vmem>>
    %dma_wait3A_432 = tpu.memref_slice %arg26[%mul3A_70] : memref<10240xf32, #tpu.memory_space<vmem_shared>> -> memref<40xf32, #tpu.memory_space<vmem_shared>>
    %dma_wait3A_433 = tpu.memref_slice %arg26[%mul3A_70] : memref<10240xf32, #tpu.memory_space<vmem_shared>> -> memref<40xf32, #tpu.memory_space<vmem_shared>>
    %dma_wait3A_434 = arith.constant 0 : i32
    %dma_wait3A_435 = tpu.memref_slice %arg24[%dma_wait3A_434] : memref<48xf32, #tpu.memory_space<vmem>> -> memref<40xf32, #tpu.memory_space<vmem>>
    tpu.wait_dma2 semaphore(%arg38 : memref<!tpu.dma_semaphore, #tpu.memory_space<semaphore_mem>>) src(%dma_wait3A_435 : memref<40xf32, #tpu.memory_space<vmem>>) dst(%dma_wait3A_433 : memref<40xf32, #tpu.memory_space<vmem_shared>>)
    %dma_wait3A_436 = arith.constant 0 : i32
    %dma_wait3A_437 = tpu.memref_slice %arg25[%mul3A_70, %dma_wait3A_436] : memref<10240x128xf32, #tpu.memory_space<vmem_shared>> -> memref<40x128xf32, #tpu.memory_space<vmem_shared>>
    %dma_wait3A_438 = arith.constant 0 : i32
    %dma_wait3A_439 = tpu.memref_slice %arg25[%mul3A_70, %dma_wait3A_438] : memref<10240x128xf32, #tpu.memory_space<vmem_shared>> -> memref<40x128xf32, #tpu.memory_space<vmem_shared>>
    tpu.wait_dma2 semaphore(%arg36 : memref<!tpu.dma_semaphore, #tpu.memory_space<semaphore_mem>>) src(%arg15 : memref<40x128xf32, #tpu.memory_space<vmem>>) dst(%dma_wait3A_439 : memref<40x128xf32, #tpu.memory_space<vmem_shared>>)
    %dma_wait3A_440 = arith.constant 0 : i32
    %dma_wait3A_441 = tpu.memref_slice %arg24[%dma_wait3A_440] : memref<48xf32, #tpu.memory_space<vmem>> -> memref<40xf32, #tpu.memory_space<vmem>>
    %dma_wait3A_442 = tpu.memref_slice %arg26[%mul3A_70] : memref<10240xf32, #tpu.memory_space<vmem_shared>> -> memref<40xf32, #tpu.memory_space<vmem_shared>>
    %dma_wait3A_443 = tpu.memref_slice %arg26[%mul3A_70] : memref<10240xf32, #tpu.memory_space<vmem_shared>> -> memref<40xf32, #tpu.memory_space<vmem_shared>>
    %dma_wait3A_444 = arith.constant 0 : i32
    %dma_wait3A_445 = tpu.memref_slice %arg24[%dma_wait3A_444] : memref<48xf32, #tpu.memory_space<vmem>> -> memref<40xf32, #tpu.memory_space<vmem>>
    tpu.wait_dma2 semaphore(%arg38 : memref<!tpu.dma_semaphore, #tpu.memory_space<semaphore_mem>>) src(%dma_wait3A_445 : memref<40xf32, #tpu.memory_space<vmem>>) dst(%dma_wait3A_443 : memref<40xf32, #tpu.memory_space<vmem_shared>>)
    %dma_wait3A_446 = arith.constant 0 : i32
    %dma_wait3A_447 = tpu.memref_slice %arg25[%mul3A_70, %dma_wait3A_446] : memref<10240x128xf32, #tpu.memory_space<vmem_shared>> -> memref<40x128xf32, #tpu.memory_space<vmem_shared>>
    %dma_wait3A_448 = arith.constant 0 : i32
    %dma_wait3A_449 = tpu.memref_slice %arg25[%mul3A_70, %dma_wait3A_448] : memref<10240x128xf32, #tpu.memory_space<vmem_shared>> -> memref<40x128xf32, #tpu.memory_space<vmem_shared>>
    tpu.wait_dma2 semaphore(%arg37 : memref<!tpu.dma_semaphore, #tpu.memory_space<semaphore_mem>>) src(%arg15 : memref<40x128xf32, #tpu.memory_space<vmem>>) dst(%dma_wait3A_449 : memref<40x128xf32, #tpu.memory_space<vmem_shared>>)
    %dma_wait3A_450 = arith.constant 0 : i32
    %dma_wait3A_451 = tpu.memref_slice %arg24[%dma_wait3A_450] : memref<48xf32, #tpu.memory_space<vmem>> -> memref<40xf32, #tpu.memory_space<vmem>>
    %dma_wait3A_452 = tpu.memref_slice %arg26[%mul3A_70] : memref<10240xf32, #tpu.memory_space<vmem_shared>> -> memref<40xf32, #tpu.memory_space<vmem_shared>>
    %dma_wait3A_453 = tpu.memref_slice %arg26[%mul3A_70] : memref<10240xf32, #tpu.memory_space<vmem_shared>> -> memref<40xf32, #tpu.memory_space<vmem_shared>>
    %dma_wait3A_454 = arith.constant 0 : i32
    %dma_wait3A_455 = tpu.memref_slice %arg24[%dma_wait3A_454] : memref<48xf32, #tpu.memory_space<vmem>> -> memref<40xf32, #tpu.memory_space<vmem>>
    tpu.wait_dma2 semaphore(%arg38 : memref<!tpu.dma_semaphore, #tpu.memory_space<semaphore_mem>>) src(%dma_wait3A_455 : memref<40xf32, #tpu.memory_space<vmem>>) dst(%dma_wait3A_453 : memref<40xf32, #tpu.memory_space<vmem_shared>>)
    %barrier3A = arith.constant 0 : index
    tpu.barrier barrier_id(%barrier3A)
    %scan3A_456 = arith.constant 0 : i32
    %scan3A_457 = arith.constant 0 : i32
    %scan3A_458 = arith.constant 16 : i32
    %scan3A_459 = arith.addi %scan3A_457, %scan3A_458 : i32
    %scan3A_460 = arith.constant 1 : i32
    scf.for %scan3A_719 = %scan3A_457 to %scan3A_459 step %scan3A_460  : i32 {
      %mul3A_720 = arith.constant 8 : i32
      %mul3A_721 = arith.muli %scan3A_719, %mul3A_720 : i32
      %add3A_722 = arith.constant 0 : i32
      %add3A_723 = arith.addi %mul3A_721, %add3A_722 : i32
      %mul3A_724 = arith.constant 40 : i32
      %mul3A_725 = arith.muli %add3A_723, %mul3A_724 : i32
      %add3A_726 = arith.addi %mul3A_2, %mul3A_725 : i32
      %dma_wait3A_727 = tpu.memref_slice %arg3[%add3A_726] : memref<640000xi32, #tpu.memory_space<hbm>> -> memref<40xi32, #tpu.memory_space<hbm>>
      %dma_wait3A_728 = tpu.memref_slice %arg3[%add3A_726] : memref<640000xi32, #tpu.memory_space<hbm>> -> memref<40xi32, #tpu.memory_space<hbm>>
      tpu.wait_dma2 semaphore(%arg27 : memref<!tpu.dma_semaphore, #tpu.memory_space<semaphore_mem>>) src(%dma_wait3A_728 : memref<40xi32, #tpu.memory_space<hbm>>) dst(%arg6 : memref<40xi32, #tpu.memory_space<vmem>>)
      %add3A_729 = arith.constant 0 : i32
      %add3A_730 = arith.addi %mul3A_721, %add3A_729 : i32
      %sub3A = arith.constant 0 : i32
      %sub3A_731 = arith.subi %add3A_730, %sub3A : i32
      %mul3A_732 = arith.constant 40 : i32
      %mul3A_733 = arith.muli %sub3A_731, %mul3A_732 : i32
      %dma_start3A_734 = tpu.memref_slice %arg14[%mul3A_733] : memref<5120xi32, #tpu.memory_space<vmem>> -> memref<40xi32, #tpu.memory_space<vmem>>
      %dma_start3A_735 = arith.constant 0 : i32
      %dma_start3A_736 = arith.constant 0 : i32
      %dma_start3A_737 = tpu.memref_slice %arg2[%dma_start3A_735, %dma_start3A_736] : memref<10000x128xf32, #tpu.memory_space<hbm>> -> memref<10000x128xf32, #tpu.memory_space<hbm>>
      tpu.enqueue_indirect_dma source(%dma_start3A_737 : memref<10000x128xf32, #tpu.memory_space<hbm>>) target(%arg15 : memref<40x128xf32, #tpu.memory_space<vmem>>) offsets(%dma_start3A_734 : memref<40xi32, #tpu.memory_space<vmem>>) semaphore(%arg35 : memref<!tpu.dma_semaphore, #tpu.memory_space<semaphore_mem>>)
      %add3A_738 = arith.constant 1 : i32
      %add3A_739 = arith.addi %mul3A_721, %add3A_738 : i32
      %mul3A_740 = arith.constant 40 : i32
      %mul3A_741 = arith.muli %add3A_739, %mul3A_740 : i32
      %add3A_742 = arith.addi %mul3A_2, %mul3A_741 : i32
      %dma_wait3A_743 = tpu.memref_slice %arg3[%add3A_742] : memref<640000xi32, #tpu.memory_space<hbm>> -> memref<40xi32, #tpu.memory_space<hbm>>
      %dma_wait3A_744 = tpu.memref_slice %arg3[%add3A_742] : memref<640000xi32, #tpu.memory_space<hbm>> -> memref<40xi32, #tpu.memory_space<hbm>>
      tpu.wait_dma2 semaphore(%arg28 : memref<!tpu.dma_semaphore, #tpu.memory_space<semaphore_mem>>) src(%dma_wait3A_744 : memref<40xi32, #tpu.memory_space<hbm>>) dst(%arg7 : memref<40xi32, #tpu.memory_space<vmem>>)
      %add3A_745 = arith.constant 1 : i32
      %add3A_746 = arith.addi %mul3A_721, %add3A_745 : i32
      %sub3A_747 = arith.constant 0 : i32
      %sub3A_748 = arith.subi %add3A_746, %sub3A_747 : i32
      %mul3A_749 = arith.constant 40 : i32
      %mul3A_750 = arith.muli %sub3A_748, %mul3A_749 : i32
      %dma_start3A_751 = tpu.memref_slice %arg14[%mul3A_750] : memref<5120xi32, #tpu.memory_space<vmem>> -> memref<40xi32, #tpu.memory_space<vmem>>
      %dma_start3A_752 = arith.constant 0 : i32
      %dma_start3A_753 = arith.constant 0 : i32
      %dma_start3A_754 = tpu.memref_slice %arg2[%dma_start3A_752, %dma_start3A_753] : memref<10000x128xf32, #tpu.memory_space<hbm>> -> memref<10000x128xf32, #tpu.memory_space<hbm>>
      tpu.enqueue_indirect_dma source(%dma_start3A_754 : memref<10000x128xf32, #tpu.memory_space<hbm>>) target(%arg16 : memref<40x128xf32, #tpu.memory_space<vmem>>) offsets(%dma_start3A_751 : memref<40xi32, #tpu.memory_space<vmem>>) semaphore(%arg36 : memref<!tpu.dma_semaphore, #tpu.memory_space<semaphore_mem>>)
      %add3A_755 = arith.constant 2 : i32
      %add3A_756 = arith.addi %mul3A_721, %add3A_755 : i32
      %mul3A_757 = arith.constant 40 : i32
      %mul3A_758 = arith.muli %add3A_756, %mul3A_757 : i32
      %add3A_759 = arith.addi %mul3A_2, %mul3A_758 : i32
      %dma_wait3A_760 = tpu.memref_slice %arg3[%add3A_759] : memref<640000xi32, #tpu.memory_space<hbm>> -> memref<40xi32, #tpu.memory_space<hbm>>
      %dma_wait3A_761 = tpu.memref_slice %arg3[%add3A_759] : memref<640000xi32, #tpu.memory_space<hbm>> -> memref<40xi32, #tpu.memory_space<hbm>>
      tpu.wait_dma2 semaphore(%arg29 : memref<!tpu.dma_semaphore, #tpu.memory_space<semaphore_mem>>) src(%dma_wait3A_761 : memref<40xi32, #tpu.memory_space<hbm>>) dst(%arg8 : memref<40xi32, #tpu.memory_space<vmem>>)
      %add3A_762 = arith.constant 2 : i32
      %add3A_763 = arith.addi %mul3A_721, %add3A_762 : i32
      %sub3A_764 = arith.constant 0 : i32
      %sub3A_765 = arith.subi %add3A_763, %sub3A_764 : i32
      %mul3A_766 = arith.constant 40 : i32
      %mul3A_767 = arith.muli %sub3A_765, %mul3A_766 : i32
      %dma_start3A_768 = tpu.memref_slice %arg14[%mul3A_767] : memref<5120xi32, #tpu.memory_space<vmem>> -> memref<40xi32, #tpu.memory_space<vmem>>
      %dma_start3A_769 = arith.constant 0 : i32
      %dma_start3A_770 = arith.constant 0 : i32
      %dma_start3A_771 = tpu.memref_slice %arg2[%dma_start3A_769, %dma_start3A_770] : memref<10000x128xf32, #tpu.memory_space<hbm>> -> memref<10000x128xf32, #tpu.memory_space<hbm>>
      tpu.enqueue_indirect_dma source(%dma_start3A_771 : memref<10000x128xf32, #tpu.memory_space<hbm>>) target(%arg17 : memref<40x128xf32, #tpu.memory_space<vmem>>) offsets(%dma_start3A_768 : memref<40xi32, #tpu.memory_space<vmem>>) semaphore(%arg37 : memref<!tpu.dma_semaphore, #tpu.memory_space<semaphore_mem>>)
      %add3A_772 = arith.constant 3 : i32
      %add3A_773 = arith.addi %mul3A_721, %add3A_772 : i32
      %mul3A_774 = arith.constant 40 : i32
      %mul3A_775 = arith.muli %add3A_773, %mul3A_774 : i32
      %add3A_776 = arith.addi %mul3A_2, %mul3A_775 : i32
      %dma_wait3A_777 = tpu.memref_slice %arg3[%add3A_776] : memref<640000xi32, #tpu.memory_space<hbm>> -> memref<40xi32, #tpu.memory_space<hbm>>
      %dma_wait3A_778 = tpu.memref_slice %arg3[%add3A_776] : memref<640000xi32, #tpu.memory_space<hbm>> -> memref<40xi32, #tpu.memory_space<hbm>>
      tpu.wait_dma2 semaphore(%arg30 : memref<!tpu.dma_semaphore, #tpu.memory_space<semaphore_mem>>) src(%dma_wait3A_778 : memref<40xi32, #tpu.memory_space<hbm>>) dst(%arg9 : memref<40xi32, #tpu.memory_space<vmem>>)
      %add3A_779 = arith.constant 3 : i32
      %add3A_780 = arith.addi %mul3A_721, %add3A_779 : i32
      %sub3A_781 = arith.constant 0 : i32
      %sub3A_782 = arith.subi %add3A_780, %sub3A_781 : i32
      %mul3A_783 = arith.constant 40 : i32
      %mul3A_784 = arith.muli %sub3A_782, %mul3A_783 : i32
      %dma_start3A_785 = tpu.memref_slice %arg14[%mul3A_784] : memref<5120xi32, #tpu.memory_space<vmem>> -> memref<40xi32, #tpu.memory_space<vmem>>
      %dma_start3A_786 = arith.constant 0 : i32
      %dma_start3A_787 = arith.constant 0 : i32
      %dma_start3A_788 = tpu.memref_slice %arg2[%dma_start3A_786, %dma_start3A_787] : memref<10000x128xf32, #tpu.memory_space<hbm>> -> memref<10000x128xf32, #tpu.memory_space<hbm>>
      tpu.enqueue_indirect_dma source(%dma_start3A_788 : memref<10000x128xf32, #tpu.memory_space<hbm>>) target(%arg18 : memref<40x128xf32, #tpu.memory_space<vmem>>) offsets(%dma_start3A_785 : memref<40xi32, #tpu.memory_space<vmem>>) semaphore(%arg38 : memref<!tpu.dma_semaphore, #tpu.memory_space<semaphore_mem>>)
      %add3A_789 = arith.constant 4 : i32
      %add3A_790 = arith.addi %mul3A_721, %add3A_789 : i32
      %mul3A_791 = arith.constant 40 : i32
      %mul3A_792 = arith.muli %add3A_790, %mul3A_791 : i32
      %add3A_793 = arith.addi %mul3A_2, %mul3A_792 : i32
      %dma_wait3A_794 = tpu.memref_slice %arg3[%add3A_793] : memref<640000xi32, #tpu.memory_space<hbm>> -> memref<40xi32, #tpu.memory_space<hbm>>
      %dma_wait3A_795 = tpu.memref_slice %arg3[%add3A_793] : memref<640000xi32, #tpu.memory_space<hbm>> -> memref<40xi32, #tpu.memory_space<hbm>>
      tpu.wait_dma2 semaphore(%arg31 : memref<!tpu.dma_semaphore, #tpu.memory_space<semaphore_mem>>) src(%dma_wait3A_795 : memref<40xi32, #tpu.memory_space<hbm>>) dst(%arg10 : memref<40xi32, #tpu.memory_space<vmem>>)
      %add3A_796 = arith.constant 4 : i32
      %add3A_797 = arith.addi %mul3A_721, %add3A_796 : i32
      %sub3A_798 = arith.constant 0 : i32
      %sub3A_799 = arith.subi %add3A_797, %sub3A_798 : i32
      %mul3A_800 = arith.constant 40 : i32
      %mul3A_801 = arith.muli %sub3A_799, %mul3A_800 : i32
      %dma_start3A_802 = tpu.memref_slice %arg14[%mul3A_801] : memref<5120xi32, #tpu.memory_space<vmem>> -> memref<40xi32, #tpu.memory_space<vmem>>
      %dma_start3A_803 = arith.constant 0 : i32
      %dma_start3A_804 = arith.constant 0 : i32
      %dma_start3A_805 = tpu.memref_slice %arg2[%dma_start3A_803, %dma_start3A_804] : memref<10000x128xf32, #tpu.memory_space<hbm>> -> memref<10000x128xf32, #tpu.memory_space<hbm>>
      tpu.enqueue_indirect_dma source(%dma_start3A_805 : memref<10000x128xf32, #tpu.memory_space<hbm>>) target(%arg19 : memref<40x128xf32, #tpu.memory_space<vmem>>) offsets(%dma_start3A_802 : memref<40xi32, #tpu.memory_space<vmem>>) semaphore(%arg39 : memref<!tpu.dma_semaphore, #tpu.memory_space<semaphore_mem>>)
      %add3A_806 = arith.constant 5 : i32
      %add3A_807 = arith.addi %mul3A_721, %add3A_806 : i32
      %mul3A_808 = arith.constant 40 : i32
      %mul3A_809 = arith.muli %add3A_807, %mul3A_808 : i32
      %add3A_810 = arith.addi %mul3A_2, %mul3A_809 : i32
      %dma_wait3A_811 = tpu.memref_slice %arg3[%add3A_810] : memref<640000xi32, #tpu.memory_space<hbm>> -> memref<40xi32, #tpu.memory_space<hbm>>
      %dma_wait3A_812 = tpu.memref_slice %arg3[%add3A_810] : memref<640000xi32, #tpu.memory_space<hbm>> -> memref<40xi32, #tpu.memory_space<hbm>>
      tpu.wait_dma2 semaphore(%arg32 : memref<!tpu.dma_semaphore, #tpu.memory_space<semaphore_mem>>) src(%dma_wait3A_812 : memref<40xi32, #tpu.memory_space<hbm>>) dst(%arg11 : memref<40xi32, #tpu.memory_space<vmem>>)
      %add3A_813 = arith.constant 5 : i32
      %add3A_814 = arith.addi %mul3A_721, %add3A_813 : i32
      %sub3A_815 = arith.constant 0 : i32
      %sub3A_816 = arith.subi %add3A_814, %sub3A_815 : i32
      %mul3A_817 = arith.constant 40 : i32
      %mul3A_818 = arith.muli %sub3A_816, %mul3A_817 : i32
      %dma_start3A_819 = tpu.memref_slice %arg14[%mul3A_818] : memref<5120xi32, #tpu.memory_space<vmem>> -> memref<40xi32, #tpu.memory_space<vmem>>
      %dma_start3A_820 = arith.constant 0 : i32
      %dma_start3A_821 = arith.constant 0 : i32
      %dma_start3A_822 = tpu.memref_slice %arg2[%dma_start3A_820, %dma_start3A_821] : memref<10000x128xf32, #tpu.memory_space<hbm>> -> memref<10000x128xf32, #tpu.memory_space<hbm>>
      tpu.enqueue_indirect_dma source(%dma_start3A_822 : memref<10000x128xf32, #tpu.memory_space<hbm>>) target(%arg20 : memref<40x128xf32, #tpu.memory_space<vmem>>) offsets(%dma_start3A_819 : memref<40xi32, #tpu.memory_space<vmem>>) semaphore(%arg40 : memref<!tpu.dma_semaphore, #tpu.memory_space<semaphore_mem>>)
      %add3A_823 = arith.constant 6 : i32
      %add3A_824 = arith.addi %mul3A_721, %add3A_823 : i32
      %mul3A_825 = arith.constant 40 : i32
      %mul3A_826 = arith.muli %add3A_824, %mul3A_825 : i32
      %add3A_827 = arith.addi %mul3A_2, %mul3A_826 : i32
      %dma_wait3A_828 = tpu.memref_slice %arg3[%add3A_827] : memref<640000xi32, #tpu.memory_space<hbm>> -> memref<40xi32, #tpu.memory_space<hbm>>
      %dma_wait3A_829 = tpu.memref_slice %arg3[%add3A_827] : memref<640000xi32, #tpu.memory_space<hbm>> -> memref<40xi32, #tpu.memory_space<hbm>>
      tpu.wait_dma2 semaphore(%arg33 : memref<!tpu.dma_semaphore, #tpu.memory_space<semaphore_mem>>) src(%dma_wait3A_829 : memref<40xi32, #tpu.memory_space<hbm>>) dst(%arg12 : memref<40xi32, #tpu.memory_space<vmem>>)
      %add3A_830 = arith.constant 6 : i32
      %add3A_831 = arith.addi %mul3A_721, %add3A_830 : i32
      %sub3A_832 = arith.constant 0 : i32
      %sub3A_833 = arith.subi %add3A_831, %sub3A_832 : i32
      %mul3A_834 = arith.constant 40 : i32
      %mul3A_835 = arith.muli %sub3A_833, %mul3A_834 : i32
      %dma_start3A_836 = tpu.memref_slice %arg14[%mul3A_835] : memref<5120xi32, #tpu.memory_space<vmem>> -> memref<40xi32, #tpu.memory_space<vmem>>
      %dma_start3A_837 = arith.constant 0 : i32
      %dma_start3A_838 = arith.constant 0 : i32
      %dma_start3A_839 = tpu.memref_slice %arg2[%dma_start3A_837, %dma_start3A_838] : memref<10000x128xf32, #tpu.memory_space<hbm>> -> memref<10000x128xf32, #tpu.memory_space<hbm>>
      tpu.enqueue_indirect_dma source(%dma_start3A_839 : memref<10000x128xf32, #tpu.memory_space<hbm>>) target(%arg21 : memref<40x128xf32, #tpu.memory_space<vmem>>) offsets(%dma_start3A_836 : memref<40xi32, #tpu.memory_space<vmem>>) semaphore(%arg41 : memref<!tpu.dma_semaphore, #tpu.memory_space<semaphore_mem>>)
      %add3A_840 = arith.constant 7 : i32
      %add3A_841 = arith.addi %mul3A_721, %add3A_840 : i32
      %mul3A_842 = arith.constant 40 : i32
      %mul3A_843 = arith.muli %add3A_841, %mul3A_842 : i32
      %add3A_844 = arith.addi %mul3A_2, %mul3A_843 : i32
      %dma_wait3A_845 = tpu.memref_slice %arg3[%add3A_844] : memref<640000xi32, #tpu.memory_space<hbm>> -> memref<40xi32, #tpu.memory_space<hbm>>
      %dma_wait3A_846 = tpu.memref_slice %arg3[%add3A_844] : memref<640000xi32, #tpu.memory_space<hbm>> -> memref<40xi32, #tpu.memory_space<hbm>>
      tpu.wait_dma2 semaphore(%arg34 : memref<!tpu.dma_semaphore, #tpu.memory_space<semaphore_mem>>) src(%dma_wait3A_846 : memref<40xi32, #tpu.memory_space<hbm>>) dst(%arg13 : memref<40xi32, #tpu.memory_space<vmem>>)
      %add3A_847 = arith.constant 7 : i32
      %add3A_848 = arith.addi %mul3A_721, %add3A_847 : i32
      %sub3A_849 = arith.constant 0 : i32
      %sub3A_850 = arith.subi %add3A_848, %sub3A_849 : i32
      %mul3A_851 = arith.constant 40 : i32
      %mul3A_852 = arith.muli %sub3A_850, %mul3A_851 : i32
      %dma_start3A_853 = tpu.memref_slice %arg14[%mul3A_852] : memref<5120xi32, #tpu.memory_space<vmem>> -> memref<40xi32, #tpu.memory_space<vmem>>
      %dma_start3A_854 = arith.constant 0 : i32
      %dma_start3A_855 = arith.constant 0 : i32
      %dma_start3A_856 = tpu.memref_slice %arg2[%dma_start3A_854, %dma_start3A_855] : memref<10000x128xf32, #tpu.memory_space<hbm>> -> memref<10000x128xf32, #tpu.memory_space<hbm>>
      tpu.enqueue_indirect_dma source(%dma_start3A_856 : memref<10000x128xf32, #tpu.memory_space<hbm>>) target(%arg22 : memref<40x128xf32, #tpu.memory_space<vmem>>) offsets(%dma_start3A_853 : memref<40xi32, #tpu.memory_space<vmem>>) semaphore(%arg42 : memref<!tpu.dma_semaphore, #tpu.memory_space<semaphore_mem>>)
      %add3A_857 = arith.constant 0 : i32
      %add3A_858 = arith.addi %mul3A_721, %add3A_857 : i32
      %sub3A_859 = arith.constant 0 : i32
      %sub3A_860 = arith.subi %add3A_858, %sub3A_859 : i32
      %mul3A_861 = arith.constant 40 : i32
      %mul3A_862 = arith.muli %sub3A_860, %mul3A_861 : i32
      %dma_wait3A_863 = tpu.memref_slice %arg14[%mul3A_862] : memref<5120xi32, #tpu.memory_space<vmem>> -> memref<40xi32, #tpu.memory_space<vmem>>
      %dma_wait3A_864 = arith.constant 0 : i32
      %dma_wait3A_865 = arith.constant 0 : i32
      %dma_wait3A_866 = tpu.memref_slice %arg2[%dma_wait3A_864, %dma_wait3A_865] : memref<10000x128xf32, #tpu.memory_space<hbm>> -> memref<10000x128xf32, #tpu.memory_space<hbm>>
      tpu.wait_indirect_dma semaphore(%arg35 : memref<!tpu.dma_semaphore, #tpu.memory_space<semaphore_mem>>) src(%dma_wait3A_866 : memref<10000x128xf32, #tpu.memory_space<hbm>>) dst(%arg15 : memref<40x128xf32, #tpu.memory_space<vmem>>)
      %dma_start3A_867 = arith.constant 0 : i32
      %dma_start3A_868 = arith.constant 0 : i32
      %dma_start3A_869 = tpu.memref_slice %arg25[%dma_start3A_867, %dma_start3A_868] : memref<10240x128xf32, #tpu.memory_space<vmem_shared>> -> memref<10240x128xf32, #tpu.memory_space<vmem_shared>>
      tpu.enqueue_indirect_dma source(%arg15 : memref<40x128xf32, #tpu.memory_space<vmem>>) target(%dma_start3A_869 : memref<10240x128xf32, #tpu.memory_space<vmem_shared>>) offsets(%arg6 : memref<40xi32, #tpu.memory_space<vmem>>) semaphore(%arg43 : memref<!tpu.dma_semaphore, #tpu.memory_space<semaphore_mem>>) {add = true}
      %dma_start3A_870 = arith.constant 0 : i32
      %dma_start3A_871 = tpu.memref_slice %arg23[%dma_start3A_870] : memref<48xf32, #tpu.memory_space<vmem>> -> memref<40xf32, #tpu.memory_space<vmem>>
      %dma_start3A_872 = arith.constant 0 : i32
      %dma_start3A_873 = tpu.memref_slice %arg26[%dma_start3A_872] : memref<10240xf32, #tpu.memory_space<vmem_shared>> -> memref<10240xf32, #tpu.memory_space<vmem_shared>>
      tpu.enqueue_indirect_dma source(%dma_start3A_871 : memref<40xf32, #tpu.memory_space<vmem>>) target(%dma_start3A_873 : memref<10240xf32, #tpu.memory_space<vmem_shared>>) offsets(%arg6 : memref<40xi32, #tpu.memory_space<vmem>>) semaphore(%arg43 : memref<!tpu.dma_semaphore, #tpu.memory_space<semaphore_mem>>) {add = true}
      %add3A_874 = arith.constant 1 : i32
      %add3A_875 = arith.addi %mul3A_721, %add3A_874 : i32
      %sub3A_876 = arith.constant 0 : i32
      %sub3A_877 = arith.subi %add3A_875, %sub3A_876 : i32
      %mul3A_878 = arith.constant 40 : i32
      %mul3A_879 = arith.muli %sub3A_877, %mul3A_878 : i32
      %dma_wait3A_880 = tpu.memref_slice %arg14[%mul3A_879] : memref<5120xi32, #tpu.memory_space<vmem>> -> memref<40xi32, #tpu.memory_space<vmem>>
      %dma_wait3A_881 = arith.constant 0 : i32
      %dma_wait3A_882 = arith.constant 0 : i32
      %dma_wait3A_883 = tpu.memref_slice %arg2[%dma_wait3A_881, %dma_wait3A_882] : memref<10000x128xf32, #tpu.memory_space<hbm>> -> memref<10000x128xf32, #tpu.memory_space<hbm>>
      tpu.wait_indirect_dma semaphore(%arg36 : memref<!tpu.dma_semaphore, #tpu.memory_space<semaphore_mem>>) src(%dma_wait3A_883 : memref<10000x128xf32, #tpu.memory_space<hbm>>) dst(%arg16 : memref<40x128xf32, #tpu.memory_space<vmem>>)
      %dma_start3A_884 = arith.constant 0 : i32
      %dma_start3A_885 = arith.constant 0 : i32
      %dma_start3A_886 = tpu.memref_slice %arg25[%dma_start3A_884, %dma_start3A_885] : memref<10240x128xf32, #tpu.memory_space<vmem_shared>> -> memref<10240x128xf32, #tpu.memory_space<vmem_shared>>
      tpu.enqueue_indirect_dma source(%arg16 : memref<40x128xf32, #tpu.memory_space<vmem>>) target(%dma_start3A_886 : memref<10240x128xf32, #tpu.memory_space<vmem_shared>>) offsets(%arg7 : memref<40xi32, #tpu.memory_space<vmem>>) semaphore(%arg44 : memref<!tpu.dma_semaphore, #tpu.memory_space<semaphore_mem>>) {add = true}
      %dma_start3A_887 = arith.constant 0 : i32
      %dma_start3A_888 = tpu.memref_slice %arg23[%dma_start3A_887] : memref<48xf32, #tpu.memory_space<vmem>> -> memref<40xf32, #tpu.memory_space<vmem>>
      %dma_start3A_889 = arith.constant 0 : i32
      %dma_start3A_890 = tpu.memref_slice %arg26[%dma_start3A_889] : memref<10240xf32, #tpu.memory_space<vmem_shared>> -> memref<10240xf32, #tpu.memory_space<vmem_shared>>
      tpu.enqueue_indirect_dma source(%dma_start3A_888 : memref<40xf32, #tpu.memory_space<vmem>>) target(%dma_start3A_890 : memref<10240xf32, #tpu.memory_space<vmem_shared>>) offsets(%arg7 : memref<40xi32, #tpu.memory_space<vmem>>) semaphore(%arg44 : memref<!tpu.dma_semaphore, #tpu.memory_space<semaphore_mem>>) {add = true}
      %add3A_891 = arith.constant 2 : i32
      %add3A_892 = arith.addi %mul3A_721, %add3A_891 : i32
      %sub3A_893 = arith.constant 0 : i32
      %sub3A_894 = arith.subi %add3A_892, %sub3A_893 : i32
      %mul3A_895 = arith.constant 40 : i32
      %mul3A_896 = arith.muli %sub3A_894, %mul3A_895 : i32
      %dma_wait3A_897 = tpu.memref_slice %arg14[%mul3A_896] : memref<5120xi32, #tpu.memory_space<vmem>> -> memref<40xi32, #tpu.memory_space<vmem>>
      %dma_wait3A_898 = arith.constant 0 : i32
      %dma_wait3A_899 = arith.constant 0 : i32
      %dma_wait3A_900 = tpu.memref_slice %arg2[%dma_wait3A_898, %dma_wait3A_899] : memref<10000x128xf32, #tpu.memory_space<hbm>> -> memref<10000x128xf32, #tpu.memory_space<hbm>>
      tpu.wait_indirect_dma semaphore(%arg37 : memref<!tpu.dma_semaphore, #tpu.memory_space<semaphore_mem>>) src(%dma_wait3A_900 : memref<10000x128xf32, #tpu.memory_space<hbm>>) dst(%arg17 : memref<40x128xf32, #tpu.memory_space<vmem>>)
      %dma_start3A_901 = arith.constant 0 : i32
      %dma_start3A_902 = arith.constant 0 : i32
      %dma_start3A_903 = tpu.memref_slice %arg25[%dma_start3A_901, %dma_start3A_902] : memref<10240x128xf32, #tpu.memory_space<vmem_shared>> -> memref<10240x128xf32, #tpu.memory_space<vmem_shared>>
      tpu.enqueue_indirect_dma source(%arg17 : memref<40x128xf32, #tpu.memory_space<vmem>>) target(%dma_start3A_903 : memref<10240x128xf32, #tpu.memory_space<vmem_shared>>) offsets(%arg8 : memref<40xi32, #tpu.memory_space<vmem>>) semaphore(%arg45 : memref<!tpu.dma_semaphore, #tpu.memory_space<semaphore_mem>>) {add = true}
      %dma_start3A_904 = arith.constant 0 : i32
      %dma_start3A_905 = tpu.memref_slice %arg23[%dma_start3A_904] : memref<48xf32, #tpu.memory_space<vmem>> -> memref<40xf32, #tpu.memory_space<vmem>>
      %dma_start3A_906 = arith.constant 0 : i32
      %dma_start3A_907 = tpu.memref_slice %arg26[%dma_start3A_906] : memref<10240xf32, #tpu.memory_space<vmem_shared>> -> memref<10240xf32, #tpu.memory_space<vmem_shared>>
      tpu.enqueue_indirect_dma source(%dma_start3A_905 : memref<40xf32, #tpu.memory_space<vmem>>) target(%dma_start3A_907 : memref<10240xf32, #tpu.memory_space<vmem_shared>>) offsets(%arg8 : memref<40xi32, #tpu.memory_space<vmem>>) semaphore(%arg45 : memref<!tpu.dma_semaphore, #tpu.memory_space<semaphore_mem>>) {add = true}
      %add3A_908 = arith.constant 3 : i32
      %add3A_909 = arith.addi %mul3A_721, %add3A_908 : i32
      %sub3A_910 = arith.constant 0 : i32
      %sub3A_911 = arith.subi %add3A_909, %sub3A_910 : i32
      %mul3A_912 = arith.constant 40 : i32
      %mul3A_913 = arith.muli %sub3A_911, %mul3A_912 : i32
      %dma_wait3A_914 = tpu.memref_slice %arg14[%mul3A_913] : memref<5120xi32, #tpu.memory_space<vmem>> -> memref<40xi32, #tpu.memory_space<vmem>>
      %dma_wait3A_915 = arith.constant 0 : i32
      %dma_wait3A_916 = arith.constant 0 : i32
      %dma_wait3A_917 = tpu.memref_slice %arg2[%dma_wait3A_915, %dma_wait3A_916] : memref<10000x128xf32, #tpu.memory_space<hbm>> -> memref<10000x128xf32, #tpu.memory_space<hbm>>
      tpu.wait_indirect_dma semaphore(%arg38 : memref<!tpu.dma_semaphore, #tpu.memory_space<semaphore_mem>>) src(%dma_wait3A_917 : memref<10000x128xf32, #tpu.memory_space<hbm>>) dst(%arg18 : memref<40x128xf32, #tpu.memory_space<vmem>>)
      %dma_start3A_918 = arith.constant 0 : i32
      %dma_start3A_919 = arith.constant 0 : i32
      %dma_start3A_920 = tpu.memref_slice %arg25[%dma_start3A_918, %dma_start3A_919] : memref<10240x128xf32, #tpu.memory_space<vmem_shared>> -> memref<10240x128xf32, #tpu.memory_space<vmem_shared>>
      tpu.enqueue_indirect_dma source(%arg18 : memref<40x128xf32, #tpu.memory_space<vmem>>) target(%dma_start3A_920 : memref<10240x128xf32, #tpu.memory_space<vmem_shared>>) offsets(%arg9 : memref<40xi32, #tpu.memory_space<vmem>>) semaphore(%arg46 : memref<!tpu.dma_semaphore, #tpu.memory_space<semaphore_mem>>) {add = true}
      %dma_start3A_921 = arith.constant 0 : i32
      %dma_start3A_922 = tpu.memref_slice %arg23[%dma_start3A_921] : memref<48xf32, #tpu.memory_space<vmem>> -> memref<40xf32, #tpu.memory_space<vmem>>
      %dma_start3A_923 = arith.constant 0 : i32
      %dma_start3A_924 = tpu.memref_slice %arg26[%dma_start3A_923] : memref<10240xf32, #tpu.memory_space<vmem_shared>> -> memref<10240xf32, #tpu.memory_space<vmem_shared>>
      tpu.enqueue_indirect_dma source(%dma_start3A_922 : memref<40xf32, #tpu.memory_space<vmem>>) target(%dma_start3A_924 : memref<10240xf32, #tpu.memory_space<vmem_shared>>) offsets(%arg9 : memref<40xi32, #tpu.memory_space<vmem>>) semaphore(%arg46 : memref<!tpu.dma_semaphore, #tpu.memory_space<semaphore_mem>>) {add = true}
      %add3A_925 = arith.constant 4 : i32
      %add3A_926 = arith.addi %mul3A_721, %add3A_925 : i32
      %sub3A_927 = arith.constant 0 : i32
      %sub3A_928 = arith.subi %add3A_926, %sub3A_927 : i32
      %mul3A_929 = arith.constant 40 : i32
      %mul3A_930 = arith.muli %sub3A_928, %mul3A_929 : i32
      %dma_wait3A_931 = tpu.memref_slice %arg14[%mul3A_930] : memref<5120xi32, #tpu.memory_space<vmem>> -> memref<40xi32, #tpu.memory_space<vmem>>
      %dma_wait3A_932 = arith.constant 0 : i32
      %dma_wait3A_933 = arith.constant 0 : i32
      %dma_wait3A_934 = tpu.memref_slice %arg2[%dma_wait3A_932, %dma_wait3A_933] : memref<10000x128xf32, #tpu.memory_space<hbm>> -> memref<10000x128xf32, #tpu.memory_space<hbm>>
      tpu.wait_indirect_dma semaphore(%arg39 : memref<!tpu.dma_semaphore, #tpu.memory_space<semaphore_mem>>) src(%dma_wait3A_934 : memref<10000x128xf32, #tpu.memory_space<hbm>>) dst(%arg19 : memref<40x128xf32, #tpu.memory_space<vmem>>)
      %dma_start3A_935 = arith.constant 0 : i32
      %dma_start3A_936 = arith.constant 0 : i32
      %dma_start3A_937 = tpu.memref_slice %arg25[%dma_start3A_935, %dma_start3A_936] : memref<10240x128xf32, #tpu.memory_space<vmem_shared>> -> memref<10240x128xf32, #tpu.memory_space<vmem_shared>>
      tpu.enqueue_indirect_dma source(%arg19 : memref<40x128xf32, #tpu.memory_space<vmem>>) target(%dma_start3A_937 : memref<10240x128xf32, #tpu.memory_space<vmem_shared>>) offsets(%arg10 : memref<40xi32, #tpu.memory_space<vmem>>) semaphore(%arg47 : memref<!tpu.dma_semaphore, #tpu.memory_space<semaphore_mem>>) {add = true}
      %dma_start3A_938 = arith.constant 0 : i32
      %dma_start3A_939 = tpu.memref_slice %arg23[%dma_start3A_938] : memref<48xf32, #tpu.memory_space<vmem>> -> memref<40xf32, #tpu.memory_space<vmem>>
      %dma_start3A_940 = arith.constant 0 : i32
      %dma_start3A_941 = tpu.memref_slice %arg26[%dma_start3A_940] : memref<10240xf32, #tpu.memory_space<vmem_shared>> -> memref<10240xf32, #tpu.memory_space<vmem_shared>>
      tpu.enqueue_indirect_dma source(%dma_start3A_939 : memref<40xf32, #tpu.memory_space<vmem>>) target(%dma_start3A_941 : memref<10240xf32, #tpu.memory_space<vmem_shared>>) offsets(%arg10 : memref<40xi32, #tpu.memory_space<vmem>>) semaphore(%arg47 : memref<!tpu.dma_semaphore, #tpu.memory_space<semaphore_mem>>) {add = true}
      %add3A_942 = arith.constant 5 : i32
      %add3A_943 = arith.addi %mul3A_721, %add3A_942 : i32
      %sub3A_944 = arith.constant 0 : i32
      %sub3A_945 = arith.subi %add3A_943, %sub3A_944 : i32
      %mul3A_946 = arith.constant 40 : i32
      %mul3A_947 = arith.muli %sub3A_945, %mul3A_946 : i32
      %dma_wait3A_948 = tpu.memref_slice %arg14[%mul3A_947] : memref<5120xi32, #tpu.memory_space<vmem>> -> memref<40xi32, #tpu.memory_space<vmem>>
      %dma_wait3A_949 = arith.constant 0 : i32
      %dma_wait3A_950 = arith.constant 0 : i32
      %dma_wait3A_951 = tpu.memref_slice %arg2[%dma_wait3A_949, %dma_wait3A_950] : memref<10000x128xf32, #tpu.memory_space<hbm>> -> memref<10000x128xf32, #tpu.memory_space<hbm>>
      tpu.wait_indirect_dma semaphore(%arg40 : memref<!tpu.dma_semaphore, #tpu.memory_space<semaphore_mem>>) src(%dma_wait3A_951 : memref<10000x128xf32, #tpu.memory_space<hbm>>) dst(%arg20 : memref<40x128xf32, #tpu.memory_space<vmem>>)
      %dma_start3A_952 = arith.constant 0 : i32
      %dma_start3A_953 = arith.constant 0 : i32
      %dma_start3A_954 = tpu.memref_slice %arg25[%dma_start3A_952, %dma_start3A_953] : memref<10240x128xf32, #tpu.memory_space<vmem_shared>> -> memref<10240x128xf32, #tpu.memory_space<vmem_shared>>
      tpu.enqueue_indirect_dma source(%arg20 : memref<40x128xf32, #tpu.memory_space<vmem>>) target(%dma_start3A_954 : memref<10240x128xf32, #tpu.memory_space<vmem_shared>>) offsets(%arg11 : memref<40xi32, #tpu.memory_space<vmem>>) semaphore(%arg48 : memref<!tpu.dma_semaphore, #tpu.memory_space<semaphore_mem>>) {add = true}
      %dma_start3A_955 = arith.constant 0 : i32
      %dma_start3A_956 = tpu.memref_slice %arg23[%dma_start3A_955] : memref<48xf32, #tpu.memory_space<vmem>> -> memref<40xf32, #tpu.memory_space<vmem>>
      %dma_start3A_957 = arith.constant 0 : i32
      %dma_start3A_958 = tpu.memref_slice %arg26[%dma_start3A_957] : memref<10240xf32, #tpu.memory_space<vmem_shared>> -> memref<10240xf32, #tpu.memory_space<vmem_shared>>
      tpu.enqueue_indirect_dma source(%dma_start3A_956 : memref<40xf32, #tpu.memory_space<vmem>>) target(%dma_start3A_958 : memref<10240xf32, #tpu.memory_space<vmem_shared>>) offsets(%arg11 : memref<40xi32, #tpu.memory_space<vmem>>) semaphore(%arg48 : memref<!tpu.dma_semaphore, #tpu.memory_space<semaphore_mem>>) {add = true}
      %add3A_959 = arith.constant 6 : i32
      %add3A_960 = arith.addi %mul3A_721, %add3A_959 : i32
      %sub3A_961 = arith.constant 0 : i32
      %sub3A_962 = arith.subi %add3A_960, %sub3A_961 : i32
      %mul3A_963 = arith.constant 40 : i32
      %mul3A_964 = arith.muli %sub3A_962, %mul3A_963 : i32
      %dma_wait3A_965 = tpu.memref_slice %arg14[%mul3A_964] : memref<5120xi32, #tpu.memory_space<vmem>> -> memref<40xi32, #tpu.memory_space<vmem>>
      %dma_wait3A_966 = arith.constant 0 : i32
      %dma_wait3A_967 = arith.constant 0 : i32
      %dma_wait3A_968 = tpu.memref_slice %arg2[%dma_wait3A_966, %dma_wait3A_967] : memref<10000x128xf32, #tpu.memory_space<hbm>> -> memref<10000x128xf32, #tpu.memory_space<hbm>>
      tpu.wait_indirect_dma semaphore(%arg41 : memref<!tpu.dma_semaphore, #tpu.memory_space<semaphore_mem>>) src(%dma_wait3A_968 : memref<10000x128xf32, #tpu.memory_space<hbm>>) dst(%arg21 : memref<40x128xf32, #tpu.memory_space<vmem>>)
      %dma_start3A_969 = arith.constant 0 : i32
      %dma_start3A_970 = arith.constant 0 : i32
      %dma_start3A_971 = tpu.memref_slice %arg25[%dma_start3A_969, %dma_start3A_970] : memref<10240x128xf32, #tpu.memory_space<vmem_shared>> -> memref<10240x128xf32, #tpu.memory_space<vmem_shared>>
      tpu.enqueue_indirect_dma source(%arg21 : memref<40x128xf32, #tpu.memory_space<vmem>>) target(%dma_start3A_971 : memref<10240x128xf32, #tpu.memory_space<vmem_shared>>) offsets(%arg12 : memref<40xi32, #tpu.memory_space<vmem>>) semaphore(%arg49 : memref<!tpu.dma_semaphore, #tpu.memory_space<semaphore_mem>>) {add = true}
      %dma_start3A_972 = arith.constant 0 : i32
      %dma_start3A_973 = tpu.memref_slice %arg23[%dma_start3A_972] : memref<48xf32, #tpu.memory_space<vmem>> -> memref<40xf32, #tpu.memory_space<vmem>>
      %dma_start3A_974 = arith.constant 0 : i32
      %dma_start3A_975 = tpu.memref_slice %arg26[%dma_start3A_974] : memref<10240xf32, #tpu.memory_space<vmem_shared>> -> memref<10240xf32, #tpu.memory_space<vmem_shared>>
      tpu.enqueue_indirect_dma source(%dma_start3A_973 : memref<40xf32, #tpu.memory_space<vmem>>) target(%dma_start3A_975 : memref<10240xf32, #tpu.memory_space<vmem_shared>>) offsets(%arg12 : memref<40xi32, #tpu.memory_space<vmem>>) semaphore(%arg49 : memref<!tpu.dma_semaphore, #tpu.memory_space<semaphore_mem>>) {add = true}
      %add3A_976 = arith.constant 7 : i32
      %add3A_977 = arith.addi %mul3A_721, %add3A_976 : i32
      %sub3A_978 = arith.constant 0 : i32
      %sub3A_979 = arith.subi %add3A_977, %sub3A_978 : i32
      %mul3A_980 = arith.constant 40 : i32
      %mul3A_981 = arith.muli %sub3A_979, %mul3A_980 : i32
      %dma_wait3A_982 = tpu.memref_slice %arg14[%mul3A_981] : memref<5120xi32, #tpu.memory_space<vmem>> -> memref<40xi32, #tpu.memory_space<vmem>>
      %dma_wait3A_983 = arith.constant 0 : i32
      %dma_wait3A_984 = arith.constant 0 : i32
      %dma_wait3A_985 = tpu.memref_slice %arg2[%dma_wait3A_983, %dma_wait3A_984] : memref<10000x128xf32, #tpu.memory_space<hbm>> -> memref<10000x128xf32, #tpu.memory_space<hbm>>
      tpu.wait_indirect_dma semaphore(%arg42 : memref<!tpu.dma_semaphore, #tpu.memory_space<semaphore_mem>>) src(%dma_wait3A_985 : memref<10000x128xf32, #tpu.memory_space<hbm>>) dst(%arg22 : memref<40x128xf32, #tpu.memory_space<vmem>>)
      %dma_start3A_986 = arith.constant 0 : i32
      %dma_start3A_987 = arith.constant 0 : i32
      %dma_start3A_988 = tpu.memref_slice %arg25[%dma_start3A_986, %dma_start3A_987] : memref<10240x128xf32, #tpu.memory_space<vmem_shared>> -> memref<10240x128xf32, #tpu.memory_space<vmem_shared>>
      tpu.enqueue_indirect_dma source(%arg22 : memref<40x128xf32, #tpu.memory_space<vmem>>) target(%dma_start3A_988 : memref<10240x128xf32, #tpu.memory_space<vmem_shared>>) offsets(%arg13 : memref<40xi32, #tpu.memory_space<vmem>>) semaphore(%arg50 : memref<!tpu.dma_semaphore, #tpu.memory_space<semaphore_mem>>) {add = true}
      %dma_start3A_989 = arith.constant 0 : i32
      %dma_start3A_990 = tpu.memref_slice %arg23[%dma_start3A_989] : memref<48xf32, #tpu.memory_space<vmem>> -> memref<40xf32, #tpu.memory_space<vmem>>
      %dma_start3A_991 = arith.constant 0 : i32
      %dma_start3A_992 = tpu.memref_slice %arg26[%dma_start3A_991] : memref<10240xf32, #tpu.memory_space<vmem_shared>> -> memref<10240xf32, #tpu.memory_space<vmem_shared>>
      tpu.enqueue_indirect_dma source(%dma_start3A_990 : memref<40xf32, #tpu.memory_space<vmem>>) target(%dma_start3A_992 : memref<10240xf32, #tpu.memory_space<vmem_shared>>) offsets(%arg13 : memref<40xi32, #tpu.memory_space<vmem>>) semaphore(%arg50 : memref<!tpu.dma_semaphore, #tpu.memory_space<semaphore_mem>>) {add = true}
      %dma_wait3A_993 = arith.constant 0 : i32
      %dma_wait3A_994 = arith.constant 0 : i32
      %dma_wait3A_995 = tpu.memref_slice %arg25[%dma_wait3A_993, %dma_wait3A_994] : memref<10240x128xf32, #tpu.memory_space<vmem_shared>> -> memref<10240x128xf32, #tpu.memory_space<vmem_shared>>
      tpu.wait_indirect_dma semaphore(%arg43 : memref<!tpu.dma_semaphore, #tpu.memory_space<semaphore_mem>>) src(%arg15 : memref<40x128xf32, #tpu.memory_space<vmem>>) dst(%dma_wait3A_995 : memref<10240x128xf32, #tpu.memory_space<vmem_shared>>)
      %dma_wait3A_996 = arith.constant 0 : i32
      %dma_wait3A_997 = tpu.memref_slice %arg23[%dma_wait3A_996] : memref<48xf32, #tpu.memory_space<vmem>> -> memref<40xf32, #tpu.memory_space<vmem>>
      %dma_wait3A_998 = arith.constant 0 : i32
      %dma_wait3A_999 = tpu.memref_slice %arg26[%dma_wait3A_998] : memref<10240xf32, #tpu.memory_space<vmem_shared>> -> memref<10240xf32, #tpu.memory_space<vmem_shared>>
      tpu.wait_indirect_dma semaphore(%arg43 : memref<!tpu.dma_semaphore, #tpu.memory_space<semaphore_mem>>) src(%dma_wait3A_997 : memref<40xf32, #tpu.memory_space<vmem>>) dst(%dma_wait3A_999 : memref<10240xf32, #tpu.memory_space<vmem_shared>>)
      %add3A_1000 = arith.constant 8 : i32
      %add3A_1001 = arith.addi %mul3A_721, %add3A_1000 : i32
      %add3A_1002 = arith.constant 0 : i32
      %add3A_1003 = arith.addi %add3A_1001, %add3A_1002 : i32
      %mul3A_1004 = arith.constant 40 : i32
      %mul3A_1005 = arith.muli %add3A_1003, %mul3A_1004 : i32
      %add3A_1006 = arith.addi %mul3A_2, %mul3A_1005 : i32
      %dma_start3A_1007 = tpu.memref_slice %arg3[%add3A_1006] : memref<640000xi32, #tpu.memory_space<hbm>> -> memref<40xi32, #tpu.memory_space<hbm>>
      %dma_start3A_1008 = tpu.memref_slice %arg3[%add3A_1006] : memref<640000xi32, #tpu.memory_space<hbm>> -> memref<40xi32, #tpu.memory_space<hbm>>
      tpu.enqueue_dma source(%dma_start3A_1008 : memref<40xi32, #tpu.memory_space<hbm>>) target(%arg6 : memref<40xi32, #tpu.memory_space<vmem>>) target_semaphore(%arg27 : memref<!tpu.dma_semaphore, #tpu.memory_space<semaphore_mem>>)
      %dma_wait3A_1009 = arith.constant 0 : i32
      %dma_wait3A_1010 = arith.constant 0 : i32
      %dma_wait3A_1011 = tpu.memref_slice %arg25[%dma_wait3A_1009, %dma_wait3A_1010] : memref<10240x128xf32, #tpu.memory_space<vmem_shared>> -> memref<10240x128xf32, #tpu.memory_space<vmem_shared>>
      tpu.wait_indirect_dma semaphore(%arg44 : memref<!tpu.dma_semaphore, #tpu.memory_space<semaphore_mem>>) src(%arg16 : memref<40x128xf32, #tpu.memory_space<vmem>>) dst(%dma_wait3A_1011 : memref<10240x128xf32, #tpu.memory_space<vmem_shared>>)
      %dma_wait3A_1012 = arith.constant 0 : i32
      %dma_wait3A_1013 = tpu.memref_slice %arg23[%dma_wait3A_1012] : memref<48xf32, #tpu.memory_space<vmem>> -> memref<40xf32, #tpu.memory_space<vmem>>
      %dma_wait3A_1014 = arith.constant 0 : i32
      %dma_wait3A_1015 = tpu.memref_slice %arg26[%dma_wait3A_1014] : memref<10240xf32, #tpu.memory_space<vmem_shared>> -> memref<10240xf32, #tpu.memory_space<vmem_shared>>
      tpu.wait_indirect_dma semaphore(%arg44 : memref<!tpu.dma_semaphore, #tpu.memory_space<semaphore_mem>>) src(%dma_wait3A_1013 : memref<40xf32, #tpu.memory_space<vmem>>) dst(%dma_wait3A_1015 : memref<10240xf32, #tpu.memory_space<vmem_shared>>)
      %add3A_1016 = arith.constant 8 : i32
      %add3A_1017 = arith.addi %mul3A_721, %add3A_1016 : i32
      %add3A_1018 = arith.constant 1 : i32
      %add3A_1019 = arith.addi %add3A_1017, %add3A_1018 : i32
      %mul3A_1020 = arith.constant 40 : i32
      %mul3A_1021 = arith.muli %add3A_1019, %mul3A_1020 : i32
      %add3A_1022 = arith.addi %mul3A_2, %mul3A_1021 : i32
      %dma_start3A_1023 = tpu.memref_slice %arg3[%add3A_1022] : memref<640000xi32, #tpu.memory_space<hbm>> -> memref<40xi32, #tpu.memory_space<hbm>>
      %dma_start3A_1024 = tpu.memref_slice %arg3[%add3A_1022] : memref<640000xi32, #tpu.memory_space<hbm>> -> memref<40xi32, #tpu.memory_space<hbm>>
      tpu.enqueue_dma source(%dma_start3A_1024 : memref<40xi32, #tpu.memory_space<hbm>>) target(%arg7 : memref<40xi32, #tpu.memory_space<vmem>>) target_semaphore(%arg28 : memref<!tpu.dma_semaphore, #tpu.memory_space<semaphore_mem>>)
      %dma_wait3A_1025 = arith.constant 0 : i32
      %dma_wait3A_1026 = arith.constant 0 : i32
      %dma_wait3A_1027 = tpu.memref_slice %arg25[%dma_wait3A_1025, %dma_wait3A_1026] : memref<10240x128xf32, #tpu.memory_space<vmem_shared>> -> memref<10240x128xf32, #tpu.memory_space<vmem_shared>>
      tpu.wait_indirect_dma semaphore(%arg45 : memref<!tpu.dma_semaphore, #tpu.memory_space<semaphore_mem>>) src(%arg17 : memref<40x128xf32, #tpu.memory_space<vmem>>) dst(%dma_wait3A_1027 : memref<10240x128xf32, #tpu.memory_space<vmem_shared>>)
      %dma_wait3A_1028 = arith.constant 0 : i32
      %dma_wait3A_1029 = tpu.memref_slice %arg23[%dma_wait3A_1028] : memref<48xf32, #tpu.memory_space<vmem>> -> memref<40xf32, #tpu.memory_space<vmem>>
      %dma_wait3A_1030 = arith.constant 0 : i32
      %dma_wait3A_1031 = tpu.memref_slice %arg26[%dma_wait3A_1030] : memref<10240xf32, #tpu.memory_space<vmem_shared>> -> memref<10240xf32, #tpu.memory_space<vmem_shared>>
      tpu.wait_indirect_dma semaphore(%arg45 : memref<!tpu.dma_semaphore, #tpu.memory_space<semaphore_mem>>) src(%dma_wait3A_1029 : memref<40xf32, #tpu.memory_space<vmem>>) dst(%dma_wait3A_1031 : memref<10240xf32, #tpu.memory_space<vmem_shared>>)
      %add3A_1032 = arith.constant 8 : i32
      %add3A_1033 = arith.addi %mul3A_721, %add3A_1032 : i32
      %add3A_1034 = arith.constant 2 : i32
      %add3A_1035 = arith.addi %add3A_1033, %add3A_1034 : i32
      %mul3A_1036 = arith.constant 40 : i32
      %mul3A_1037 = arith.muli %add3A_1035, %mul3A_1036 : i32
      %add3A_1038 = arith.addi %mul3A_2, %mul3A_1037 : i32
      %dma_start3A_1039 = tpu.memref_slice %arg3[%add3A_1038] : memref<640000xi32, #tpu.memory_space<hbm>> -> memref<40xi32, #tpu.memory_space<hbm>>
      %dma_start3A_1040 = tpu.memref_slice %arg3[%add3A_1038] : memref<640000xi32, #tpu.memory_space<hbm>> -> memref<40xi32, #tpu.memory_space<hbm>>
      tpu.enqueue_dma source(%dma_start3A_1040 : memref<40xi32, #tpu.memory_space<hbm>>) target(%arg8 : memref<40xi32, #tpu.memory_space<vmem>>) target_semaphore(%arg29 : memref<!tpu.dma_semaphore, #tpu.memory_space<semaphore_mem>>)
      %dma_wait3A_1041 = arith.constant 0 : i32
      %dma_wait3A_1042 = arith.constant 0 : i32
      %dma_wait3A_1043 = tpu.memref_slice %arg25[%dma_wait3A_1041, %dma_wait3A_1042] : memref<10240x128xf32, #tpu.memory_space<vmem_shared>> -> memref<10240x128xf32, #tpu.memory_space<vmem_shared>>
      tpu.wait_indirect_dma semaphore(%arg46 : memref<!tpu.dma_semaphore, #tpu.memory_space<semaphore_mem>>) src(%arg18 : memref<40x128xf32, #tpu.memory_space<vmem>>) dst(%dma_wait3A_1043 : memref<10240x128xf32, #tpu.memory_space<vmem_shared>>)
      %dma_wait3A_1044 = arith.constant 0 : i32
      %dma_wait3A_1045 = tpu.memref_slice %arg23[%dma_wait3A_1044] : memref<48xf32, #tpu.memory_space<vmem>> -> memref<40xf32, #tpu.memory_space<vmem>>
      %dma_wait3A_1046 = arith.constant 0 : i32
      %dma_wait3A_1047 = tpu.memref_slice %arg26[%dma_wait3A_1046] : memref<10240xf32, #tpu.memory_space<vmem_shared>> -> memref<10240xf32, #tpu.memory_space<vmem_shared>>
      tpu.wait_indirect_dma semaphore(%arg46 : memref<!tpu.dma_semaphore, #tpu.memory_space<semaphore_mem>>) src(%dma_wait3A_1045 : memref<40xf32, #tpu.memory_space<vmem>>) dst(%dma_wait3A_1047 : memref<10240xf32, #tpu.memory_space<vmem_shared>>)
      %add3A_1048 = arith.constant 8 : i32
      %add3A_1049 = arith.addi %mul3A_721, %add3A_1048 : i32
      %add3A_1050 = arith.constant 3 : i32
      %add3A_1051 = arith.addi %add3A_1049, %add3A_1050 : i32
      %mul3A_1052 = arith.constant 40 : i32
      %mul3A_1053 = arith.muli %add3A_1051, %mul3A_1052 : i32
      %add3A_1054 = arith.addi %mul3A_2, %mul3A_1053 : i32
      %dma_start3A_1055 = tpu.memref_slice %arg3[%add3A_1054] : memref<640000xi32, #tpu.memory_space<hbm>> -> memref<40xi32, #tpu.memory_space<hbm>>
      %dma_start3A_1056 = tpu.memref_slice %arg3[%add3A_1054] : memref<640000xi32, #tpu.memory_space<hbm>> -> memref<40xi32, #tpu.memory_space<hbm>>
      tpu.enqueue_dma source(%dma_start3A_1056 : memref<40xi32, #tpu.memory_space<hbm>>) target(%arg9 : memref<40xi32, #tpu.memory_space<vmem>>) target_semaphore(%arg30 : memref<!tpu.dma_semaphore, #tpu.memory_space<semaphore_mem>>)
      %dma_wait3A_1057 = arith.constant 0 : i32
      %dma_wait3A_1058 = arith.constant 0 : i32
      %dma_wait3A_1059 = tpu.memref_slice %arg25[%dma_wait3A_1057, %dma_wait3A_1058] : memref<10240x128xf32, #tpu.memory_space<vmem_shared>> -> memref<10240x128xf32, #tpu.memory_space<vmem_shared>>
      tpu.wait_indirect_dma semaphore(%arg47 : memref<!tpu.dma_semaphore, #tpu.memory_space<semaphore_mem>>) src(%arg19 : memref<40x128xf32, #tpu.memory_space<vmem>>) dst(%dma_wait3A_1059 : memref<10240x128xf32, #tpu.memory_space<vmem_shared>>)
      %dma_wait3A_1060 = arith.constant 0 : i32
      %dma_wait3A_1061 = tpu.memref_slice %arg23[%dma_wait3A_1060] : memref<48xf32, #tpu.memory_space<vmem>> -> memref<40xf32, #tpu.memory_space<vmem>>
      %dma_wait3A_1062 = arith.constant 0 : i32
      %dma_wait3A_1063 = tpu.memref_slice %arg26[%dma_wait3A_1062] : memref<10240xf32, #tpu.memory_space<vmem_shared>> -> memref<10240xf32, #tpu.memory_space<vmem_shared>>
      tpu.wait_indirect_dma semaphore(%arg47 : memref<!tpu.dma_semaphore, #tpu.memory_space<semaphore_mem>>) src(%dma_wait3A_1061 : memref<40xf32, #tpu.memory_space<vmem>>) dst(%dma_wait3A_1063 : memref<10240xf32, #tpu.memory_space<vmem_shared>>)
      %add3A_1064 = arith.constant 8 : i32
      %add3A_1065 = arith.addi %mul3A_721, %add3A_1064 : i32
      %add3A_1066 = arith.constant 4 : i32
      %add3A_1067 = arith.addi %add3A_1065, %add3A_1066 : i32
      %mul3A_1068 = arith.constant 40 : i32
      %mul3A_1069 = arith.muli %add3A_1067, %mul3A_1068 : i32
      %add3A_1070 = arith.addi %mul3A_2, %mul3A_1069 : i32
      %dma_start3A_1071 = tpu.memref_slice %arg3[%add3A_1070] : memref<640000xi32, #tpu.memory_space<hbm>> -> memref<40xi32, #tpu.memory_space<hbm>>
      %dma_start3A_1072 = tpu.memref_slice %arg3[%add3A_1070] : memref<640000xi32, #tpu.memory_space<hbm>> -> memref<40xi32, #tpu.memory_space<hbm>>
      tpu.enqueue_dma source(%dma_start3A_1072 : memref<40xi32, #tpu.memory_space<hbm>>) target(%arg10 : memref<40xi32, #tpu.memory_space<vmem>>) target_semaphore(%arg31 : memref<!tpu.dma_semaphore, #tpu.memory_space<semaphore_mem>>)
      %dma_wait3A_1073 = arith.constant 0 : i32
      %dma_wait3A_1074 = arith.constant 0 : i32
      %dma_wait3A_1075 = tpu.memref_slice %arg25[%dma_wait3A_1073, %dma_wait3A_1074] : memref<10240x128xf32, #tpu.memory_space<vmem_shared>> -> memref<10240x128xf32, #tpu.memory_space<vmem_shared>>
      tpu.wait_indirect_dma semaphore(%arg48 : memref<!tpu.dma_semaphore, #tpu.memory_space<semaphore_mem>>) src(%arg20 : memref<40x128xf32, #tpu.memory_space<vmem>>) dst(%dma_wait3A_1075 : memref<10240x128xf32, #tpu.memory_space<vmem_shared>>)
      %dma_wait3A_1076 = arith.constant 0 : i32
      %dma_wait3A_1077 = tpu.memref_slice %arg23[%dma_wait3A_1076] : memref<48xf32, #tpu.memory_space<vmem>> -> memref<40xf32, #tpu.memory_space<vmem>>
      %dma_wait3A_1078 = arith.constant 0 : i32
      %dma_wait3A_1079 = tpu.memref_slice %arg26[%dma_wait3A_1078] : memref<10240xf32, #tpu.memory_space<vmem_shared>> -> memref<10240xf32, #tpu.memory_space<vmem_shared>>
      tpu.wait_indirect_dma semaphore(%arg48 : memref<!tpu.dma_semaphore, #tpu.memory_space<semaphore_mem>>) src(%dma_wait3A_1077 : memref<40xf32, #tpu.memory_space<vmem>>) dst(%dma_wait3A_1079 : memref<10240xf32, #tpu.memory_space<vmem_shared>>)
      %add3A_1080 = arith.constant 8 : i32
      %add3A_1081 = arith.addi %mul3A_721, %add3A_1080 : i32
      %add3A_1082 = arith.constant 5 : i32
      %add3A_1083 = arith.addi %add3A_1081, %add3A_1082 : i32
      %mul3A_1084 = arith.constant 40 : i32
      %mul3A_1085 = arith.muli %add3A_1083, %mul3A_1084 : i32
      %add3A_1086 = arith.addi %mul3A_2, %mul3A_1085 : i32
      %dma_start3A_1087 = tpu.memref_slice %arg3[%add3A_1086] : memref<640000xi32, #tpu.memory_space<hbm>> -> memref<40xi32, #tpu.memory_space<hbm>>
      %dma_start3A_1088 = tpu.memref_slice %arg3[%add3A_1086] : memref<640000xi32, #tpu.memory_space<hbm>> -> memref<40xi32, #tpu.memory_space<hbm>>
      tpu.enqueue_dma source(%dma_start3A_1088 : memref<40xi32, #tpu.memory_space<hbm>>) target(%arg11 : memref<40xi32, #tpu.memory_space<vmem>>) target_semaphore(%arg32 : memref<!tpu.dma_semaphore, #tpu.memory_space<semaphore_mem>>)
      %dma_wait3A_1089 = arith.constant 0 : i32
      %dma_wait3A_1090 = arith.constant 0 : i32
      %dma_wait3A_1091 = tpu.memref_slice %arg25[%dma_wait3A_1089, %dma_wait3A_1090] : memref<10240x128xf32, #tpu.memory_space<vmem_shared>> -> memref<10240x128xf32, #tpu.memory_space<vmem_shared>>
      tpu.wait_indirect_dma semaphore(%arg49 : memref<!tpu.dma_semaphore, #tpu.memory_space<semaphore_mem>>) src(%arg21 : memref<40x128xf32, #tpu.memory_space<vmem>>) dst(%dma_wait3A_1091 : memref<10240x128xf32, #tpu.memory_space<vmem_shared>>)
      %dma_wait3A_1092 = arith.constant 0 : i32
      %dma_wait3A_1093 = tpu.memref_slice %arg23[%dma_wait3A_1092] : memref<48xf32, #tpu.memory_space<vmem>> -> memref<40xf32, #tpu.memory_space<vmem>>
      %dma_wait3A_1094 = arith.constant 0 : i32
      %dma_wait3A_1095 = tpu.memref_slice %arg26[%dma_wait3A_1094] : memref<10240xf32, #tpu.memory_space<vmem_shared>> -> memref<10240xf32, #tpu.memory_space<vmem_shared>>
      tpu.wait_indirect_dma semaphore(%arg49 : memref<!tpu.dma_semaphore, #tpu.memory_space<semaphore_mem>>) src(%dma_wait3A_1093 : memref<40xf32, #tpu.memory_space<vmem>>) dst(%dma_wait3A_1095 : memref<10240xf32, #tpu.memory_space<vmem_shared>>)
      %add3A_1096 = arith.constant 8 : i32
      %add3A_1097 = arith.addi %mul3A_721, %add3A_1096 : i32
      %add3A_1098 = arith.constant 6 : i32
      %add3A_1099 = arith.addi %add3A_1097, %add3A_1098 : i32
      %mul3A_1100 = arith.constant 40 : i32
      %mul3A_1101 = arith.muli %add3A_1099, %mul3A_1100 : i32
      %add3A_1102 = arith.addi %mul3A_2, %mul3A_1101 : i32
      %dma_start3A_1103 = tpu.memref_slice %arg3[%add3A_1102] : memref<640000xi32, #tpu.memory_space<hbm>> -> memref<40xi32, #tpu.memory_space<hbm>>
      %dma_start3A_1104 = tpu.memref_slice %arg3[%add3A_1102] : memref<640000xi32, #tpu.memory_space<hbm>> -> memref<40xi32, #tpu.memory_space<hbm>>
      tpu.enqueue_dma source(%dma_start3A_1104 : memref<40xi32, #tpu.memory_space<hbm>>) target(%arg12 : memref<40xi32, #tpu.memory_space<vmem>>) target_semaphore(%arg33 : memref<!tpu.dma_semaphore, #tpu.memory_space<semaphore_mem>>)
      %dma_wait3A_1105 = arith.constant 0 : i32
      %dma_wait3A_1106 = arith.constant 0 : i32
      %dma_wait3A_1107 = tpu.memref_slice %arg25[%dma_wait3A_1105, %dma_wait3A_1106] : memref<10240x128xf32, #tpu.memory_space<vmem_shared>> -> memref<10240x128xf32, #tpu.memory_space<vmem_shared>>
      tpu.wait_indirect_dma semaphore(%arg50 : memref<!tpu.dma_semaphore, #tpu.memory_space<semaphore_mem>>) src(%arg22 : memref<40x128xf32, #tpu.memory_space<vmem>>) dst(%dma_wait3A_1107 : memref<10240x128xf32, #tpu.memory_space<vmem_shared>>)
      %dma_wait3A_1108 = arith.constant 0 : i32
      %dma_wait3A_1109 = tpu.memref_slice %arg23[%dma_wait3A_1108] : memref<48xf32, #tpu.memory_space<vmem>> -> memref<40xf32, #tpu.memory_space<vmem>>
      %dma_wait3A_1110 = arith.constant 0 : i32
      %dma_wait3A_1111 = tpu.memref_slice %arg26[%dma_wait3A_1110] : memref<10240xf32, #tpu.memory_space<vmem_shared>> -> memref<10240xf32, #tpu.memory_space<vmem_shared>>
      tpu.wait_indirect_dma semaphore(%arg50 : memref<!tpu.dma_semaphore, #tpu.memory_space<semaphore_mem>>) src(%dma_wait3A_1109 : memref<40xf32, #tpu.memory_space<vmem>>) dst(%dma_wait3A_1111 : memref<10240xf32, #tpu.memory_space<vmem_shared>>)
      %add3A_1112 = arith.constant 8 : i32
      %add3A_1113 = arith.addi %mul3A_721, %add3A_1112 : i32
      %add3A_1114 = arith.constant 7 : i32
      %add3A_1115 = arith.addi %add3A_1113, %add3A_1114 : i32
      %mul3A_1116 = arith.constant 40 : i32
      %mul3A_1117 = arith.muli %add3A_1115, %mul3A_1116 : i32
      %add3A_1118 = arith.addi %mul3A_2, %mul3A_1117 : i32
      %dma_start3A_1119 = tpu.memref_slice %arg3[%add3A_1118] : memref<640000xi32, #tpu.memory_space<hbm>> -> memref<40xi32, #tpu.memory_space<hbm>>
      %dma_start3A_1120 = tpu.memref_slice %arg3[%add3A_1118] : memref<640000xi32, #tpu.memory_space<hbm>> -> memref<40xi32, #tpu.memory_space<hbm>>
      tpu.enqueue_dma source(%dma_start3A_1120 : memref<40xi32, #tpu.memory_space<hbm>>) target(%arg13 : memref<40xi32, #tpu.memory_space<vmem>>) target_semaphore(%arg34 : memref<!tpu.dma_semaphore, #tpu.memory_space<semaphore_mem>>)
    }
    %scan3A_461 = arith.constant 16 : i32
    %add3A_462 = arith.constant 5120 : i32
    %add3A_463 = arith.addi %add3A_7, %add3A_462 : i32
    "tpu.region"() ({
      %run_scoped3A = tpu.sem_alloc : memref<!tpu.dma_semaphore, #tpu.memory_space<semaphore_mem>>
      %dma_start3A_719 = arith.constant 0 : i32
      %dma_start3A_720 = tpu.memref_slice %arg14[%dma_start3A_719] : memref<5120xi32, #tpu.memory_space<vmem>> -> memref<4880xi32, #tpu.memory_space<vmem>>
      %dma_start3A_721 = tpu.memref_slice %arg3[%add3A_463] : memref<640000xi32, #tpu.memory_space<hbm>> -> memref<4880xi32, #tpu.memory_space<hbm>>
      %dma_start3A_722 = arith.constant 0 : i32
      %dma_start3A_723 = tpu.memref_slice %arg14[%dma_start3A_722] : memref<5120xi32, #tpu.memory_space<vmem>> -> memref<4880xi32, #tpu.memory_space<vmem>>
      %dma_start3A_724 = tpu.memref_slice %arg3[%add3A_463] : memref<640000xi32, #tpu.memory_space<hbm>> -> memref<4880xi32, #tpu.memory_space<hbm>>
      tpu.enqueue_dma source(%dma_start3A_724 : memref<4880xi32, #tpu.memory_space<hbm>>) target(%dma_start3A_723 : memref<4880xi32, #tpu.memory_space<vmem>>) target_semaphore(%run_scoped3A : memref<!tpu.dma_semaphore, #tpu.memory_space<semaphore_mem>>)
      %dma_wait3A_725 = arith.constant 0 : i32
      %dma_wait3A_726 = tpu.memref_slice %arg14[%dma_wait3A_725] : memref<5120xi32, #tpu.memory_space<vmem>> -> memref<4880xi32, #tpu.memory_space<vmem>>
      %dma_wait3A_727 = tpu.memref_slice %arg3[%add3A_463] : memref<640000xi32, #tpu.memory_space<hbm>> -> memref<4880xi32, #tpu.memory_space<hbm>>
      %dma_wait3A_728 = arith.constant 0 : i32
      %dma_wait3A_729 = tpu.memref_slice %arg14[%dma_wait3A_728] : memref<5120xi32, #tpu.memory_space<vmem>> -> memref<4880xi32, #tpu.memory_space<vmem>>
      %dma_wait3A_730 = tpu.memref_slice %arg3[%add3A_463] : memref<640000xi32, #tpu.memory_space<hbm>> -> memref<4880xi32, #tpu.memory_space<hbm>>
      tpu.wait_dma2 semaphore(%run_scoped3A : memref<!tpu.dma_semaphore, #tpu.memory_space<semaphore_mem>>) src(%dma_wait3A_730 : memref<4880xi32, #tpu.memory_space<hbm>>) dst(%dma_wait3A_729 : memref<4880xi32, #tpu.memory_space<vmem>>)
      tpu.yield
    }) : () -> ()
    %scan3A_464 = arith.constant 0 : i32
    %scan3A_465 = arith.constant 16 : i32
    %scan3A_466 = arith.constant 14 : i32
    %scan3A_467 = arith.addi %scan3A_465, %scan3A_466 : i32
    %scan3A_468 = arith.constant 1 : i32
    scf.for %scan3A_719 = %scan3A_465 to %scan3A_467 step %scan3A_468  : i32 {
      %mul3A_720 = arith.constant 8 : i32
      %mul3A_721 = arith.muli %scan3A_719, %mul3A_720 : i32
      %add3A_722 = arith.constant 0 : i32
      %add3A_723 = arith.addi %mul3A_721, %add3A_722 : i32
      %mul3A_724 = arith.constant 40 : i32
      %mul3A_725 = arith.muli %add3A_723, %mul3A_724 : i32
      %add3A_726 = arith.addi %mul3A_2, %mul3A_725 : i32
      %dma_wait3A_727 = tpu.memref_slice %arg3[%add3A_726] : memref<640000xi32, #tpu.memory_space<hbm>> -> memref<40xi32, #tpu.memory_space<hbm>>
      %dma_wait3A_728 = tpu.memref_slice %arg3[%add3A_726] : memref<640000xi32, #tpu.memory_space<hbm>> -> memref<40xi32, #tpu.memory_space<hbm>>
      tpu.wait_dma2 semaphore(%arg27 : memref<!tpu.dma_semaphore, #tpu.memory_space<semaphore_mem>>) src(%dma_wait3A_728 : memref<40xi32, #tpu.memory_space<hbm>>) dst(%arg6 : memref<40xi32, #tpu.memory_space<vmem>>)
      %add3A_729 = arith.constant 0 : i32
      %add3A_730 = arith.addi %mul3A_721, %add3A_729 : i32
      %sub3A = arith.constant 128 : i32
      %sub3A_731 = arith.subi %add3A_730, %sub3A : i32
      %mul3A_732 = arith.constant 40 : i32
      %mul3A_733 = arith.muli %sub3A_731, %mul3A_732 : i32
      %dma_start3A_734 = tpu.memref_slice %arg14[%mul3A_733] : memref<5120xi32, #tpu.memory_space<vmem>> -> memref<40xi32, #tpu.memory_space<vmem>>
      %dma_start3A_735 = arith.constant 0 : i32
      %dma_start3A_736 = arith.constant 0 : i32
      %dma_start3A_737 = tpu.memref_slice %arg2[%dma_start3A_735, %dma_start3A_736] : memref<10000x128xf32, #tpu.memory_space<hbm>> -> memref<10000x128xf32, #tpu.memory_space<hbm>>
      tpu.enqueue_indirect_dma source(%dma_start3A_737 : memref<10000x128xf32, #tpu.memory_space<hbm>>) target(%arg15 : memref<40x128xf32, #tpu.memory_space<vmem>>) offsets(%dma_start3A_734 : memref<40xi32, #tpu.memory_space<vmem>>) semaphore(%arg35 : memref<!tpu.dma_semaphore, #tpu.memory_space<semaphore_mem>>)
      %add3A_738 = arith.constant 1 : i32
      %add3A_739 = arith.addi %mul3A_721, %add3A_738 : i32
      %mul3A_740 = arith.constant 40 : i32
      %mul3A_741 = arith.muli %add3A_739, %mul3A_740 : i32
      %add3A_742 = arith.addi %mul3A_2, %mul3A_741 : i32
      %dma_wait3A_743 = tpu.memref_slice %arg3[%add3A_742] : memref<640000xi32, #tpu.memory_space<hbm>> -> memref<40xi32, #tpu.memory_space<hbm>>
      %dma_wait3A_744 = tpu.memref_slice %arg3[%add3A_742] : memref<640000xi32, #tpu.memory_space<hbm>> -> memref<40xi32, #tpu.memory_space<hbm>>
      tpu.wait_dma2 semaphore(%arg28 : memref<!tpu.dma_semaphore, #tpu.memory_space<semaphore_mem>>) src(%dma_wait3A_744 : memref<40xi32, #tpu.memory_space<hbm>>) dst(%arg7 : memref<40xi32, #tpu.memory_space<vmem>>)
      %add3A_745 = arith.constant 1 : i32
      %add3A_746 = arith.addi %mul3A_721, %add3A_745 : i32
      %sub3A_747 = arith.constant 128 : i32
      %sub3A_748 = arith.subi %add3A_746, %sub3A_747 : i32
      %mul3A_749 = arith.constant 40 : i32
      %mul3A_750 = arith.muli %sub3A_748, %mul3A_749 : i32
      %dma_start3A_751 = tpu.memref_slice %arg14[%mul3A_750] : memref<5120xi32, #tpu.memory_space<vmem>> -> memref<40xi32, #tpu.memory_space<vmem>>
      %dma_start3A_752 = arith.constant 0 : i32
      %dma_start3A_753 = arith.constant 0 : i32
      %dma_start3A_754 = tpu.memref_slice %arg2[%dma_start3A_752, %dma_start3A_753] : memref<10000x128xf32, #tpu.memory_space<hbm>> -> memref<10000x128xf32, #tpu.memory_space<hbm>>
      tpu.enqueue_indirect_dma source(%dma_start3A_754 : memref<10000x128xf32, #tpu.memory_space<hbm>>) target(%arg16 : memref<40x128xf32, #tpu.memory_space<vmem>>) offsets(%dma_start3A_751 : memref<40xi32, #tpu.memory_space<vmem>>) semaphore(%arg36 : memref<!tpu.dma_semaphore, #tpu.memory_space<semaphore_mem>>)
      %add3A_755 = arith.constant 2 : i32
      %add3A_756 = arith.addi %mul3A_721, %add3A_755 : i32
      %mul3A_757 = arith.constant 40 : i32
      %mul3A_758 = arith.muli %add3A_756, %mul3A_757 : i32
      %add3A_759 = arith.addi %mul3A_2, %mul3A_758 : i32
      %dma_wait3A_760 = tpu.memref_slice %arg3[%add3A_759] : memref<640000xi32, #tpu.memory_space<hbm>> -> memref<40xi32, #tpu.memory_space<hbm>>
      %dma_wait3A_761 = tpu.memref_slice %arg3[%add3A_759] : memref<640000xi32, #tpu.memory_space<hbm>> -> memref<40xi32, #tpu.memory_space<hbm>>
      tpu.wait_dma2 semaphore(%arg29 : memref<!tpu.dma_semaphore, #tpu.memory_space<semaphore_mem>>) src(%dma_wait3A_761 : memref<40xi32, #tpu.memory_space<hbm>>) dst(%arg8 : memref<40xi32, #tpu.memory_space<vmem>>)
      %add3A_762 = arith.constant 2 : i32
      %add3A_763 = arith.addi %mul3A_721, %add3A_762 : i32
      %sub3A_764 = arith.constant 128 : i32
      %sub3A_765 = arith.subi %add3A_763, %sub3A_764 : i32
      %mul3A_766 = arith.constant 40 : i32
      %mul3A_767 = arith.muli %sub3A_765, %mul3A_766 : i32
      %dma_start3A_768 = tpu.memref_slice %arg14[%mul3A_767] : memref<5120xi32, #tpu.memory_space<vmem>> -> memref<40xi32, #tpu.memory_space<vmem>>
      %dma_start3A_769 = arith.constant 0 : i32
      %dma_start3A_770 = arith.constant 0 : i32
      %dma_start3A_771 = tpu.memref_slice %arg2[%dma_start3A_769, %dma_start3A_770] : memref<10000x128xf32, #tpu.memory_space<hbm>> -> memref<10000x128xf32, #tpu.memory_space<hbm>>
      tpu.enqueue_indirect_dma source(%dma_start3A_771 : memref<10000x128xf32, #tpu.memory_space<hbm>>) target(%arg17 : memref<40x128xf32, #tpu.memory_space<vmem>>) offsets(%dma_start3A_768 : memref<40xi32, #tpu.memory_space<vmem>>) semaphore(%arg37 : memref<!tpu.dma_semaphore, #tpu.memory_space<semaphore_mem>>)
      %add3A_772 = arith.constant 3 : i32
      %add3A_773 = arith.addi %mul3A_721, %add3A_772 : i32
      %mul3A_774 = arith.constant 40 : i32
      %mul3A_775 = arith.muli %add3A_773, %mul3A_774 : i32
      %add3A_776 = arith.addi %mul3A_2, %mul3A_775 : i32
      %dma_wait3A_777 = tpu.memref_slice %arg3[%add3A_776] : memref<640000xi32, #tpu.memory_space<hbm>> -> memref<40xi32, #tpu.memory_space<hbm>>
      %dma_wait3A_778 = tpu.memref_slice %arg3[%add3A_776] : memref<640000xi32, #tpu.memory_space<hbm>> -> memref<40xi32, #tpu.memory_space<hbm>>
      tpu.wait_dma2 semaphore(%arg30 : memref<!tpu.dma_semaphore, #tpu.memory_space<semaphore_mem>>) src(%dma_wait3A_778 : memref<40xi32, #tpu.memory_space<hbm>>) dst(%arg9 : memref<40xi32, #tpu.memory_space<vmem>>)
      %add3A_779 = arith.constant 3 : i32
      %add3A_780 = arith.addi %mul3A_721, %add3A_779 : i32
      %sub3A_781 = arith.constant 128 : i32
      %sub3A_782 = arith.subi %add3A_780, %sub3A_781 : i32
      %mul3A_783 = arith.constant 40 : i32
      %mul3A_784 = arith.muli %sub3A_782, %mul3A_783 : i32
      %dma_start3A_785 = tpu.memref_slice %arg14[%mul3A_784] : memref<5120xi32, #tpu.memory_space<vmem>> -> memref<40xi32, #tpu.memory_space<vmem>>
      %dma_start3A_786 = arith.constant 0 : i32
      %dma_start3A_787 = arith.constant 0 : i32
      %dma_start3A_788 = tpu.memref_slice %arg2[%dma_start3A_786, %dma_start3A_787] : memref<10000x128xf32, #tpu.memory_space<hbm>> -> memref<10000x128xf32, #tpu.memory_space<hbm>>
      tpu.enqueue_indirect_dma source(%dma_start3A_788 : memref<10000x128xf32, #tpu.memory_space<hbm>>) target(%arg18 : memref<40x128xf32, #tpu.memory_space<vmem>>) offsets(%dma_start3A_785 : memref<40xi32, #tpu.memory_space<vmem>>) semaphore(%arg38 : memref<!tpu.dma_semaphore, #tpu.memory_space<semaphore_mem>>)
      %add3A_789 = arith.constant 4 : i32
      %add3A_790 = arith.addi %mul3A_721, %add3A_789 : i32
      %mul3A_791 = arith.constant 40 : i32
      %mul3A_792 = arith.muli %add3A_790, %mul3A_791 : i32
      %add3A_793 = arith.addi %mul3A_2, %mul3A_792 : i32
      %dma_wait3A_794 = tpu.memref_slice %arg3[%add3A_793] : memref<640000xi32, #tpu.memory_space<hbm>> -> memref<40xi32, #tpu.memory_space<hbm>>
      %dma_wait3A_795 = tpu.memref_slice %arg3[%add3A_793] : memref<640000xi32, #tpu.memory_space<hbm>> -> memref<40xi32, #tpu.memory_space<hbm>>
      tpu.wait_dma2 semaphore(%arg31 : memref<!tpu.dma_semaphore, #tpu.memory_space<semaphore_mem>>) src(%dma_wait3A_795 : memref<40xi32, #tpu.memory_space<hbm>>) dst(%arg10 : memref<40xi32, #tpu.memory_space<vmem>>)
      %add3A_796 = arith.constant 4 : i32
      %add3A_797 = arith.addi %mul3A_721, %add3A_796 : i32
      %sub3A_798 = arith.constant 128 : i32
      %sub3A_799 = arith.subi %add3A_797, %sub3A_798 : i32
      %mul3A_800 = arith.constant 40 : i32
      %mul3A_801 = arith.muli %sub3A_799, %mul3A_800 : i32
      %dma_start3A_802 = tpu.memref_slice %arg14[%mul3A_801] : memref<5120xi32, #tpu.memory_space<vmem>> -> memref<40xi32, #tpu.memory_space<vmem>>
      %dma_start3A_803 = arith.constant 0 : i32
      %dma_start3A_804 = arith.constant 0 : i32
      %dma_start3A_805 = tpu.memref_slice %arg2[%dma_start3A_803, %dma_start3A_804] : memref<10000x128xf32, #tpu.memory_space<hbm>> -> memref<10000x128xf32, #tpu.memory_space<hbm>>
      tpu.enqueue_indirect_dma source(%dma_start3A_805 : memref<10000x128xf32, #tpu.memory_space<hbm>>) target(%arg19 : memref<40x128xf32, #tpu.memory_space<vmem>>) offsets(%dma_start3A_802 : memref<40xi32, #tpu.memory_space<vmem>>) semaphore(%arg39 : memref<!tpu.dma_semaphore, #tpu.memory_space<semaphore_mem>>)
      %add3A_806 = arith.constant 5 : i32
      %add3A_807 = arith.addi %mul3A_721, %add3A_806 : i32
      %mul3A_808 = arith.constant 40 : i32
      %mul3A_809 = arith.muli %add3A_807, %mul3A_808 : i32
      %add3A_810 = arith.addi %mul3A_2, %mul3A_809 : i32
      %dma_wait3A_811 = tpu.memref_slice %arg3[%add3A_810] : memref<640000xi32, #tpu.memory_space<hbm>> -> memref<40xi32, #tpu.memory_space<hbm>>
      %dma_wait3A_812 = tpu.memref_slice %arg3[%add3A_810] : memref<640000xi32, #tpu.memory_space<hbm>> -> memref<40xi32, #tpu.memory_space<hbm>>
      tpu.wait_dma2 semaphore(%arg32 : memref<!tpu.dma_semaphore, #tpu.memory_space<semaphore_mem>>) src(%dma_wait3A_812 : memref<40xi32, #tpu.memory_space<hbm>>) dst(%arg11 : memref<40xi32, #tpu.memory_space<vmem>>)
      %add3A_813 = arith.constant 5 : i32
      %add3A_814 = arith.addi %mul3A_721, %add3A_813 : i32
      %sub3A_815 = arith.constant 128 : i32
      %sub3A_816 = arith.subi %add3A_814, %sub3A_815 : i32
      %mul3A_817 = arith.constant 40 : i32
      %mul3A_818 = arith.muli %sub3A_816, %mul3A_817 : i32
      %dma_start3A_819 = tpu.memref_slice %arg14[%mul3A_818] : memref<5120xi32, #tpu.memory_space<vmem>> -> memref<40xi32, #tpu.memory_space<vmem>>
      %dma_start3A_820 = arith.constant 0 : i32
      %dma_start3A_821 = arith.constant 0 : i32
      %dma_start3A_822 = tpu.memref_slice %arg2[%dma_start3A_820, %dma_start3A_821] : memref<10000x128xf32, #tpu.memory_space<hbm>> -> memref<10000x128xf32, #tpu.memory_space<hbm>>
      tpu.enqueue_indirect_dma source(%dma_start3A_822 : memref<10000x128xf32, #tpu.memory_space<hbm>>) target(%arg20 : memref<40x128xf32, #tpu.memory_space<vmem>>) offsets(%dma_start3A_819 : memref<40xi32, #tpu.memory_space<vmem>>) semaphore(%arg40 : memref<!tpu.dma_semaphore, #tpu.memory_space<semaphore_mem>>)
      %add3A_823 = arith.constant 6 : i32
      %add3A_824 = arith.addi %mul3A_721, %add3A_823 : i32
      %mul3A_825 = arith.constant 40 : i32
      %mul3A_826 = arith.muli %add3A_824, %mul3A_825 : i32
      %add3A_827 = arith.addi %mul3A_2, %mul3A_826 : i32
      %dma_wait3A_828 = tpu.memref_slice %arg3[%add3A_827] : memref<640000xi32, #tpu.memory_space<hbm>> -> memref<40xi32, #tpu.memory_space<hbm>>
      %dma_wait3A_829 = tpu.memref_slice %arg3[%add3A_827] : memref<640000xi32, #tpu.memory_space<hbm>> -> memref<40xi32, #tpu.memory_space<hbm>>
      tpu.wait_dma2 semaphore(%arg33 : memref<!tpu.dma_semaphore, #tpu.memory_space<semaphore_mem>>) src(%dma_wait3A_829 : memref<40xi32, #tpu.memory_space<hbm>>) dst(%arg12 : memref<40xi32, #tpu.memory_space<vmem>>)
      %add3A_830 = arith.constant 6 : i32
      %add3A_831 = arith.addi %mul3A_721, %add3A_830 : i32
      %sub3A_832 = arith.constant 128 : i32
      %sub3A_833 = arith.subi %add3A_831, %sub3A_832 : i32
      %mul3A_834 = arith.constant 40 : i32
      %mul3A_835 = arith.muli %sub3A_833, %mul3A_834 : i32
      %dma_start3A_836 = tpu.memref_slice %arg14[%mul3A_835] : memref<5120xi32, #tpu.memory_space<vmem>> -> memref<40xi32, #tpu.memory_space<vmem>>
      %dma_start3A_837 = arith.constant 0 : i32
      %dma_start3A_838 = arith.constant 0 : i32
      %dma_start3A_839 = tpu.memref_slice %arg2[%dma_start3A_837, %dma_start3A_838] : memref<10000x128xf32, #tpu.memory_space<hbm>> -> memref<10000x128xf32, #tpu.memory_space<hbm>>
      tpu.enqueue_indirect_dma source(%dma_start3A_839 : memref<10000x128xf32, #tpu.memory_space<hbm>>) target(%arg21 : memref<40x128xf32, #tpu.memory_space<vmem>>) offsets(%dma_start3A_836 : memref<40xi32, #tpu.memory_space<vmem>>) semaphore(%arg41 : memref<!tpu.dma_semaphore, #tpu.memory_space<semaphore_mem>>)
      %add3A_840 = arith.constant 7 : i32
      %add3A_841 = arith.addi %mul3A_721, %add3A_840 : i32
      %mul3A_842 = arith.constant 40 : i32
      %mul3A_843 = arith.muli %add3A_841, %mul3A_842 : i32
      %add3A_844 = arith.addi %mul3A_2, %mul3A_843 : i32
      %dma_wait3A_845 = tpu.memref_slice %arg3[%add3A_844] : memref<640000xi32, #tpu.memory_space<hbm>> -> memref<40xi32, #tpu.memory_space<hbm>>
      %dma_wait3A_846 = tpu.memref_slice %arg3[%add3A_844] : memref<640000xi32, #tpu.memory_space<hbm>> -> memref<40xi32, #tpu.memory_space<hbm>>
      tpu.wait_dma2 semaphore(%arg34 : memref<!tpu.dma_semaphore, #tpu.memory_space<semaphore_mem>>) src(%dma_wait3A_846 : memref<40xi32, #tpu.memory_space<hbm>>) dst(%arg13 : memref<40xi32, #tpu.memory_space<vmem>>)
      %add3A_847 = arith.constant 7 : i32
      %add3A_848 = arith.addi %mul3A_721, %add3A_847 : i32
      %sub3A_849 = arith.constant 128 : i32
      %sub3A_850 = arith.subi %add3A_848, %sub3A_849 : i32
      %mul3A_851 = arith.constant 40 : i32
      %mul3A_852 = arith.muli %sub3A_850, %mul3A_851 : i32
      %dma_start3A_853 = tpu.memref_slice %arg14[%mul3A_852] : memref<5120xi32, #tpu.memory_space<vmem>> -> memref<40xi32, #tpu.memory_space<vmem>>
      %dma_start3A_854 = arith.constant 0 : i32
      %dma_start3A_855 = arith.constant 0 : i32
      %dma_start3A_856 = tpu.memref_slice %arg2[%dma_start3A_854, %dma_start3A_855] : memref<10000x128xf32, #tpu.memory_space<hbm>> -> memref<10000x128xf32, #tpu.memory_space<hbm>>
      tpu.enqueue_indirect_dma source(%dma_start3A_856 : memref<10000x128xf32, #tpu.memory_space<hbm>>) target(%arg22 : memref<40x128xf32, #tpu.memory_space<vmem>>) offsets(%dma_start3A_853 : memref<40xi32, #tpu.memory_space<vmem>>) semaphore(%arg42 : memref<!tpu.dma_semaphore, #tpu.memory_space<semaphore_mem>>)
      %add3A_857 = arith.constant 0 : i32
      %add3A_858 = arith.addi %mul3A_721, %add3A_857 : i32
      %sub3A_859 = arith.constant 128 : i32
      %sub3A_860 = arith.subi %add3A_858, %sub3A_859 : i32
      %mul3A_861 = arith.constant 40 : i32
      %mul3A_862 = arith.muli %sub3A_860, %mul3A_861 : i32
      %dma_wait3A_863 = tpu.memref_slice %arg14[%mul3A_862] : memref<5120xi32, #tpu.memory_space<vmem>> -> memref<40xi32, #tpu.memory_space<vmem>>
      %dma_wait3A_864 = arith.constant 0 : i32
      %dma_wait3A_865 = arith.constant 0 : i32
      %dma_wait3A_866 = tpu.memref_slice %arg2[%dma_wait3A_864, %dma_wait3A_865] : memref<10000x128xf32, #tpu.memory_space<hbm>> -> memref<10000x128xf32, #tpu.memory_space<hbm>>
      tpu.wait_indirect_dma semaphore(%arg35 : memref<!tpu.dma_semaphore, #tpu.memory_space<semaphore_mem>>) src(%dma_wait3A_866 : memref<10000x128xf32, #tpu.memory_space<hbm>>) dst(%arg15 : memref<40x128xf32, #tpu.memory_space<vmem>>)
      %dma_start3A_867 = arith.constant 0 : i32
      %dma_start3A_868 = arith.constant 0 : i32
      %dma_start3A_869 = tpu.memref_slice %arg25[%dma_start3A_867, %dma_start3A_868] : memref<10240x128xf32, #tpu.memory_space<vmem_shared>> -> memref<10240x128xf32, #tpu.memory_space<vmem_shared>>
      tpu.enqueue_indirect_dma source(%arg15 : memref<40x128xf32, #tpu.memory_space<vmem>>) target(%dma_start3A_869 : memref<10240x128xf32, #tpu.memory_space<vmem_shared>>) offsets(%arg6 : memref<40xi32, #tpu.memory_space<vmem>>) semaphore(%arg43 : memref<!tpu.dma_semaphore, #tpu.memory_space<semaphore_mem>>) {add = true}
      %dma_start3A_870 = arith.constant 0 : i32
      %dma_start3A_871 = tpu.memref_slice %arg23[%dma_start3A_870] : memref<48xf32, #tpu.memory_space<vmem>> -> memref<40xf32, #tpu.memory_space<vmem>>
      %dma_start3A_872 = arith.constant 0 : i32
      %dma_start3A_873 = tpu.memref_slice %arg26[%dma_start3A_872] : memref<10240xf32, #tpu.memory_space<vmem_shared>> -> memref<10240xf32, #tpu.memory_space<vmem_shared>>
      tpu.enqueue_indirect_dma source(%dma_start3A_871 : memref<40xf32, #tpu.memory_space<vmem>>) target(%dma_start3A_873 : memref<10240xf32, #tpu.memory_space<vmem_shared>>) offsets(%arg6 : memref<40xi32, #tpu.memory_space<vmem>>) semaphore(%arg43 : memref<!tpu.dma_semaphore, #tpu.memory_space<semaphore_mem>>) {add = true}
      %add3A_874 = arith.constant 1 : i32
      %add3A_875 = arith.addi %mul3A_721, %add3A_874 : i32
      %sub3A_876 = arith.constant 128 : i32
      %sub3A_877 = arith.subi %add3A_875, %sub3A_876 : i32
      %mul3A_878 = arith.constant 40 : i32
      %mul3A_879 = arith.muli %sub3A_877, %mul3A_878 : i32
      %dma_wait3A_880 = tpu.memref_slice %arg14[%mul3A_879] : memref<5120xi32, #tpu.memory_space<vmem>> -> memref<40xi32, #tpu.memory_space<vmem>>
      %dma_wait3A_881 = arith.constant 0 : i32
      %dma_wait3A_882 = arith.constant 0 : i32
      %dma_wait3A_883 = tpu.memref_slice %arg2[%dma_wait3A_881, %dma_wait3A_882] : memref<10000x128xf32, #tpu.memory_space<hbm>> -> memref<10000x128xf32, #tpu.memory_space<hbm>>
      tpu.wait_indirect_dma semaphore(%arg36 : memref<!tpu.dma_semaphore, #tpu.memory_space<semaphore_mem>>) src(%dma_wait3A_883 : memref<10000x128xf32, #tpu.memory_space<hbm>>) dst(%arg16 : memref<40x128xf32, #tpu.memory_space<vmem>>)
      %dma_start3A_884 = arith.constant 0 : i32
      %dma_start3A_885 = arith.constant 0 : i32
      %dma_start3A_886 = tpu.memref_slice %arg25[%dma_start3A_884, %dma_start3A_885] : memref<10240x128xf32, #tpu.memory_space<vmem_shared>> -> memref<10240x128xf32, #tpu.memory_space<vmem_shared>>
      tpu.enqueue_indirect_dma source(%arg16 : memref<40x128xf32, #tpu.memory_space<vmem>>) target(%dma_start3A_886 : memref<10240x128xf32, #tpu.memory_space<vmem_shared>>) offsets(%arg7 : memref<40xi32, #tpu.memory_space<vmem>>) semaphore(%arg44 : memref<!tpu.dma_semaphore, #tpu.memory_space<semaphore_mem>>) {add = true}
      %dma_start3A_887 = arith.constant 0 : i32
      %dma_start3A_888 = tpu.memref_slice %arg23[%dma_start3A_887] : memref<48xf32, #tpu.memory_space<vmem>> -> memref<40xf32, #tpu.memory_space<vmem>>
      %dma_start3A_889 = arith.constant 0 : i32
      %dma_start3A_890 = tpu.memref_slice %arg26[%dma_start3A_889] : memref<10240xf32, #tpu.memory_space<vmem_shared>> -> memref<10240xf32, #tpu.memory_space<vmem_shared>>
      tpu.enqueue_indirect_dma source(%dma_start3A_888 : memref<40xf32, #tpu.memory_space<vmem>>) target(%dma_start3A_890 : memref<10240xf32, #tpu.memory_space<vmem_shared>>) offsets(%arg7 : memref<40xi32, #tpu.memory_space<vmem>>) semaphore(%arg44 : memref<!tpu.dma_semaphore, #tpu.memory_space<semaphore_mem>>) {add = true}
      %add3A_891 = arith.constant 2 : i32
      %add3A_892 = arith.addi %mul3A_721, %add3A_891 : i32
      %sub3A_893 = arith.constant 128 : i32
      %sub3A_894 = arith.subi %add3A_892, %sub3A_893 : i32
      %mul3A_895 = arith.constant 40 : i32
      %mul3A_896 = arith.muli %sub3A_894, %mul3A_895 : i32
      %dma_wait3A_897 = tpu.memref_slice %arg14[%mul3A_896] : memref<5120xi32, #tpu.memory_space<vmem>> -> memref<40xi32, #tpu.memory_space<vmem>>
      %dma_wait3A_898 = arith.constant 0 : i32
      %dma_wait3A_899 = arith.constant 0 : i32
      %dma_wait3A_900 = tpu.memref_slice %arg2[%dma_wait3A_898, %dma_wait3A_899] : memref<10000x128xf32, #tpu.memory_space<hbm>> -> memref<10000x128xf32, #tpu.memory_space<hbm>>
      tpu.wait_indirect_dma semaphore(%arg37 : memref<!tpu.dma_semaphore, #tpu.memory_space<semaphore_mem>>) src(%dma_wait3A_900 : memref<10000x128xf32, #tpu.memory_space<hbm>>) dst(%arg17 : memref<40x128xf32, #tpu.memory_space<vmem>>)
      %dma_start3A_901 = arith.constant 0 : i32
      %dma_start3A_902 = arith.constant 0 : i32
      %dma_start3A_903 = tpu.memref_slice %arg25[%dma_start3A_901, %dma_start3A_902] : memref<10240x128xf32, #tpu.memory_space<vmem_shared>> -> memref<10240x128xf32, #tpu.memory_space<vmem_shared>>
      tpu.enqueue_indirect_dma source(%arg17 : memref<40x128xf32, #tpu.memory_space<vmem>>) target(%dma_start3A_903 : memref<10240x128xf32, #tpu.memory_space<vmem_shared>>) offsets(%arg8 : memref<40xi32, #tpu.memory_space<vmem>>) semaphore(%arg45 : memref<!tpu.dma_semaphore, #tpu.memory_space<semaphore_mem>>) {add = true}
      %dma_start3A_904 = arith.constant 0 : i32
      %dma_start3A_905 = tpu.memref_slice %arg23[%dma_start3A_904] : memref<48xf32, #tpu.memory_space<vmem>> -> memref<40xf32, #tpu.memory_space<vmem>>
      %dma_start3A_906 = arith.constant 0 : i32
      %dma_start3A_907 = tpu.memref_slice %arg26[%dma_start3A_906] : memref<10240xf32, #tpu.memory_space<vmem_shared>> -> memref<10240xf32, #tpu.memory_space<vmem_shared>>
      tpu.enqueue_indirect_dma source(%dma_start3A_905 : memref<40xf32, #tpu.memory_space<vmem>>) target(%dma_start3A_907 : memref<10240xf32, #tpu.memory_space<vmem_shared>>) offsets(%arg8 : memref<40xi32, #tpu.memory_space<vmem>>) semaphore(%arg45 : memref<!tpu.dma_semaphore, #tpu.memory_space<semaphore_mem>>) {add = true}
      %add3A_908 = arith.constant 3 : i32
      %add3A_909 = arith.addi %mul3A_721, %add3A_908 : i32
      %sub3A_910 = arith.constant 128 : i32
      %sub3A_911 = arith.subi %add3A_909, %sub3A_910 : i32
      %mul3A_912 = arith.constant 40 : i32
      %mul3A_913 = arith.muli %sub3A_911, %mul3A_912 : i32
      %dma_wait3A_914 = tpu.memref_slice %arg14[%mul3A_913] : memref<5120xi32, #tpu.memory_space<vmem>> -> memref<40xi32, #tpu.memory_space<vmem>>
      %dma_wait3A_915 = arith.constant 0 : i32
      %dma_wait3A_916 = arith.constant 0 : i32
      %dma_wait3A_917 = tpu.memref_slice %arg2[%dma_wait3A_915, %dma_wait3A_916] : memref<10000x128xf32, #tpu.memory_space<hbm>> -> memref<10000x128xf32, #tpu.memory_space<hbm>>
      tpu.wait_indirect_dma semaphore(%arg38 : memref<!tpu.dma_semaphore, #tpu.memory_space<semaphore_mem>>) src(%dma_wait3A_917 : memref<10000x128xf32, #tpu.memory_space<hbm>>) dst(%arg18 : memref<40x128xf32, #tpu.memory_space<vmem>>)
      %dma_start3A_918 = arith.constant 0 : i32
      %dma_start3A_919 = arith.constant 0 : i32
      %dma_start3A_920 = tpu.memref_slice %arg25[%dma_start3A_918, %dma_start3A_919] : memref<10240x128xf32, #tpu.memory_space<vmem_shared>> -> memref<10240x128xf32, #tpu.memory_space<vmem_shared>>
      tpu.enqueue_indirect_dma source(%arg18 : memref<40x128xf32, #tpu.memory_space<vmem>>) target(%dma_start3A_920 : memref<10240x128xf32, #tpu.memory_space<vmem_shared>>) offsets(%arg9 : memref<40xi32, #tpu.memory_space<vmem>>) semaphore(%arg46 : memref<!tpu.dma_semaphore, #tpu.memory_space<semaphore_mem>>) {add = true}
      %dma_start3A_921 = arith.constant 0 : i32
      %dma_start3A_922 = tpu.memref_slice %arg23[%dma_start3A_921] : memref<48xf32, #tpu.memory_space<vmem>> -> memref<40xf32, #tpu.memory_space<vmem>>
      %dma_start3A_923 = arith.constant 0 : i32
      %dma_start3A_924 = tpu.memref_slice %arg26[%dma_start3A_923] : memref<10240xf32, #tpu.memory_space<vmem_shared>> -> memref<10240xf32, #tpu.memory_space<vmem_shared>>
      tpu.enqueue_indirect_dma source(%dma_start3A_922 : memref<40xf32, #tpu.memory_space<vmem>>) target(%dma_start3A_924 : memref<10240xf32, #tpu.memory_space<vmem_shared>>) offsets(%arg9 : memref<40xi32, #tpu.memory_space<vmem>>) semaphore(%arg46 : memref<!tpu.dma_semaphore, #tpu.memory_space<semaphore_mem>>) {add = true}
      %add3A_925 = arith.constant 4 : i32
      %add3A_926 = arith.addi %mul3A_721, %add3A_925 : i32
      %sub3A_927 = arith.constant 128 : i32
      %sub3A_928 = arith.subi %add3A_926, %sub3A_927 : i32
      %mul3A_929 = arith.constant 40 : i32
      %mul3A_930 = arith.muli %sub3A_928, %mul3A_929 : i32
      %dma_wait3A_931 = tpu.memref_slice %arg14[%mul3A_930] : memref<5120xi32, #tpu.memory_space<vmem>> -> memref<40xi32, #tpu.memory_space<vmem>>
      %dma_wait3A_932 = arith.constant 0 : i32
      %dma_wait3A_933 = arith.constant 0 : i32
      %dma_wait3A_934 = tpu.memref_slice %arg2[%dma_wait3A_932, %dma_wait3A_933] : memref<10000x128xf32, #tpu.memory_space<hbm>> -> memref<10000x128xf32, #tpu.memory_space<hbm>>
      tpu.wait_indirect_dma semaphore(%arg39 : memref<!tpu.dma_semaphore, #tpu.memory_space<semaphore_mem>>) src(%dma_wait3A_934 : memref<10000x128xf32, #tpu.memory_space<hbm>>) dst(%arg19 : memref<40x128xf32, #tpu.memory_space<vmem>>)
      %dma_start3A_935 = arith.constant 0 : i32
      %dma_start3A_936 = arith.constant 0 : i32
      %dma_start3A_937 = tpu.memref_slice %arg25[%dma_start3A_935, %dma_start3A_936] : memref<10240x128xf32, #tpu.memory_space<vmem_shared>> -> memref<10240x128xf32, #tpu.memory_space<vmem_shared>>
      tpu.enqueue_indirect_dma source(%arg19 : memref<40x128xf32, #tpu.memory_space<vmem>>) target(%dma_start3A_937 : memref<10240x128xf32, #tpu.memory_space<vmem_shared>>) offsets(%arg10 : memref<40xi32, #tpu.memory_space<vmem>>) semaphore(%arg47 : memref<!tpu.dma_semaphore, #tpu.memory_space<semaphore_mem>>) {add = true}
      %dma_start3A_938 = arith.constant 0 : i32
      %dma_start3A_939 = tpu.memref_slice %arg23[%dma_start3A_938] : memref<48xf32, #tpu.memory_space<vmem>> -> memref<40xf32, #tpu.memory_space<vmem>>
      %dma_start3A_940 = arith.constant 0 : i32
      %dma_start3A_941 = tpu.memref_slice %arg26[%dma_start3A_940] : memref<10240xf32, #tpu.memory_space<vmem_shared>> -> memref<10240xf32, #tpu.memory_space<vmem_shared>>
      tpu.enqueue_indirect_dma source(%dma_start3A_939 : memref<40xf32, #tpu.memory_space<vmem>>) target(%dma_start3A_941 : memref<10240xf32, #tpu.memory_space<vmem_shared>>) offsets(%arg10 : memref<40xi32, #tpu.memory_space<vmem>>) semaphore(%arg47 : memref<!tpu.dma_semaphore, #tpu.memory_space<semaphore_mem>>) {add = true}
      %add3A_942 = arith.constant 5 : i32
      %add3A_943 = arith.addi %mul3A_721, %add3A_942 : i32
      %sub3A_944 = arith.constant 128 : i32
      %sub3A_945 = arith.subi %add3A_943, %sub3A_944 : i32
      %mul3A_946 = arith.constant 40 : i32
      %mul3A_947 = arith.muli %sub3A_945, %mul3A_946 : i32
      %dma_wait3A_948 = tpu.memref_slice %arg14[%mul3A_947] : memref<5120xi32, #tpu.memory_space<vmem>> -> memref<40xi32, #tpu.memory_space<vmem>>
      %dma_wait3A_949 = arith.constant 0 : i32
      %dma_wait3A_950 = arith.constant 0 : i32
      %dma_wait3A_951 = tpu.memref_slice %arg2[%dma_wait3A_949, %dma_wait3A_950] : memref<10000x128xf32, #tpu.memory_space<hbm>> -> memref<10000x128xf32, #tpu.memory_space<hbm>>
      tpu.wait_indirect_dma semaphore(%arg40 : memref<!tpu.dma_semaphore, #tpu.memory_space<semaphore_mem>>) src(%dma_wait3A_951 : memref<10000x128xf32, #tpu.memory_space<hbm>>) dst(%arg20 : memref<40x128xf32, #tpu.memory_space<vmem>>)
      %dma_start3A_952 = arith.constant 0 : i32
      %dma_start3A_953 = arith.constant 0 : i32
      %dma_start3A_954 = tpu.memref_slice %arg25[%dma_start3A_952, %dma_start3A_953] : memref<10240x128xf32, #tpu.memory_space<vmem_shared>> -> memref<10240x128xf32, #tpu.memory_space<vmem_shared>>
      tpu.enqueue_indirect_dma source(%arg20 : memref<40x128xf32, #tpu.memory_space<vmem>>) target(%dma_start3A_954 : memref<10240x128xf32, #tpu.memory_space<vmem_shared>>) offsets(%arg11 : memref<40xi32, #tpu.memory_space<vmem>>) semaphore(%arg48 : memref<!tpu.dma_semaphore, #tpu.memory_space<semaphore_mem>>) {add = true}
      %dma_start3A_955 = arith.constant 0 : i32
      %dma_start3A_956 = tpu.memref_slice %arg23[%dma_start3A_955] : memref<48xf32, #tpu.memory_space<vmem>> -> memref<40xf32, #tpu.memory_space<vmem>>
      %dma_start3A_957 = arith.constant 0 : i32
      %dma_start3A_958 = tpu.memref_slice %arg26[%dma_start3A_957] : memref<10240xf32, #tpu.memory_space<vmem_shared>> -> memref<10240xf32, #tpu.memory_space<vmem_shared>>
      tpu.enqueue_indirect_dma source(%dma_start3A_956 : memref<40xf32, #tpu.memory_space<vmem>>) target(%dma_start3A_958 : memref<10240xf32, #tpu.memory_space<vmem_shared>>) offsets(%arg11 : memref<40xi32, #tpu.memory_space<vmem>>) semaphore(%arg48 : memref<!tpu.dma_semaphore, #tpu.memory_space<semaphore_mem>>) {add = true}
      %add3A_959 = arith.constant 6 : i32
      %add3A_960 = arith.addi %mul3A_721, %add3A_959 : i32
      %sub3A_961 = arith.constant 128 : i32
      %sub3A_962 = arith.subi %add3A_960, %sub3A_961 : i32
      %mul3A_963 = arith.constant 40 : i32
      %mul3A_964 = arith.muli %sub3A_962, %mul3A_963 : i32
      %dma_wait3A_965 = tpu.memref_slice %arg14[%mul3A_964] : memref<5120xi32, #tpu.memory_space<vmem>> -> memref<40xi32, #tpu.memory_space<vmem>>
      %dma_wait3A_966 = arith.constant 0 : i32
      %dma_wait3A_967 = arith.constant 0 : i32
      %dma_wait3A_968 = tpu.memref_slice %arg2[%dma_wait3A_966, %dma_wait3A_967] : memref<10000x128xf32, #tpu.memory_space<hbm>> -> memref<10000x128xf32, #tpu.memory_space<hbm>>
      tpu.wait_indirect_dma semaphore(%arg41 : memref<!tpu.dma_semaphore, #tpu.memory_space<semaphore_mem>>) src(%dma_wait3A_968 : memref<10000x128xf32, #tpu.memory_space<hbm>>) dst(%arg21 : memref<40x128xf32, #tpu.memory_space<vmem>>)
      %dma_start3A_969 = arith.constant 0 : i32
      %dma_start3A_970 = arith.constant 0 : i32
      %dma_start3A_971 = tpu.memref_slice %arg25[%dma_start3A_969, %dma_start3A_970] : memref<10240x128xf32, #tpu.memory_space<vmem_shared>> -> memref<10240x128xf32, #tpu.memory_space<vmem_shared>>
      tpu.enqueue_indirect_dma source(%arg21 : memref<40x128xf32, #tpu.memory_space<vmem>>) target(%dma_start3A_971 : memref<10240x128xf32, #tpu.memory_space<vmem_shared>>) offsets(%arg12 : memref<40xi32, #tpu.memory_space<vmem>>) semaphore(%arg49 : memref<!tpu.dma_semaphore, #tpu.memory_space<semaphore_mem>>) {add = true}
      %dma_start3A_972 = arith.constant 0 : i32
      %dma_start3A_973 = tpu.memref_slice %arg23[%dma_start3A_972] : memref<48xf32, #tpu.memory_space<vmem>> -> memref<40xf32, #tpu.memory_space<vmem>>
      %dma_start3A_974 = arith.constant 0 : i32
      %dma_start3A_975 = tpu.memref_slice %arg26[%dma_start3A_974] : memref<10240xf32, #tpu.memory_space<vmem_shared>> -> memref<10240xf32, #tpu.memory_space<vmem_shared>>
      tpu.enqueue_indirect_dma source(%dma_start3A_973 : memref<40xf32, #tpu.memory_space<vmem>>) target(%dma_start3A_975 : memref<10240xf32, #tpu.memory_space<vmem_shared>>) offsets(%arg12 : memref<40xi32, #tpu.memory_space<vmem>>) semaphore(%arg49 : memref<!tpu.dma_semaphore, #tpu.memory_space<semaphore_mem>>) {add = true}
      %add3A_976 = arith.constant 7 : i32
      %add3A_977 = arith.addi %mul3A_721, %add3A_976 : i32
      %sub3A_978 = arith.constant 128 : i32
      %sub3A_979 = arith.subi %add3A_977, %sub3A_978 : i32
      %mul3A_980 = arith.constant 40 : i32
      %mul3A_981 = arith.muli %sub3A_979, %mul3A_980 : i32
      %dma_wait3A_982 = tpu.memref_slice %arg14[%mul3A_981] : memref<5120xi32, #tpu.memory_space<vmem>> -> memref<40xi32, #tpu.memory_space<vmem>>
      %dma_wait3A_983 = arith.constant 0 : i32
      %dma_wait3A_984 = arith.constant 0 : i32
      %dma_wait3A_985 = tpu.memref_slice %arg2[%dma_wait3A_983, %dma_wait3A_984] : memref<10000x128xf32, #tpu.memory_space<hbm>> -> memref<10000x128xf32, #tpu.memory_space<hbm>>
      tpu.wait_indirect_dma semaphore(%arg42 : memref<!tpu.dma_semaphore, #tpu.memory_space<semaphore_mem>>) src(%dma_wait3A_985 : memref<10000x128xf32, #tpu.memory_space<hbm>>) dst(%arg22 : memref<40x128xf32, #tpu.memory_space<vmem>>)
      %dma_start3A_986 = arith.constant 0 : i32
      %dma_start3A_987 = arith.constant 0 : i32
      %dma_start3A_988 = tpu.memref_slice %arg25[%dma_start3A_986, %dma_start3A_987] : memref<10240x128xf32, #tpu.memory_space<vmem_shared>> -> memref<10240x128xf32, #tpu.memory_space<vmem_shared>>
      tpu.enqueue_indirect_dma source(%arg22 : memref<40x128xf32, #tpu.memory_space<vmem>>) target(%dma_start3A_988 : memref<10240x128xf32, #tpu.memory_space<vmem_shared>>) offsets(%arg13 : memref<40xi32, #tpu.memory_space<vmem>>) semaphore(%arg50 : memref<!tpu.dma_semaphore, #tpu.memory_space<semaphore_mem>>) {add = true}
      %dma_start3A_989 = arith.constant 0 : i32
      %dma_start3A_990 = tpu.memref_slice %arg23[%dma_start3A_989] : memref<48xf32, #tpu.memory_space<vmem>> -> memref<40xf32, #tpu.memory_space<vmem>>
      %dma_start3A_991 = arith.constant 0 : i32
      %dma_start3A_992 = tpu.memref_slice %arg26[%dma_start3A_991] : memref<10240xf32, #tpu.memory_space<vmem_shared>> -> memref<10240xf32, #tpu.memory_space<vmem_shared>>
      tpu.enqueue_indirect_dma source(%dma_start3A_990 : memref<40xf32, #tpu.memory_space<vmem>>) target(%dma_start3A_992 : memref<10240xf32, #tpu.memory_space<vmem_shared>>) offsets(%arg13 : memref<40xi32, #tpu.memory_space<vmem>>) semaphore(%arg50 : memref<!tpu.dma_semaphore, #tpu.memory_space<semaphore_mem>>) {add = true}
      %dma_wait3A_993 = arith.constant 0 : i32
      %dma_wait3A_994 = arith.constant 0 : i32
      %dma_wait3A_995 = tpu.memref_slice %arg25[%dma_wait3A_993, %dma_wait3A_994] : memref<10240x128xf32, #tpu.memory_space<vmem_shared>> -> memref<10240x128xf32, #tpu.memory_space<vmem_shared>>
      tpu.wait_indirect_dma semaphore(%arg43 : memref<!tpu.dma_semaphore, #tpu.memory_space<semaphore_mem>>) src(%arg15 : memref<40x128xf32, #tpu.memory_space<vmem>>) dst(%dma_wait3A_995 : memref<10240x128xf32, #tpu.memory_space<vmem_shared>>)
      %dma_wait3A_996 = arith.constant 0 : i32
      %dma_wait3A_997 = tpu.memref_slice %arg23[%dma_wait3A_996] : memref<48xf32, #tpu.memory_space<vmem>> -> memref<40xf32, #tpu.memory_space<vmem>>
      %dma_wait3A_998 = arith.constant 0 : i32
      %dma_wait3A_999 = tpu.memref_slice %arg26[%dma_wait3A_998] : memref<10240xf32, #tpu.memory_space<vmem_shared>> -> memref<10240xf32, #tpu.memory_space<vmem_shared>>
      tpu.wait_indirect_dma semaphore(%arg43 : memref<!tpu.dma_semaphore, #tpu.memory_space<semaphore_mem>>) src(%dma_wait3A_997 : memref<40xf32, #tpu.memory_space<vmem>>) dst(%dma_wait3A_999 : memref<10240xf32, #tpu.memory_space<vmem_shared>>)
      %add3A_1000 = arith.constant 8 : i32
      %add3A_1001 = arith.addi %mul3A_721, %add3A_1000 : i32
      %add3A_1002 = arith.constant 0 : i32
      %add3A_1003 = arith.addi %add3A_1001, %add3A_1002 : i32
      %mul3A_1004 = arith.constant 40 : i32
      %mul3A_1005 = arith.muli %add3A_1003, %mul3A_1004 : i32
      %add3A_1006 = arith.addi %mul3A_2, %mul3A_1005 : i32
      %dma_start3A_1007 = tpu.memref_slice %arg3[%add3A_1006] : memref<640000xi32, #tpu.memory_space<hbm>> -> memref<40xi32, #tpu.memory_space<hbm>>
      %dma_start3A_1008 = tpu.memref_slice %arg3[%add3A_1006] : memref<640000xi32, #tpu.memory_space<hbm>> -> memref<40xi32, #tpu.memory_space<hbm>>
      tpu.enqueue_dma source(%dma_start3A_1008 : memref<40xi32, #tpu.memory_space<hbm>>) target(%arg6 : memref<40xi32, #tpu.memory_space<vmem>>) target_semaphore(%arg27 : memref<!tpu.dma_semaphore, #tpu.memory_space<semaphore_mem>>)
      %dma_wait3A_1009 = arith.constant 0 : i32
      %dma_wait3A_1010 = arith.constant 0 : i32
      %dma_wait3A_1011 = tpu.memref_slice %arg25[%dma_wait3A_1009, %dma_wait3A_1010] : memref<10240x128xf32, #tpu.memory_space<vmem_shared>> -> memref<10240x128xf32, #tpu.memory_space<vmem_shared>>
      tpu.wait_indirect_dma semaphore(%arg44 : memref<!tpu.dma_semaphore, #tpu.memory_space<semaphore_mem>>) src(%arg16 : memref<40x128xf32, #tpu.memory_space<vmem>>) dst(%dma_wait3A_1011 : memref<10240x128xf32, #tpu.memory_space<vmem_shared>>)
      %dma_wait3A_1012 = arith.constant 0 : i32
      %dma_wait3A_1013 = tpu.memref_slice %arg23[%dma_wait3A_1012] : memref<48xf32, #tpu.memory_space<vmem>> -> memref<40xf32, #tpu.memory_space<vmem>>
      %dma_wait3A_1014 = arith.constant 0 : i32
      %dma_wait3A_1015 = tpu.memref_slice %arg26[%dma_wait3A_1014] : memref<10240xf32, #tpu.memory_space<vmem_shared>> -> memref<10240xf32, #tpu.memory_space<vmem_shared>>
      tpu.wait_indirect_dma semaphore(%arg44 : memref<!tpu.dma_semaphore, #tpu.memory_space<semaphore_mem>>) src(%dma_wait3A_1013 : memref<40xf32, #tpu.memory_space<vmem>>) dst(%dma_wait3A_1015 : memref<10240xf32, #tpu.memory_space<vmem_shared>>)
      %add3A_1016 = arith.constant 8 : i32
      %add3A_1017 = arith.addi %mul3A_721, %add3A_1016 : i32
      %add3A_1018 = arith.constant 1 : i32
      %add3A_1019 = arith.addi %add3A_1017, %add3A_1018 : i32
      %mul3A_1020 = arith.constant 40 : i32
      %mul3A_1021 = arith.muli %add3A_1019, %mul3A_1020 : i32
      %add3A_1022 = arith.addi %mul3A_2, %mul3A_1021 : i32
      %dma_start3A_1023 = tpu.memref_slice %arg3[%add3A_1022] : memref<640000xi32, #tpu.memory_space<hbm>> -> memref<40xi32, #tpu.memory_space<hbm>>
      %dma_start3A_1024 = tpu.memref_slice %arg3[%add3A_1022] : memref<640000xi32, #tpu.memory_space<hbm>> -> memref<40xi32, #tpu.memory_space<hbm>>
      tpu.enqueue_dma source(%dma_start3A_1024 : memref<40xi32, #tpu.memory_space<hbm>>) target(%arg7 : memref<40xi32, #tpu.memory_space<vmem>>) target_semaphore(%arg28 : memref<!tpu.dma_semaphore, #tpu.memory_space<semaphore_mem>>)
      %dma_wait3A_1025 = arith.constant 0 : i32
      %dma_wait3A_1026 = arith.constant 0 : i32
      %dma_wait3A_1027 = tpu.memref_slice %arg25[%dma_wait3A_1025, %dma_wait3A_1026] : memref<10240x128xf32, #tpu.memory_space<vmem_shared>> -> memref<10240x128xf32, #tpu.memory_space<vmem_shared>>
      tpu.wait_indirect_dma semaphore(%arg45 : memref<!tpu.dma_semaphore, #tpu.memory_space<semaphore_mem>>) src(%arg17 : memref<40x128xf32, #tpu.memory_space<vmem>>) dst(%dma_wait3A_1027 : memref<10240x128xf32, #tpu.memory_space<vmem_shared>>)
      %dma_wait3A_1028 = arith.constant 0 : i32
      %dma_wait3A_1029 = tpu.memref_slice %arg23[%dma_wait3A_1028] : memref<48xf32, #tpu.memory_space<vmem>> -> memref<40xf32, #tpu.memory_space<vmem>>
      %dma_wait3A_1030 = arith.constant 0 : i32
      %dma_wait3A_1031 = tpu.memref_slice %arg26[%dma_wait3A_1030] : memref<10240xf32, #tpu.memory_space<vmem_shared>> -> memref<10240xf32, #tpu.memory_space<vmem_shared>>
      tpu.wait_indirect_dma semaphore(%arg45 : memref<!tpu.dma_semaphore, #tpu.memory_space<semaphore_mem>>) src(%dma_wait3A_1029 : memref<40xf32, #tpu.memory_space<vmem>>) dst(%dma_wait3A_1031 : memref<10240xf32, #tpu.memory_space<vmem_shared>>)
      %add3A_1032 = arith.constant 8 : i32
      %add3A_1033 = arith.addi %mul3A_721, %add3A_1032 : i32
      %add3A_1034 = arith.constant 2 : i32
      %add3A_1035 = arith.addi %add3A_1033, %add3A_1034 : i32
      %mul3A_1036 = arith.constant 40 : i32
      %mul3A_1037 = arith.muli %add3A_1035, %mul3A_1036 : i32
      %add3A_1038 = arith.addi %mul3A_2, %mul3A_1037 : i32
      %dma_start3A_1039 = tpu.memref_slice %arg3[%add3A_1038] : memref<640000xi32, #tpu.memory_space<hbm>> -> memref<40xi32, #tpu.memory_space<hbm>>
      %dma_start3A_1040 = tpu.memref_slice %arg3[%add3A_1038] : memref<640000xi32, #tpu.memory_space<hbm>> -> memref<40xi32, #tpu.memory_space<hbm>>
      tpu.enqueue_dma source(%dma_start3A_1040 : memref<40xi32, #tpu.memory_space<hbm>>) target(%arg8 : memref<40xi32, #tpu.memory_space<vmem>>) target_semaphore(%arg29 : memref<!tpu.dma_semaphore, #tpu.memory_space<semaphore_mem>>)
      %dma_wait3A_1041 = arith.constant 0 : i32
      %dma_wait3A_1042 = arith.constant 0 : i32
      %dma_wait3A_1043 = tpu.memref_slice %arg25[%dma_wait3A_1041, %dma_wait3A_1042] : memref<10240x128xf32, #tpu.memory_space<vmem_shared>> -> memref<10240x128xf32, #tpu.memory_space<vmem_shared>>
      tpu.wait_indirect_dma semaphore(%arg46 : memref<!tpu.dma_semaphore, #tpu.memory_space<semaphore_mem>>) src(%arg18 : memref<40x128xf32, #tpu.memory_space<vmem>>) dst(%dma_wait3A_1043 : memref<10240x128xf32, #tpu.memory_space<vmem_shared>>)
      %dma_wait3A_1044 = arith.constant 0 : i32
      %dma_wait3A_1045 = tpu.memref_slice %arg23[%dma_wait3A_1044] : memref<48xf32, #tpu.memory_space<vmem>> -> memref<40xf32, #tpu.memory_space<vmem>>
      %dma_wait3A_1046 = arith.constant 0 : i32
      %dma_wait3A_1047 = tpu.memref_slice %arg26[%dma_wait3A_1046] : memref<10240xf32, #tpu.memory_space<vmem_shared>> -> memref<10240xf32, #tpu.memory_space<vmem_shared>>
      tpu.wait_indirect_dma semaphore(%arg46 : memref<!tpu.dma_semaphore, #tpu.memory_space<semaphore_mem>>) src(%dma_wait3A_1045 : memref<40xf32, #tpu.memory_space<vmem>>) dst(%dma_wait3A_1047 : memref<10240xf32, #tpu.memory_space<vmem_shared>>)
      %add3A_1048 = arith.constant 8 : i32
      %add3A_1049 = arith.addi %mul3A_721, %add3A_1048 : i32
      %add3A_1050 = arith.constant 3 : i32
      %add3A_1051 = arith.addi %add3A_1049, %add3A_1050 : i32
      %mul3A_1052 = arith.constant 40 : i32
      %mul3A_1053 = arith.muli %add3A_1051, %mul3A_1052 : i32
      %add3A_1054 = arith.addi %mul3A_2, %mul3A_1053 : i32
      %dma_start3A_1055 = tpu.memref_slice %arg3[%add3A_1054] : memref<640000xi32, #tpu.memory_space<hbm>> -> memref<40xi32, #tpu.memory_space<hbm>>
      %dma_start3A_1056 = tpu.memref_slice %arg3[%add3A_1054] : memref<640000xi32, #tpu.memory_space<hbm>> -> memref<40xi32, #tpu.memory_space<hbm>>
      tpu.enqueue_dma source(%dma_start3A_1056 : memref<40xi32, #tpu.memory_space<hbm>>) target(%arg9 : memref<40xi32, #tpu.memory_space<vmem>>) target_semaphore(%arg30 : memref<!tpu.dma_semaphore, #tpu.memory_space<semaphore_mem>>)
      %dma_wait3A_1057 = arith.constant 0 : i32
      %dma_wait3A_1058 = arith.constant 0 : i32
      %dma_wait3A_1059 = tpu.memref_slice %arg25[%dma_wait3A_1057, %dma_wait3A_1058] : memref<10240x128xf32, #tpu.memory_space<vmem_shared>> -> memref<10240x128xf32, #tpu.memory_space<vmem_shared>>
      tpu.wait_indirect_dma semaphore(%arg47 : memref<!tpu.dma_semaphore, #tpu.memory_space<semaphore_mem>>) src(%arg19 : memref<40x128xf32, #tpu.memory_space<vmem>>) dst(%dma_wait3A_1059 : memref<10240x128xf32, #tpu.memory_space<vmem_shared>>)
      %dma_wait3A_1060 = arith.constant 0 : i32
      %dma_wait3A_1061 = tpu.memref_slice %arg23[%dma_wait3A_1060] : memref<48xf32, #tpu.memory_space<vmem>> -> memref<40xf32, #tpu.memory_space<vmem>>
      %dma_wait3A_1062 = arith.constant 0 : i32
      %dma_wait3A_1063 = tpu.memref_slice %arg26[%dma_wait3A_1062] : memref<10240xf32, #tpu.memory_space<vmem_shared>> -> memref<10240xf32, #tpu.memory_space<vmem_shared>>
      tpu.wait_indirect_dma semaphore(%arg47 : memref<!tpu.dma_semaphore, #tpu.memory_space<semaphore_mem>>) src(%dma_wait3A_1061 : memref<40xf32, #tpu.memory_space<vmem>>) dst(%dma_wait3A_1063 : memref<10240xf32, #tpu.memory_space<vmem_shared>>)
      %add3A_1064 = arith.constant 8 : i32
      %add3A_1065 = arith.addi %mul3A_721, %add3A_1064 : i32
      %add3A_1066 = arith.constant 4 : i32
      %add3A_1067 = arith.addi %add3A_1065, %add3A_1066 : i32
      %mul3A_1068 = arith.constant 40 : i32
      %mul3A_1069 = arith.muli %add3A_1067, %mul3A_1068 : i32
      %add3A_1070 = arith.addi %mul3A_2, %mul3A_1069 : i32
      %dma_start3A_1071 = tpu.memref_slice %arg3[%add3A_1070] : memref<640000xi32, #tpu.memory_space<hbm>> -> memref<40xi32, #tpu.memory_space<hbm>>
      %dma_start3A_1072 = tpu.memref_slice %arg3[%add3A_1070] : memref<640000xi32, #tpu.memory_space<hbm>> -> memref<40xi32, #tpu.memory_space<hbm>>
      tpu.enqueue_dma source(%dma_start3A_1072 : memref<40xi32, #tpu.memory_space<hbm>>) target(%arg10 : memref<40xi32, #tpu.memory_space<vmem>>) target_semaphore(%arg31 : memref<!tpu.dma_semaphore, #tpu.memory_space<semaphore_mem>>)
      %dma_wait3A_1073 = arith.constant 0 : i32
      %dma_wait3A_1074 = arith.constant 0 : i32
      %dma_wait3A_1075 = tpu.memref_slice %arg25[%dma_wait3A_1073, %dma_wait3A_1074] : memref<10240x128xf32, #tpu.memory_space<vmem_shared>> -> memref<10240x128xf32, #tpu.memory_space<vmem_shared>>
      tpu.wait_indirect_dma semaphore(%arg48 : memref<!tpu.dma_semaphore, #tpu.memory_space<semaphore_mem>>) src(%arg20 : memref<40x128xf32, #tpu.memory_space<vmem>>) dst(%dma_wait3A_1075 : memref<10240x128xf32, #tpu.memory_space<vmem_shared>>)
      %dma_wait3A_1076 = arith.constant 0 : i32
      %dma_wait3A_1077 = tpu.memref_slice %arg23[%dma_wait3A_1076] : memref<48xf32, #tpu.memory_space<vmem>> -> memref<40xf32, #tpu.memory_space<vmem>>
      %dma_wait3A_1078 = arith.constant 0 : i32
      %dma_wait3A_1079 = tpu.memref_slice %arg26[%dma_wait3A_1078] : memref<10240xf32, #tpu.memory_space<vmem_shared>> -> memref<10240xf32, #tpu.memory_space<vmem_shared>>
      tpu.wait_indirect_dma semaphore(%arg48 : memref<!tpu.dma_semaphore, #tpu.memory_space<semaphore_mem>>) src(%dma_wait3A_1077 : memref<40xf32, #tpu.memory_space<vmem>>) dst(%dma_wait3A_1079 : memref<10240xf32, #tpu.memory_space<vmem_shared>>)
      %add3A_1080 = arith.constant 8 : i32
      %add3A_1081 = arith.addi %mul3A_721, %add3A_1080 : i32
      %add3A_1082 = arith.constant 5 : i32
      %add3A_1083 = arith.addi %add3A_1081, %add3A_1082 : i32
      %mul3A_1084 = arith.constant 40 : i32
      %mul3A_1085 = arith.muli %add3A_1083, %mul3A_1084 : i32
      %add3A_1086 = arith.addi %mul3A_2, %mul3A_1085 : i32
      %dma_start3A_1087 = tpu.memref_slice %arg3[%add3A_1086] : memref<640000xi32, #tpu.memory_space<hbm>> -> memref<40xi32, #tpu.memory_space<hbm>>
      %dma_start3A_1088 = tpu.memref_slice %arg3[%add3A_1086] : memref<640000xi32, #tpu.memory_space<hbm>> -> memref<40xi32, #tpu.memory_space<hbm>>
      tpu.enqueue_dma source(%dma_start3A_1088 : memref<40xi32, #tpu.memory_space<hbm>>) target(%arg11 : memref<40xi32, #tpu.memory_space<vmem>>) target_semaphore(%arg32 : memref<!tpu.dma_semaphore, #tpu.memory_space<semaphore_mem>>)
      %dma_wait3A_1089 = arith.constant 0 : i32
      %dma_wait3A_1090 = arith.constant 0 : i32
      %dma_wait3A_1091 = tpu.memref_slice %arg25[%dma_wait3A_1089, %dma_wait3A_1090] : memref<10240x128xf32, #tpu.memory_space<vmem_shared>> -> memref<10240x128xf32, #tpu.memory_space<vmem_shared>>
      tpu.wait_indirect_dma semaphore(%arg49 : memref<!tpu.dma_semaphore, #tpu.memory_space<semaphore_mem>>) src(%arg21 : memref<40x128xf32, #tpu.memory_space<vmem>>) dst(%dma_wait3A_1091 : memref<10240x128xf32, #tpu.memory_space<vmem_shared>>)
      %dma_wait3A_1092 = arith.constant 0 : i32
      %dma_wait3A_1093 = tpu.memref_slice %arg23[%dma_wait3A_1092] : memref<48xf32, #tpu.memory_space<vmem>> -> memref<40xf32, #tpu.memory_space<vmem>>
      %dma_wait3A_1094 = arith.constant 0 : i32
      %dma_wait3A_1095 = tpu.memref_slice %arg26[%dma_wait3A_1094] : memref<10240xf32, #tpu.memory_space<vmem_shared>> -> memref<10240xf32, #tpu.memory_space<vmem_shared>>
      tpu.wait_indirect_dma semaphore(%arg49 : memref<!tpu.dma_semaphore, #tpu.memory_space<semaphore_mem>>) src(%dma_wait3A_1093 : memref<40xf32, #tpu.memory_space<vmem>>) dst(%dma_wait3A_1095 : memref<10240xf32, #tpu.memory_space<vmem_shared>>)
      %add3A_1096 = arith.constant 8 : i32
      %add3A_1097 = arith.addi %mul3A_721, %add3A_1096 : i32
      %add3A_1098 = arith.constant 6 : i32
      %add3A_1099 = arith.addi %add3A_1097, %add3A_1098 : i32
      %mul3A_1100 = arith.constant 40 : i32
      %mul3A_1101 = arith.muli %add3A_1099, %mul3A_1100 : i32
      %add3A_1102 = arith.addi %mul3A_2, %mul3A_1101 : i32
      %dma_start3A_1103 = tpu.memref_slice %arg3[%add3A_1102] : memref<640000xi32, #tpu.memory_space<hbm>> -> memref<40xi32, #tpu.memory_space<hbm>>
      %dma_start3A_1104 = tpu.memref_slice %arg3[%add3A_1102] : memref<640000xi32, #tpu.memory_space<hbm>> -> memref<40xi32, #tpu.memory_space<hbm>>
      tpu.enqueue_dma source(%dma_start3A_1104 : memref<40xi32, #tpu.memory_space<hbm>>) target(%arg12 : memref<40xi32, #tpu.memory_space<vmem>>) target_semaphore(%arg33 : memref<!tpu.dma_semaphore, #tpu.memory_space<semaphore_mem>>)
      %dma_wait3A_1105 = arith.constant 0 : i32
      %dma_wait3A_1106 = arith.constant 0 : i32
      %dma_wait3A_1107 = tpu.memref_slice %arg25[%dma_wait3A_1105, %dma_wait3A_1106] : memref<10240x128xf32, #tpu.memory_space<vmem_shared>> -> memref<10240x128xf32, #tpu.memory_space<vmem_shared>>
      tpu.wait_indirect_dma semaphore(%arg50 : memref<!tpu.dma_semaphore, #tpu.memory_space<semaphore_mem>>) src(%arg22 : memref<40x128xf32, #tpu.memory_space<vmem>>) dst(%dma_wait3A_1107 : memref<10240x128xf32, #tpu.memory_space<vmem_shared>>)
      %dma_wait3A_1108 = arith.constant 0 : i32
      %dma_wait3A_1109 = tpu.memref_slice %arg23[%dma_wait3A_1108] : memref<48xf32, #tpu.memory_space<vmem>> -> memref<40xf32, #tpu.memory_space<vmem>>
      %dma_wait3A_1110 = arith.constant 0 : i32
      %dma_wait3A_1111 = tpu.memref_slice %arg26[%dma_wait3A_1110] : memref<10240xf32, #tpu.memory_space<vmem_shared>> -> memref<10240xf32, #tpu.memory_space<vmem_shared>>
      tpu.wait_indirect_dma semaphore(%arg50 : memref<!tpu.dma_semaphore, #tpu.memory_space<semaphore_mem>>) src(%dma_wait3A_1109 : memref<40xf32, #tpu.memory_space<vmem>>) dst(%dma_wait3A_1111 : memref<10240xf32, #tpu.memory_space<vmem_shared>>)
      %add3A_1112 = arith.constant 8 : i32
      %add3A_1113 = arith.addi %mul3A_721, %add3A_1112 : i32
      %add3A_1114 = arith.constant 7 : i32
      %add3A_1115 = arith.addi %add3A_1113, %add3A_1114 : i32
      %mul3A_1116 = arith.constant 40 : i32
      %mul3A_1117 = arith.muli %add3A_1115, %mul3A_1116 : i32
      %add3A_1118 = arith.addi %mul3A_2, %mul3A_1117 : i32
      %dma_start3A_1119 = tpu.memref_slice %arg3[%add3A_1118] : memref<640000xi32, #tpu.memory_space<hbm>> -> memref<40xi32, #tpu.memory_space<hbm>>
      %dma_start3A_1120 = tpu.memref_slice %arg3[%add3A_1118] : memref<640000xi32, #tpu.memory_space<hbm>> -> memref<40xi32, #tpu.memory_space<hbm>>
      tpu.enqueue_dma source(%dma_start3A_1120 : memref<40xi32, #tpu.memory_space<hbm>>) target(%arg13 : memref<40xi32, #tpu.memory_space<vmem>>) target_semaphore(%arg34 : memref<!tpu.dma_semaphore, #tpu.memory_space<semaphore_mem>>)
    }
    %scan3A_469 = arith.constant 14 : i32
    %add3A_470 = arith.constant 9600 : i32
    %add3A_471 = arith.addi %mul3A_2, %add3A_470 : i32
    %dma_wait3A_472 = tpu.memref_slice %arg3[%add3A_471] : memref<640000xi32, #tpu.memory_space<hbm>> -> memref<40xi32, #tpu.memory_space<hbm>>
    %dma_wait3A_473 = tpu.memref_slice %arg3[%add3A_471] : memref<640000xi32, #tpu.memory_space<hbm>> -> memref<40xi32, #tpu.memory_space<hbm>>
    tpu.wait_dma2 semaphore(%arg27 : memref<!tpu.dma_semaphore, #tpu.memory_space<semaphore_mem>>) src(%dma_wait3A_473 : memref<40xi32, #tpu.memory_space<hbm>>) dst(%arg6 : memref<40xi32, #tpu.memory_space<vmem>>)
    %dma_start3A_474 = arith.constant 4480 : i32
    %dma_start3A_475 = tpu.memref_slice %arg14[%dma_start3A_474] : memref<5120xi32, #tpu.memory_space<vmem>> -> memref<40xi32, #tpu.memory_space<vmem>>
    %dma_start3A_476 = arith.constant 0 : i32
    %dma_start3A_477 = arith.constant 0 : i32
    %dma_start3A_478 = tpu.memref_slice %arg2[%dma_start3A_476, %dma_start3A_477] : memref<10000x128xf32, #tpu.memory_space<hbm>> -> memref<10000x128xf32, #tpu.memory_space<hbm>>
    tpu.enqueue_indirect_dma source(%dma_start3A_478 : memref<10000x128xf32, #tpu.memory_space<hbm>>) target(%arg15 : memref<40x128xf32, #tpu.memory_space<vmem>>) offsets(%dma_start3A_475 : memref<40xi32, #tpu.memory_space<vmem>>) semaphore(%arg35 : memref<!tpu.dma_semaphore, #tpu.memory_space<semaphore_mem>>)
    %add3A_479 = arith.constant 9640 : i32
    %add3A_480 = arith.addi %mul3A_2, %add3A_479 : i32
    %dma_wait3A_481 = tpu.memref_slice %arg3[%add3A_480] : memref<640000xi32, #tpu.memory_space<hbm>> -> memref<40xi32, #tpu.memory_space<hbm>>
    %dma_wait3A_482 = tpu.memref_slice %arg3[%add3A_480] : memref<640000xi32, #tpu.memory_space<hbm>> -> memref<40xi32, #tpu.memory_space<hbm>>
    tpu.wait_dma2 semaphore(%arg28 : memref<!tpu.dma_semaphore, #tpu.memory_space<semaphore_mem>>) src(%dma_wait3A_482 : memref<40xi32, #tpu.memory_space<hbm>>) dst(%arg7 : memref<40xi32, #tpu.memory_space<vmem>>)
    %dma_start3A_483 = arith.constant 4520 : i32
    %dma_start3A_484 = tpu.memref_slice %arg14[%dma_start3A_483] : memref<5120xi32, #tpu.memory_space<vmem>> -> memref<40xi32, #tpu.memory_space<vmem>>
    %dma_start3A_485 = arith.constant 0 : i32
    %dma_start3A_486 = arith.constant 0 : i32
    %dma_start3A_487 = tpu.memref_slice %arg2[%dma_start3A_485, %dma_start3A_486] : memref<10000x128xf32, #tpu.memory_space<hbm>> -> memref<10000x128xf32, #tpu.memory_space<hbm>>
    tpu.enqueue_indirect_dma source(%dma_start3A_487 : memref<10000x128xf32, #tpu.memory_space<hbm>>) target(%arg16 : memref<40x128xf32, #tpu.memory_space<vmem>>) offsets(%dma_start3A_484 : memref<40xi32, #tpu.memory_space<vmem>>) semaphore(%arg36 : memref<!tpu.dma_semaphore, #tpu.memory_space<semaphore_mem>>)
    %add3A_488 = arith.constant 9680 : i32
    %add3A_489 = arith.addi %mul3A_2, %add3A_488 : i32
    %dma_wait3A_490 = tpu.memref_slice %arg3[%add3A_489] : memref<640000xi32, #tpu.memory_space<hbm>> -> memref<40xi32, #tpu.memory_space<hbm>>
    %dma_wait3A_491 = tpu.memref_slice %arg3[%add3A_489] : memref<640000xi32, #tpu.memory_space<hbm>> -> memref<40xi32, #tpu.memory_space<hbm>>
    tpu.wait_dma2 semaphore(%arg29 : memref<!tpu.dma_semaphore, #tpu.memory_space<semaphore_mem>>) src(%dma_wait3A_491 : memref<40xi32, #tpu.memory_space<hbm>>) dst(%arg8 : memref<40xi32, #tpu.memory_space<vmem>>)
    %dma_start3A_492 = arith.constant 4560 : i32
    %dma_start3A_493 = tpu.memref_slice %arg14[%dma_start3A_492] : memref<5120xi32, #tpu.memory_space<vmem>> -> memref<40xi32, #tpu.memory_space<vmem>>
    %dma_start3A_494 = arith.constant 0 : i32
    %dma_start3A_495 = arith.constant 0 : i32
    %dma_start3A_496 = tpu.memref_slice %arg2[%dma_start3A_494, %dma_start3A_495] : memref<10000x128xf32, #tpu.memory_space<hbm>> -> memref<10000x128xf32, #tpu.memory_space<hbm>>
    tpu.enqueue_indirect_dma source(%dma_start3A_496 : memref<10000x128xf32, #tpu.memory_space<hbm>>) target(%arg17 : memref<40x128xf32, #tpu.memory_space<vmem>>) offsets(%dma_start3A_493 : memref<40xi32, #tpu.memory_space<vmem>>) semaphore(%arg37 : memref<!tpu.dma_semaphore, #tpu.memory_space<semaphore_mem>>)
    %add3A_497 = arith.constant 9720 : i32
    %add3A_498 = arith.addi %mul3A_2, %add3A_497 : i32
    %dma_wait3A_499 = tpu.memref_slice %arg3[%add3A_498] : memref<640000xi32, #tpu.memory_space<hbm>> -> memref<40xi32, #tpu.memory_space<hbm>>
    %dma_wait3A_500 = tpu.memref_slice %arg3[%add3A_498] : memref<640000xi32, #tpu.memory_space<hbm>> -> memref<40xi32, #tpu.memory_space<hbm>>
    tpu.wait_dma2 semaphore(%arg30 : memref<!tpu.dma_semaphore, #tpu.memory_space<semaphore_mem>>) src(%dma_wait3A_500 : memref<40xi32, #tpu.memory_space<hbm>>) dst(%arg9 : memref<40xi32, #tpu.memory_space<vmem>>)
    %dma_start3A_501 = arith.constant 4600 : i32
    %dma_start3A_502 = tpu.memref_slice %arg14[%dma_start3A_501] : memref<5120xi32, #tpu.memory_space<vmem>> -> memref<40xi32, #tpu.memory_space<vmem>>
    %dma_start3A_503 = arith.constant 0 : i32
    %dma_start3A_504 = arith.constant 0 : i32
    %dma_start3A_505 = tpu.memref_slice %arg2[%dma_start3A_503, %dma_start3A_504] : memref<10000x128xf32, #tpu.memory_space<hbm>> -> memref<10000x128xf32, #tpu.memory_space<hbm>>
    tpu.enqueue_indirect_dma source(%dma_start3A_505 : memref<10000x128xf32, #tpu.memory_space<hbm>>) target(%arg18 : memref<40x128xf32, #tpu.memory_space<vmem>>) offsets(%dma_start3A_502 : memref<40xi32, #tpu.memory_space<vmem>>) semaphore(%arg38 : memref<!tpu.dma_semaphore, #tpu.memory_space<semaphore_mem>>)
    %add3A_506 = arith.constant 9760 : i32
    %add3A_507 = arith.addi %mul3A_2, %add3A_506 : i32
    %dma_wait3A_508 = tpu.memref_slice %arg3[%add3A_507] : memref<640000xi32, #tpu.memory_space<hbm>> -> memref<40xi32, #tpu.memory_space<hbm>>
    %dma_wait3A_509 = tpu.memref_slice %arg3[%add3A_507] : memref<640000xi32, #tpu.memory_space<hbm>> -> memref<40xi32, #tpu.memory_space<hbm>>
    tpu.wait_dma2 semaphore(%arg31 : memref<!tpu.dma_semaphore, #tpu.memory_space<semaphore_mem>>) src(%dma_wait3A_509 : memref<40xi32, #tpu.memory_space<hbm>>) dst(%arg10 : memref<40xi32, #tpu.memory_space<vmem>>)
    %dma_start3A_510 = arith.constant 4640 : i32
    %dma_start3A_511 = tpu.memref_slice %arg14[%dma_start3A_510] : memref<5120xi32, #tpu.memory_space<vmem>> -> memref<40xi32, #tpu.memory_space<vmem>>
    %dma_start3A_512 = arith.constant 0 : i32
    %dma_start3A_513 = arith.constant 0 : i32
    %dma_start3A_514 = tpu.memref_slice %arg2[%dma_start3A_512, %dma_start3A_513] : memref<10000x128xf32, #tpu.memory_space<hbm>> -> memref<10000x128xf32, #tpu.memory_space<hbm>>
    tpu.enqueue_indirect_dma source(%dma_start3A_514 : memref<10000x128xf32, #tpu.memory_space<hbm>>) target(%arg19 : memref<40x128xf32, #tpu.memory_space<vmem>>) offsets(%dma_start3A_511 : memref<40xi32, #tpu.memory_space<vmem>>) semaphore(%arg39 : memref<!tpu.dma_semaphore, #tpu.memory_space<semaphore_mem>>)
    %add3A_515 = arith.constant 9800 : i32
    %add3A_516 = arith.addi %mul3A_2, %add3A_515 : i32
    %dma_wait3A_517 = tpu.memref_slice %arg3[%add3A_516] : memref<640000xi32, #tpu.memory_space<hbm>> -> memref<40xi32, #tpu.memory_space<hbm>>
    %dma_wait3A_518 = tpu.memref_slice %arg3[%add3A_516] : memref<640000xi32, #tpu.memory_space<hbm>> -> memref<40xi32, #tpu.memory_space<hbm>>
    tpu.wait_dma2 semaphore(%arg32 : memref<!tpu.dma_semaphore, #tpu.memory_space<semaphore_mem>>) src(%dma_wait3A_518 : memref<40xi32, #tpu.memory_space<hbm>>) dst(%arg11 : memref<40xi32, #tpu.memory_space<vmem>>)
    %dma_start3A_519 = arith.constant 4680 : i32
    %dma_start3A_520 = tpu.memref_slice %arg14[%dma_start3A_519] : memref<5120xi32, #tpu.memory_space<vmem>> -> memref<40xi32, #tpu.memory_space<vmem>>
    %dma_start3A_521 = arith.constant 0 : i32
    %dma_start3A_522 = arith.constant 0 : i32
    %dma_start3A_523 = tpu.memref_slice %arg2[%dma_start3A_521, %dma_start3A_522] : memref<10000x128xf32, #tpu.memory_space<hbm>> -> memref<10000x128xf32, #tpu.memory_space<hbm>>
    tpu.enqueue_indirect_dma source(%dma_start3A_523 : memref<10000x128xf32, #tpu.memory_space<hbm>>) target(%arg20 : memref<40x128xf32, #tpu.memory_space<vmem>>) offsets(%dma_start3A_520 : memref<40xi32, #tpu.memory_space<vmem>>) semaphore(%arg40 : memref<!tpu.dma_semaphore, #tpu.memory_space<semaphore_mem>>)
    %add3A_524 = arith.constant 9840 : i32
    %add3A_525 = arith.addi %mul3A_2, %add3A_524 : i32
    %dma_wait3A_526 = tpu.memref_slice %arg3[%add3A_525] : memref<640000xi32, #tpu.memory_space<hbm>> -> memref<40xi32, #tpu.memory_space<hbm>>
    %dma_wait3A_527 = tpu.memref_slice %arg3[%add3A_525] : memref<640000xi32, #tpu.memory_space<hbm>> -> memref<40xi32, #tpu.memory_space<hbm>>
    tpu.wait_dma2 semaphore(%arg33 : memref<!tpu.dma_semaphore, #tpu.memory_space<semaphore_mem>>) src(%dma_wait3A_527 : memref<40xi32, #tpu.memory_space<hbm>>) dst(%arg12 : memref<40xi32, #tpu.memory_space<vmem>>)
    %dma_start3A_528 = arith.constant 4720 : i32
    %dma_start3A_529 = tpu.memref_slice %arg14[%dma_start3A_528] : memref<5120xi32, #tpu.memory_space<vmem>> -> memref<40xi32, #tpu.memory_space<vmem>>
    %dma_start3A_530 = arith.constant 0 : i32
    %dma_start3A_531 = arith.constant 0 : i32
    %dma_start3A_532 = tpu.memref_slice %arg2[%dma_start3A_530, %dma_start3A_531] : memref<10000x128xf32, #tpu.memory_space<hbm>> -> memref<10000x128xf32, #tpu.memory_space<hbm>>
    tpu.enqueue_indirect_dma source(%dma_start3A_532 : memref<10000x128xf32, #tpu.memory_space<hbm>>) target(%arg21 : memref<40x128xf32, #tpu.memory_space<vmem>>) offsets(%dma_start3A_529 : memref<40xi32, #tpu.memory_space<vmem>>) semaphore(%arg41 : memref<!tpu.dma_semaphore, #tpu.memory_space<semaphore_mem>>)
    %add3A_533 = arith.constant 9880 : i32
    %add3A_534 = arith.addi %mul3A_2, %add3A_533 : i32
    %dma_wait3A_535 = tpu.memref_slice %arg3[%add3A_534] : memref<640000xi32, #tpu.memory_space<hbm>> -> memref<40xi32, #tpu.memory_space<hbm>>
    %dma_wait3A_536 = tpu.memref_slice %arg3[%add3A_534] : memref<640000xi32, #tpu.memory_space<hbm>> -> memref<40xi32, #tpu.memory_space<hbm>>
    tpu.wait_dma2 semaphore(%arg34 : memref<!tpu.dma_semaphore, #tpu.memory_space<semaphore_mem>>) src(%dma_wait3A_536 : memref<40xi32, #tpu.memory_space<hbm>>) dst(%arg13 : memref<40xi32, #tpu.memory_space<vmem>>)
    %dma_start3A_537 = arith.constant 4760 : i32
    %dma_start3A_538 = tpu.memref_slice %arg14[%dma_start3A_537] : memref<5120xi32, #tpu.memory_space<vmem>> -> memref<40xi32, #tpu.memory_space<vmem>>
    %dma_start3A_539 = arith.constant 0 : i32
    %dma_start3A_540 = arith.constant 0 : i32
    %dma_start3A_541 = tpu.memref_slice %arg2[%dma_start3A_539, %dma_start3A_540] : memref<10000x128xf32, #tpu.memory_space<hbm>> -> memref<10000x128xf32, #tpu.memory_space<hbm>>
    tpu.enqueue_indirect_dma source(%dma_start3A_541 : memref<10000x128xf32, #tpu.memory_space<hbm>>) target(%arg22 : memref<40x128xf32, #tpu.memory_space<vmem>>) offsets(%dma_start3A_538 : memref<40xi32, #tpu.memory_space<vmem>>) semaphore(%arg42 : memref<!tpu.dma_semaphore, #tpu.memory_space<semaphore_mem>>)
    %dma_wait3A_542 = arith.constant 4480 : i32
    %dma_wait3A_543 = tpu.memref_slice %arg14[%dma_wait3A_542] : memref<5120xi32, #tpu.memory_space<vmem>> -> memref<40xi32, #tpu.memory_space<vmem>>
    %dma_wait3A_544 = arith.constant 0 : i32
    %dma_wait3A_545 = arith.constant 0 : i32
    %dma_wait3A_546 = tpu.memref_slice %arg2[%dma_wait3A_544, %dma_wait3A_545] : memref<10000x128xf32, #tpu.memory_space<hbm>> -> memref<10000x128xf32, #tpu.memory_space<hbm>>
    tpu.wait_indirect_dma semaphore(%arg35 : memref<!tpu.dma_semaphore, #tpu.memory_space<semaphore_mem>>) src(%dma_wait3A_546 : memref<10000x128xf32, #tpu.memory_space<hbm>>) dst(%arg15 : memref<40x128xf32, #tpu.memory_space<vmem>>)
    %dma_start3A_547 = arith.constant 0 : i32
    %dma_start3A_548 = arith.constant 0 : i32
    %dma_start3A_549 = tpu.memref_slice %arg25[%dma_start3A_547, %dma_start3A_548] : memref<10240x128xf32, #tpu.memory_space<vmem_shared>> -> memref<10240x128xf32, #tpu.memory_space<vmem_shared>>
    tpu.enqueue_indirect_dma source(%arg15 : memref<40x128xf32, #tpu.memory_space<vmem>>) target(%dma_start3A_549 : memref<10240x128xf32, #tpu.memory_space<vmem_shared>>) offsets(%arg6 : memref<40xi32, #tpu.memory_space<vmem>>) semaphore(%arg43 : memref<!tpu.dma_semaphore, #tpu.memory_space<semaphore_mem>>) {add = true}
    %dma_start3A_550 = arith.constant 0 : i32
    %dma_start3A_551 = tpu.memref_slice %arg23[%dma_start3A_550] : memref<48xf32, #tpu.memory_space<vmem>> -> memref<40xf32, #tpu.memory_space<vmem>>
    %dma_start3A_552 = arith.constant 0 : i32
    %dma_start3A_553 = tpu.memref_slice %arg26[%dma_start3A_552] : memref<10240xf32, #tpu.memory_space<vmem_shared>> -> memref<10240xf32, #tpu.memory_space<vmem_shared>>
    tpu.enqueue_indirect_dma source(%dma_start3A_551 : memref<40xf32, #tpu.memory_space<vmem>>) target(%dma_start3A_553 : memref<10240xf32, #tpu.memory_space<vmem_shared>>) offsets(%arg6 : memref<40xi32, #tpu.memory_space<vmem>>) semaphore(%arg43 : memref<!tpu.dma_semaphore, #tpu.memory_space<semaphore_mem>>) {add = true}
    %dma_wait3A_554 = arith.constant 4520 : i32
    %dma_wait3A_555 = tpu.memref_slice %arg14[%dma_wait3A_554] : memref<5120xi32, #tpu.memory_space<vmem>> -> memref<40xi32, #tpu.memory_space<vmem>>
    %dma_wait3A_556 = arith.constant 0 : i32
    %dma_wait3A_557 = arith.constant 0 : i32
    %dma_wait3A_558 = tpu.memref_slice %arg2[%dma_wait3A_556, %dma_wait3A_557] : memref<10000x128xf32, #tpu.memory_space<hbm>> -> memref<10000x128xf32, #tpu.memory_space<hbm>>
    tpu.wait_indirect_dma semaphore(%arg36 : memref<!tpu.dma_semaphore, #tpu.memory_space<semaphore_mem>>) src(%dma_wait3A_558 : memref<10000x128xf32, #tpu.memory_space<hbm>>) dst(%arg16 : memref<40x128xf32, #tpu.memory_space<vmem>>)
    %dma_start3A_559 = arith.constant 0 : i32
    %dma_start3A_560 = arith.constant 0 : i32
    %dma_start3A_561 = tpu.memref_slice %arg25[%dma_start3A_559, %dma_start3A_560] : memref<10240x128xf32, #tpu.memory_space<vmem_shared>> -> memref<10240x128xf32, #tpu.memory_space<vmem_shared>>
    tpu.enqueue_indirect_dma source(%arg16 : memref<40x128xf32, #tpu.memory_space<vmem>>) target(%dma_start3A_561 : memref<10240x128xf32, #tpu.memory_space<vmem_shared>>) offsets(%arg7 : memref<40xi32, #tpu.memory_space<vmem>>) semaphore(%arg44 : memref<!tpu.dma_semaphore, #tpu.memory_space<semaphore_mem>>) {add = true}
    %dma_start3A_562 = arith.constant 0 : i32
    %dma_start3A_563 = tpu.memref_slice %arg23[%dma_start3A_562] : memref<48xf32, #tpu.memory_space<vmem>> -> memref<40xf32, #tpu.memory_space<vmem>>
    %dma_start3A_564 = arith.constant 0 : i32
    %dma_start3A_565 = tpu.memref_slice %arg26[%dma_start3A_564] : memref<10240xf32, #tpu.memory_space<vmem_shared>> -> memref<10240xf32, #tpu.memory_space<vmem_shared>>
    tpu.enqueue_indirect_dma source(%dma_start3A_563 : memref<40xf32, #tpu.memory_space<vmem>>) target(%dma_start3A_565 : memref<10240xf32, #tpu.memory_space<vmem_shared>>) offsets(%arg7 : memref<40xi32, #tpu.memory_space<vmem>>) semaphore(%arg44 : memref<!tpu.dma_semaphore, #tpu.memory_space<semaphore_mem>>) {add = true}
    %dma_wait3A_566 = arith.constant 4560 : i32
    %dma_wait3A_567 = tpu.memref_slice %arg14[%dma_wait3A_566] : memref<5120xi32, #tpu.memory_space<vmem>> -> memref<40xi32, #tpu.memory_space<vmem>>
    %dma_wait3A_568 = arith.constant 0 : i32
    %dma_wait3A_569 = arith.constant 0 : i32
    %dma_wait3A_570 = tpu.memref_slice %arg2[%dma_wait3A_568, %dma_wait3A_569] : memref<10000x128xf32, #tpu.memory_space<hbm>> -> memref<10000x128xf32, #tpu.memory_space<hbm>>
    tpu.wait_indirect_dma semaphore(%arg37 : memref<!tpu.dma_semaphore, #tpu.memory_space<semaphore_mem>>) src(%dma_wait3A_570 : memref<10000x128xf32, #tpu.memory_space<hbm>>) dst(%arg17 : memref<40x128xf32, #tpu.memory_space<vmem>>)
    %dma_start3A_571 = arith.constant 0 : i32
    %dma_start3A_572 = arith.constant 0 : i32
    %dma_start3A_573 = tpu.memref_slice %arg25[%dma_start3A_571, %dma_start3A_572] : memref<10240x128xf32, #tpu.memory_space<vmem_shared>> -> memref<10240x128xf32, #tpu.memory_space<vmem_shared>>
    tpu.enqueue_indirect_dma source(%arg17 : memref<40x128xf32, #tpu.memory_space<vmem>>) target(%dma_start3A_573 : memref<10240x128xf32, #tpu.memory_space<vmem_shared>>) offsets(%arg8 : memref<40xi32, #tpu.memory_space<vmem>>) semaphore(%arg45 : memref<!tpu.dma_semaphore, #tpu.memory_space<semaphore_mem>>) {add = true}
    %dma_start3A_574 = arith.constant 0 : i32
    %dma_start3A_575 = tpu.memref_slice %arg23[%dma_start3A_574] : memref<48xf32, #tpu.memory_space<vmem>> -> memref<40xf32, #tpu.memory_space<vmem>>
    %dma_start3A_576 = arith.constant 0 : i32
    %dma_start3A_577 = tpu.memref_slice %arg26[%dma_start3A_576] : memref<10240xf32, #tpu.memory_space<vmem_shared>> -> memref<10240xf32, #tpu.memory_space<vmem_shared>>
    tpu.enqueue_indirect_dma source(%dma_start3A_575 : memref<40xf32, #tpu.memory_space<vmem>>) target(%dma_start3A_577 : memref<10240xf32, #tpu.memory_space<vmem_shared>>) offsets(%arg8 : memref<40xi32, #tpu.memory_space<vmem>>) semaphore(%arg45 : memref<!tpu.dma_semaphore, #tpu.memory_space<semaphore_mem>>) {add = true}
    %dma_wait3A_578 = arith.constant 4600 : i32
    %dma_wait3A_579 = tpu.memref_slice %arg14[%dma_wait3A_578] : memref<5120xi32, #tpu.memory_space<vmem>> -> memref<40xi32, #tpu.memory_space<vmem>>
    %dma_wait3A_580 = arith.constant 0 : i32
    %dma_wait3A_581 = arith.constant 0 : i32
    %dma_wait3A_582 = tpu.memref_slice %arg2[%dma_wait3A_580, %dma_wait3A_581] : memref<10000x128xf32, #tpu.memory_space<hbm>> -> memref<10000x128xf32, #tpu.memory_space<hbm>>
    tpu.wait_indirect_dma semaphore(%arg38 : memref<!tpu.dma_semaphore, #tpu.memory_space<semaphore_mem>>) src(%dma_wait3A_582 : memref<10000x128xf32, #tpu.memory_space<hbm>>) dst(%arg18 : memref<40x128xf32, #tpu.memory_space<vmem>>)
    %dma_start3A_583 = arith.constant 0 : i32
    %dma_start3A_584 = arith.constant 0 : i32
    %dma_start3A_585 = tpu.memref_slice %arg25[%dma_start3A_583, %dma_start3A_584] : memref<10240x128xf32, #tpu.memory_space<vmem_shared>> -> memref<10240x128xf32, #tpu.memory_space<vmem_shared>>
    tpu.enqueue_indirect_dma source(%arg18 : memref<40x128xf32, #tpu.memory_space<vmem>>) target(%dma_start3A_585 : memref<10240x128xf32, #tpu.memory_space<vmem_shared>>) offsets(%arg9 : memref<40xi32, #tpu.memory_space<vmem>>) semaphore(%arg46 : memref<!tpu.dma_semaphore, #tpu.memory_space<semaphore_mem>>) {add = true}
    %dma_start3A_586 = arith.constant 0 : i32
    %dma_start3A_587 = tpu.memref_slice %arg23[%dma_start3A_586] : memref<48xf32, #tpu.memory_space<vmem>> -> memref<40xf32, #tpu.memory_space<vmem>>
    %dma_start3A_588 = arith.constant 0 : i32
    %dma_start3A_589 = tpu.memref_slice %arg26[%dma_start3A_588] : memref<10240xf32, #tpu.memory_space<vmem_shared>> -> memref<10240xf32, #tpu.memory_space<vmem_shared>>
    tpu.enqueue_indirect_dma source(%dma_start3A_587 : memref<40xf32, #tpu.memory_space<vmem>>) target(%dma_start3A_589 : memref<10240xf32, #tpu.memory_space<vmem_shared>>) offsets(%arg9 : memref<40xi32, #tpu.memory_space<vmem>>) semaphore(%arg46 : memref<!tpu.dma_semaphore, #tpu.memory_space<semaphore_mem>>) {add = true}
    %dma_wait3A_590 = arith.constant 4640 : i32
    %dma_wait3A_591 = tpu.memref_slice %arg14[%dma_wait3A_590] : memref<5120xi32, #tpu.memory_space<vmem>> -> memref<40xi32, #tpu.memory_space<vmem>>
    %dma_wait3A_592 = arith.constant 0 : i32
    %dma_wait3A_593 = arith.constant 0 : i32
    %dma_wait3A_594 = tpu.memref_slice %arg2[%dma_wait3A_592, %dma_wait3A_593] : memref<10000x128xf32, #tpu.memory_space<hbm>> -> memref<10000x128xf32, #tpu.memory_space<hbm>>
    tpu.wait_indirect_dma semaphore(%arg39 : memref<!tpu.dma_semaphore, #tpu.memory_space<semaphore_mem>>) src(%dma_wait3A_594 : memref<10000x128xf32, #tpu.memory_space<hbm>>) dst(%arg19 : memref<40x128xf32, #tpu.memory_space<vmem>>)
    %dma_start3A_595 = arith.constant 0 : i32
    %dma_start3A_596 = arith.constant 0 : i32
    %dma_start3A_597 = tpu.memref_slice %arg25[%dma_start3A_595, %dma_start3A_596] : memref<10240x128xf32, #tpu.memory_space<vmem_shared>> -> memref<10240x128xf32, #tpu.memory_space<vmem_shared>>
    tpu.enqueue_indirect_dma source(%arg19 : memref<40x128xf32, #tpu.memory_space<vmem>>) target(%dma_start3A_597 : memref<10240x128xf32, #tpu.memory_space<vmem_shared>>) offsets(%arg10 : memref<40xi32, #tpu.memory_space<vmem>>) semaphore(%arg47 : memref<!tpu.dma_semaphore, #tpu.memory_space<semaphore_mem>>) {add = true}
    %dma_start3A_598 = arith.constant 0 : i32
    %dma_start3A_599 = tpu.memref_slice %arg23[%dma_start3A_598] : memref<48xf32, #tpu.memory_space<vmem>> -> memref<40xf32, #tpu.memory_space<vmem>>
    %dma_start3A_600 = arith.constant 0 : i32
    %dma_start3A_601 = tpu.memref_slice %arg26[%dma_start3A_600] : memref<10240xf32, #tpu.memory_space<vmem_shared>> -> memref<10240xf32, #tpu.memory_space<vmem_shared>>
    tpu.enqueue_indirect_dma source(%dma_start3A_599 : memref<40xf32, #tpu.memory_space<vmem>>) target(%dma_start3A_601 : memref<10240xf32, #tpu.memory_space<vmem_shared>>) offsets(%arg10 : memref<40xi32, #tpu.memory_space<vmem>>) semaphore(%arg47 : memref<!tpu.dma_semaphore, #tpu.memory_space<semaphore_mem>>) {add = true}
    %dma_wait3A_602 = arith.constant 4680 : i32
    %dma_wait3A_603 = tpu.memref_slice %arg14[%dma_wait3A_602] : memref<5120xi32, #tpu.memory_space<vmem>> -> memref<40xi32, #tpu.memory_space<vmem>>
    %dma_wait3A_604 = arith.constant 0 : i32
    %dma_wait3A_605 = arith.constant 0 : i32
    %dma_wait3A_606 = tpu.memref_slice %arg2[%dma_wait3A_604, %dma_wait3A_605] : memref<10000x128xf32, #tpu.memory_space<hbm>> -> memref<10000x128xf32, #tpu.memory_space<hbm>>
    tpu.wait_indirect_dma semaphore(%arg40 : memref<!tpu.dma_semaphore, #tpu.memory_space<semaphore_mem>>) src(%dma_wait3A_606 : memref<10000x128xf32, #tpu.memory_space<hbm>>) dst(%arg20 : memref<40x128xf32, #tpu.memory_space<vmem>>)
    %dma_start3A_607 = arith.constant 0 : i32
    %dma_start3A_608 = arith.constant 0 : i32
    %dma_start3A_609 = tpu.memref_slice %arg25[%dma_start3A_607, %dma_start3A_608] : memref<10240x128xf32, #tpu.memory_space<vmem_shared>> -> memref<10240x128xf32, #tpu.memory_space<vmem_shared>>
    tpu.enqueue_indirect_dma source(%arg20 : memref<40x128xf32, #tpu.memory_space<vmem>>) target(%dma_start3A_609 : memref<10240x128xf32, #tpu.memory_space<vmem_shared>>) offsets(%arg11 : memref<40xi32, #tpu.memory_space<vmem>>) semaphore(%arg48 : memref<!tpu.dma_semaphore, #tpu.memory_space<semaphore_mem>>) {add = true}
    %dma_start3A_610 = arith.constant 0 : i32
    %dma_start3A_611 = tpu.memref_slice %arg23[%dma_start3A_610] : memref<48xf32, #tpu.memory_space<vmem>> -> memref<40xf32, #tpu.memory_space<vmem>>
    %dma_start3A_612 = arith.constant 0 : i32
    %dma_start3A_613 = tpu.memref_slice %arg26[%dma_start3A_612] : memref<10240xf32, #tpu.memory_space<vmem_shared>> -> memref<10240xf32, #tpu.memory_space<vmem_shared>>
    tpu.enqueue_indirect_dma source(%dma_start3A_611 : memref<40xf32, #tpu.memory_space<vmem>>) target(%dma_start3A_613 : memref<10240xf32, #tpu.memory_space<vmem_shared>>) offsets(%arg11 : memref<40xi32, #tpu.memory_space<vmem>>) semaphore(%arg48 : memref<!tpu.dma_semaphore, #tpu.memory_space<semaphore_mem>>) {add = true}
    %dma_wait3A_614 = arith.constant 4720 : i32
    %dma_wait3A_615 = tpu.memref_slice %arg14[%dma_wait3A_614] : memref<5120xi32, #tpu.memory_space<vmem>> -> memref<40xi32, #tpu.memory_space<vmem>>
    %dma_wait3A_616 = arith.constant 0 : i32
    %dma_wait3A_617 = arith.constant 0 : i32
    %dma_wait3A_618 = tpu.memref_slice %arg2[%dma_wait3A_616, %dma_wait3A_617] : memref<10000x128xf32, #tpu.memory_space<hbm>> -> memref<10000x128xf32, #tpu.memory_space<hbm>>
    tpu.wait_indirect_dma semaphore(%arg41 : memref<!tpu.dma_semaphore, #tpu.memory_space<semaphore_mem>>) src(%dma_wait3A_618 : memref<10000x128xf32, #tpu.memory_space<hbm>>) dst(%arg21 : memref<40x128xf32, #tpu.memory_space<vmem>>)
    %dma_start3A_619 = arith.constant 0 : i32
    %dma_start3A_620 = arith.constant 0 : i32
    %dma_start3A_621 = tpu.memref_slice %arg25[%dma_start3A_619, %dma_start3A_620] : memref<10240x128xf32, #tpu.memory_space<vmem_shared>> -> memref<10240x128xf32, #tpu.memory_space<vmem_shared>>
    tpu.enqueue_indirect_dma source(%arg21 : memref<40x128xf32, #tpu.memory_space<vmem>>) target(%dma_start3A_621 : memref<10240x128xf32, #tpu.memory_space<vmem_shared>>) offsets(%arg12 : memref<40xi32, #tpu.memory_space<vmem>>) semaphore(%arg49 : memref<!tpu.dma_semaphore, #tpu.memory_space<semaphore_mem>>) {add = true}
    %dma_start3A_622 = arith.constant 0 : i32
    %dma_start3A_623 = tpu.memref_slice %arg23[%dma_start3A_622] : memref<48xf32, #tpu.memory_space<vmem>> -> memref<40xf32, #tpu.memory_space<vmem>>
    %dma_start3A_624 = arith.constant 0 : i32
    %dma_start3A_625 = tpu.memref_slice %arg26[%dma_start3A_624] : memref<10240xf32, #tpu.memory_space<vmem_shared>> -> memref<10240xf32, #tpu.memory_space<vmem_shared>>
    tpu.enqueue_indirect_dma source(%dma_start3A_623 : memref<40xf32, #tpu.memory_space<vmem>>) target(%dma_start3A_625 : memref<10240xf32, #tpu.memory_space<vmem_shared>>) offsets(%arg12 : memref<40xi32, #tpu.memory_space<vmem>>) semaphore(%arg49 : memref<!tpu.dma_semaphore, #tpu.memory_space<semaphore_mem>>) {add = true}
    %dma_wait3A_626 = arith.constant 4760 : i32
    %dma_wait3A_627 = tpu.memref_slice %arg14[%dma_wait3A_626] : memref<5120xi32, #tpu.memory_space<vmem>> -> memref<40xi32, #tpu.memory_space<vmem>>
    %dma_wait3A_628 = arith.constant 0 : i32
    %dma_wait3A_629 = arith.constant 0 : i32
    %dma_wait3A_630 = tpu.memref_slice %arg2[%dma_wait3A_628, %dma_wait3A_629] : memref<10000x128xf32, #tpu.memory_space<hbm>> -> memref<10000x128xf32, #tpu.memory_space<hbm>>
    tpu.wait_indirect_dma semaphore(%arg42 : memref<!tpu.dma_semaphore, #tpu.memory_space<semaphore_mem>>) src(%dma_wait3A_630 : memref<10000x128xf32, #tpu.memory_space<hbm>>) dst(%arg22 : memref<40x128xf32, #tpu.memory_space<vmem>>)
    %dma_start3A_631 = arith.constant 0 : i32
    %dma_start3A_632 = arith.constant 0 : i32
    %dma_start3A_633 = tpu.memref_slice %arg25[%dma_start3A_631, %dma_start3A_632] : memref<10240x128xf32, #tpu.memory_space<vmem_shared>> -> memref<10240x128xf32, #tpu.memory_space<vmem_shared>>
    tpu.enqueue_indirect_dma source(%arg22 : memref<40x128xf32, #tpu.memory_space<vmem>>) target(%dma_start3A_633 : memref<10240x128xf32, #tpu.memory_space<vmem_shared>>) offsets(%arg13 : memref<40xi32, #tpu.memory_space<vmem>>) semaphore(%arg50 : memref<!tpu.dma_semaphore, #tpu.memory_space<semaphore_mem>>) {add = true}
    %dma_start3A_634 = arith.constant 0 : i32
    %dma_start3A_635 = tpu.memref_slice %arg23[%dma_start3A_634] : memref<48xf32, #tpu.memory_space<vmem>> -> memref<40xf32, #tpu.memory_space<vmem>>
    %dma_start3A_636 = arith.constant 0 : i32
    %dma_start3A_637 = tpu.memref_slice %arg26[%dma_start3A_636] : memref<10240xf32, #tpu.memory_space<vmem_shared>> -> memref<10240xf32, #tpu.memory_space<vmem_shared>>
    tpu.enqueue_indirect_dma source(%dma_start3A_635 : memref<40xf32, #tpu.memory_space<vmem>>) target(%dma_start3A_637 : memref<10240xf32, #tpu.memory_space<vmem_shared>>) offsets(%arg13 : memref<40xi32, #tpu.memory_space<vmem>>) semaphore(%arg50 : memref<!tpu.dma_semaphore, #tpu.memory_space<semaphore_mem>>) {add = true}
    %dma_wait3A_638 = arith.constant 0 : i32
    %dma_wait3A_639 = arith.constant 0 : i32
    %dma_wait3A_640 = tpu.memref_slice %arg25[%dma_wait3A_638, %dma_wait3A_639] : memref<10240x128xf32, #tpu.memory_space<vmem_shared>> -> memref<10240x128xf32, #tpu.memory_space<vmem_shared>>
    tpu.wait_indirect_dma semaphore(%arg43 : memref<!tpu.dma_semaphore, #tpu.memory_space<semaphore_mem>>) src(%arg15 : memref<40x128xf32, #tpu.memory_space<vmem>>) dst(%dma_wait3A_640 : memref<10240x128xf32, #tpu.memory_space<vmem_shared>>)
    %dma_wait3A_641 = arith.constant 0 : i32
    %dma_wait3A_642 = tpu.memref_slice %arg23[%dma_wait3A_641] : memref<48xf32, #tpu.memory_space<vmem>> -> memref<40xf32, #tpu.memory_space<vmem>>
    %dma_wait3A_643 = arith.constant 0 : i32
    %dma_wait3A_644 = tpu.memref_slice %arg26[%dma_wait3A_643] : memref<10240xf32, #tpu.memory_space<vmem_shared>> -> memref<10240xf32, #tpu.memory_space<vmem_shared>>
    tpu.wait_indirect_dma semaphore(%arg43 : memref<!tpu.dma_semaphore, #tpu.memory_space<semaphore_mem>>) src(%dma_wait3A_642 : memref<40xf32, #tpu.memory_space<vmem>>) dst(%dma_wait3A_644 : memref<10240xf32, #tpu.memory_space<vmem_shared>>)
    %add3A_645 = arith.constant 9920 : i32
    %add3A_646 = arith.addi %mul3A_2, %add3A_645 : i32
    "tpu.region"() ({
      %run_scoped3A = tpu.sem_alloc : memref<!tpu.dma_semaphore, #tpu.memory_space<semaphore_mem>>
      %dma_start3A_719 = tpu.memref_slice %arg3[%add3A_646] : memref<640000xi32, #tpu.memory_space<hbm>> -> memref<40xi32, #tpu.memory_space<hbm>>
      %dma_start3A_720 = tpu.memref_slice %arg3[%add3A_646] : memref<640000xi32, #tpu.memory_space<hbm>> -> memref<40xi32, #tpu.memory_space<hbm>>
      tpu.enqueue_dma source(%dma_start3A_720 : memref<40xi32, #tpu.memory_space<hbm>>) target(%arg6 : memref<40xi32, #tpu.memory_space<vmem>>) target_semaphore(%run_scoped3A : memref<!tpu.dma_semaphore, #tpu.memory_space<semaphore_mem>>)
      %dma_wait3A_721 = tpu.memref_slice %arg3[%add3A_646] : memref<640000xi32, #tpu.memory_space<hbm>> -> memref<40xi32, #tpu.memory_space<hbm>>
      %dma_wait3A_722 = tpu.memref_slice %arg3[%add3A_646] : memref<640000xi32, #tpu.memory_space<hbm>> -> memref<40xi32, #tpu.memory_space<hbm>>
      tpu.wait_dma2 semaphore(%run_scoped3A : memref<!tpu.dma_semaphore, #tpu.memory_space<semaphore_mem>>) src(%dma_wait3A_722 : memref<40xi32, #tpu.memory_space<hbm>>) dst(%arg6 : memref<40xi32, #tpu.memory_space<vmem>>)
      tpu.yield
    }) : () -> ()
    %dma_start3A_647 = arith.constant 4800 : i32
    %dma_start3A_648 = tpu.memref_slice %arg14[%dma_start3A_647] : memref<5120xi32, #tpu.memory_space<vmem>> -> memref<40xi32, #tpu.memory_space<vmem>>
    %dma_start3A_649 = arith.constant 0 : i32
    %dma_start3A_650 = arith.constant 0 : i32
    %dma_start3A_651 = tpu.memref_slice %arg2[%dma_start3A_649, %dma_start3A_650] : memref<10000x128xf32, #tpu.memory_space<hbm>> -> memref<10000x128xf32, #tpu.memory_space<hbm>>
    tpu.enqueue_indirect_dma source(%dma_start3A_651 : memref<10000x128xf32, #tpu.memory_space<hbm>>) target(%arg15 : memref<40x128xf32, #tpu.memory_space<vmem>>) offsets(%dma_start3A_648 : memref<40xi32, #tpu.memory_space<vmem>>) semaphore(%arg35 : memref<!tpu.dma_semaphore, #tpu.memory_space<semaphore_mem>>)
    %dma_wait3A_652 = arith.constant 4800 : i32
    %dma_wait3A_653 = tpu.memref_slice %arg14[%dma_wait3A_652] : memref<5120xi32, #tpu.memory_space<vmem>> -> memref<40xi32, #tpu.memory_space<vmem>>
    %dma_wait3A_654 = arith.constant 0 : i32
    %dma_wait3A_655 = arith.constant 0 : i32
    %dma_wait3A_656 = tpu.memref_slice %arg2[%dma_wait3A_654, %dma_wait3A_655] : memref<10000x128xf32, #tpu.memory_space<hbm>> -> memref<10000x128xf32, #tpu.memory_space<hbm>>
    tpu.wait_indirect_dma semaphore(%arg35 : memref<!tpu.dma_semaphore, #tpu.memory_space<semaphore_mem>>) src(%dma_wait3A_656 : memref<10000x128xf32, #tpu.memory_space<hbm>>) dst(%arg15 : memref<40x128xf32, #tpu.memory_space<vmem>>)
    "tpu.region"() ({
      %run_scoped3A = tpu.sem_alloc : memref<!tpu.dma_semaphore, #tpu.memory_space<semaphore_mem>>
      %dma_start3A_719 = arith.constant 0 : i32
      %dma_start3A_720 = arith.constant 0 : i32
      %dma_start3A_721 = tpu.memref_slice %arg25[%dma_start3A_719, %dma_start3A_720] : memref<10240x128xf32, #tpu.memory_space<vmem_shared>> -> memref<10240x128xf32, #tpu.memory_space<vmem_shared>>
      tpu.enqueue_indirect_dma source(%arg15 : memref<40x128xf32, #tpu.memory_space<vmem>>) target(%dma_start3A_721 : memref<10240x128xf32, #tpu.memory_space<vmem_shared>>) offsets(%arg6 : memref<40xi32, #tpu.memory_space<vmem>>) semaphore(%run_scoped3A : memref<!tpu.dma_semaphore, #tpu.memory_space<semaphore_mem>>) {add = true}
      %dma_wait3A_722 = arith.constant 0 : i32
      %dma_wait3A_723 = arith.constant 0 : i32
      %dma_wait3A_724 = tpu.memref_slice %arg25[%dma_wait3A_722, %dma_wait3A_723] : memref<10240x128xf32, #tpu.memory_space<vmem_shared>> -> memref<10240x128xf32, #tpu.memory_space<vmem_shared>>
      tpu.wait_indirect_dma semaphore(%run_scoped3A : memref<!tpu.dma_semaphore, #tpu.memory_space<semaphore_mem>>) src(%arg15 : memref<40x128xf32, #tpu.memory_space<vmem>>) dst(%dma_wait3A_724 : memref<10240x128xf32, #tpu.memory_space<vmem_shared>>)
      tpu.yield
    }) : () -> ()
    "tpu.region"() ({
      %run_scoped3A = tpu.sem_alloc : memref<!tpu.dma_semaphore, #tpu.memory_space<semaphore_mem>>
      %dma_start3A_719 = arith.constant 0 : i32
      %dma_start3A_720 = tpu.memref_slice %arg23[%dma_start3A_719] : memref<48xf32, #tpu.memory_space<vmem>> -> memref<40xf32, #tpu.memory_space<vmem>>
      %dma_start3A_721 = arith.constant 0 : i32
      %dma_start3A_722 = tpu.memref_slice %arg26[%dma_start3A_721] : memref<10240xf32, #tpu.memory_space<vmem_shared>> -> memref<10240xf32, #tpu.memory_space<vmem_shared>>
      tpu.enqueue_indirect_dma source(%dma_start3A_720 : memref<40xf32, #tpu.memory_space<vmem>>) target(%dma_start3A_722 : memref<10240xf32, #tpu.memory_space<vmem_shared>>) offsets(%arg6 : memref<40xi32, #tpu.memory_space<vmem>>) semaphore(%run_scoped3A : memref<!tpu.dma_semaphore, #tpu.memory_space<semaphore_mem>>) {add = true}
      %dma_wait3A_723 = arith.constant 0 : i32
      %dma_wait3A_724 = tpu.memref_slice %arg23[%dma_wait3A_723] : memref<48xf32, #tpu.memory_space<vmem>> -> memref<40xf32, #tpu.memory_space<vmem>>
      %dma_wait3A_725 = arith.constant 0 : i32
      %dma_wait3A_726 = tpu.memref_slice %arg26[%dma_wait3A_725] : memref<10240xf32, #tpu.memory_space<vmem_shared>> -> memref<10240xf32, #tpu.memory_space<vmem_shared>>
      tpu.wait_indirect_dma semaphore(%run_scoped3A : memref<!tpu.dma_semaphore, #tpu.memory_space<semaphore_mem>>) src(%dma_wait3A_724 : memref<40xf32, #tpu.memory_space<vmem>>) dst(%dma_wait3A_726 : memref<10240xf32, #tpu.memory_space<vmem_shared>>)
      tpu.yield
    }) : () -> ()
    %dma_wait3A_657 = arith.constant 0 : i32
    %dma_wait3A_658 = arith.constant 0 : i32
    %dma_wait3A_659 = tpu.memref_slice %arg25[%dma_wait3A_657, %dma_wait3A_658] : memref<10240x128xf32, #tpu.memory_space<vmem_shared>> -> memref<10240x128xf32, #tpu.memory_space<vmem_shared>>
    tpu.wait_indirect_dma semaphore(%arg44 : memref<!tpu.dma_semaphore, #tpu.memory_space<semaphore_mem>>) src(%arg16 : memref<40x128xf32, #tpu.memory_space<vmem>>) dst(%dma_wait3A_659 : memref<10240x128xf32, #tpu.memory_space<vmem_shared>>)
    %dma_wait3A_660 = arith.constant 0 : i32
    %dma_wait3A_661 = tpu.memref_slice %arg23[%dma_wait3A_660] : memref<48xf32, #tpu.memory_space<vmem>> -> memref<40xf32, #tpu.memory_space<vmem>>
    %dma_wait3A_662 = arith.constant 0 : i32
    %dma_wait3A_663 = tpu.memref_slice %arg26[%dma_wait3A_662] : memref<10240xf32, #tpu.memory_space<vmem_shared>> -> memref<10240xf32, #tpu.memory_space<vmem_shared>>
    tpu.wait_indirect_dma semaphore(%arg44 : memref<!tpu.dma_semaphore, #tpu.memory_space<semaphore_mem>>) src(%dma_wait3A_661 : memref<40xf32, #tpu.memory_space<vmem>>) dst(%dma_wait3A_663 : memref<10240xf32, #tpu.memory_space<vmem_shared>>)
    %add3A_664 = arith.constant 9960 : i32
    %add3A_665 = arith.addi %mul3A_2, %add3A_664 : i32
    "tpu.region"() ({
      %run_scoped3A = tpu.sem_alloc : memref<!tpu.dma_semaphore, #tpu.memory_space<semaphore_mem>>
      %dma_start3A_719 = tpu.memref_slice %arg3[%add3A_665] : memref<640000xi32, #tpu.memory_space<hbm>> -> memref<40xi32, #tpu.memory_space<hbm>>
      %dma_start3A_720 = tpu.memref_slice %arg3[%add3A_665] : memref<640000xi32, #tpu.memory_space<hbm>> -> memref<40xi32, #tpu.memory_space<hbm>>
      tpu.enqueue_dma source(%dma_start3A_720 : memref<40xi32, #tpu.memory_space<hbm>>) target(%arg7 : memref<40xi32, #tpu.memory_space<vmem>>) target_semaphore(%run_scoped3A : memref<!tpu.dma_semaphore, #tpu.memory_space<semaphore_mem>>)
      %dma_wait3A_721 = tpu.memref_slice %arg3[%add3A_665] : memref<640000xi32, #tpu.memory_space<hbm>> -> memref<40xi32, #tpu.memory_space<hbm>>
      %dma_wait3A_722 = tpu.memref_slice %arg3[%add3A_665] : memref<640000xi32, #tpu.memory_space<hbm>> -> memref<40xi32, #tpu.memory_space<hbm>>
      tpu.wait_dma2 semaphore(%run_scoped3A : memref<!tpu.dma_semaphore, #tpu.memory_space<semaphore_mem>>) src(%dma_wait3A_722 : memref<40xi32, #tpu.memory_space<hbm>>) dst(%arg7 : memref<40xi32, #tpu.memory_space<vmem>>)
      tpu.yield
    }) : () -> ()
    %dma_start3A_666 = arith.constant 4840 : i32
    %dma_start3A_667 = tpu.memref_slice %arg14[%dma_start3A_666] : memref<5120xi32, #tpu.memory_space<vmem>> -> memref<40xi32, #tpu.memory_space<vmem>>
    %dma_start3A_668 = arith.constant 0 : i32
    %dma_start3A_669 = arith.constant 0 : i32
    %dma_start3A_670 = tpu.memref_slice %arg2[%dma_start3A_668, %dma_start3A_669] : memref<10000x128xf32, #tpu.memory_space<hbm>> -> memref<10000x128xf32, #tpu.memory_space<hbm>>
    tpu.enqueue_indirect_dma source(%dma_start3A_670 : memref<10000x128xf32, #tpu.memory_space<hbm>>) target(%arg16 : memref<40x128xf32, #tpu.memory_space<vmem>>) offsets(%dma_start3A_667 : memref<40xi32, #tpu.memory_space<vmem>>) semaphore(%arg36 : memref<!tpu.dma_semaphore, #tpu.memory_space<semaphore_mem>>)
    %dma_wait3A_671 = arith.constant 4840 : i32
    %dma_wait3A_672 = tpu.memref_slice %arg14[%dma_wait3A_671] : memref<5120xi32, #tpu.memory_space<vmem>> -> memref<40xi32, #tpu.memory_space<vmem>>
    %dma_wait3A_673 = arith.constant 0 : i32
    %dma_wait3A_674 = arith.constant 0 : i32
    %dma_wait3A_675 = tpu.memref_slice %arg2[%dma_wait3A_673, %dma_wait3A_674] : memref<10000x128xf32, #tpu.memory_space<hbm>> -> memref<10000x128xf32, #tpu.memory_space<hbm>>
    tpu.wait_indirect_dma semaphore(%arg36 : memref<!tpu.dma_semaphore, #tpu.memory_space<semaphore_mem>>) src(%dma_wait3A_675 : memref<10000x128xf32, #tpu.memory_space<hbm>>) dst(%arg16 : memref<40x128xf32, #tpu.memory_space<vmem>>)
    "tpu.region"() ({
      %run_scoped3A = tpu.sem_alloc : memref<!tpu.dma_semaphore, #tpu.memory_space<semaphore_mem>>
      %dma_start3A_719 = arith.constant 0 : i32
      %dma_start3A_720 = arith.constant 0 : i32
      %dma_start3A_721 = tpu.memref_slice %arg25[%dma_start3A_719, %dma_start3A_720] : memref<10240x128xf32, #tpu.memory_space<vmem_shared>> -> memref<10240x128xf32, #tpu.memory_space<vmem_shared>>
      tpu.enqueue_indirect_dma source(%arg16 : memref<40x128xf32, #tpu.memory_space<vmem>>) target(%dma_start3A_721 : memref<10240x128xf32, #tpu.memory_space<vmem_shared>>) offsets(%arg7 : memref<40xi32, #tpu.memory_space<vmem>>) semaphore(%run_scoped3A : memref<!tpu.dma_semaphore, #tpu.memory_space<semaphore_mem>>) {add = true}
      %dma_wait3A_722 = arith.constant 0 : i32
      %dma_wait3A_723 = arith.constant 0 : i32
      %dma_wait3A_724 = tpu.memref_slice %arg25[%dma_wait3A_722, %dma_wait3A_723] : memref<10240x128xf32, #tpu.memory_space<vmem_shared>> -> memref<10240x128xf32, #tpu.memory_space<vmem_shared>>
      tpu.wait_indirect_dma semaphore(%run_scoped3A : memref<!tpu.dma_semaphore, #tpu.memory_space<semaphore_mem>>) src(%arg16 : memref<40x128xf32, #tpu.memory_space<vmem>>) dst(%dma_wait3A_724 : memref<10240x128xf32, #tpu.memory_space<vmem_shared>>)
      tpu.yield
    }) : () -> ()
    "tpu.region"() ({
      %run_scoped3A = tpu.sem_alloc : memref<!tpu.dma_semaphore, #tpu.memory_space<semaphore_mem>>
      %dma_start3A_719 = arith.constant 0 : i32
      %dma_start3A_720 = tpu.memref_slice %arg23[%dma_start3A_719] : memref<48xf32, #tpu.memory_space<vmem>> -> memref<40xf32, #tpu.memory_space<vmem>>
      %dma_start3A_721 = arith.constant 0 : i32
      %dma_start3A_722 = tpu.memref_slice %arg26[%dma_start3A_721] : memref<10240xf32, #tpu.memory_space<vmem_shared>> -> memref<10240xf32, #tpu.memory_space<vmem_shared>>
      tpu.enqueue_indirect_dma source(%dma_start3A_720 : memref<40xf32, #tpu.memory_space<vmem>>) target(%dma_start3A_722 : memref<10240xf32, #tpu.memory_space<vmem_shared>>) offsets(%arg7 : memref<40xi32, #tpu.memory_space<vmem>>) semaphore(%run_scoped3A : memref<!tpu.dma_semaphore, #tpu.memory_space<semaphore_mem>>) {add = true}
      %dma_wait3A_723 = arith.constant 0 : i32
      %dma_wait3A_724 = tpu.memref_slice %arg23[%dma_wait3A_723] : memref<48xf32, #tpu.memory_space<vmem>> -> memref<40xf32, #tpu.memory_space<vmem>>
      %dma_wait3A_725 = arith.constant 0 : i32
      %dma_wait3A_726 = tpu.memref_slice %arg26[%dma_wait3A_725] : memref<10240xf32, #tpu.memory_space<vmem_shared>> -> memref<10240xf32, #tpu.memory_space<vmem_shared>>
      tpu.wait_indirect_dma semaphore(%run_scoped3A : memref<!tpu.dma_semaphore, #tpu.memory_space<semaphore_mem>>) src(%dma_wait3A_724 : memref<40xf32, #tpu.memory_space<vmem>>) dst(%dma_wait3A_726 : memref<10240xf32, #tpu.memory_space<vmem_shared>>)
      tpu.yield
    }) : () -> ()
    %dma_wait3A_676 = arith.constant 0 : i32
    %dma_wait3A_677 = arith.constant 0 : i32
    %dma_wait3A_678 = tpu.memref_slice %arg25[%dma_wait3A_676, %dma_wait3A_677] : memref<10240x128xf32, #tpu.memory_space<vmem_shared>> -> memref<10240x128xf32, #tpu.memory_space<vmem_shared>>
    tpu.wait_indirect_dma semaphore(%arg45 : memref<!tpu.dma_semaphore, #tpu.memory_space<semaphore_mem>>) src(%arg17 : memref<40x128xf32, #tpu.memory_space<vmem>>) dst(%dma_wait3A_678 : memref<10240x128xf32, #tpu.memory_space<vmem_shared>>)
    %dma_wait3A_679 = arith.constant 0 : i32
    %dma_wait3A_680 = tpu.memref_slice %arg23[%dma_wait3A_679] : memref<48xf32, #tpu.memory_space<vmem>> -> memref<40xf32, #tpu.memory_space<vmem>>
    %dma_wait3A_681 = arith.constant 0 : i32
    %dma_wait3A_682 = tpu.memref_slice %arg26[%dma_wait3A_681] : memref<10240xf32, #tpu.memory_space<vmem_shared>> -> memref<10240xf32, #tpu.memory_space<vmem_shared>>
    tpu.wait_indirect_dma semaphore(%arg45 : memref<!tpu.dma_semaphore, #tpu.memory_space<semaphore_mem>>) src(%dma_wait3A_680 : memref<40xf32, #tpu.memory_space<vmem>>) dst(%dma_wait3A_682 : memref<10240xf32, #tpu.memory_space<vmem_shared>>)
    %dma_wait3A_683 = arith.constant 0 : i32
    %dma_wait3A_684 = arith.constant 0 : i32
    %dma_wait3A_685 = tpu.memref_slice %arg25[%dma_wait3A_683, %dma_wait3A_684] : memref<10240x128xf32, #tpu.memory_space<vmem_shared>> -> memref<10240x128xf32, #tpu.memory_space<vmem_shared>>
    tpu.wait_indirect_dma semaphore(%arg46 : memref<!tpu.dma_semaphore, #tpu.memory_space<semaphore_mem>>) src(%arg18 : memref<40x128xf32, #tpu.memory_space<vmem>>) dst(%dma_wait3A_685 : memref<10240x128xf32, #tpu.memory_space<vmem_shared>>)
    %dma_wait3A_686 = arith.constant 0 : i32
    %dma_wait3A_687 = tpu.memref_slice %arg23[%dma_wait3A_686] : memref<48xf32, #tpu.memory_space<vmem>> -> memref<40xf32, #tpu.memory_space<vmem>>
    %dma_wait3A_688 = arith.constant 0 : i32
    %dma_wait3A_689 = tpu.memref_slice %arg26[%dma_wait3A_688] : memref<10240xf32, #tpu.memory_space<vmem_shared>> -> memref<10240xf32, #tpu.memory_space<vmem_shared>>
    tpu.wait_indirect_dma semaphore(%arg46 : memref<!tpu.dma_semaphore, #tpu.memory_space<semaphore_mem>>) src(%dma_wait3A_687 : memref<40xf32, #tpu.memory_space<vmem>>) dst(%dma_wait3A_689 : memref<10240xf32, #tpu.memory_space<vmem_shared>>)
    %dma_wait3A_690 = arith.constant 0 : i32
    %dma_wait3A_691 = arith.constant 0 : i32
    %dma_wait3A_692 = tpu.memref_slice %arg25[%dma_wait3A_690, %dma_wait3A_691] : memref<10240x128xf32, #tpu.memory_space<vmem_shared>> -> memref<10240x128xf32, #tpu.memory_space<vmem_shared>>
    tpu.wait_indirect_dma semaphore(%arg47 : memref<!tpu.dma_semaphore, #tpu.memory_space<semaphore_mem>>) src(%arg19 : memref<40x128xf32, #tpu.memory_space<vmem>>) dst(%dma_wait3A_692 : memref<10240x128xf32, #tpu.memory_space<vmem_shared>>)
    %dma_wait3A_693 = arith.constant 0 : i32
    %dma_wait3A_694 = tpu.memref_slice %arg23[%dma_wait3A_693] : memref<48xf32, #tpu.memory_space<vmem>> -> memref<40xf32, #tpu.memory_space<vmem>>
    %dma_wait3A_695 = arith.constant 0 : i32
    %dma_wait3A_696 = tpu.memref_slice %arg26[%dma_wait3A_695] : memref<10240xf32, #tpu.memory_space<vmem_shared>> -> memref<10240xf32, #tpu.memory_space<vmem_shared>>
    tpu.wait_indirect_dma semaphore(%arg47 : memref<!tpu.dma_semaphore, #tpu.memory_space<semaphore_mem>>) src(%dma_wait3A_694 : memref<40xf32, #tpu.memory_space<vmem>>) dst(%dma_wait3A_696 : memref<10240xf32, #tpu.memory_space<vmem_shared>>)
    %dma_wait3A_697 = arith.constant 0 : i32
    %dma_wait3A_698 = arith.constant 0 : i32
    %dma_wait3A_699 = tpu.memref_slice %arg25[%dma_wait3A_697, %dma_wait3A_698] : memref<10240x128xf32, #tpu.memory_space<vmem_shared>> -> memref<10240x128xf32, #tpu.memory_space<vmem_shared>>
    tpu.wait_indirect_dma semaphore(%arg48 : memref<!tpu.dma_semaphore, #tpu.memory_space<semaphore_mem>>) src(%arg20 : memref<40x128xf32, #tpu.memory_space<vmem>>) dst(%dma_wait3A_699 : memref<10240x128xf32, #tpu.memory_space<vmem_shared>>)
    %dma_wait3A_700 = arith.constant 0 : i32
    %dma_wait3A_701 = tpu.memref_slice %arg23[%dma_wait3A_700] : memref<48xf32, #tpu.memory_space<vmem>> -> memref<40xf32, #tpu.memory_space<vmem>>
    %dma_wait3A_702 = arith.constant 0 : i32
    %dma_wait3A_703 = tpu.memref_slice %arg26[%dma_wait3A_702] : memref<10240xf32, #tpu.memory_space<vmem_shared>> -> memref<10240xf32, #tpu.memory_space<vmem_shared>>
    tpu.wait_indirect_dma semaphore(%arg48 : memref<!tpu.dma_semaphore, #tpu.memory_space<semaphore_mem>>) src(%dma_wait3A_701 : memref<40xf32, #tpu.memory_space<vmem>>) dst(%dma_wait3A_703 : memref<10240xf32, #tpu.memory_space<vmem_shared>>)
    %dma_wait3A_704 = arith.constant 0 : i32
    %dma_wait3A_705 = arith.constant 0 : i32
    %dma_wait3A_706 = tpu.memref_slice %arg25[%dma_wait3A_704, %dma_wait3A_705] : memref<10240x128xf32, #tpu.memory_space<vmem_shared>> -> memref<10240x128xf32, #tpu.memory_space<vmem_shared>>
    tpu.wait_indirect_dma semaphore(%arg49 : memref<!tpu.dma_semaphore, #tpu.memory_space<semaphore_mem>>) src(%arg21 : memref<40x128xf32, #tpu.memory_space<vmem>>) dst(%dma_wait3A_706 : memref<10240x128xf32, #tpu.memory_space<vmem_shared>>)
    %dma_wait3A_707 = arith.constant 0 : i32
    %dma_wait3A_708 = tpu.memref_slice %arg23[%dma_wait3A_707] : memref<48xf32, #tpu.memory_space<vmem>> -> memref<40xf32, #tpu.memory_space<vmem>>
    %dma_wait3A_709 = arith.constant 0 : i32
    %dma_wait3A_710 = tpu.memref_slice %arg26[%dma_wait3A_709] : memref<10240xf32, #tpu.memory_space<vmem_shared>> -> memref<10240xf32, #tpu.memory_space<vmem_shared>>
    tpu.wait_indirect_dma semaphore(%arg49 : memref<!tpu.dma_semaphore, #tpu.memory_space<semaphore_mem>>) src(%dma_wait3A_708 : memref<40xf32, #tpu.memory_space<vmem>>) dst(%dma_wait3A_710 : memref<10240xf32, #tpu.memory_space<vmem_shared>>)
    %dma_wait3A_711 = arith.constant 0 : i32
    %dma_wait3A_712 = arith.constant 0 : i32
    %dma_wait3A_713 = tpu.memref_slice %arg25[%dma_wait3A_711, %dma_wait3A_712] : memref<10240x128xf32, #tpu.memory_space<vmem_shared>> -> memref<10240x128xf32, #tpu.memory_space<vmem_shared>>
    tpu.wait_indirect_dma semaphore(%arg50 : memref<!tpu.dma_semaphore, #tpu.memory_space<semaphore_mem>>) src(%arg22 : memref<40x128xf32, #tpu.memory_space<vmem>>) dst(%dma_wait3A_713 : memref<10240x128xf32, #tpu.memory_space<vmem_shared>>)
    %dma_wait3A_714 = arith.constant 0 : i32
    %dma_wait3A_715 = tpu.memref_slice %arg23[%dma_wait3A_714] : memref<48xf32, #tpu.memory_space<vmem>> -> memref<40xf32, #tpu.memory_space<vmem>>
    %dma_wait3A_716 = arith.constant 0 : i32
    %dma_wait3A_717 = tpu.memref_slice %arg26[%dma_wait3A_716] : memref<10240xf32, #tpu.memory_space<vmem_shared>> -> memref<10240xf32, #tpu.memory_space<vmem_shared>>
    tpu.wait_indirect_dma semaphore(%arg50 : memref<!tpu.dma_semaphore, #tpu.memory_space<semaphore_mem>>) src(%dma_wait3A_715 : memref<40xf32, #tpu.memory_space<vmem>>) dst(%dma_wait3A_717 : memref<10240xf32, #tpu.memory_space<vmem_shared>>)
    %barrier3A_718 = arith.constant 0 : index
    tpu.barrier barrier_id(%barrier3A_718)
    "tpu.region"() ({
      %run_scoped3A = tpu.sem_alloc : memref<!tpu.dma_semaphore, #tpu.memory_space<semaphore_mem>>
      %dma_start3A_719 = arith.constant 0 : i32
      %dma_start3A_720 = tpu.memref_slice %arg4[%arg0, %mul3A_70, %dma_start3A_719] : memref<2x10240x128xf32, #tpu.memory_space<hbm>> -> memref<1x640x128xf32, #tpu.memory_space<hbm>>
      %dma_start3A_721 = tpu.memref_squeeze %dma_start3A_720 : memref<1x640x128xf32, #tpu.memory_space<hbm>> -> memref<640x128xf32, #tpu.memory_space<hbm>>
      %dma_start3A_722 = arith.constant 0 : i32
      %dma_start3A_723 = tpu.memref_slice %arg25[%mul3A_70, %dma_start3A_722] : memref<10240x128xf32, #tpu.memory_space<vmem_shared>> -> memref<640x128xf32, #tpu.memory_space<vmem_shared>>
      tpu.enqueue_dma source(%dma_start3A_723 : memref<640x128xf32, #tpu.memory_space<vmem_shared>>) target(%dma_start3A_721 : memref<640x128xf32, #tpu.memory_space<hbm>>) target_semaphore(%run_scoped3A : memref<!tpu.dma_semaphore, #tpu.memory_space<semaphore_mem>>)
      %dma_wait3A_724 = arith.constant 0 : i32
      %dma_wait3A_725 = tpu.memref_slice %arg4[%arg0, %mul3A_70, %dma_wait3A_724] : memref<2x10240x128xf32, #tpu.memory_space<hbm>> -> memref<1x640x128xf32, #tpu.memory_space<hbm>>
      %dma_wait3A_726 = tpu.memref_squeeze %dma_wait3A_725 : memref<1x640x128xf32, #tpu.memory_space<hbm>> -> memref<640x128xf32, #tpu.memory_space<hbm>>
      %dma_wait3A_727 = arith.constant 0 : i32
      %dma_wait3A_728 = tpu.memref_slice %arg25[%mul3A_70, %dma_wait3A_727] : memref<10240x128xf32, #tpu.memory_space<vmem_shared>> -> memref<640x128xf32, #tpu.memory_space<vmem_shared>>
      tpu.wait_dma2 semaphore(%run_scoped3A : memref<!tpu.dma_semaphore, #tpu.memory_space<semaphore_mem>>) src(%dma_wait3A_728 : memref<640x128xf32, #tpu.memory_space<vmem_shared>>) dst(%dma_wait3A_726 : memref<640x128xf32, #tpu.memory_space<hbm>>)
      tpu.yield
    }) : () -> ()
    "tpu.region"() ({
      %run_scoped3A = tpu.sem_alloc : memref<!tpu.dma_semaphore, #tpu.memory_space<semaphore_mem>>
      %dma_start3A_719 = tpu.memref_slice %arg5[%arg0, %mul3A_70] : memref<2x10240xf32, #tpu.memory_space<hbm>> -> memref<1x640xf32, #tpu.memory_space<hbm>>
      %dma_start3A_720 = tpu.memref_squeeze %dma_start3A_719 : memref<1x640xf32, #tpu.memory_space<hbm>> -> memref<640xf32, #tpu.memory_space<hbm>>
      %dma_start3A_721 = tpu.memref_slice %arg26[%mul3A_70] : memref<10240xf32, #tpu.memory_space<vmem_shared>> -> memref<640xf32, #tpu.memory_space<vmem_shared>>
      tpu.enqueue_dma source(%dma_start3A_721 : memref<640xf32, #tpu.memory_space<vmem_shared>>) target(%dma_start3A_720 : memref<640xf32, #tpu.memory_space<hbm>>) target_semaphore(%run_scoped3A : memref<!tpu.dma_semaphore, #tpu.memory_space<semaphore_mem>>)
      %dma_wait3A_722 = tpu.memref_slice %arg5[%arg0, %mul3A_70] : memref<2x10240xf32, #tpu.memory_space<hbm>> -> memref<1x640xf32, #tpu.memory_space<hbm>>
      %dma_wait3A_723 = tpu.memref_squeeze %dma_wait3A_722 : memref<1x640xf32, #tpu.memory_space<hbm>> -> memref<640xf32, #tpu.memory_space<hbm>>
      %dma_wait3A_724 = tpu.memref_slice %arg26[%mul3A_70] : memref<10240xf32, #tpu.memory_space<vmem_shared>> -> memref<640xf32, #tpu.memory_space<vmem_shared>>
      tpu.wait_dma2 semaphore(%run_scoped3A : memref<!tpu.dma_semaphore, #tpu.memory_space<semaphore_mem>>) src(%dma_wait3A_724 : memref<640xf32, #tpu.memory_space<vmem_shared>>) dst(%dma_wait3A_723 : memref<640xf32, #tpu.memory_space<hbm>>)
      tpu.yield
    }) : () -> ()
    return
  }
}

module attributes {stable_mosaic.version = 14 : i64} {
  func.func @body(%arg0: i32, %arg1: memref<1000x128xf32, #tpu.memory_space<vmem>>, %arg2: memref<256x128xf32, #tpu.memory_space<vmem>>, %arg3: memref<1x128xf32, #tpu.memory_space<vmem>>, %arg4: memref<1000x128xf32, #tpu.memory_space<vmem>>) attributes {dimension_semantics = [#tpu.dimension_semantics<arbitrary>], iteration_bounds = array<i64: 10>, scalar_prefetch = 0 : i64, scratch_operands = 0 : i64, tpu.core_type = #tpu.core_type<tc>, window_params = [{transform_indices = @transform_0, window_bounds = array<i64: 1000, 128>}, {pipeline_mode = #tpu.pipeline_mode<synchronous>, transform_indices = @transform_1, window_bounds = array<i64: 256, 128>}, {pipeline_mode = #tpu.pipeline_mode<synchronous>, transform_indices = @transform_2, window_bounds = array<i64: 1, 128>}, {transform_indices = @transform_3, window_bounds = array<i64: 1000, 128>}]} {
    %get3A = arith.constant 0 : index
    %get3A_0 = arith.constant 0 : index
    %get3A_1 = vector.load %arg2[%get3A, %get3A_0] : memref<256x128xf32, #tpu.memory_space<vmem>>, vector<128x128xf32>
    %get3A_2 = arith.constant 128 : index
    %get3A_3 = arith.constant 0 : index
    %get3A_4 = vector.load %arg2[%get3A_2, %get3A_3] : memref<256x128xf32, #tpu.memory_space<vmem>>, vector<128x128xf32>
    %get3A_5 = arith.constant 0 : index
    %get3A_6 = arith.constant 0 : index
    %get3A_7 = vector.load %arg1[%get3A_5, %get3A_6] : memref<1000x128xf32, #tpu.memory_space<vmem>>, vector<1000x128xf32>
    %sub3A = arith.subf %get3A_1, %get3A_4 : vector<128x128xf32>
    %dot_general3A = arith.constant dense<0.000000e+00> : vector<1000x128xf32>
    %dot_general3A_8 = tpu.matmul %get3A_7, %sub3A, %dot_general3A {dimension_numbers = #tpu.dot_dimension_numbers<[1], [0], [0], [1], [0, 0, 1, 1], [], []>, transpose_lhs_hint = false} : vector<1000x128xf32>, vector<128x128xf32>, vector<1000x128xf32> -> vector<1000x128xf32>
    %get3A_9 = arith.constant 0 : index
    %get3A_10 = arith.constant 0 : index
    %get3A_11 = vector.load %arg3[%get3A_9, %get3A_10] : memref<1x128xf32, #tpu.memory_space<vmem>>, vector<1x128xf32>
    %add3A = vector.broadcast %get3A_11 : vector<1x128xf32> to vector<1000x128xf32>
    %add3A_12 = arith.addf %dot_general3A_8, %add3A : vector<1000x128xf32>
    %swap3A = arith.constant 0 : index
    %swap3A_13 = arith.constant 0 : index
    %swap3A_14 = vector.load %arg4[%swap3A, %swap3A_13] : memref<1000x128xf32, #tpu.memory_space<vmem>>, vector<1000x128xf32>
    tpu.vector_store %arg4[%swap3A, %swap3A_13], %add3A_12 {strides = array<i32>} : memref<1000x128xf32, #tpu.memory_space<vmem>>, vector<1000x128xf32>,
    return
  }
  func.func @transform_0(%arg0: i32) -> (i32, i32) {
    %c0_i32 = arith.constant 0 : i32
    %c0_i32_0 = arith.constant 0 : i32
    return %arg0, %c0_i32 : i32, i32
  }
  func.func @transform_1(%arg0: i32) -> (i32, i32) {
    %c0_i32 = arith.constant 0 : i32
    %c0_i32_0 = arith.constant 0 : i32
    %c0_i32_1 = arith.constant 0 : i32
    return %c0_i32, %c0_i32_0 : i32, i32
  }
  func.func @transform_2(%arg0: i32) -> (i32, i32) {
    %c0_i32 = arith.constant 0 : i32
    %c0_i32_0 = arith.constant 0 : i32
    %c0_i32_1 = arith.constant 0 : i32
    return %c0_i32, %c0_i32_0 : i32, i32
  }
  func.func @transform_3(%arg0: i32) -> (i32, i32) {
    %c0_i32 = arith.constant 0 : i32
    %c0_i32_0 = arith.constant 0 : i32
    return %arg0, %c0_i32 : i32, i32
  }
}

module attributes {stable_mosaic.version = 14 : i64} {
  func.func @body(%arg0: i32, %arg1: memref<1000x128xf32, #tpu.memory_space<vmem>>, %arg2: memref<256x128xf32, #tpu.memory_space<vmem>>, %arg3: memref<2x1000x128xf32, #tpu.memory_space<vmem>>, %arg4: memref<1000x1xf32, #tpu.memory_space<vmem>>, %arg5: memref<1000x128xf32, #tpu.memory_space<vmem>>) attributes {dimension_semantics = [#tpu.dimension_semantics<arbitrary>], iteration_bounds = array<i64: 10>, scalar_prefetch = 0 : i64, scratch_operands = 0 : i64, tpu.core_type = #tpu.core_type<tc>, window_params = [{transform_indices = @transform_0, window_bounds = array<i64: 1000, 128>}, {pipeline_mode = #tpu.pipeline_mode<synchronous>, transform_indices = @transform_1, window_bounds = array<i64: 256, 128>}, {transform_indices = @transform_2, window_bounds = array<i64: 2, 1000, 128>}, {transform_indices = @transform_3, window_bounds = array<i64: 1000, 1>}, {transform_indices = @transform_4, window_bounds = array<i64: 1000, 128>}]} {
    %get3A = arith.constant 0 : index
    %get3A_0 = arith.constant 0 : index
    %get3A_1 = arith.constant 0 : index
    %get3A_2 = vector.load %arg3[%get3A, %get3A_0, %get3A_1] : memref<2x1000x128xf32, #tpu.memory_space<vmem>>, vector<1x1000x128xf32>
    %get3A_3 = vector.shape_cast %get3A_2 : vector<1x1000x128xf32> to vector<1000x128xf32>
    %get3A_4 = arith.constant 1 : index
    %get3A_5 = arith.constant 0 : index
    %get3A_6 = arith.constant 0 : index
    %get3A_7 = vector.load %arg3[%get3A_4, %get3A_5, %get3A_6] : memref<2x1000x128xf32, #tpu.memory_space<vmem>>, vector<1x1000x128xf32>
    %get3A_8 = vector.shape_cast %get3A_7 : vector<1x1000x128xf32> to vector<1000x128xf32>
    %add3A = arith.addf %get3A_3, %get3A_8 : vector<1000x128xf32>
    %get3A_9 = arith.constant 0 : index
    %get3A_10 = arith.constant 0 : index
    %get3A_11 = vector.load %arg4[%get3A_9, %get3A_10] : memref<1000x1xf32, #tpu.memory_space<vmem>>, vector<1000x1xf32>
    %get3A_12 = arith.constant 128 : index
    %get3A_13 = arith.constant 0 : index
    %get3A_14 = vector.load %arg2[%get3A_12, %get3A_13] : memref<256x128xf32, #tpu.memory_space<vmem>>, vector<128x128xf32>
    %get3A_15 = arith.constant 0 : index
    %get3A_16 = arith.constant 0 : index
    %get3A_17 = vector.load %arg1[%get3A_15, %get3A_16] : memref<1000x128xf32, #tpu.memory_space<vmem>>, vector<1000x128xf32>
    %mul3A = vector.broadcast %get3A_11 : vector<1000x1xf32> to vector<1000x128xf32>
    %mul3A_18 = arith.mulf %mul3A, %get3A_17 : vector<1000x128xf32>
    %dot_general3A = arith.constant dense<0.000000e+00> : vector<1000x128xf32>
    %dot_general3A_19 = tpu.matmul %add3A, %get3A_14, %dot_general3A {dimension_numbers = #tpu.dot_dimension_numbers<[1], [0], [0], [1], [0, 0, 1, 1], [], []>, transpose_lhs_hint = false} : vector<1000x128xf32>, vector<128x128xf32>, vector<1000x128xf32> -> vector<1000x128xf32>
    %add3A_20 = arith.addf %mul3A_18, %dot_general3A_19 : vector<1000x128xf32>
    %swap3A = arith.constant 0 : index
    %swap3A_21 = arith.constant 0 : index
    %swap3A_22 = vector.load %arg5[%swap3A, %swap3A_21] : memref<1000x128xf32, #tpu.memory_space<vmem>>, vector<1000x128xf32>
    tpu.vector_store %arg5[%swap3A, %swap3A_21], %add3A_20 {strides = array<i32>} : memref<1000x128xf32, #tpu.memory_space<vmem>>, vector<1000x128xf32>,
    return
  }
  func.func @transform_0(%arg0: i32) -> (i32, i32) {
    %c0_i32 = arith.constant 0 : i32
    %c0_i32_0 = arith.constant 0 : i32
    return %arg0, %c0_i32 : i32, i32
  }
  func.func @transform_1(%arg0: i32) -> (i32, i32) {
    %c0_i32 = arith.constant 0 : i32
    %c0_i32_0 = arith.constant 0 : i32
    %c0_i32_1 = arith.constant 0 : i32
    return %c0_i32, %c0_i32_0 : i32, i32
  }
  func.func @transform_2(%arg0: i32) -> (i32, i32, i32) {
    %c0_i32 = arith.constant 0 : i32
    %c0_i32_0 = arith.constant 0 : i32
    %c0_i32_1 = arith.constant 0 : i32
    return %c0_i32, %arg0, %c0_i32_0 : i32, i32, i32
  }
  func.func @transform_3(%arg0: i32) -> (i32, i32) {
    %c0_i32 = arith.constant 0 : i32
    %c0_i32_0 = arith.constant 0 : i32
    return %arg0, %c0_i32 : i32, i32
  }
  func.func @transform_4(%arg0: i32) -> (i32, i32) {
    %c0_i32 = arith.constant 0 : i32
    %c0_i32_0 = arith.constant 0 : i32
    return %arg0, %c0_i32 : i32, i32
  }
}

</mosaic_0001>

<sc_bundles>
// kernel: kernel.5.cloned.1.call-start
scs
__scs_entry_jumppad:
0x0: {  	(pc) =	sbr.rel $0x88, $3  }
0x1: {  	(tag) =	ssettag $0x0;
	lr =	simm.s32 $0x1  }
0x2: {  	[smem:$0x3F9D] =	sst lr;
	_ =	strace $0xD0000000  }
0x3: {  	_ = 	snop  }
0x4: {  	_ = 	snop  }
0x5: {  	_ = 	snop  }
0x6: {  	_ = 	snop  }
0x7: {  	_ = 	snop  }
__scs_overlays_trampoline_lowered:
0x8: {  	[smem:$0x3FAC] =	sst s0  }
0x9: {  	[smem:$0x3FAD] =	sst s1  }
0xa: {  	[smem:$0x3FAE] =	sst s2  }
0xb: {  	[smem:$0x3FAF] =	sst s3  }
0xc: {  	[smem:$0x3FB0] =	sst s4  }
0xd: {  	[smem:$0x3FB1] =	sst s5  }
0xe: {  	[smem:$0x3FB2] =	sst s6  }
0xf: {  	[smem:$0x3FB3] =	sst s7  }
0x10: {  	[smem:$0x3FB4] =	sst s8  }
0x11: {  	[smem:$0x3FB5] =	sst s9;
	s0 =	simm.s32 @!p0 $0x0  }
0x12: {  	s1 =	sld [smem:$0x3F9B];
	s0 =	simm.s32 @p0 $0x1  }
0x13: {  	[smem:$0x3FB6] =	sst s0;
	s0 =	simm.s32 @!p1 $0x0  }
0x14: {  	s2 =	sld [smem:$0x3F9A];
	s0 =	simm.s32 @p1 $0x1  }
0x15: {  	[smem:$0x3FB7] =	sst s0;
	s0 =	simm.s32 @!p2 $0x0  }
0x16: {  	s3 =	sld [smem:$0x3FDB];
	s0 =	simm.s32 @p2 $0x1  }
0x17: {  	s4 =	simm.s32 $0x1BF5;
	[smem:$0x3FB9] =	sst s0  }
0x18: {  	s0 =	sld [smem:$0x3F9C];
	_ =	swait.ge [sflag:s4], $0x0  }
0x19: {  	s7 =	sld [smem:$0x3F9D]  }
0x1a: {  	s8 =	sadd.s32 $0xFFFFE003, lr  }
0x1b: {  	s9 =	sadd.s32 $0xFFFFFEF7, lr;
	s5 =	simm.s32 $0xFFFFFFFF;
	p2 =	slt.u32 s8, $0xFFFFF086  }
0x1c: {  	p1 =	slt.u32 s9, $0xF7A;
	s5 =	simm.s32 @!p2 $0x0  }
0x1d: {  	s5 =	simm.s32 @p1 $0x1;
	p0 =	seq.s32 s7, s2  }
0x1e: {  	s7 =	smul.u32 @!p0 $0xF7A, s2;
	p2 =	seq.s32 @!p0 s5, $0x0  }
0x1f: {  	s9 =	smul.u32 $0xF7A, s1;
	s8 =	simm.s32 @!p0 $0x1BF5;
	p2 =	por !p2, p0  }
0x20: {  	[sflag:s8] =	ssyncset.s32 @!p0 $0xFFFFF086;
	s6 =	sadd.s32 @!p0 s3, s7;
	s7 =	simm.s32 @!p0 $0x108  }
0x21: {  	s3 =	sadd.s32 s3, s9;
	s6 =	sadd.s32 @!p0 $0x88, s6;
	s7 =	simm.s32 @p2 $0x1082  }
0x22: {  	[simem:s7], [sflag:s8] =	dma.local @!p0 [hbm:s6], $0xF7A  }
0x23: {  	s9 =	sor.u32 $0xD0000000, s2;
	s6 =	simm.s32 $0x108;
	_ =	swait.ge @!p0 [sflag:s8], $0x0  }
0x24: {  	s3 =	sadd.s32 $0x88, s3;
	s6 =	simm.s32 @!p1 $0x1082;
	[sflag:s4] =	ssyncset.s32 $0xFFFFF086  }
0x25: {  	[simem:s6], [sflag:s4] =	dma.local [hbm:s3], $0xF7A  }
0x26: {  	[smem:$0x3F9D] =	sst s1;
	(tag) =	ssettag s2;
	_ =	strace s9  }
0x27: {  	s1 =	sld [smem:$0x3FAD]  }
0x28: {  	s2 =	sld [smem:$0x3FAE]  }
0x29: {  	s4 =	sld [smem:$0x3FB0]  }
0x2a: {  	p0 =	seq.s32 s5, $0x0;
	s5 =	sld [smem:$0x3FB1]  }
0x2b: {  	s6 =	sld [smem:$0x3FB2]  }
0x2c: {  	s7 =	sld [smem:$0x3FB3]  }
0x2d: {  	s3 =	simm.s32 $0x108;
	s8 =	sld [smem:$0x3FB4]  }
0x2e: {  	s3 =	simm.s32 @!p0 $0x1082;
	s9 =	sld [smem:$0x3FB5]  }
0x2f: {  	lr =	sadd.s32 s0, s3;
	s0 =	sld [smem:$0x3FAC]  }
0x30: {  	s3 =	sld [smem:$0x3FAF]  }
0x31: {  	[smem:$0x3FB8] =	sst s10  }
0x32: {  	s10 =	sld [smem:$0x3FB6];
	_ =	sdelay $0x3  }
0x33: {  	p0 =	seq.s32 s10, $0x1;
	s10 =	sld [smem:$0x3FB8];
	_ =	sdelay $0x3  }
0x34: {  	[smem:$0x3FB8] =	sst s10  }
0x35: {  	s10 =	sld [smem:$0x3FB7];
	_ =	sdelay $0x3  }
0x36: {  	p1 =	seq.s32 s10, $0x1;
	s10 =	sld [smem:$0x3FB8];
	_ =	sdelay $0x3  }
0x37: {  	[smem:$0x3FB8] =	sst s10  }
0x38: {  	s10 =	sld [smem:$0x3FB9]  }
0x39: {  	_ = 	snop;
	(pc) =	sbr.ind lr, $3  }
0x3a: {  	_ = 	snop  }
0x3b: {  	_ = 	snop  }
0x3c: {  	p2 =	seq.s32 s10, $0x1;
	s10 =	sld [smem:$0x3FB8]  }
0x3d: {  	_ =	shalt  }
0x3e: {  	_ =	shalt  }
0x3f: {  	_ =	shalt  }
0x40: {  	_ =	shalt  }
0x41: {  	_ =	shalt  }
0x42: {  	_ =	shalt  }
0x43: {  	_ =	shalt  }
0x44: {  	_ =	shalt  }
0x45: {  	_ =	shalt  }
0x46: {  	_ =	shalt  }
0x47: {  	_ =	shalt  }
0x48: {  	_ =	shalt  }
0x49: {  	_ =	shalt  }
0x4a: {  	_ =	shalt  }
0x4b: {  	_ =	shalt  }
0x4c: {  	_ =	shalt  }
0x4d: {  	_ =	shalt  }
0x4e: {  	_ =	shalt  }
0x4f: {  	_ =	shalt  }
0x50: {  	_ =	shalt  }
0x51: {  	_ =	shalt  }
0x52: {  	_ =	shalt  }
0x53: {  	_ =	shalt  }
0x54: {  	_ =	shalt  }
0x55: {  	_ =	shalt  }
0x56: {  	_ =	shalt  }
0x57: {  	_ =	shalt  }
0x58: {  	_ =	shalt  }
0x59: {  	_ =	shalt  }
0x5a: {  	_ =	shalt  }
0x5b: {  	_ =	shalt  }
0x5c: {  	_ =	shalt  }
0x5d: {  	_ =	shalt  }
0x5e: {  	_ =	shalt  }
0x5f: {  	_ =	shalt  }
0x60: {  	_ =	shalt  }
0x61: {  	_ =	shalt  }
0x62: {  	_ =	shalt  }
0x63: {  	_ =	shalt  }
0x64: {  	_ =	shalt  }
0x65: {  	_ =	shalt  }
0x66: {  	_ =	shalt  }
0x67: {  	_ =	shalt  }
0x68: {  	_ =	shalt  }
0x69: {  	_ =	shalt  }
0x6a: {  	_ =	shalt  }
0x6b: {  	_ =	shalt  }
0x6c: {  	_ =	shalt  }
0x6d: {  	_ =	shalt  }
0x6e: {  	_ =	shalt  }
0x6f: {  	_ =	shalt  }
0x70: {  	_ =	shalt  }
0x71: {  	_ =	shalt  }
0x72: {  	_ =	shalt  }
0x73: {  	_ =	shalt  }
0x74: {  	_ =	shalt  }
0x75: {  	_ =	shalt  }
0x76: {  	_ =	shalt  }
0x77: {  	_ =	shalt  }
0x78: {  	_ =	shalt  }
0x79: {  	_ =	shalt  }
0x7a: {  	_ =	shalt  }
0x7b: {  	_ =	shalt  }
0x7c: {  	_ =	shalt  }
0x7d: {  	_ =	shalt  }
0x7e: {  	_ =	shalt  }
0x7f: {  	_ =	shalt  }
0x80: {  	_ =	shalt  }
0x81: {  	_ =	shalt  }
0x82: {  	_ =	shalt  }
0x83: {  	_ =	shalt  }
0x84: {  	_ =	shalt  }
0x85: {  	_ =	shalt  }
0x86: {  	_ =	shalt  }
0x87: {  	_ =	shalt  }
.Lfunc_end0:
.L_simem_size_0:
called_computation_lowered:
.L_overlay_start_0:
0x88: {  	s2 =	sld [smem:$0x3FD9]  }
0x89: {  	s3 =	sld [smem:$0x3FFE];
	_ =	sdelay $0x1  }
0x8a: {  	s1 =	srdreg.scid  }
0x8b: {  	s0 =	sand.u32 $0x1, s1  }
0x8c: {  	s17 =	sshll.u32 s0, $0xA;
	s2 =	sadd.s32 s3, s2  }
0x8d: {  	s2 =	sadd.s32 s2, s17  }
0x8e: {  	[smem:$0x3FC4] =	sst s2  }
0x8f: {  	_ = 	snop  }
0x90: {  	s2 =	sld [smem:$0x3FC9]  }
0x91: {  	s18 =	sld [smem:$0x3FD0];
	(tm) =	ssettm $0x1  }
0x92: {  	s4 =	sld [smem:$0x3FFB];
	_ =	sdelay $0x3  }
0x93: {  	_ =	strace s4  }
0x94: {  	s4 =	sld [smem:$0x3FFC];
	_ =	sdelay $0x3  }
0x95: {  	_ =	strace s4  }
0x96: {  	s4 =	sld [smem:$0x3FFD];
	_ =	sdelay $0x3  }
0x97: {  	_ =	strace s4  }
0x98: {  	_ =	strace $0x8FFFFFFF  }
0x99: {  	s19 =	sld [smem:$0x3FDB];
	_ =	sdelay $0x1  }
0x9a: {  	s5 =	simm.s32 $_scs_section_size  }
0x9b: {  	s6 =	simm.s32 $_size__tile_overlayer_lowered;
	s7 =	simm.s32 $_tile_overlayer_lowered  }
0x9c: {  	s22 =	simm.s32 $0x1BFF;
	s21 =	sshll.u32 s7, $0x1;
	s4 =	sadd.s32 s5, s19  }
0x9d: {  	s8 =	simm.s32 $0x0;
	s20 =	sshll.u32 s6, $0x1;
	s6 =	sadd.s32 s21, s4  }
0x9e: {  	[timem:s8], [sflag:s22] =	dma.local [hbm:s6], s20  }
0x9f: {  	_ =	swait.ge [sflag:s22], s20  }
0xa0: {  	s5 =	ssub.s32 $0x0, s20;
	[sflag:s22] =	ssyncset.done $0x0  }
0xa1: {  	[sflag:s22] =	ssyncadd.s32 s5;
	_ =	sdelay $0x1  }
0xa2: {  	s23 =	simm.s32 $0x1B8B  }
0xa3: {  	_ =	swait.ge [sflag:s23], $0x1  }
0xa4: {  	[sflag:s23] =	ssyncset.done $0x0  }
0xa5: {  	s25 =	simm.s32 $0x1B8E;
	s24 =	sld [smem:$0x3FFE];
	[sflag:s23] =	ssyncadd.s32 $0xFFFFFFFF  }
0xa6: {  	s26 =	simm.s32 $execute0_lowered;
	[smem:$0x3FD2] =	sst s25  }
0xa7: {  	s6 =	sshll.u32 s26, $0x1;
	_ =	strace $0x80000046;
	[dreg:$0x1] =	wrdreg $0xFFFFFFFF  }
0xa8: {  	s28 =	simm.s32 $_size_execute0_lowered;
	s4 =	sadd.s32 s4, s6;
	[dreg:$0x0] =	wrdreg $0x0  }
0xa9: {  	s6 =	sshll.u32 s28, $0x1;
	[dreg:$0x2] =	wrdreg s4  }
0xaa: {  	[dreg:$0x3] =	wrdreg s6  }
0xab: {  	[dreg:$0x4] =	wrdreg $0xC0  }
0xac: {  	_ =	task [dreg:s8], $0x5FFFF  }
0xad: {  	[dreg:$0x1] =	wrdreg $0xFFFFFFFF  }
0xae: {  	[dreg:$0x0] =	wrdreg $0x60  }
0xaf: {  	[dreg:$0x2] =	wrdreg s2  }
0xb0: {  	[dreg:$0x3] =	wrdreg s18  }
0xb1: {  	[dreg:$0x4] =	wrdreg s24  }
0xb2: {  	[dreg:$0x5] =	wrdreg $0xB9000  }
0xb3: {  	[dreg:$0x6] =	wrdreg $0x1F9000  }
0xb4: {  	[dreg:$0x7] =	wrdreg $0x9  }
0xb5: {  	_ =	task.clear_ibuf [dreg:s8], $0x8FFFF;
	_ =	strace $0x90000046  }
0xb6: {  	s29 =	simm.s32 $0x9;
	_ =	strace $0x80000048  }
0xb7: {  	_ =	swait.ge [sflag:s29], $0x1  }
0xb8: {  	[sflag:s29] =	ssyncadd.s32 $0xFFFFFFFF  }
0xb9: {  	_ =	strace $0x90000048  }
0xba: {  	_ =	sfence  }
0xbb: {  	s30 =	sld [smem:$0x0];
	_ =	sdelay $0x2  }
0xbc: {  	s31 =	sshll.u32 s1, $0xD;
	s1 =	sshrl.u32 s1, $0x2  }
0xbd: {  	s3 =	sand.u32 $0x4000, s31;
	s1 =	sadd.s32 s1, s30  }
0xbe: {  	s0 =	sor.u32 s3, s0;
	s1 =	sshll.u32 s1, $0x11  }
0xbf: {  	s0 =	sor.u32 s1, s0  }
0xc0: {  	s0 =	sadd.s32 $0x8F2B, s0  }
0xc1: {  	[sflag:s0] =	ssyncadd.remote.s32 $0x1  }
0xc2: {  	_ =	sfence.sel $0xFFFF  }
0xc3: {  	[dreg:$0x0] =	wrdreg $0xFFFFFFFF;
	(pc) =	sbr.abs _section_cstart, $3  }
0xc4: {  	[dreg:$0x1] =	wrdreg $0xFFFFFFFF  }
0xc5: {  	_ =	task.clear_ibuf [dreg:s8], $0x2FFFF;
	_ =	strace $0x9FFFFFFF  }
0xc6: {  	(tm) =	ssettm $0x7FFFFFFF  }
0xc7: {  	_ =	shalt  }
tec
execute0_lowered:
.L_overlay_start_1:
0x0: {  	(tag) =	ssettag $0x1  }
0x1: {  	s1 =	rddreg [dreg:$0x0]  }
0x2: {  	s18 =	rddreg [dreg:$0x1]  }
0x3: {  	s2 =	rddreg [dreg:$0x2]  }
0x4: {  	s3 =	rddreg [dreg:$0x3]  }
0x5: {  	s4 =	rddreg [dreg:$0x4]  }
0x6: {  	s0 =	srdreg.scid;
	s6 =	simm.s32 $0x0;
	s12 =	stileid.u32  }
0x7: {  	s29 =	simm.s32 $0x100;
	s31 =	simm.s32 $0x180;
	s5 =	smul.u32 $0x14000, s12  }
0x8: {  	s28 =	simm.s32 $0xB800;
	s9 =	sand.u32 $0x1, s0;
	s7 =	smul.u32 $0x500, s12  }
0x9: {  	[smem:$0x7FF] =	sst s6;
	s8 =	sshll.u32 s12, $0x1;
	s19 =	smul.u32 $0x50000, s12  }
0xa: {  	s0 =	smul.u32 $0x140000, s9;
	_ =	strace $0x80000047;
	s25 =	sshll.u32 s9, $0x7  }
0xb: {  	s8 =	sor.u32 s9, s8;
	s26 =	ssub.s32 $0x2, s9;
	s9 =	smul.u32 $0x2710, s9  }
0xc: {  	s0 =	sadd.s32 s5, s0;
	s5 =	sor.u32 s25, s7;
	s7 =	smul.u32 $0x2710, s8  }
0xd: {  	s30 =	sshrl.u32 s26, $0x1;
	s21 =	sshrl.u32 s19, $0x2;
	s8 =	smul.u32 $0x280, s12  }
0xe: {  	s12 =	smul.u32 $0x4E20, s12;
	s21 =	sadd.s32 s21, s3;
	s0 =	sshrl.u32 s0, $0x3  }
0xf: {  	s5 =	sshrl.u32 s5, $0x3;
	[dreg:$0x1a] =	wrdreg s21;
	s0 =	sadd.s32 s0, s2  }
0x10: {  	s2 =	sadd.s32 s5, s2;
	s10 =	sadd.s32 $0x28, s7;
	s5 =	ssub.s32 s26, s30  }
0x11: {  	s11 =	sshrl.u32 s7, $0x3;
	s15 =	sadd.s32 $0x78, s7;
	s20 =	sadd.s32 $0x118, s7  }
0x12: {  	s9 =	sadd.s32 s9, s12;
	s10 =	sshrl.u32 s10, $0x3;
	s14 =	sadd.s32 s18, s11  }
0x13: {  	s16 =	sshrl.u32 s15, $0x3;
	s11 =	sadd.s32 $0xC8, s7;
	s25 =	sadd.s32 $0x258, s9  }
0x14: {  	s30 =	sadd.s32 $0x230, s9;
	s15 =	sadd.s32 $0x208, s9;
	s0 =	sadd.s32 $0x2000, s0  }
0x15: {  	s7 =	sadd.s32 $0x26E8, s7;
	s13 =	sadd.s32 s18, s10;
	[smem:$0x7F3] =	sst s0  }
0x16: {  	s10 =	sadd.s32 s18, s16;
	s17 =	sshrl.u32 s11, $0x3;
	[dreg:$0x15] =	wrdreg s14  }
0x17: {  	s11 =	sshrl.u32 s25, $0x3;
	s16 =	sshrl.u32 s15, $0x3;
	[dreg:$0x16] =	wrdreg s13  }
0x18: {  	s25 =	sadd.s32 $0x168, s9;
	s7 =	sshrl.u32 s7, $0x3;
	[dreg:$0x17] =	wrdreg s10  }
0x19: {  	s10 =	sadd.s32 s18, s17;
	s13 =	sor.u32 $0x28, s8;
	[dreg:$0x6] =	wrdreg s11  }
0x1a: {  	s17 =	sadd.s32 $0x1E0, s9;
	[dreg:$0x8] =	wrdreg s16;
	s11 =	sshrl.u32 s25, $0x3  }
0x1b: {  	s7 =	sadd.s32 s18, s7;
	[dreg:$0x18] =	wrdreg s10;
	s10 =	sshrl.u32 s20, $0x3  }
0x1c: {  	s22 =	sshll.u32 s13, $0x7;
	s24 =	sadd.s32 s13, s4;
	[dreg:$0xc] =	wrdreg s11  }
0x1d: {  	s13 =	sshrl.u32 s30, $0x3;
	s19 =	sshrl.u32 s17, $0x3;
	[smem:$0x7F2] =	sst s7  }
0x1e: {  	s20 =	sadd.s32 $0x1B8, s9;
	s30 =	sadd.s32 $0x1630, s9;
	[dreg:$0x1c] =	wrdreg s24  }
0x1f: {  	s7 =	simm.s32 $0x0;
	s10 =	sadd.s32 s18, s10;
	[dreg:$0x7] =	wrdreg s13  }
0x20: {  	s23 =	sadd.s32 s22, s3;
	[dreg:$0x9] =	wrdreg s19;
	s22 =	sshrl.u32 s20, $0x3  }
0x21: {  	s16 =	sshrl.u32 s30, $0x3;
	s19 =	sadd.s32 $0x1608, s9;
	[dreg:$0x19] =	wrdreg s10  }
0x22: {  	s30 =	sadd.s32 $0x1590, s9;
	s13 =	sadd.s32 $0x1568, s9;
	[dreg:$0x1b] =	wrdreg s23  }
0x23: {  	s10 =	sor.u32 $0x50, s8;
	s23 =	sadd.s32 $0x190, s9;
	[dreg:$0xa] =	wrdreg s22  }
0x24: {  	s17 =	sadd.s32 s16, s18;
	s20 =	sshrl.u32 s19, $0x3;
	s22 =	sadd.s32 $0x15E0, s9  }
0x25: {  	s19 =	sor.u32 $0x78, s8;
	s24 =	sshrl.u32 s23, $0x3;
	[dreg:$0xe] =	wrdreg s17  }
0x26: {  	s26 =	sshll.u32 s10, $0x7;
	s11 =	sadd.s32 s20, s18;
	[dreg:$0xb] =	wrdreg s24  }
0x27: {  	s23 =	sadd.s32 $0x15B8, s9;
	s10 =	sadd.s32 s10, s4;
	[dreg:$0xf] =	wrdreg s11  }
0x28: {  	s12 =	sadd.s32 s26, s3;
	s26 =	sadd.s32 $0x1658, s9;
	[dreg:$0x1e] =	wrdreg s10  }
0x29: {  	s25 =	sshrl.u32 s23, $0x3;
	s23 =	sadd.s32 $0xA0, s8;
	[dreg:$0x1d] =	wrdreg s12  }
0x2a: {  	s12 =	sshrl.u32 s26, $0x3;
	s26 =	sadd.s32 s25, s18;
	s25 =	sshll.u32 s23, $0x7  }
0x2b: {  	s15 =	sadd.s32 s12, s18;
	s12 =	sshrl.u32 s22, $0x3;
	[dreg:$0x11] =	wrdreg s26  }
0x2c: {  	s22 =	sshll.u32 s19, $0x7;
	s26 =	sadd.s32 s19, s4;
	[dreg:$0xd] =	wrdreg s15  }
0x2d: {  	s10 =	sadd.s32 s25, s3;
	s25 =	sadd.s32 $0x168, s8;
	[smem:$0x7D9] =	sst s26  }
0x2e: {  	s24 =	sadd.s32 s12, s18;
	s12 =	sshrl.u32 s30, $0x3;
	[smem:$0x7DA] =	sst s10  }
0x2f: {  	s15 =	sadd.s32 $0x1540, s9;
	[dreg:$0x10] =	wrdreg s24;
	s11 =	sadd.s32 s12, s18  }
0x30: {  	s30 =	sadd.s32 $0xC8, s8;
	s24 =	sadd.s32 s22, s3;
	[dreg:$0x12] =	wrdreg s11  }
0x31: {  	s12 =	sshrl.u32 s13, $0x3;
	s10 =	sadd.s32 s30, s4;
	[dreg:$0x1f] =	wrdreg s24  }
0x32: {  	s17 =	sshrl.u32 s15, $0x3;
	s16 =	sadd.s32 s12, s18;
	[smem:$0x7DD] =	sst s10  }
0x33: {  	s13 =	sadd.s32 $0xF0, s8;
	s20 =	sadd.s32 s17, s18;
	[dreg:$0x13] =	wrdreg s16  }
0x34: {  	s11 =	sadd.s32 s23, s4;
	s12 =	sshll.u32 s30, $0x7;
	[dreg:$0x14] =	wrdreg s20  }
0x35: {  	s15 =	sshll.u32 s13, $0x7;
	[smem:$0x7DB] =	sst s11;
	s11 =	sadd.s32 s12, s3  }
0x36: {  	s22 =	sadd.s32 $0x140, s8;
	s17 =	sadd.s32 s15, s3;
	[smem:$0x7DC] =	sst s11  }
0x37: {  	s16 =	sadd.s32 $0x118, s8;
	s20 =	sadd.s32 s13, s4;
	[smem:$0x7DE] =	sst s17  }
0x38: {  	s24 =	sshll.u32 s22, $0x7;
	[smem:$0x7DF] =	sst s20;
	s23 =	sadd.s32 s16, s4  }
0x39: {  	s26 =	sshll.u32 s25, $0x7;
	s11 =	sadd.s32 s24, s3;
	[smem:$0x7E1] =	sst s23  }
0x3a: {  	s19 =	sshll.u32 s16, $0x7;
	s16 =	sadd.s32 s25, s4;
	[smem:$0x7E2] =	sst s11  }
0x3b: {  	s30 =	sadd.s32 $0x190, s8;
	s10 =	sadd.s32 s19, s3;
	[smem:$0x7E5] =	sst s16  }
0x3c: {  	s15 =	sshll.u32 s30, $0x7;
	s11 =	sadd.s32 s26, s3;
	[smem:$0x7E0] =	sst s10  }
0x3d: {  	s25 =	sadd.s32 $0x230, s8;
	s19 =	sadd.s32 s30, s4;
	[smem:$0x7E4] =	sst s11  }
0x3e: {  	s17 =	sadd.s32 $0x1B8, s8;
	s13 =	sadd.s32 s25, s4;
	[smem:$0x7E7] =	sst s19  }
0x3f: {  	s24 =	sadd.s32 $0x208, s8;
	s16 =	sadd.s32 $0x1600, s2;
	[smem:$0x7EF] =	sst s13  }
0x40: {  	s30 =	sshll.u32 s25, $0x7;
	s25 =	sadd.s32 $0x1E, s14;
	[smem:$0x7F4] =	sst s16  }
0x41: {  	s20 =	sshll.u32 s17, $0x7;
	s10 =	sadd.s32 s22, s4;
	[smem:$0x7FA] =	sst s25  }
0x42: {  	s26 =	sshll.u32 s24, $0x7;
	s11 =	sadd.s32 s20, s3;
	[smem:$0x7E3] =	sst s10  }
0x43: {  	s2 =	simm.s32 $0x380;
	s19 =	sadd.s32 $0x140, s9;
	[smem:$0x7E8] =	sst s11  }
0x44: {  	s22 =	sadd.s32 $0x1E0, s8;
	s20 =	sadd.s32 $0x9C40, s14;
	[smem:$0x7F6] =	sst s19  }
0x45: {  	s16 =	simm.s32 $0x400;
	s10 =	sadd.s32 s15, s3;
	[smem:$0x7F7] =	sst s20  }
0x46: {  	s9 =	simm.s32 $0x15;
	s12 =	sadd.s32 s22, s4;
	[smem:$0x7E6] =	sst s10  }
0x47: {  	s23 =	sshll.u32 s22, $0x7;
	s22 =	sadd.s32 $0xA, s14;
	[smem:$0x7EB] =	sst s12  }
0x48: {  	s13 =	simm.s32 $0x18;
	s10 =	sadd.s32 s17, s4;
	[smem:$0x7F8] =	sst s22  }
0x49: {  	s20 =	simm.s32 $0x80;
	s12 =	sadd.s32 s26, s3;
	[smem:$0x7E9] =	sst s10  }
0x4a: {  	s19 =	simm.s32 $0x200;
	s17 =	smax.u32 s5, $0x1;
	[smem:$0x7EC] =	sst s12  }
0x4b: {  	s11 =	simm.s32 $0x17;
	s26 =	sadd.s32 $0x9EC0, s14;
	[smem:$0x7F5] =	sst s17  }
0x4c: {  	s22 =	simm.s32 $0x28;
	s10 =	sadd.s32 s23, s3;
	[smem:$0x7FB] =	sst s26  }
0x4d: {  	s5 =	simm.s32 $0x13;
	s12 =	sadd.s32 s30, s3;
	[smem:$0x7EA] =	sst s10  }
0x4e: {  	s23 =	sadd.s32 s8, s4;
	s30 =	sadd.s32 $0x4D8, s14;
	[smem:$0x7EE] =	sst s12  }
0x4f: {  	s8 =	sadd.s32 $0x258, s8;
	s10 =	sadd.s32 s24, s4;
	[smem:$0x7FC] =	sst s30  }
0x50: {  	s15 =	sshll.u32 s8, $0x7;
	s8 =	sadd.s32 s8, s4;
	[smem:$0x7FD] =	sst s23  }
0x51: {  	s24 =	sadd.s32 $0x14, s14;
	s12 =	simm.s32 $0x280;
	[smem:$0x7ED] =	sst s10  }
0x52: {  	s14 =	simm.s32 $0x12;
	s10 =	sadd.s32 s15, s3;
	[smem:$0x7F1] =	sst s8  }
0x53: {  	[smem:$0x7F9] =	sst s24;
	s24 =	simm.s32 $0x300;
	s15 =	simm.s32 $0x11  }
0x54: {  	v0 =	vimm.f32 $1.000000000e+00;
	v1 =	vimm.f32 $0.0e+00;
	s8 =	simm.s32 $0x14;
	[smem:$0x7F0] =	sst s10;
	s10 =	simm.s32 $0x16  }
.LBB2_1:
0x55: {  	s0 =	sld [smem:$0x7F7];
	_ =	sdelay $0x2  }
0x56: {  	[tilespmem:s16], [sflag:$0x10] =	stream.linear.gather [hbm4b:s0+s6], $0x1400, $0x38;
	[tilespmem:$0x1FB80] =	vst v63  }
0x57: {  	s16 =	rddreg [dreg:$0x15]  }
0x58: {  	[tilespmem:s6], [sflag:$0x1] =	stream.linear.gather [hbm4b:s16+s6], $0x28, $0x38;
	[tilespmem:$0x1FB80] =	vst v63  }
0x59: {  	s17 =	rddreg [dreg:$0x16]  }
0x5a: {  	[tilespmem:s20], [sflag:$0x2] =	stream.linear.gather [hbm4b:s17+s6], $0x28, $0x38;
	[tilespmem:$0x1FB80] =	vst v63  }
0x5b: {  	s20 =	sld [smem:$0x7F8];
	_ =	sdelay $0x1  }
0x5c: {  	s25 =	rddreg [dreg:$0x17]  }
0x5d: {  	[tilespmem:s29], [sflag:$0x3] =	stream.linear.gather [hbm4b:s20+s6], $0x28, $0x38;
	[tilespmem:$0x1FB80] =	vst v63  }
0x5e: {  	s26 =	sld [smem:$0x7F9]  }
0x5f: {  	[tilespmem:s31], [sflag:$0x4] =	stream.linear.gather [hbm4b:s25+s6], $0x28, $0x38;
	[tilespmem:$0x1FB80] =	vst v63  }
0x60: {  	s30 =	sld [smem:$0x7FA]  }
0x61: {  	[tilespmem:s19], [sflag:$0x5] =	stream.linear.gather [hbm4b:s26+s6], $0x28, $0x38;
	[tilespmem:$0x1FB80] =	vst v63  }
0x62: {  	s29 =	rddreg [dreg:$0x18]  }
0x63: {  	[tilespmem:s12], [sflag:$0x6] =	stream.linear.gather [hbm4b:s29+s6], $0x28, $0x38;
	[tilespmem:$0x1FB80] =	vst v63  }
0x64: {  	_ = 	snop  }
0x65: {  	[tilespmem:s24], [sflag:$0x7] =	stream.linear.gather [hbm4b:s30+s6], $0x28, $0x38;
	[tilespmem:$0x1FB80] =	vst v63  }
0x66: {  	s31 =	rddreg [dreg:$0x19]  }
0x67: {  	[tilespmem:s2], [sflag:$0x8] =	stream.linear.gather [hbm4b:s31+s6], $0x28, $0x38;
	[tilespmem:$0x1FB80] =	vst v63  }
0x68: {  	[tilespmem:$0xB800] =	vst v0  }
0x69: {  	[tilespmem:$0xB880] =	vst v1  }
0x6a: {  	[tilespmem:$0xB810] =	vst v0  }
0x6b: {  	[tilespmem:$0xB890] =	vst v1  }
0x6c: {  	[tilespmem:$0xB820] =	vst v0  }
0x6d: {  	[smem:$0x7D8] =	sst s7;
	s0 =	simm.s32 $0x0;
	s17 =	simm.s32 $0x200;
	[tilespmem:$0xB8A0] =	vst v1  }
.LBB2_2:
0x6e: {  	p0 =	sne.s32 s17, $0x4E00;
	[tilespmem:s0+$0x1870] =	vst v1  }
0x6f: {  	[tilespmem:s0+$0x1800] =	vst v1  }
0x70: {  	[tilespmem:s0+$0x1810] =	vst v1  }
.Ltmp0:
0x71: {  	[tilespmem:s0+$0x1820] =	vst v1;
	(pc) =	sbr.rel @p0 .LBB2_2-.Ltmp0, $4  }
0x72: {  	[tilespmem:s0+$0x1830] =	vst v1  }
0x73: {  	[tilespmem:s0+$0x1840] =	vst v1  }
0x74: {  	[tilespmem:s0+$0x1850] =	vst v1  }
0x75: {  	[tilespmem:s0+$0x1860] =	vst v1;
	s0 =	sshra.s32 s17, $0x2;
	s17 =	sadd.s32 $0x200, s17  }
0x76: {  	[tilespmem:s0+$0x1870] =	vst v1  }
0x77: {  	[tilespmem:s0+$0x1800] =	vst v1  }
0x78: {  	[tilespmem:s0+$0x1810] =	vst v1  }
0x79: {  	[tilespmem:s0+$0x1820] =	vst v1  }
0x7a: {  	[tilespmem:s0+$0x1830] =	vst v1  }
0x7b: {  	[tilespmem:s0+$0x1840] =	vst v1  }
0x7c: {  	[tilespmem:s0+$0x1850] =	vst v1  }
0x7d: {  	[tilespmem:s0+$0x1860] =	vst v1;
	s20 =	simm.s32 $0x1800  }
0x7e: {  	[spmem:s21] =	stream.linear.scatter [tilespmem:s20], [sflag:$0xA], $0x1400, $0x38;
	[tilespmem:$0x1FB80] =	vst v63  }
0x7f: {  	s2 =	simm.s32 $0xB880;
	s12 =	rddreg [dreg:$0x1b]  }
0x80: {  	[spmem:s23] =	stream.linear.scatter [tilespmem:s2], [sflag:$0xC], $0x28, $0x38;
	[tilespmem:$0x1FB80] =	vst v63  }
0x81: {  	s16 =	rddreg [dreg:$0x1c]  }
0x82: {  	[spmem:s12] =	stream.linear.scatter [tilespmem:s20], [sflag:$0xB], $0x1400, $0x38;
	[tilespmem:$0x1FB80] =	vst v63  }
0x83: {  	s17 =	rddreg [dreg:$0x1d]  }
0x84: {  	[spmem:s16] =	stream.linear.scatter [tilespmem:s2], [sflag:$0xC], $0x28, $0x38;
	[tilespmem:$0x1FB80] =	vst v63  }
0x85: {  	s19 =	rddreg [dreg:$0x1e]  }
0x86: {  	[spmem:s17] =	stream.linear.scatter [tilespmem:s20], [sflag:$0xA], $0x1400, $0x38;
	[tilespmem:$0x1FB80] =	vst v63  }
0x87: {  	s21 =	rddreg [dreg:$0x1f]  }
0x88: {  	[spmem:s19] =	stream.linear.scatter [tilespmem:s2], [sflag:$0xC], $0x28, $0x38;
	[tilespmem:$0x1FB80] =	vst v63  }
0x89: {  	s23 =	sld [smem:$0x7D9]  }
0x8a: {  	[spmem:s21] =	stream.linear.scatter [tilespmem:s20], [sflag:$0xB], $0x1400, $0x38;
	[tilespmem:$0x1FB80] =	vst v63  }
0x8b: {  	s24 =	sld [smem:$0x7DA]  }
0x8c: {  	[spmem:s23] =	stream.linear.scatter [tilespmem:s2], [sflag:$0xC], $0x28, $0x38;
	[tilespmem:$0x1FB80] =	vst v63  }
0x8d: {  	s25 =	sld [smem:$0x7DB]  }
0x8e: {  	[spmem:s24] =	stream.linear.scatter [tilespmem:s20], [sflag:$0xA], $0x1400, $0x38;
	[tilespmem:$0x1FB80] =	vst v63  }
0x8f: {  	s26 =	sld [smem:$0x7DC]  }
0x90: {  	[spmem:s25] =	stream.linear.scatter [tilespmem:s2], [sflag:$0xC], $0x28, $0x38;
	[tilespmem:$0x1FB80] =	vst v63  }
0x91: {  	s29 =	sld [smem:$0x7DD]  }
0x92: {  	[spmem:s26] =	stream.linear.scatter [tilespmem:s20], [sflag:$0xB], $0x1400, $0x38;
	[tilespmem:$0x1FB80] =	vst v63  }
0x93: {  	s30 =	sld [smem:$0x7DE]  }
0x94: {  	[spmem:s29] =	stream.linear.scatter [tilespmem:s2], [sflag:$0xC], $0x28, $0x38;
	[tilespmem:$0x1FB80] =	vst v63  }
0x95: {  	s31 =	sld [smem:$0x7DF]  }
0x96: {  	[spmem:s30] =	stream.linear.scatter [tilespmem:s20], [sflag:$0xA], $0x1400, $0x38;
	[tilespmem:$0x1FB80] =	vst v63  }
0x97: {  	s7 =	sld [smem:$0x7E0]  }
0x98: {  	[spmem:s31] =	stream.linear.scatter [tilespmem:s2], [sflag:$0xC], $0x28, $0x38;
	[tilespmem:$0x1FB80] =	vst v63  }
0x99: {  	s12 =	sld [smem:$0x7E1]  }
0x9a: {  	[spmem:s7] =	stream.linear.scatter [tilespmem:s20], [sflag:$0xB], $0x1400, $0x38;
	[tilespmem:$0x1FB80] =	vst v63  }
0x9b: {  	s16 =	sld [smem:$0x7E2]  }
0x9c: {  	[spmem:s12] =	stream.linear.scatter [tilespmem:s2], [sflag:$0xC], $0x28, $0x38;
	[tilespmem:$0x1FB80] =	vst v63  }
0x9d: {  	s17 =	sld [smem:$0x7E3]  }
0x9e: {  	[spmem:s16] =	stream.linear.scatter [tilespmem:s20], [sflag:$0xA], $0x1400, $0x38;
	[tilespmem:$0x1FB80] =	vst v63  }
0x9f: {  	s19 =	sld [smem:$0x7E4]  }
0xa0: {  	[spmem:s17] =	stream.linear.scatter [tilespmem:s2], [sflag:$0xC], $0x28, $0x38;
	[tilespmem:$0x1FB80] =	vst v63  }
0xa1: {  	s21 =	sld [smem:$0x7E5]  }
0xa2: {  	[spmem:s19] =	stream.linear.scatter [tilespmem:s20], [sflag:$0xB], $0x1400, $0x38;
	[tilespmem:$0x1FB80] =	vst v63  }
0xa3: {  	s23 =	sld [smem:$0x7E6]  }
0xa4: {  	[spmem:s21] =	stream.linear.scatter [tilespmem:s2], [sflag:$0xC], $0x28, $0x38;
	[tilespmem:$0x1FB80] =	vst v63  }
0xa5: {  	s24 =	sld [smem:$0x7E7]  }
0xa6: {  	[spmem:s23] =	stream.linear.scatter [tilespmem:s20], [sflag:$0xA], $0x1400, $0x38;
	[tilespmem:$0x1FB80] =	vst v63  }
0xa7: {  	s25 =	sld [smem:$0x7E8]  }
0xa8: {  	[spmem:s24] =	stream.linear.scatter [tilespmem:s2], [sflag:$0xC], $0x28, $0x38;
	[tilespmem:$0x1FB80] =	vst v63  }
0xa9: {  	s26 =	sld [smem:$0x7E9]  }
0xaa: {  	[spmem:s25] =	stream.linear.scatter [tilespmem:s20], [sflag:$0xB], $0x1400, $0x38;
	[tilespmem:$0x1FB80] =	vst v63  }
0xab: {  	s29 =	sld [smem:$0x7EA]  }
0xac: {  	[spmem:s26] =	stream.linear.scatter [tilespmem:s2], [sflag:$0xC], $0x28, $0x38;
	[tilespmem:$0x1FB80] =	vst v63  }
0xad: {  	s30 =	sld [smem:$0x7EB]  }
0xae: {  	[spmem:s29] =	stream.linear.scatter [tilespmem:s20], [sflag:$0xA], $0x1400, $0x38;
	[tilespmem:$0x1FB80] =	vst v63  }
0xaf: {  	s31 =	sld [smem:$0x7EC]  }
0xb0: {  	[spmem:s30] =	stream.linear.scatter [tilespmem:s2], [sflag:$0xC], $0x28, $0x38;
	[tilespmem:$0x1FB80] =	vst v63  }
0xb1: {  	s7 =	sld [smem:$0x7ED]  }
0xb2: {  	[spmem:s31] =	stream.linear.scatter [tilespmem:s20], [sflag:$0xB], $0x1400, $0x38;
	[tilespmem:$0x1FB80] =	vst v63  }
0xb3: {  	s12 =	sld [smem:$0x7EE]  }
0xb4: {  	[spmem:s7] =	stream.linear.scatter [tilespmem:s2], [sflag:$0xC], $0x28, $0x38;
	[tilespmem:$0x1FB80] =	vst v63  }
0xb5: {  	s16 =	sld [smem:$0x7EF]  }
0xb6: {  	[spmem:s12] =	stream.linear.scatter [tilespmem:s20], [sflag:$0xA], $0x1400, $0x38;
	[tilespmem:$0x1FB80] =	vst v63  }
0xb7: {  	s17 =	sld [smem:$0x7F0]  }
0xb8: {  	[spmem:s16] =	stream.linear.scatter [tilespmem:s2], [sflag:$0xC], $0x28, $0x38;
	[tilespmem:$0x1FB80] =	vst v63  }
0xb9: {  	s19 =	sld [smem:$0x7F1]  }
0xba: {  	[spmem:s17] =	stream.linear.scatter [tilespmem:s20], [sflag:$0xB], $0x1400, $0x38;
	[tilespmem:$0x1FB80] =	vst v63  }
0xbb: {  	_ = 	snop  }
0xbc: {  	[spmem:s19] =	stream.linear.scatter [tilespmem:s2], [sflag:$0xC], $0x28, $0x38;
	[tilespmem:$0x1FB80] =	vst v63  }
0xbd: {  	s2 =	simm.s32 $0x10  }
0xbe: {  	_ =	swait.ge [sflag:s2], $0x1400  }
0xbf: {  	[sflag:s2] =	ssyncset.done $0x0  }
0xc0: {  	s7 =	simm.s32 $0xA;
	[sflag:s2] =	ssyncadd.s32 $0xFFFFEC00  }
0xc1: {  	_ =	swait.ge [sflag:s7], $0x1400  }
0xc2: {  	[sflag:s7] =	ssyncset.done $0x0  }
0xc3: {  	s12 =	simm.s32 $0xC;
	[sflag:s7] =	ssyncadd.s32 $0xFFFFEC00  }
0xc4: {  	_ =	swait.ge [sflag:s12], $0x28  }
0xc5: {  	[sflag:s12] =	ssyncset.done $0x0  }
0xc6: {  	s16 =	simm.s32 $0xB;
	[sflag:s12] =	ssyncadd.s32 $0xFFFFFFD8  }
0xc7: {  	_ =	swait.ge [sflag:s16], $0x1400  }
0xc8: {  	[sflag:s16] =	ssyncset.done $0x0  }
0xc9: {  	[sflag:s16] =	ssyncadd.s32 $0xFFFFEC00  }
0xca: {  	_ =	swait.ge [sflag:s12], $0x28  }
0xcb: {  	[sflag:s12] =	ssyncset.done $0x0  }
0xcc: {  	[sflag:s12] =	ssyncadd.s32 $0xFFFFFFD8  }
0xcd: {  	_ =	swait.ge [sflag:s7], $0x1400  }
0xce: {  	[sflag:s7] =	ssyncset.done $0x0  }
0xcf: {  	[sflag:s7] =	ssyncadd.s32 $0xFFFFEC00  }
0xd0: {  	_ =	swait.ge [sflag:s12], $0x28  }
0xd1: {  	[sflag:s12] =	ssyncset.done $0x0  }
0xd2: {  	[sflag:s12] =	ssyncadd.s32 $0xFFFFFFD8  }
0xd3: {  	_ =	swait.ge [sflag:s16], $0x1400  }
0xd4: {  	[sflag:s16] =	ssyncset.done $0x0  }
0xd5: {  	[sflag:s16] =	ssyncadd.s32 $0xFFFFEC00  }
0xd6: {  	_ =	swait.ge [sflag:s12], $0x28  }
0xd7: {  	[sflag:s12] =	ssyncset.done $0x0  }
0xd8: {  	[sflag:s12] =	ssyncadd.s32 $0xFFFFFFD8  }
0xd9: {  	_ =	swait.ge [sflag:s7], $0x1400  }
0xda: {  	[sflag:s7] =	ssyncset.done $0x0  }
0xdb: {  	[sflag:s7] =	ssyncadd.s32 $0xFFFFEC00  }
0xdc: {  	_ =	swait.ge [sflag:s12], $0x28  }
0xdd: {  	[sflag:s12] =	ssyncset.done $0x0  }
0xde: {  	[sflag:s12] =	ssyncadd.s32 $0xFFFFFFD8  }
0xdf: {  	_ =	swait.ge [sflag:s16], $0x1400  }
0xe0: {  	[sflag:s16] =	ssyncset.done $0x0  }
0xe1: {  	[sflag:s16] =	ssyncadd.s32 $0xFFFFEC00  }
0xe2: {  	_ =	swait.ge [sflag:s12], $0x28  }
0xe3: {  	[sflag:s12] =	ssyncset.done $0x0  }
0xe4: {  	[sflag:s12] =	ssyncadd.s32 $0xFFFFFFD8  }
0xe5: {  	_ =	swait.ge [sflag:s7], $0x1400  }
0xe6: {  	[sflag:s7] =	ssyncset.done $0x0  }
0xe7: {  	[sflag:s7] =	ssyncadd.s32 $0xFFFFEC00  }
0xe8: {  	_ =	swait.ge [sflag:s12], $0x28  }
0xe9: {  	[sflag:s12] =	ssyncset.done $0x0  }
0xea: {  	[sflag:s12] =	ssyncadd.s32 $0xFFFFFFD8  }
0xeb: {  	_ =	swait.ge [sflag:s16], $0x1400  }
0xec: {  	[sflag:s16] =	ssyncset.done $0x0  }
0xed: {  	[sflag:s16] =	ssyncadd.s32 $0xFFFFEC00  }
0xee: {  	_ =	swait.ge [sflag:s12], $0x28  }
0xef: {  	[sflag:s12] =	ssyncset.done $0x0  }
0xf0: {  	[sflag:s12] =	ssyncadd.s32 $0xFFFFFFD8  }
0xf1: {  	_ =	swait.ge [sflag:s7], $0x1400  }
0xf2: {  	[sflag:s7] =	ssyncset.done $0x0  }
0xf3: {  	[sflag:s7] =	ssyncadd.s32 $0xFFFFEC00  }
0xf4: {  	_ =	swait.ge [sflag:s12], $0x28  }
0xf5: {  	[sflag:s12] =	ssyncset.done $0x0  }
0xf6: {  	[sflag:s12] =	ssyncadd.s32 $0xFFFFFFD8  }
0xf7: {  	_ =	swait.ge [sflag:s16], $0x1400  }
0xf8: {  	[sflag:s16] =	ssyncset.done $0x0  }
0xf9: {  	[sflag:s16] =	ssyncadd.s32 $0xFFFFEC00  }
0xfa: {  	_ =	swait.ge [sflag:s12], $0x28  }
0xfb: {  	[sflag:s12] =	ssyncset.done $0x0  }
0xfc: {  	[sflag:s12] =	ssyncadd.s32 $0xFFFFFFD8  }
0xfd: {  	_ =	swait.ge [sflag:s7], $0x1400  }
0xfe: {  	[sflag:s7] =	ssyncset.done $0x0  }
0xff: {  	[sflag:s7] =	ssyncadd.s32 $0xFFFFEC00  }
0x100: {  	_ =	swait.ge [sflag:s12], $0x28  }
0x101: {  	[sflag:s12] =	ssyncset.done $0x0  }
0x102: {  	[sflag:s12] =	ssyncadd.s32 $0xFFFFFFD8  }
0x103: {  	_ =	swait.ge [sflag:s16], $0x1400  }
0x104: {  	[sflag:s16] =	ssyncset.done $0x0  }
0x105: {  	[sflag:s16] =	ssyncadd.s32 $0xFFFFEC00  }
0x106: {  	_ =	swait.ge [sflag:s12], $0x28  }
0x107: {  	[sflag:s12] =	ssyncset.done $0x0  }
0x108: {  	[sflag:s12] =	ssyncadd.s32 $0xFFFFFFD8  }
0x109: {  	_ =	swait.ge [sflag:s7], $0x1400  }
0x10a: {  	[sflag:s7] =	ssyncset.done $0x0  }
0x10b: {  	[sflag:s7] =	ssyncadd.s32 $0xFFFFEC00  }
0x10c: {  	_ =	swait.ge [sflag:s12], $0x28  }
0x10d: {  	[sflag:s12] =	ssyncset.done $0x0  }
0x10e: {  	[sflag:s12] =	ssyncadd.s32 $0xFFFFFFD8  }
0x10f: {  	_ =	swait.ge [sflag:s16], $0x1400  }
0x110: {  	[sflag:s16] =	ssyncset.done $0x0  }
0x111: {  	[sflag:s16] =	ssyncadd.s32 $0xFFFFEC00  }
0x112: {  	_ =	swait.ge [sflag:s12], $0x28  }
0x113: {  	[sflag:s12] =	ssyncset.done $0x0  }
0x114: {  	[sflag:s12] =	ssyncadd.s32 $0xFFFFFFD8  }
0x115: {  	_ =	swait.ge [sflag:s7], $0x1400  }
0x116: {  	[sflag:s7] =	ssyncset.done $0x0  }
0x117: {  	[sflag:s7] =	ssyncadd.s32 $0xFFFFEC00  }
0x118: {  	_ =	swait.ge [sflag:s12], $0x28  }
0x119: {  	[sflag:s12] =	ssyncset.done $0x0  }
0x11a: {  	[sflag:s12] =	ssyncadd.s32 $0xFFFFFFD8  }
0x11b: {  	_ =	swait.ge [sflag:s16], $0x1400  }
0x11c: {  	[sflag:s16] =	ssyncset.done $0x0  }
0x11d: {  	[sflag:s16] =	ssyncadd.s32 $0xFFFFEC00  }
0x11e: {  	_ =	swait.ge [sflag:s12], $0x28  }
0x11f: {  	[sflag:s12] =	ssyncset.done $0x0  }
0x120: {  	[sflag:s12] =	ssyncadd.s32 $0xFFFFFFD8  }
0x121: {  	s25 =	simm.s32 $0x1;
	[bflag:$0x0] =	sbarrier.arrive $0xFFFF  }
0x122: {  	_ =	swait.ge [sflag:s25], $0x28  }
0x123: {  	[sflag:s25] =	ssyncset.done $0x0  }
0x124: {  	s21 =	simm.s32 $0x400;
	s23 =	simm.s32 $0x2;
	[sflag:s25] =	ssyncadd.s32 $0xFFFFFFD8  }
0x125: {  	[tilespmem:s20], [sflag:$0x9] =	stream.indirect.gather [hbm4b:s1+s22], $0x80, s21, s22, $0xb8;
	[tilespmem:$0x1FB80] =	vst v63  }
0x126: {  	_ =	swait.ge [sflag:s23], $0x28  }
0x127: {  	s24 =	simm.s32 $0x428;
	[sflag:s23] =	ssyncset.done $0x0  }
0x128: {  	s26 =	simm.s32 $0x3;
	s29 =	simm.s32 $0x2C00;
	[sflag:s23] =	ssyncadd.s32 $0xFFFFFFD8  }
0x129: {  	[tilespmem:s29], [sflag:$0xA] =	stream.indirect.gather [hbm4b:s1+s22], $0x80, s24, s22, $0xb8;
	[tilespmem:$0x1FB80] =	vst v63  }
0x12a: {  	_ =	swait.ge [sflag:s26], $0x28  }
0x12b: {  	s30 =	simm.s32 $0x450;
	[sflag:s26] =	ssyncset.done $0x0  }
0x12c: {  	s31 =	simm.s32 $0x4;
	s17 =	simm.s32 $0x4000;
	[sflag:s26] =	ssyncadd.s32 $0xFFFFFFD8  }
0x12d: {  	[tilespmem:s17], [sflag:$0xB] =	stream.indirect.gather [hbm4b:s1+s22], $0x80, s30, s22, $0xb8;
	[tilespmem:$0x1FB80] =	vst v63  }
0x12e: {  	_ =	swait.ge [sflag:s31], $0x28  }
0x12f: {  	s19 =	simm.s32 $0x478;
	[sflag:s31] =	ssyncset.done $0x0  }
0x130: {  	s21 =	simm.s32 $0x5400;
	s23 =	simm.s32 $0x5;
	[sflag:s31] =	ssyncadd.s32 $0xFFFFFFD8  }
0x131: {  	[tilespmem:s21], [sflag:$0xC] =	stream.indirect.gather [hbm4b:s1+s22], $0x80, s19, s22, $0xb8;
	[tilespmem:$0x1FB80] =	vst v63  }
0x132: {  	_ =	swait.ge [sflag:s23], $0x28  }
0x133: {  	s24 =	simm.s32 $0x4A0;
	[sflag:s23] =	ssyncset.done $0x0  }
0x134: {  	s26 =	simm.s32 $0x6;
	[sflag:s23] =	ssyncadd.s32 $0xFFFFFFD8;
	s23 =	simm.s32 $0x6800  }
0x135: {  	[tilespmem:s23], [sflag:$0xD] =	stream.indirect.gather [hbm4b:s1+s22], $0x80, s24, s22, $0xb8;
	[tilespmem:$0x1FB80] =	vst v63  }
0x136: {  	_ =	swait.ge [sflag:s26], $0x28  }
0x137: {  	s30 =	simm.s32 $0x4C8;
	[sflag:s26] =	ssyncset.done $0x0  }
0x138: {  	s31 =	simm.s32 $0x7;
	s24 =	simm.s32 $0x7C00;
	[sflag:s26] =	ssyncadd.s32 $0xFFFFFFD8  }
0x139: {  	[tilespmem:s24], [sflag:$0xE] =	stream.indirect.gather [hbm4b:s1+s22], $0x80, s30, s22, $0xb8;
	[tilespmem:$0x1FB80] =	vst v63  }
0x13a: {  	_ =	swait.ge [sflag:s31], $0x28  }
0x13b: {  	s19 =	simm.s32 $0x4F0;
	[sflag:s31] =	ssyncset.done $0x0  }
0x13c: {  	s26 =	simm.s32 $0x9000;
	s30 =	simm.s32 $0x8;
	[sflag:s31] =	ssyncadd.s32 $0xFFFFFFD8  }
0x13d: {  	[tilespmem:s26], [sflag:$0xF] =	stream.indirect.gather [hbm4b:s1+s22], $0x80, s19, s22, $0xb8;
	[tilespmem:$0x1FB80] =	vst v63  }
0x13e: {  	_ =	swait.ge [sflag:s30], $0x28  }
0x13f: {  	s31 =	simm.s32 $0x518;
	[sflag:s30] =	ssyncset.done $0x0  }
0x140: {  	s19 =	simm.s32 $0x9;
	[sflag:s30] =	ssyncadd.s32 $0xFFFFFFD8;
	s30 =	simm.s32 $0xA400  }
0x141: {  	[tilespmem:s30], [sflag:$0x10] =	stream.indirect.gather [hbm4b:s1+s22], $0x80, s31, s22, $0xb8;
	[tilespmem:$0x1FB80] =	vst v63  }
0x142: {  	_ =	swait.ge [sflag:s19], $0x1400  }
0x143: {  	[sflag:s19] =	ssyncset.done $0x0  }
0x144: {  	[sflag:s19] =	ssyncadd.s32 $0xFFFFEC00  }
0x145: {  	[spmem:s3] =	stream.indirect.scatter.add.f32 [tilespmem:s20], [sflag:$0x11], $0x80, s6, s22, $0xb8;
	[tilespmem:$0x1FB80] =	vst v63  }
0x146: {  	_ = 	snop  }
0x147: {  	[spmem:s4] =	stream.indirect.scatter.add.f32 [tilespmem:s28], [sflag:$0x11], $0x1, s6, s22, $0xb8;
	[tilespmem:$0x1FB80] =	vst v63  }
0x148: {  	_ =	swait.ge [sflag:s7], $0x1400  }
0x149: {  	[sflag:s7] =	ssyncset.done $0x0  }
0x14a: {  	s19 =	simm.s32 $0x80;
	[sflag:s7] =	ssyncadd.s32 $0xFFFFEC00  }
0x14b: {  	[spmem:s3] =	stream.indirect.scatter.add.f32 [tilespmem:s29], [sflag:$0x12], $0x80, s19, s22, $0xb8;
	[tilespmem:$0x1FB80] =	vst v63  }
0x14c: {  	_ = 	snop  }
0x14d: {  	[spmem:s4] =	stream.indirect.scatter.add.f32 [tilespmem:s28], [sflag:$0x12], $0x1, s19, s22, $0xb8;
	[tilespmem:$0x1FB80] =	vst v63  }
0x14e: {  	_ =	swait.ge [sflag:s16], $0x1400  }
0x14f: {  	[sflag:s16] =	ssyncset.done $0x0  }
0x150: {  	s20 =	simm.s32 $0x100;
	[sflag:s16] =	ssyncadd.s32 $0xFFFFEC00  }
0x151: {  	[spmem:s3] =	stream.indirect.scatter.add.f32 [tilespmem:s17], [sflag:$0x13], $0x80, s20, s22, $0xb8;
	[tilespmem:$0x1FB80] =	vst v63  }
0x152: {  	_ = 	snop  }
0x153: {  	[spmem:s4] =	stream.indirect.scatter.add.f32 [tilespmem:s28], [sflag:$0x13], $0x1, s20, s22, $0xb8;
	[tilespmem:$0x1FB80] =	vst v63  }
0x154: {  	_ =	swait.ge [sflag:s12], $0x1400  }
0x155: {  	[sflag:s12] =	ssyncset.done $0x0  }
0x156: {  	s17 =	simm.s32 $0x180;
	[sflag:s12] =	ssyncadd.s32 $0xFFFFEC00  }
0x157: {  	[spmem:s3] =	stream.indirect.scatter.add.f32 [tilespmem:s21], [sflag:$0x14], $0x80, s17, s22, $0xb8;
	[tilespmem:$0x1FB80] =	vst v63  }
0x158: {  	s21 =	simm.s32 $0xD  }
0x159: {  	[spmem:s4] =	stream.indirect.scatter.add.f32 [tilespmem:s28], [sflag:$0x14], $0x1, s17, s22, $0xb8;
	[tilespmem:$0x1FB80] =	vst v63  }
0x15a: {  	_ =	swait.ge [sflag:s21], $0x1400  }
0x15b: {  	[sflag:s21] =	ssyncset.done $0x0  }
0x15c: {  	s16 =	simm.s32 $0x200;
	[sflag:s21] =	ssyncadd.s32 $0xFFFFEC00  }
0x15d: {  	[spmem:s3] =	stream.indirect.scatter.add.f32 [tilespmem:s23], [sflag:$0x15], $0x80, s16, s22, $0xb8;
	[tilespmem:$0x1FB80] =	vst v63  }
0x15e: {  	s23 =	simm.s32 $0xE  }
0x15f: {  	[spmem:s4] =	stream.indirect.scatter.add.f32 [tilespmem:s28], [sflag:$0x15], $0x1, s16, s22, $0xb8;
	[tilespmem:$0x1FB80] =	vst v63  }
0x160: {  	_ =	swait.ge [sflag:s23], $0x1400  }
0x161: {  	[sflag:s23] =	ssyncset.done $0x0  }
0x162: {  	s12 =	simm.s32 $0x280;
	[sflag:s23] =	ssyncadd.s32 $0xFFFFEC00  }
0x163: {  	[spmem:s3] =	stream.indirect.scatter.add.f32 [tilespmem:s24], [sflag:$0x16], $0x80, s12, s22, $0xb8;
	[tilespmem:$0x1FB80] =	vst v63  }
0x164: {  	s29 =	simm.s32 $0xF  }
0x165: {  	[spmem:s4] =	stream.indirect.scatter.add.f32 [tilespmem:s28], [sflag:$0x16], $0x1, s12, s22, $0xb8;
	[tilespmem:$0x1FB80] =	vst v63  }
0x166: {  	_ =	swait.ge [sflag:s29], $0x1400  }
0x167: {  	[sflag:s29] =	ssyncset.done $0x0  }
0x168: {  	s7 =	simm.s32 $0x300;
	[sflag:s29] =	ssyncadd.s32 $0xFFFFEC00  }
0x169: {  	[spmem:s3] =	stream.indirect.scatter.add.f32 [tilespmem:s26], [sflag:$0x17], $0x80, s7, s22, $0xb8;
	[tilespmem:$0x1FB80] =	vst v63  }
0x16a: {  	_ = 	snop  }
0x16b: {  	[spmem:s4] =	stream.indirect.scatter.add.f32 [tilespmem:s28], [sflag:$0x17], $0x1, s7, s22, $0xb8;
	[tilespmem:$0x1FB80] =	vst v63  }
0x16c: {  	_ =	swait.ge [sflag:s2], $0x1400  }
0x16d: {  	[sflag:s2] =	ssyncset.done $0x0  }
0x16e: {  	[sflag:s2] =	ssyncadd.s32 $0xFFFFEC00;
	s2 =	simm.s32 $0x380  }
0x16f: {  	[spmem:s3] =	stream.indirect.scatter.add.f32 [tilespmem:s30], [sflag:$0x18], $0x80, s2, s22, $0xb8;
	[tilespmem:$0x1FB80] =	vst v63  }
0x170: {  	_ = 	snop  }
0x171: {  	[spmem:s4] =	stream.indirect.scatter.add.f32 [tilespmem:s28], [sflag:$0x18], $0x1, s2, s22, $0xb8;
	[tilespmem:$0x1FB80] =	vst v63  }
0x172: {  	_ =	swait.ge [sflag:s15], $0x1400  }
0x173: {  	[sflag:s15] =	ssyncset.done $0x0  }
0x174: {  	[sflag:s15] =	ssyncadd.s32 $0xFFFFEC00  }
0x175: {  	_ =	swait.ge [sflag:s15], $0x28  }
0x176: {  	s21 =	sld [smem:$0x7F6];
	_ =	sdelay $0x2  }
0x177: {  	[sflag:s15] =	ssyncset.done $0x0;
	s30 =	sshrl.u32 s21, $0x3  }
0x178: {  	[sflag:s15] =	ssyncadd.s32 $0xFFFFFFD8;
	s0 =	sadd.s32 s18, s30  }
0x179: {  	[tilespmem:s6], [sflag:$0x1] =	stream.linear.gather [hbm4b:s0+s6], $0x28, $0x38;
	[tilespmem:$0x1FB80] =	vst v63  }
0x17a: {  	_ =	swait.ge [sflag:s14], $0x1400  }
0x17b: {  	[sflag:s14] =	ssyncset.done $0x0  }
0x17c: {  	[sflag:s14] =	ssyncadd.s32 $0xFFFFEC00  }
0x17d: {  	_ =	swait.ge [sflag:s14], $0x28  }
0x17e: {  	s31 =	rddreg [dreg:$0xc];
	[sflag:s14] =	ssyncset.done $0x0  }
0x17f: {  	[sflag:s14] =	ssyncadd.s32 $0xFFFFFFD8;
	s0 =	sadd.s32 s18, s31  }
0x180: {  	[tilespmem:s19], [sflag:$0x2] =	stream.linear.gather [hbm4b:s0+s6], $0x28, $0x38;
	[tilespmem:$0x1FB80] =	vst v63  }
0x181: {  	_ =	swait.ge [sflag:s5], $0x1400  }
0x182: {  	[sflag:s5] =	ssyncset.done $0x0  }
0x183: {  	[sflag:s5] =	ssyncadd.s32 $0xFFFFEC00  }
0x184: {  	_ =	swait.ge [sflag:s5], $0x28  }
0x185: {  	s19 =	rddreg [dreg:$0xb];
	[sflag:s5] =	ssyncset.done $0x0  }
0x186: {  	[sflag:s5] =	ssyncadd.s32 $0xFFFFFFD8;
	s0 =	sadd.s32 s18, s19  }
0x187: {  	[tilespmem:s20], [sflag:$0x3] =	stream.linear.gather [hbm4b:s0+s6], $0x28, $0x38;
	[tilespmem:$0x1FB80] =	vst v63  }
0x188: {  	_ =	swait.ge [sflag:s8], $0x1400  }
0x189: {  	[sflag:s8] =	ssyncset.done $0x0  }
0x18a: {  	[sflag:s8] =	ssyncadd.s32 $0xFFFFEC00  }
0x18b: {  	_ =	swait.ge [sflag:s8], $0x28  }
0x18c: {  	s23 =	rddreg [dreg:$0xa];
	[sflag:s8] =	ssyncset.done $0x0  }
0x18d: {  	[sflag:s8] =	ssyncadd.s32 $0xFFFFFFD8;
	s0 =	sadd.s32 s18, s23  }
0x18e: {  	[tilespmem:s17], [sflag:$0x4] =	stream.linear.gather [hbm4b:s0+s6], $0x28, $0x38;
	[tilespmem:$0x1FB80] =	vst v63  }
0x18f: {  	_ =	swait.ge [sflag:s9], $0x1400  }
0x190: {  	[sflag:s9] =	ssyncset.done $0x0  }
0x191: {  	[sflag:s9] =	ssyncadd.s32 $0xFFFFEC00  }
0x192: {  	_ =	swait.ge [sflag:s9], $0x28  }
0x193: {  	s24 =	rddreg [dreg:$0x9];
	[sflag:s9] =	ssyncset.done $0x0  }
0x194: {  	[sflag:s9] =	ssyncadd.s32 $0xFFFFFFD8;
	s0 =	sadd.s32 s18, s24  }
0x195: {  	[tilespmem:s16], [sflag:$0x5] =	stream.linear.gather [hbm4b:s0+s6], $0x28, $0x38;
	[tilespmem:$0x1FB80] =	vst v63  }
0x196: {  	_ =	swait.ge [sflag:s10], $0x1400  }
0x197: {  	[sflag:s10] =	ssyncset.done $0x0  }
0x198: {  	[sflag:s10] =	ssyncadd.s32 $0xFFFFEC00  }
0x199: {  	_ =	swait.ge [sflag:s10], $0x28  }
0x19a: {  	s29 =	rddreg [dreg:$0x8];
	[sflag:s10] =	ssyncset.done $0x0  }
0x19b: {  	[sflag:s10] =	ssyncadd.s32 $0xFFFFFFD8;
	s0 =	sadd.s32 s18, s29  }
0x19c: {  	[tilespmem:s12], [sflag:$0x6] =	stream.linear.gather [hbm4b:s0+s6], $0x28, $0x38;
	[tilespmem:$0x1FB80] =	vst v63  }
0x19d: {  	_ =	swait.ge [sflag:s11], $0x1400  }
0x19e: {  	[sflag:s11] =	ssyncset.done $0x0  }
0x19f: {  	[sflag:s11] =	ssyncadd.s32 $0xFFFFEC00  }
0x1a0: {  	_ =	swait.ge [sflag:s11], $0x28  }
0x1a1: {  	s30 =	rddreg [dreg:$0x7];
	[sflag:s11] =	ssyncset.done $0x0  }
0x1a2: {  	[sflag:s11] =	ssyncadd.s32 $0xFFFFFFD8;
	s0 =	sadd.s32 s18, s30  }
0x1a3: {  	[tilespmem:s7], [sflag:$0x7] =	stream.linear.gather [hbm4b:s0+s6], $0x28, $0x38;
	[tilespmem:$0x1FB80] =	vst v63  }
0x1a4: {  	_ =	swait.ge [sflag:s13], $0x1400  }
0x1a5: {  	[sflag:s13] =	ssyncset.done $0x0  }
0x1a6: {  	[sflag:s13] =	ssyncadd.s32 $0xFFFFEC00  }
0x1a7: {  	s26 =	simm.s32 $0x3;
	s21 =	sadd.s32 $0x140, s21;
	_ =	swait.ge [sflag:s13], $0x28  }
0x1a8: {  	s17 =	sadd.s32 $0x28, s18;
	s31 =	rddreg [dreg:$0x6];
	[sflag:s13] =	ssyncset.done $0x0  }
0x1a9: {  	s0 =	simm.s32 $0x500;
	[sflag:s13] =	ssyncadd.s32 $0xFFFFFFD8;
	s23 =	sadd.s32 s18, s31  }
.LBB2_4:
0x1aa: {  	[tilespmem:s2], [sflag:$0x8] =	stream.linear.gather [hbm4b:s23+s6], $0x28, $0x38;
	[tilespmem:$0x1FB80] =	vst v63  }
0x1ab: {  	s20 =	smov.u32 s0;
	_ =	swait.ge [sflag:s25], $0x28  }
0x1ac: {  	s29 =	simm.s32 $0x1800;
	s23 =	sshra.s32 s20, $0x2;
	[sflag:s25] =	ssyncset.done $0x0  }
0x1ad: {  	s7 =	simm.s32 $0x2;
	s18 =	sadd.s32 $0x400, s23;
	[sflag:s25] =	ssyncadd.s32 $0xFFFFFFD8  }
0x1ae: {  	[tilespmem:s29], [sflag:$0x9] =	stream.indirect.gather [hbm4b:s1+s22], $0x80, s18, s22, $0xb8;
	[tilespmem:$0x1FB80] =	vst v63  }
0x1af: {  	_ =	swait.ge [sflag:s7], $0x28  }
0x1b0: {  	[sflag:s7] =	ssyncset.done $0x0  }
0x1b1: {  	s12 =	simm.s32 $0x2C00;
	s24 =	sadd.s32 $0x428, s23;
	[sflag:s7] =	ssyncadd.s32 $0xFFFFFFD8  }
0x1b2: {  	[tilespmem:s12], [sflag:$0xA] =	stream.indirect.gather [hbm4b:s1+s22], $0x80, s24, s22, $0xb8;
	[tilespmem:$0x1FB80] =	vst v63  }
0x1b3: {  	_ =	swait.ge [sflag:s26], $0x28  }
0x1b4: {  	s31 =	simm.s32 $0x4;
	[sflag:s26] =	ssyncset.done $0x0  }
0x1b5: {  	s30 =	sadd.s32 $0x450, s23;
	s24 =	simm.s32 $0x4000;
	[sflag:s26] =	ssyncadd.s32 $0xFFFFFFD8  }
0x1b6: {  	[tilespmem:s24], [sflag:$0xB] =	stream.indirect.gather [hbm4b:s1+s22], $0x80, s30, s22, $0xb8;
	[tilespmem:$0x1FB80] =	vst v63  }
0x1b7: {  	_ =	swait.ge [sflag:s31], $0x28  }
0x1b8: {  	s16 =	sadd.s32 $0x478, s23;
	[sflag:s31] =	ssyncset.done $0x0  }
0x1b9: {  	s18 =	simm.s32 $0x5;
	s30 =	simm.s32 $0x5400;
	[sflag:s31] =	ssyncadd.s32 $0xFFFFFFD8  }
0x1ba: {  	[tilespmem:s30], [sflag:$0xC] =	stream.indirect.gather [hbm4b:s1+s22], $0x80, s16, s22, $0xb8;
	[tilespmem:$0x1FB80] =	vst v63  }
0x1bb: {  	_ =	swait.ge [sflag:s18], $0x28  }
0x1bc: {  	s20 =	simm.s32 $0x6;
	[sflag:s18] =	ssyncset.done $0x0  }
0x1bd: {  	s19 =	sadd.s32 $0x4A0, s23;
	s31 =	simm.s32 $0x6800;
	[sflag:s18] =	ssyncadd.s32 $0xFFFFFFD8  }
0x1be: {  	[tilespmem:s31], [sflag:$0xD] =	stream.indirect.gather [hbm4b:s1+s22], $0x80, s19, s22, $0xb8;
	[tilespmem:$0x1FB80] =	vst v63  }
0x1bf: {  	_ =	swait.ge [sflag:s20], $0x28  }
0x1c0: {  	[sflag:s20] =	ssyncset.done $0x0  }
0x1c1: {  	s7 =	simm.s32 $0x7C00;
	s16 =	sadd.s32 $0x4C8, s23;
	[sflag:s20] =	ssyncadd.s32 $0xFFFFFFD8  }
0x1c2: {  	[tilespmem:s7], [sflag:$0xE] =	stream.indirect.gather [hbm4b:s1+s22], $0x80, s16, s22, $0xb8;
	[tilespmem:$0x1FB80] =	vst v63  }
0x1c3: {  	s16 =	simm.s32 $0x7  }
0x1c4: {  	_ =	swait.ge [sflag:s16], $0x28  }
0x1c5: {  	s19 =	sadd.s32 $0x4F0, s23;
	[sflag:s16] =	ssyncset.done $0x0  }
0x1c6: {  	s20 =	simm.s32 $0x8;
	[sflag:s16] =	ssyncadd.s32 $0xFFFFFFD8;
	s16 =	simm.s32 $0x9000  }
0x1c7: {  	[tilespmem:s16], [sflag:$0xF] =	stream.indirect.gather [hbm4b:s1+s22], $0x80, s19, s22, $0xb8;
	[tilespmem:$0x1FB80] =	vst v63  }
0x1c8: {  	_ =	swait.ge [sflag:s20], $0x28  }
0x1c9: {  	s19 =	sadd.s32 $0x518, s23;
	[sflag:s20] =	ssyncset.done $0x0  }
0x1ca: {  	s23 =	simm.s32 $0xA400;
	[sflag:s20] =	ssyncadd.s32 $0xFFFFFFD8;
	s20 =	simm.s32 $0x9  }
0x1cb: {  	[tilespmem:s23], [sflag:$0x10] =	stream.indirect.gather [hbm4b:s1+s22], $0x80, s19, s22, $0xb8;
	[tilespmem:$0x1FB80] =	vst v63  }
0x1cc: {  	_ =	swait.ge [sflag:s20], $0x1400  }
0x1cd: {  	[sflag:s20] =	ssyncset.done $0x0  }
0x1ce: {  	[sflag:s20] =	ssyncadd.s32 $0xFFFFEC00  }
0x1cf: {  	[spmem:s3] =	stream.indirect.scatter.add.f32 [tilespmem:s29], [sflag:$0x11], $0x80, s6, s22, $0xb8;
	[tilespmem:$0x1FB80] =	vst v63  }
0x1d0: {  	s19 =	simm.s32 $0xA  }
0x1d1: {  	[spmem:s4] =	stream.indirect.scatter.add.f32 [tilespmem:s28], [sflag:$0x11], $0x1, s6, s22, $0xb8;
	[tilespmem:$0x1FB80] =	vst v63  }
0x1d2: {  	_ =	swait.ge [sflag:s19], $0x1400  }
0x1d3: {  	[sflag:s19] =	ssyncset.done $0x0  }
0x1d4: {  	[sflag:s19] =	ssyncadd.s32 $0xFFFFEC00;
	s19 =	simm.s32 $0x80  }
0x1d5: {  	[spmem:s3] =	stream.indirect.scatter.add.f32 [tilespmem:s12], [sflag:$0x12], $0x80, s19, s22, $0xb8;
	[tilespmem:$0x1FB80] =	vst v63  }
0x1d6: {  	s20 =	simm.s32 $0xB  }
0x1d7: {  	[spmem:s4] =	stream.indirect.scatter.add.f32 [tilespmem:s28], [sflag:$0x12], $0x1, s19, s22, $0xb8;
	[tilespmem:$0x1FB80] =	vst v63  }
0x1d8: {  	_ =	swait.ge [sflag:s20], $0x1400  }
0x1d9: {  	[sflag:s20] =	ssyncset.done $0x0  }
0x1da: {  	s12 =	simm.s32 $0x100;
	[sflag:s20] =	ssyncadd.s32 $0xFFFFEC00  }
0x1db: {  	[spmem:s3] =	stream.indirect.scatter.add.f32 [tilespmem:s24], [sflag:$0x13], $0x80, s12, s22, $0xb8;
	[tilespmem:$0x1FB80] =	vst v63  }
0x1dc: {  	s24 =	simm.s32 $0xC  }
0x1dd: {  	[spmem:s4] =	stream.indirect.scatter.add.f32 [tilespmem:s28], [sflag:$0x13], $0x1, s12, s22, $0xb8;
	[tilespmem:$0x1FB80] =	vst v63  }
0x1de: {  	_ =	swait.ge [sflag:s24], $0x1400  }
0x1df: {  	[sflag:s24] =	ssyncset.done $0x0  }
0x1e0: {  	s20 =	simm.s32 $0x180;
	[sflag:s24] =	ssyncadd.s32 $0xFFFFEC00  }
0x1e1: {  	[spmem:s3] =	stream.indirect.scatter.add.f32 [tilespmem:s30], [sflag:$0x14], $0x80, s20, s22, $0xb8;
	[tilespmem:$0x1FB80] =	vst v63  }
0x1e2: {  	s29 =	simm.s32 $0xD  }
0x1e3: {  	[spmem:s4] =	stream.indirect.scatter.add.f32 [tilespmem:s28], [sflag:$0x14], $0x1, s20, s22, $0xb8;
	[tilespmem:$0x1FB80] =	vst v63  }
0x1e4: {  	_ =	swait.ge [sflag:s29], $0x1400  }
0x1e5: {  	[sflag:s29] =	ssyncset.done $0x0  }
0x1e6: {  	[sflag:s29] =	ssyncadd.s32 $0xFFFFEC00;
	s29 =	simm.s32 $0x200  }
0x1e7: {  	[spmem:s3] =	stream.indirect.scatter.add.f32 [tilespmem:s31], [sflag:$0x15], $0x80, s29, s22, $0xb8;
	[tilespmem:$0x1FB80] =	vst v63  }
0x1e8: {  	s30 =	simm.s32 $0xE  }
0x1e9: {  	[spmem:s4] =	stream.indirect.scatter.add.f32 [tilespmem:s28], [sflag:$0x15], $0x1, s29, s22, $0xb8;
	[tilespmem:$0x1FB80] =	vst v63  }
0x1ea: {  	_ =	swait.ge [sflag:s30], $0x1400  }
0x1eb: {  	[sflag:s30] =	ssyncset.done $0x0  }
0x1ec: {  	s24 =	simm.s32 $0x280;
	[sflag:s30] =	ssyncadd.s32 $0xFFFFEC00  }
0x1ed: {  	[spmem:s3] =	stream.indirect.scatter.add.f32 [tilespmem:s7], [sflag:$0x16], $0x80, s24, s22, $0xb8;
	[tilespmem:$0x1FB80] =	vst v63  }
0x1ee: {  	s31 =	simm.s32 $0xF  }
0x1ef: {  	[spmem:s4] =	stream.indirect.scatter.add.f32 [tilespmem:s28], [sflag:$0x16], $0x1, s24, s22, $0xb8;
	[tilespmem:$0x1FB80] =	vst v63  }
0x1f0: {  	_ =	swait.ge [sflag:s31], $0x1400  }
0x1f1: {  	[sflag:s31] =	ssyncset.done $0x0  }
0x1f2: {  	s7 =	simm.s32 $0x300;
	[sflag:s31] =	ssyncadd.s32 $0xFFFFEC00  }
0x1f3: {  	[spmem:s3] =	stream.indirect.scatter.add.f32 [tilespmem:s16], [sflag:$0x17], $0x80, s7, s22, $0xb8;
	[tilespmem:$0x1FB80] =	vst v63  }
0x1f4: {  	s16 =	simm.s32 $0x10  }
0x1f5: {  	[spmem:s4] =	stream.indirect.scatter.add.f32 [tilespmem:s28], [sflag:$0x17], $0x1, s7, s22, $0xb8;
	[tilespmem:$0x1FB80] =	vst v63  }
0x1f6: {  	_ =	swait.ge [sflag:s16], $0x1400  }
0x1f7: {  	[sflag:s16] =	ssyncset.done $0x0  }
0x1f8: {  	[sflag:s16] =	ssyncadd.s32 $0xFFFFEC00  }
0x1f9: {  	[spmem:s3] =	stream.indirect.scatter.add.f32 [tilespmem:s23], [sflag:$0x18], $0x80, s2, s22, $0xb8;
	[tilespmem:$0x1FB80] =	vst v63  }
0x1fa: {  	_ = 	snop  }
0x1fb: {  	[spmem:s4] =	stream.indirect.scatter.add.f32 [tilespmem:s28], [sflag:$0x18], $0x1, s2, s22, $0xb8;
	[tilespmem:$0x1FB80] =	vst v63  }
0x1fc: {  	_ =	swait.ge [sflag:s15], $0x1400  }
0x1fd: {  	[sflag:s15] =	ssyncset.done $0x0  }
0x1fe: {  	[sflag:s15] =	ssyncadd.s32 $0xFFFFEC00  }
0x1ff: {  	_ =	swait.ge [sflag:s15], $0x28  }
0x200: {  	[sflag:s15] =	ssyncset.done $0x0  }
0x201: {  	[sflag:s15] =	ssyncadd.s32 $0xFFFFFFD8  }
0x202: {  	s23 =	sshrl.u32 s21, $0x3;
	s30 =	rddreg [dreg:$0x1]  }
0x203: {  	s18 =	sadd.s32 s30, s23  }
0x204: {  	[tilespmem:s6], [sflag:$0x1] =	stream.linear.gather [hbm4b:s18+s6], $0x28, $0x38;
	[tilespmem:$0x1FB80] =	vst v63  }
0x205: {  	_ =	swait.ge [sflag:s14], $0x1400  }
0x206: {  	[sflag:s14] =	ssyncset.done $0x0  }
0x207: {  	[sflag:s14] =	ssyncadd.s32 $0xFFFFEC00  }
0x208: {  	_ =	swait.ge [sflag:s14], $0x28  }
0x209: {  	s31 =	rddreg [dreg:$0xc];
	[sflag:s14] =	ssyncset.done $0x0  }
0x20a: {  	[sflag:s14] =	ssyncadd.s32 $0xFFFFFFD8;
	s18 =	sadd.s32 s17, s31  }
0x20b: {  	[tilespmem:s19], [sflag:$0x2] =	stream.linear.gather [hbm4b:s18+s6], $0x28, $0x38;
	[tilespmem:$0x1FB80] =	vst v63  }
0x20c: {  	_ =	swait.ge [sflag:s5], $0x1400  }
0x20d: {  	[sflag:s5] =	ssyncset.done $0x0  }
0x20e: {  	[sflag:s5] =	ssyncadd.s32 $0xFFFFEC00  }
0x20f: {  	_ =	swait.ge [sflag:s5], $0x28  }
0x210: {  	s16 =	rddreg [dreg:$0xb];
	[sflag:s5] =	ssyncset.done $0x0  }
0x211: {  	[sflag:s5] =	ssyncadd.s32 $0xFFFFFFD8;
	s18 =	sadd.s32 s17, s16  }
0x212: {  	[tilespmem:s12], [sflag:$0x3] =	stream.linear.gather [hbm4b:s18+s6], $0x28, $0x38;
	[tilespmem:$0x1FB80] =	vst v63  }
0x213: {  	_ =	swait.ge [sflag:s8], $0x1400  }
0x214: {  	[sflag:s8] =	ssyncset.done $0x0  }
0x215: {  	[sflag:s8] =	ssyncadd.s32 $0xFFFFEC00  }
0x216: {  	_ =	swait.ge [sflag:s8], $0x28  }
0x217: {  	s19 =	rddreg [dreg:$0xa];
	[sflag:s8] =	ssyncset.done $0x0  }
0x218: {  	[sflag:s8] =	ssyncadd.s32 $0xFFFFFFD8;
	s18 =	sadd.s32 s17, s19  }
0x219: {  	[tilespmem:s20], [sflag:$0x4] =	stream.linear.gather [hbm4b:s18+s6], $0x28, $0x38;
	[tilespmem:$0x1FB80] =	vst v63  }
0x21a: {  	_ =	swait.ge [sflag:s9], $0x1400  }
0x21b: {  	[sflag:s9] =	ssyncset.done $0x0  }
0x21c: {  	[sflag:s9] =	ssyncadd.s32 $0xFFFFEC00  }
0x21d: {  	_ =	swait.ge [sflag:s9], $0x28  }
0x21e: {  	s23 =	rddreg [dreg:$0x9];
	[sflag:s9] =	ssyncset.done $0x0  }
0x21f: {  	[sflag:s9] =	ssyncadd.s32 $0xFFFFFFD8;
	s18 =	sadd.s32 s17, s23  }
0x220: {  	[tilespmem:s29], [sflag:$0x5] =	stream.linear.gather [hbm4b:s18+s6], $0x28, $0x38;
	[tilespmem:$0x1FB80] =	vst v63  }
0x221: {  	_ =	swait.ge [sflag:s10], $0x1400  }
0x222: {  	[sflag:s10] =	ssyncset.done $0x0  }
0x223: {  	[sflag:s10] =	ssyncadd.s32 $0xFFFFEC00  }
0x224: {  	_ =	swait.ge [sflag:s10], $0x28  }
0x225: {  	s29 =	rddreg [dreg:$0x8];
	[sflag:s10] =	ssyncset.done $0x0  }
0x226: {  	[sflag:s10] =	ssyncadd.s32 $0xFFFFFFD8;
	s18 =	sadd.s32 s17, s29  }
0x227: {  	[tilespmem:s24], [sflag:$0x6] =	stream.linear.gather [hbm4b:s18+s6], $0x28, $0x38;
	[tilespmem:$0x1FB80] =	vst v63  }
0x228: {  	_ =	swait.ge [sflag:s11], $0x1400  }
0x229: {  	[sflag:s11] =	ssyncset.done $0x0  }
0x22a: {  	[sflag:s11] =	ssyncadd.s32 $0xFFFFEC00  }
0x22b: {  	_ =	swait.ge [sflag:s11], $0x28  }
0x22c: {  	s30 =	rddreg [dreg:$0x7];
	[sflag:s11] =	ssyncset.done $0x0  }
0x22d: {  	[sflag:s11] =	ssyncadd.s32 $0xFFFFFFD8;
	s18 =	sadd.s32 s17, s30  }
0x22e: {  	[tilespmem:s7], [sflag:$0x7] =	stream.linear.gather [hbm4b:s18+s6], $0x28, $0x38;
	[tilespmem:$0x1FB80] =	vst v63  }
0x22f: {  	p0 =	sne.s32 s0, $0x4B00;
	_ =	swait.ge [sflag:s13], $0x1400  }
.Ltmp1:
0x230: {  	[sflag:s13] =	ssyncset.done $0x0;
	(pc) =	sbr.rel @p0 .LBB2_4-.Ltmp1, $4  }
0x231: {  	[sflag:s13] =	ssyncadd.s32 $0xFFFFEC00  }
0x232: {  	s0 =	sadd.s32 $0x500, s0;
	_ =	swait.ge [sflag:s13], $0x28  }
0x233: {  	s21 =	sadd.s32 $0x140, s21;
	[sflag:s13] =	ssyncset.done $0x0;
	s31 =	rddreg [dreg:$0x6]  }
0x234: {  	[sflag:s13] =	ssyncadd.s32 $0xFFFFFFD8;
	s23 =	sadd.s32 s17, s31;
	s17 =	sadd.s32 $0x28, s17  }
0x235: {  	s17 =	sld [smem:$0x7FB]  }
0x236: {  	[tilespmem:s2], [sflag:$0x8] =	stream.linear.gather [hbm4b:s23+s6], $0x28, $0x38;
	[tilespmem:$0x1FB80] =	vst v63  }
0x237: {  	s0 =	simm.s32 $0x0;
	s7 =	simm.s32 $0x400;
	s16 =	simm.s32 $0x19  }
0x238: {  	[tilespmem:s7], [sflag:$0x19] =	stream.linear.gather [hbm4b:s17+s0], $0x1310, $0x38;
	[tilespmem:$0x1FB80] =	vst v63  }
0x239: {  	_ =	swait.ge [sflag:s16], $0x1310  }
0x23a: {  	[sflag:s16] =	ssyncset.done $0x0  }
0x23b: {  	[sflag:s16] =	ssyncadd.s32 $0xFFFFECF0  }
0x23c: {  	_ =	swait.ge [sflag:s25], $0x28  }
0x23d: {  	s21 =	simm.s32 $0x1800;
	[sflag:s25] =	ssyncset.done $0x0  }
0x23e: {  	s18 =	simm.s32 $0x2;
	s17 =	simm.s32 $0x400;
	[sflag:s25] =	ssyncadd.s32 $0xFFFFFFD8  }
0x23f: {  	[tilespmem:s21], [sflag:$0x9] =	stream.indirect.gather [hbm4b:s1+s22], $0x80, s17, s22, $0xb8;
	[tilespmem:$0x1FB80] =	vst v63  }
0x240: {  	_ =	swait.ge [sflag:s18], $0x28  }
0x241: {  	[sflag:s18] =	ssyncset.done $0x0  }
0x242: {  	s19 =	simm.s32 $0x428;
	s20 =	simm.s32 $0x2C00;
	[sflag:s18] =	ssyncadd.s32 $0xFFFFFFD8  }
0x243: {  	[tilespmem:s20], [sflag:$0xA] =	stream.indirect.gather [hbm4b:s1+s22], $0x80, s19, s22, $0xb8;
	[tilespmem:$0x1FB80] =	vst v63  }
0x244: {  	_ =	swait.ge [sflag:s26], $0x28  }
0x245: {  	s23 =	simm.s32 $0x450;
	[sflag:s26] =	ssyncset.done $0x0  }
0x246: {  	s12 =	simm.s32 $0x4000;
	s24 =	simm.s32 $0x4;
	[sflag:s26] =	ssyncadd.s32 $0xFFFFFFD8  }
0x247: {  	[tilespmem:s12], [sflag:$0xB] =	stream.indirect.gather [hbm4b:s1+s22], $0x80, s23, s22, $0xb8;
	[tilespmem:$0x1FB80] =	vst v63  }
0x248: {  	_ =	swait.ge [sflag:s24], $0x28  }
0x249: {  	s30 =	simm.s32 $0x5;
	[sflag:s24] =	ssyncset.done $0x0  }
0x24a: {  	s25 =	simm.s32 $0x478;
	s17 =	simm.s32 $0x5400;
	[sflag:s24] =	ssyncadd.s32 $0xFFFFFFD8  }
0x24b: {  	[tilespmem:s17], [sflag:$0xC] =	stream.indirect.gather [hbm4b:s1+s22], $0x80, s25, s22, $0xb8;
	[tilespmem:$0x1FB80] =	vst v63  }
0x24c: {  	_ =	swait.ge [sflag:s30], $0x28  }
0x24d: {  	s31 =	simm.s32 $0x4A0;
	[sflag:s30] =	ssyncset.done $0x0  }
0x24e: {  	s7 =	simm.s32 $0x6800;
	s16 =	simm.s32 $0x6;
	[sflag:s30] =	ssyncadd.s32 $0xFFFFFFD8  }
0x24f: {  	[tilespmem:s7], [sflag:$0xD] =	stream.indirect.gather [hbm4b:s1+s22], $0x80, s31, s22, $0xb8;
	[tilespmem:$0x1FB80] =	vst v63  }
0x250: {  	_ =	swait.ge [sflag:s16], $0x28  }
0x251: {  	s18 =	simm.s32 $0x4C8;
	[sflag:s16] =	ssyncset.done $0x0  }
0x252: {  	s19 =	simm.s32 $0x7;
	[sflag:s16] =	ssyncadd.s32 $0xFFFFFFD8;
	s16 =	simm.s32 $0x7C00  }
0x253: {  	[tilespmem:s16], [sflag:$0xE] =	stream.indirect.gather [hbm4b:s1+s22], $0x80, s18, s22, $0xb8;
	[tilespmem:$0x1FB80] =	vst v63  }
0x254: {  	_ =	swait.ge [sflag:s19], $0x28  }
0x255: {  	s23 =	simm.s32 $0x4F0;
	[sflag:s19] =	ssyncset.done $0x0  }
0x256: {  	s18 =	simm.s32 $0x9000;
	[sflag:s19] =	ssyncadd.s32 $0xFFFFFFD8;
	s19 =	simm.s32 $0x8  }
0x257: {  	[tilespmem:s18], [sflag:$0xF] =	stream.indirect.gather [hbm4b:s1+s22], $0x80, s23, s22, $0xb8;
	[tilespmem:$0x1FB80] =	vst v63  }
0x258: {  	_ =	swait.ge [sflag:s19], $0x28  }
0x259: {  	s24 =	simm.s32 $0x518;
	[sflag:s19] =	ssyncset.done $0x0  }
0x25a: {  	s25 =	simm.s32 $0x9;
	[sflag:s19] =	ssyncadd.s32 $0xFFFFFFD8;
	s19 =	simm.s32 $0xA400  }
0x25b: {  	[tilespmem:s19], [sflag:$0x10] =	stream.indirect.gather [hbm4b:s1+s22], $0x80, s24, s22, $0xb8;
	[tilespmem:$0x1FB80] =	vst v63  }
0x25c: {  	_ =	swait.ge [sflag:s25], $0x1400  }
0x25d: {  	[sflag:s25] =	ssyncset.done $0x0  }
0x25e: {  	[sflag:s25] =	ssyncadd.s32 $0xFFFFEC00  }
0x25f: {  	[spmem:s3] =	stream.indirect.scatter.add.f32 [tilespmem:s21], [sflag:$0x11], $0x80, s6, s22, $0xb8;
	[tilespmem:$0x1FB80] =	vst v63  }
0x260: {  	s30 =	simm.s32 $0xA  }
0x261: {  	[spmem:s4] =	stream.indirect.scatter.add.f32 [tilespmem:s28], [sflag:$0x11], $0x1, s6, s22, $0xb8;
	[tilespmem:$0x1FB80] =	vst v63  }
0x262: {  	_ =	swait.ge [sflag:s30], $0x1400  }
0x263: {  	[sflag:s30] =	ssyncset.done $0x0  }
0x264: {  	s23 =	simm.s32 $0x80;
	[sflag:s30] =	ssyncadd.s32 $0xFFFFEC00  }
0x265: {  	[spmem:s3] =	stream.indirect.scatter.add.f32 [tilespmem:s20], [sflag:$0x12], $0x80, s23, s22, $0xb8;
	[tilespmem:$0x1FB80] =	vst v63  }
0x266: {  	s31 =	simm.s32 $0xB  }
0x267: {  	[spmem:s4] =	stream.indirect.scatter.add.f32 [tilespmem:s28], [sflag:$0x12], $0x1, s23, s22, $0xb8;
	[tilespmem:$0x1FB80] =	vst v63  }
0x268: {  	_ =	swait.ge [sflag:s31], $0x1400  }
0x269: {  	[sflag:s31] =	ssyncset.done $0x0  }
0x26a: {  	s21 =	simm.s32 $0x100;
	[sflag:s31] =	ssyncadd.s32 $0xFFFFEC00  }
0x26b: {  	[spmem:s3] =	stream.indirect.scatter.add.f32 [tilespmem:s12], [sflag:$0x13], $0x80, s21, s22, $0xb8;
	[tilespmem:$0x1FB80] =	vst v63  }
0x26c: {  	s20 =	simm.s32 $0xC  }
0x26d: {  	[spmem:s4] =	stream.indirect.scatter.add.f32 [tilespmem:s28], [sflag:$0x13], $0x1, s21, s22, $0xb8;
	[tilespmem:$0x1FB80] =	vst v63  }
0x26e: {  	_ =	swait.ge [sflag:s20], $0x1400  }
0x26f: {  	[sflag:s20] =	ssyncset.done $0x0  }
0x270: {  	[sflag:s20] =	ssyncadd.s32 $0xFFFFEC00;
	s20 =	simm.s32 $0x180  }
0x271: {  	[spmem:s3] =	stream.indirect.scatter.add.f32 [tilespmem:s17], [sflag:$0x14], $0x80, s20, s22, $0xb8;
	[tilespmem:$0x1FB80] =	vst v63  }
0x272: {  	s24 =	simm.s32 $0xD  }
0x273: {  	[spmem:s4] =	stream.indirect.scatter.add.f32 [tilespmem:s28], [sflag:$0x14], $0x1, s20, s22, $0xb8;
	[tilespmem:$0x1FB80] =	vst v63  }
0x274: {  	_ =	swait.ge [sflag:s24], $0x1400  }
0x275: {  	[sflag:s24] =	ssyncset.done $0x0  }
0x276: {  	s17 =	simm.s32 $0x200;
	[sflag:s24] =	ssyncadd.s32 $0xFFFFEC00  }
0x277: {  	[spmem:s3] =	stream.indirect.scatter.add.f32 [tilespmem:s7], [sflag:$0x15], $0x80, s17, s22, $0xb8;
	[tilespmem:$0x1FB80] =	vst v63  }
0x278: {  	s25 =	simm.s32 $0xE  }
0x279: {  	[spmem:s4] =	stream.indirect.scatter.add.f32 [tilespmem:s28], [sflag:$0x15], $0x1, s17, s22, $0xb8;
	[tilespmem:$0x1FB80] =	vst v63  }
0x27a: {  	_ =	swait.ge [sflag:s25], $0x1400  }
0x27b: {  	[sflag:s25] =	ssyncset.done $0x0  }
0x27c: {  	s12 =	simm.s32 $0x280;
	[sflag:s25] =	ssyncadd.s32 $0xFFFFEC00  }
0x27d: {  	[spmem:s3] =	stream.indirect.scatter.add.f32 [tilespmem:s16], [sflag:$0x16], $0x80, s12, s22, $0xb8;
	[tilespmem:$0x1FB80] =	vst v63  }
0x27e: {  	s30 =	simm.s32 $0xF  }
0x27f: {  	[spmem:s4] =	stream.indirect.scatter.add.f32 [tilespmem:s28], [sflag:$0x16], $0x1, s12, s22, $0xb8;
	[tilespmem:$0x1FB80] =	vst v63  }
0x280: {  	_ =	swait.ge [sflag:s30], $0x1400  }
0x281: {  	[sflag:s30] =	ssyncset.done $0x0  }
0x282: {  	s7 =	simm.s32 $0x300;
	[sflag:s30] =	ssyncadd.s32 $0xFFFFEC00  }
0x283: {  	[spmem:s3] =	stream.indirect.scatter.add.f32 [tilespmem:s18], [sflag:$0x17], $0x80, s7, s22, $0xb8;
	[tilespmem:$0x1FB80] =	vst v63  }
0x284: {  	s31 =	simm.s32 $0x10  }
0x285: {  	[spmem:s4] =	stream.indirect.scatter.add.f32 [tilespmem:s28], [sflag:$0x17], $0x1, s7, s22, $0xb8;
	[tilespmem:$0x1FB80] =	vst v63  }
0x286: {  	_ =	swait.ge [sflag:s31], $0x1400  }
0x287: {  	[sflag:s31] =	ssyncset.done $0x0  }
0x288: {  	[sflag:s31] =	ssyncadd.s32 $0xFFFFEC00  }
0x289: {  	[spmem:s3] =	stream.indirect.scatter.add.f32 [tilespmem:s19], [sflag:$0x18], $0x80, s2, s22, $0xb8;
	[tilespmem:$0x1FB80] =	vst v63  }
0x28a: {  	_ = 	snop  }
0x28b: {  	[spmem:s4] =	stream.indirect.scatter.add.f32 [tilespmem:s28], [sflag:$0x18], $0x1, s2, s22, $0xb8;
	[tilespmem:$0x1FB80] =	vst v63  }
0x28c: {  	_ =	swait.ge [sflag:s15], $0x1400  }
0x28d: {  	[sflag:s15] =	ssyncset.done $0x0  }
0x28e: {  	[sflag:s15] =	ssyncadd.s32 $0xFFFFEC00  }
0x28f: {  	_ =	swait.ge [sflag:s15], $0x28  }
0x290: {  	s16 =	rddreg [dreg:$0x14];
	[sflag:s15] =	ssyncset.done $0x0  }
0x291: {  	[sflag:s15] =	ssyncadd.s32 $0xFFFFFFD8;
	s0 =	sadd.s32 $0x0, s16  }
0x292: {  	[tilespmem:s6], [sflag:$0x1] =	stream.linear.gather [hbm4b:s0+s6], $0x28, $0x38;
	[tilespmem:$0x1FB80] =	vst v63  }
0x293: {  	_ =	swait.ge [sflag:s14], $0x1400  }
0x294: {  	[sflag:s14] =	ssyncset.done $0x0  }
0x295: {  	[sflag:s14] =	ssyncadd.s32 $0xFFFFEC00  }
0x296: {  	_ =	swait.ge [sflag:s14], $0x28  }
0x297: {  	s18 =	rddreg [dreg:$0x13];
	[sflag:s14] =	ssyncset.done $0x0  }
0x298: {  	[sflag:s14] =	ssyncadd.s32 $0xFFFFFFD8;
	s0 =	sadd.s32 $0x0, s18  }
0x299: {  	[tilespmem:s23], [sflag:$0x2] =	stream.linear.gather [hbm4b:s0+s6], $0x28, $0x38;
	[tilespmem:$0x1FB80] =	vst v63  }
0x29a: {  	_ =	swait.ge [sflag:s5], $0x1400  }
0x29b: {  	[sflag:s5] =	ssyncset.done $0x0  }
0x29c: {  	[sflag:s5] =	ssyncadd.s32 $0xFFFFEC00  }
0x29d: {  	_ =	swait.ge [sflag:s5], $0x28  }
0x29e: {  	s19 =	rddreg [dreg:$0x12];
	[sflag:s5] =	ssyncset.done $0x0  }
0x29f: {  	[sflag:s5] =	ssyncadd.s32 $0xFFFFFFD8;
	s0 =	sadd.s32 $0x0, s19  }
0x2a0: {  	[tilespmem:s21], [sflag:$0x3] =	stream.linear.gather [hbm4b:s0+s6], $0x28, $0x38;
	[tilespmem:$0x1FB80] =	vst v63  }
0x2a1: {  	_ =	swait.ge [sflag:s8], $0x1400  }
0x2a2: {  	[sflag:s8] =	ssyncset.done $0x0  }
0x2a3: {  	[sflag:s8] =	ssyncadd.s32 $0xFFFFEC00  }
0x2a4: {  	_ =	swait.ge [sflag:s8], $0x28  }
0x2a5: {  	s23 =	rddreg [dreg:$0x11];
	[sflag:s8] =	ssyncset.done $0x0  }
0x2a6: {  	[sflag:s8] =	ssyncadd.s32 $0xFFFFFFD8;
	s0 =	sadd.s32 $0x0, s23  }
0x2a7: {  	[tilespmem:s20], [sflag:$0x4] =	stream.linear.gather [hbm4b:s0+s6], $0x28, $0x38;
	[tilespmem:$0x1FB80] =	vst v63  }
0x2a8: {  	_ =	swait.ge [sflag:s9], $0x1400  }
0x2a9: {  	[sflag:s9] =	ssyncset.done $0x0  }
0x2aa: {  	[sflag:s9] =	ssyncadd.s32 $0xFFFFEC00  }
0x2ab: {  	_ =	swait.ge [sflag:s9], $0x28  }
0x2ac: {  	s24 =	rddreg [dreg:$0x10];
	[sflag:s9] =	ssyncset.done $0x0  }
0x2ad: {  	[sflag:s9] =	ssyncadd.s32 $0xFFFFFFD8;
	s0 =	sadd.s32 $0x0, s24  }
0x2ae: {  	[tilespmem:s17], [sflag:$0x5] =	stream.linear.gather [hbm4b:s0+s6], $0x28, $0x38;
	[tilespmem:$0x1FB80] =	vst v63  }
0x2af: {  	_ =	swait.ge [sflag:s10], $0x1400  }
0x2b0: {  	[sflag:s10] =	ssyncset.done $0x0  }
0x2b1: {  	[sflag:s10] =	ssyncadd.s32 $0xFFFFEC00  }
0x2b2: {  	_ =	swait.ge [sflag:s10], $0x28  }
0x2b3: {  	s25 =	rddreg [dreg:$0xf];
	[sflag:s10] =	ssyncset.done $0x0  }
0x2b4: {  	[sflag:s10] =	ssyncadd.s32 $0xFFFFFFD8;
	s0 =	sadd.s32 $0x0, s25  }
0x2b5: {  	[tilespmem:s12], [sflag:$0x6] =	stream.linear.gather [hbm4b:s0+s6], $0x28, $0x38;
	[tilespmem:$0x1FB80] =	vst v63  }
0x2b6: {  	_ =	swait.ge [sflag:s11], $0x1400  }
0x2b7: {  	[sflag:s11] =	ssyncset.done $0x0  }
0x2b8: {  	[sflag:s11] =	ssyncadd.s32 $0xFFFFEC00  }
0x2b9: {  	_ =	swait.ge [sflag:s11], $0x28  }
0x2ba: {  	s30 =	rddreg [dreg:$0xe];
	[sflag:s11] =	ssyncset.done $0x0  }
0x2bb: {  	[sflag:s11] =	ssyncadd.s32 $0xFFFFFFD8;
	s0 =	sadd.s32 $0x0, s30  }
0x2bc: {  	[tilespmem:s7], [sflag:$0x7] =	stream.linear.gather [hbm4b:s0+s6], $0x28, $0x38;
	[tilespmem:$0x1FB80] =	vst v63  }
0x2bd: {  	_ =	swait.ge [sflag:s13], $0x1400  }
0x2be: {  	s29 =	simm.s32 $0x180;
	[sflag:s13] =	ssyncset.done $0x0  }
0x2bf: {  	s18 =	simm.s32 $0x1;
	s19 =	simm.s32 $0x200;
	[sflag:s13] =	ssyncadd.s32 $0xFFFFEC00  }
0x2c0: {  	s23 =	simm.s32 $0x100;
	s17 =	simm.s32 $0x658;
	_ =	swait.ge [sflag:s13], $0x28  }
0x2c1: {  	s25 =	simm.s32 $0x2;
	s31 =	rddreg [dreg:$0xd];
	[sflag:s13] =	ssyncset.done $0x0  }
0x2c2: {  	s0 =	simm.s32 $0x28;
	[sflag:s13] =	ssyncadd.s32 $0xFFFFFFD8;
	s21 =	sadd.s32 $0x0, s31  }
.LBB2_6:
0x2c3: {  	s12 =	simm.s32 $0x380  }
0x2c4: {  	[tilespmem:s12], [sflag:$0x8] =	stream.linear.gather [hbm4b:s21+s6], $0x28, $0x38;
	[tilespmem:$0x1FB80] =	vst v63  }
0x2c5: {  	_ =	swait.ge [sflag:s18], $0x28  }
0x2c6: {  	[sflag:s18] =	ssyncset.done $0x0  }
0x2c7: {  	s31 =	sadd.s32 $0xFFFFFEE8, s17;
	s2 =	simm.s32 $0x1800;
	[sflag:s18] =	ssyncadd.s32 $0xFFFFFFD8  }
0x2c8: {  	[tilespmem:s2], [sflag:$0x9] =	stream.indirect.gather [hbm4b:s1+s22], $0x80, s31, s22, $0xb8;
	[tilespmem:$0x1FB80] =	vst v63  }
0x2c9: {  	_ =	swait.ge [sflag:s25], $0x28  }
0x2ca: {  	[sflag:s25] =	ssyncset.done $0x0  }
0x2cb: {  	s7 =	sadd.s32 $0xFFFFFF10, s17;
	s24 =	simm.s32 $0x2C00;
	[sflag:s25] =	ssyncadd.s32 $0xFFFFFFD8  }
0x2cc: {  	[tilespmem:s24], [sflag:$0xA] =	stream.indirect.gather [hbm4b:s1+s22], $0x80, s7, s22, $0xb8;
	[tilespmem:$0x1FB80] =	vst v63  }
0x2cd: {  	_ =	swait.ge [sflag:s26], $0x28  }
0x2ce: {  	s16 =	sadd.s32 $0xFFFFFF38, s17;
	[sflag:s26] =	ssyncset.done $0x0  }
0x2cf: {  	s30 =	simm.s32 $0x4000;
	s7 =	simm.s32 $0x4;
	[sflag:s26] =	ssyncadd.s32 $0xFFFFFFD8  }
0x2d0: {  	[tilespmem:s30], [sflag:$0xB] =	stream.indirect.gather [hbm4b:s1+s22], $0x80, s16, s22, $0xb8;
	[tilespmem:$0x1FB80] =	vst v63  }
0x2d1: {  	_ =	swait.ge [sflag:s7], $0x28  }
0x2d2: {  	s20 =	sadd.s32 $0xFFFFFF60, s17;
	[sflag:s7] =	ssyncset.done $0x0  }
0x2d3: {  	s31 =	simm.s32 $0x5400;
	s26 =	simm.s32 $0x5;
	[sflag:s7] =	ssyncadd.s32 $0xFFFFFFD8  }
0x2d4: {  	[tilespmem:s31], [sflag:$0xC] =	stream.indirect.gather [hbm4b:s1+s22], $0x80, s20, s22, $0xb8;
	[tilespmem:$0x1FB80] =	vst v63  }
0x2d5: {  	_ =	swait.ge [sflag:s26], $0x28  }
0x2d6: {  	[sflag:s26] =	ssyncset.done $0x0  }
0x2d7: {  	s16 =	sadd.s32 $0xFFFFFF88, s17;
	s7 =	simm.s32 $0x6800;
	[sflag:s26] =	ssyncadd.s32 $0xFFFFFFD8  }
0x2d8: {  	[tilespmem:s7], [sflag:$0xD] =	stream.indirect.gather [hbm4b:s1+s22], $0x80, s16, s22, $0xb8;
	[tilespmem:$0x1FB80] =	vst v63  }
0x2d9: {  	s16 =	simm.s32 $0x6  }
0x2da: {  	_ =	swait.ge [sflag:s16], $0x28  }
0x2db: {  	s20 =	sadd.s32 $0xFFFFFFB0, s17;
	[sflag:s16] =	ssyncset.done $0x0  }
0x2dc: {  	s26 =	simm.s32 $0x7;
	[sflag:s16] =	ssyncadd.s32 $0xFFFFFFD8;
	s16 =	simm.s32 $0x7C00  }
0x2dd: {  	[tilespmem:s16], [sflag:$0xE] =	stream.indirect.gather [hbm4b:s1+s22], $0x80, s20, s22, $0xb8;
	[tilespmem:$0x1FB80] =	vst v63  }
0x2de: {  	_ =	swait.ge [sflag:s26], $0x28  }
0x2df: {  	[sflag:s26] =	ssyncset.done $0x0  }
0x2e0: {  	s20 =	sadd.s32 $0xFFFFFFD8, s17;
	[sflag:s26] =	ssyncadd.s32 $0xFFFFFFD8;
	s26 =	simm.s32 $0x9000  }
0x2e1: {  	[tilespmem:s26], [sflag:$0xF] =	stream.indirect.gather [hbm4b:s1+s22], $0x80, s20, s22, $0xb8;
	[tilespmem:$0x1FB80] =	vst v63  }
0x2e2: {  	s20 =	simm.s32 $0x8  }
0x2e3: {  	_ =	swait.ge [sflag:s20], $0x28  }
0x2e4: {  	[sflag:s20] =	ssyncset.done $0x0  }
0x2e5: {  	s18 =	simm.s32 $0x9;
	[sflag:s20] =	ssyncadd.s32 $0xFFFFFFD8;
	s20 =	simm.s32 $0xA400  }
0x2e6: {  	[tilespmem:s20], [sflag:$0x10] =	stream.indirect.gather [hbm4b:s1+s22], $0x80, s17, s22, $0xb8;
	[tilespmem:$0x1FB80] =	vst v63  }
0x2e7: {  	_ =	swait.ge [sflag:s18], $0x1400  }
0x2e8: {  	[sflag:s18] =	ssyncset.done $0x0  }
0x2e9: {  	[sflag:s18] =	ssyncadd.s32 $0xFFFFEC00  }
0x2ea: {  	[spmem:s3] =	stream.indirect.scatter.add.f32 [tilespmem:s2], [sflag:$0x11], $0x80, s6, s22, $0xb8;
	[tilespmem:$0x1FB80] =	vst v63  }
0x2eb: {  	s2 =	simm.s32 $0xA  }
0x2ec: {  	[spmem:s4] =	stream.indirect.scatter.add.f32 [tilespmem:s28], [sflag:$0x11], $0x1, s6, s22, $0xb8;
	[tilespmem:$0x1FB80] =	vst v63  }
0x2ed: {  	_ =	swait.ge [sflag:s2], $0x1400  }
0x2ee: {  	[sflag:s2] =	ssyncset.done $0x0  }
0x2ef: {  	[sflag:s2] =	ssyncadd.s32 $0xFFFFEC00;
	s2 =	simm.s32 $0x80  }
0x2f0: {  	[spmem:s3] =	stream.indirect.scatter.add.f32 [tilespmem:s24], [sflag:$0x12], $0x80, s2, s22, $0xb8;
	[tilespmem:$0x1FB80] =	vst v63  }
0x2f1: {  	s24 =	simm.s32 $0xB  }
0x2f2: {  	[spmem:s4] =	stream.indirect.scatter.add.f32 [tilespmem:s28], [sflag:$0x12], $0x1, s2, s22, $0xb8;
	[tilespmem:$0x1FB80] =	vst v63  }
0x2f3: {  	_ =	swait.ge [sflag:s24], $0x1400  }
0x2f4: {  	[sflag:s24] =	ssyncset.done $0x0  }
0x2f5: {  	[sflag:s24] =	ssyncadd.s32 $0xFFFFEC00  }
0x2f6: {  	[spmem:s3] =	stream.indirect.scatter.add.f32 [tilespmem:s30], [sflag:$0x13], $0x80, s23, s22, $0xb8;
	[tilespmem:$0x1FB80] =	vst v63  }
0x2f7: {  	s30 =	simm.s32 $0xC  }
0x2f8: {  	[spmem:s4] =	stream.indirect.scatter.add.f32 [tilespmem:s28], [sflag:$0x13], $0x1, s23, s22, $0xb8;
	[tilespmem:$0x1FB80] =	vst v63  }
0x2f9: {  	_ =	swait.ge [sflag:s30], $0x1400  }
0x2fa: {  	[sflag:s30] =	ssyncset.done $0x0  }
0x2fb: {  	[sflag:s30] =	ssyncadd.s32 $0xFFFFEC00  }
0x2fc: {  	[spmem:s3] =	stream.indirect.scatter.add.f32 [tilespmem:s31], [sflag:$0x14], $0x80, s29, s22, $0xb8;
	[tilespmem:$0x1FB80] =	vst v63  }
0x2fd: {  	s24 =	simm.s32 $0xD  }
0x2fe: {  	[spmem:s4] =	stream.indirect.scatter.add.f32 [tilespmem:s28], [sflag:$0x14], $0x1, s29, s22, $0xb8;
	[tilespmem:$0x1FB80] =	vst v63  }
0x2ff: {  	_ =	swait.ge [sflag:s24], $0x1400  }
0x300: {  	[sflag:s24] =	ssyncset.done $0x0  }
0x301: {  	[sflag:s24] =	ssyncadd.s32 $0xFFFFEC00  }
0x302: {  	[spmem:s3] =	stream.indirect.scatter.add.f32 [tilespmem:s7], [sflag:$0x15], $0x80, s19, s22, $0xb8;
	[tilespmem:$0x1FB80] =	vst v63  }
0x303: {  	s30 =	simm.s32 $0xE  }
0x304: {  	[spmem:s4] =	stream.indirect.scatter.add.f32 [tilespmem:s28], [sflag:$0x15], $0x1, s19, s22, $0xb8;
	[tilespmem:$0x1FB80] =	vst v63  }
0x305: {  	_ =	swait.ge [sflag:s30], $0x1400  }
0x306: {  	[sflag:s30] =	ssyncset.done $0x0  }
0x307: {  	s24 =	simm.s32 $0x280;
	[sflag:s30] =	ssyncadd.s32 $0xFFFFEC00  }
0x308: {  	[spmem:s3] =	stream.indirect.scatter.add.f32 [tilespmem:s16], [sflag:$0x16], $0x80, s24, s22, $0xb8;
	[tilespmem:$0x1FB80] =	vst v63  }
0x309: {  	s31 =	simm.s32 $0xF  }
0x30a: {  	[spmem:s4] =	stream.indirect.scatter.add.f32 [tilespmem:s28], [sflag:$0x16], $0x1, s24, s22, $0xb8;
	[tilespmem:$0x1FB80] =	vst v63  }
0x30b: {  	_ =	swait.ge [sflag:s31], $0x1400  }
0x30c: {  	[sflag:s31] =	ssyncset.done $0x0  }
0x30d: {  	s7 =	simm.s32 $0x300;
	[sflag:s31] =	ssyncadd.s32 $0xFFFFEC00  }
0x30e: {  	[spmem:s3] =	stream.indirect.scatter.add.f32 [tilespmem:s26], [sflag:$0x17], $0x80, s7, s22, $0xb8;
	[tilespmem:$0x1FB80] =	vst v63  }
0x30f: {  	s16 =	simm.s32 $0x10  }
0x310: {  	[spmem:s4] =	stream.indirect.scatter.add.f32 [tilespmem:s28], [sflag:$0x17], $0x1, s7, s22, $0xb8;
	[tilespmem:$0x1FB80] =	vst v63  }
0x311: {  	_ =	swait.ge [sflag:s16], $0x1400  }
0x312: {  	[sflag:s16] =	ssyncset.done $0x0  }
0x313: {  	[sflag:s16] =	ssyncadd.s32 $0xFFFFEC00  }
0x314: {  	[spmem:s3] =	stream.indirect.scatter.add.f32 [tilespmem:s20], [sflag:$0x18], $0x80, s12, s22, $0xb8;
	[tilespmem:$0x1FB80] =	vst v63  }
0x315: {  	_ = 	snop  }
0x316: {  	[spmem:s4] =	stream.indirect.scatter.add.f32 [tilespmem:s28], [sflag:$0x18], $0x1, s12, s22, $0xb8;
	[tilespmem:$0x1FB80] =	vst v63  }
0x317: {  	_ =	swait.ge [sflag:s15], $0x1400  }
0x318: {  	[sflag:s15] =	ssyncset.done $0x0  }
0x319: {  	[sflag:s15] =	ssyncadd.s32 $0xFFFFEC00  }
0x31a: {  	_ =	swait.ge [sflag:s15], $0x28  }
0x31b: {  	s21 =	smov.u32 s0;
	s30 =	rddreg [dreg:$0x14];
	[sflag:s15] =	ssyncset.done $0x0  }
0x31c: {  	[sflag:s15] =	ssyncadd.s32 $0xFFFFFFD8;
	s18 =	sadd.s32 s21, s30  }
0x31d: {  	[tilespmem:s6], [sflag:$0x1] =	stream.linear.gather [hbm4b:s18+s6], $0x28, $0x38;
	[tilespmem:$0x1FB80] =	vst v63  }
0x31e: {  	_ =	swait.ge [sflag:s14], $0x1400  }
0x31f: {  	[sflag:s14] =	ssyncset.done $0x0  }
0x320: {  	[sflag:s14] =	ssyncadd.s32 $0xFFFFEC00  }
0x321: {  	_ =	swait.ge [sflag:s14], $0x28  }
0x322: {  	s31 =	rddreg [dreg:$0x13];
	[sflag:s14] =	ssyncset.done $0x0  }
0x323: {  	[sflag:s14] =	ssyncadd.s32 $0xFFFFFFD8;
	s18 =	sadd.s32 s21, s31  }
0x324: {  	[tilespmem:s2], [sflag:$0x2] =	stream.linear.gather [hbm4b:s18+s6], $0x28, $0x38;
	[tilespmem:$0x1FB80] =	vst v63  }
0x325: {  	_ =	swait.ge [sflag:s5], $0x1400  }
0x326: {  	[sflag:s5] =	ssyncset.done $0x0  }
0x327: {  	[sflag:s5] =	ssyncadd.s32 $0xFFFFEC00  }
0x328: {  	_ =	swait.ge [sflag:s5], $0x28  }
0x329: {  	s2 =	rddreg [dreg:$0x12];
	[sflag:s5] =	ssyncset.done $0x0  }
0x32a: {  	[sflag:s5] =	ssyncadd.s32 $0xFFFFFFD8;
	s18 =	sadd.s32 s21, s2  }
0x32b: {  	[tilespmem:s23], [sflag:$0x3] =	stream.linear.gather [hbm4b:s18+s6], $0x28, $0x38;
	[tilespmem:$0x1FB80] =	vst v63  }
0x32c: {  	_ =	swait.ge [sflag:s8], $0x1400  }
0x32d: {  	[sflag:s8] =	ssyncset.done $0x0  }
0x32e: {  	[sflag:s8] =	ssyncadd.s32 $0xFFFFEC00  }
0x32f: {  	_ =	swait.ge [sflag:s8], $0x28  }
0x330: {  	s12 =	rddreg [dreg:$0x11];
	[sflag:s8] =	ssyncset.done $0x0  }
0x331: {  	[sflag:s8] =	ssyncadd.s32 $0xFFFFFFD8;
	s18 =	sadd.s32 s21, s12  }
0x332: {  	[tilespmem:s29], [sflag:$0x4] =	stream.linear.gather [hbm4b:s18+s6], $0x28, $0x38;
	[tilespmem:$0x1FB80] =	vst v63  }
0x333: {  	_ =	swait.ge [sflag:s9], $0x1400  }
0x334: {  	[sflag:s9] =	ssyncset.done $0x0  }
0x335: {  	[sflag:s9] =	ssyncadd.s32 $0xFFFFEC00  }
0x336: {  	_ =	swait.ge [sflag:s9], $0x28  }
0x337: {  	s16 =	rddreg [dreg:$0x10];
	[sflag:s9] =	ssyncset.done $0x0  }
0x338: {  	[sflag:s9] =	ssyncadd.s32 $0xFFFFFFD8;
	s18 =	sadd.s32 s21, s16  }
0x339: {  	[tilespmem:s19], [sflag:$0x5] =	stream.linear.gather [hbm4b:s18+s6], $0x28, $0x38;
	[tilespmem:$0x1FB80] =	vst v63  }
0x33a: {  	_ =	swait.ge [sflag:s10], $0x1400  }
0x33b: {  	[sflag:s10] =	ssyncset.done $0x0  }
0x33c: {  	[sflag:s10] =	ssyncadd.s32 $0xFFFFEC00  }
0x33d: {  	_ =	swait.ge [sflag:s10], $0x28  }
0x33e: {  	s20 =	rddreg [dreg:$0xf];
	[sflag:s10] =	ssyncset.done $0x0  }
0x33f: {  	[sflag:s10] =	ssyncadd.s32 $0xFFFFFFD8;
	s18 =	sadd.s32 s21, s20  }
0x340: {  	[tilespmem:s24], [sflag:$0x6] =	stream.linear.gather [hbm4b:s18+s6], $0x28, $0x38;
	[tilespmem:$0x1FB80] =	vst v63  }
0x341: {  	_ =	swait.ge [sflag:s11], $0x1400  }
0x342: {  	[sflag:s11] =	ssyncset.done $0x0  }
0x343: {  	[sflag:s11] =	ssyncadd.s32 $0xFFFFEC00  }
0x344: {  	_ =	swait.ge [sflag:s11], $0x28  }
0x345: {  	s30 =	rddreg [dreg:$0xe];
	[sflag:s11] =	ssyncset.done $0x0  }
0x346: {  	[sflag:s11] =	ssyncadd.s32 $0xFFFFFFD8;
	s18 =	sadd.s32 s21, s30  }
0x347: {  	[tilespmem:s7], [sflag:$0x7] =	stream.linear.gather [hbm4b:s18+s6], $0x28, $0x38;
	[tilespmem:$0x1FB80] =	vst v63  }
0x348: {  	p0 =	sne.s32 s0, $0x208;
	_ =	swait.ge [sflag:s13], $0x1400  }
.Ltmp2:
0x349: {  	[sflag:s13] =	ssyncset.done $0x0;
	(pc) =	sbr.rel @p0 .LBB2_6-.Ltmp2, $4  }
0x34a: {  	[sflag:s13] =	ssyncadd.s32 $0xFFFFEC00  }
0x34b: {  	s0 =	sadd.s32 $0x28, s0;
	s17 =	sadd.s32 $0x140, s17;
	_ =	swait.ge [sflag:s13], $0x28  }
0x34c: {  	s26 =	simm.s32 $0x3;
	[sflag:s13] =	ssyncset.done $0x0;
	s31 =	rddreg [dreg:$0xd]  }
0x34d: {  	s18 =	simm.s32 $0x1;
	[sflag:s13] =	ssyncadd.s32 $0xFFFFFFD8;
	s21 =	sadd.s32 s21, s31  }
0x34e: {  	s12 =	simm.s32 $0x380  }
0x34f: {  	[tilespmem:s12], [sflag:$0x8] =	stream.linear.gather [hbm4b:s21+s6], $0x28, $0x38;
	[tilespmem:$0x1FB80] =	vst v63  }
0x350: {  	_ =	swait.ge [sflag:s18], $0x28  }
0x351: {  	[sflag:s18] =	ssyncset.done $0x0  }
0x352: {  	s0 =	simm.s32 $0x1580;
	s24 =	simm.s32 $0x1800;
	[sflag:s18] =	ssyncadd.s32 $0xFFFFFFD8  }
0x353: {  	[tilespmem:s24], [sflag:$0x9] =	stream.indirect.gather [hbm4b:s1+s22], $0x80, s0, s22, $0xb8;
	[tilespmem:$0x1FB80] =	vst v63  }
0x354: {  	_ =	swait.ge [sflag:s25], $0x28  }
0x355: {  	[sflag:s25] =	ssyncset.done $0x0  }
0x356: {  	s30 =	simm.s32 $0x2C00;
	[sflag:s25] =	ssyncadd.s32 $0xFFFFFFD8;
	s25 =	simm.s32 $0x15A8  }
0x357: {  	[tilespmem:s30], [sflag:$0xA] =	stream.indirect.gather [hbm4b:s1+s22], $0x80, s25, s22, $0xb8;
	[tilespmem:$0x1FB80] =	vst v63  }
0x358: {  	_ =	swait.ge [sflag:s26], $0x28  }
0x359: {  	s2 =	simm.s32 $0x4;
	[sflag:s26] =	ssyncset.done $0x0  }
0x35a: {  	s21 =	simm.s32 $0x4000;
	[sflag:s26] =	ssyncadd.s32 $0xFFFFFFD8;
	s26 =	simm.s32 $0x15D0  }
0x35b: {  	[tilespmem:s21], [sflag:$0xB] =	stream.indirect.gather [hbm4b:s1+s22], $0x80, s26, s22, $0xb8;
	[tilespmem:$0x1FB80] =	vst v63  }
0x35c: {  	_ =	swait.ge [sflag:s2], $0x28  }
0x35d: {  	s7 =	simm.s32 $0x15F8;
	[sflag:s2] =	ssyncset.done $0x0  }
0x35e: {  	s16 =	simm.s32 $0x5;
	s25 =	simm.s32 $0x5400;
	[sflag:s2] =	ssyncadd.s32 $0xFFFFFFD8  }
0x35f: {  	[tilespmem:s25], [sflag:$0xC] =	stream.indirect.gather [hbm4b:s1+s22], $0x80, s7, s22, $0xb8;
	[tilespmem:$0x1FB80] =	vst v63  }
0x360: {  	_ =	swait.ge [sflag:s16], $0x28  }
0x361: {  	s17 =	simm.s32 $0x1620;
	[sflag:s16] =	ssyncset.done $0x0  }
0x362: {  	s18 =	simm.s32 $0x6;
	s7 =	simm.s32 $0x6800;
	[sflag:s16] =	ssyncadd.s32 $0xFFFFFFD8  }
0x363: {  	[tilespmem:s7], [sflag:$0xD] =	stream.indirect.gather [hbm4b:s1+s22], $0x80, s17, s22, $0xb8;
	[tilespmem:$0x1FB80] =	vst v63  }
0x364: {  	_ =	swait.ge [sflag:s18], $0x28  }
0x365: {  	s20 =	simm.s32 $0x1648;
	[sflag:s18] =	ssyncset.done $0x0  }
0x366: {  	s26 =	simm.s32 $0x7;
	s16 =	simm.s32 $0x7C00;
	[sflag:s18] =	ssyncadd.s32 $0xFFFFFFD8  }
0x367: {  	[tilespmem:s16], [sflag:$0xE] =	stream.indirect.gather [hbm4b:s1+s22], $0x80, s20, s22, $0xb8;
	[tilespmem:$0x1FB80] =	vst v63  }
0x368: {  	_ =	swait.ge [sflag:s26], $0x28  }
0x369: {  	s2 =	simm.s32 $0x1670;
	[sflag:s26] =	ssyncset.done $0x0  }
0x36a: {  	s17 =	simm.s32 $0x8;
	[sflag:s26] =	ssyncadd.s32 $0xFFFFFFD8;
	s26 =	simm.s32 $0x9000  }
0x36b: {  	[tilespmem:s26], [sflag:$0xF] =	stream.indirect.gather [hbm4b:s1+s22], $0x80, s2, s22, $0xb8;
	[tilespmem:$0x1FB80] =	vst v63  }
0x36c: {  	_ =	swait.ge [sflag:s17], $0x28  }
0x36d: {  	[sflag:s17] =	ssyncset.done $0x0  }
0x36e: {  	s18 =	simm.s32 $0x1698;
	s20 =	simm.s32 $0xA400;
	[sflag:s17] =	ssyncadd.s32 $0xFFFFFFD8  }
0x36f: {  	[tilespmem:s20], [sflag:$0x10] =	stream.indirect.gather [hbm4b:s1+s22], $0x80, s18, s22, $0xb8;
	[tilespmem:$0x1FB80] =	vst v63  }
0x370: {  	s18 =	simm.s32 $0x9  }
0x371: {  	_ =	swait.ge [sflag:s18], $0x1400  }
0x372: {  	[sflag:s18] =	ssyncset.done $0x0  }
0x373: {  	[sflag:s18] =	ssyncadd.s32 $0xFFFFEC00  }
0x374: {  	[spmem:s3] =	stream.indirect.scatter.add.f32 [tilespmem:s24], [sflag:$0x11], $0x80, s6, s22, $0xb8;
	[tilespmem:$0x1FB80] =	vst v63  }
0x375: {  	s17 =	simm.s32 $0xA  }
0x376: {  	[spmem:s4] =	stream.indirect.scatter.add.f32 [tilespmem:s28], [sflag:$0x11], $0x1, s6, s22, $0xb8;
	[tilespmem:$0x1FB80] =	vst v63  }
0x377: {  	_ =	swait.ge [sflag:s17], $0x1400  }
0x378: {  	[sflag:s17] =	ssyncset.done $0x0  }
0x379: {  	s2 =	simm.s32 $0x80;
	[sflag:s17] =	ssyncadd.s32 $0xFFFFEC00  }
0x37a: {  	[spmem:s3] =	stream.indirect.scatter.add.f32 [tilespmem:s30], [sflag:$0x12], $0x80, s2, s22, $0xb8;
	[tilespmem:$0x1FB80] =	vst v63  }
0x37b: {  	s0 =	simm.s32 $0xB  }
0x37c: {  	[spmem:s4] =	stream.indirect.scatter.add.f32 [tilespmem:s28], [sflag:$0x12], $0x1, s2, s22, $0xb8;
	[tilespmem:$0x1FB80] =	vst v63  }
0x37d: {  	_ =	swait.ge [sflag:s0], $0x1400  }
0x37e: {  	[sflag:s0] =	ssyncset.done $0x0  }
0x37f: {  	[sflag:s0] =	ssyncadd.s32 $0xFFFFEC00  }
0x380: {  	[spmem:s3] =	stream.indirect.scatter.add.f32 [tilespmem:s21], [sflag:$0x13], $0x80, s23, s22, $0xb8;
	[tilespmem:$0x1FB80] =	vst v63  }
0x381: {  	s21 =	simm.s32 $0xC  }
0x382: {  	[spmem:s4] =	stream.indirect.scatter.add.f32 [tilespmem:s28], [sflag:$0x13], $0x1, s23, s22, $0xb8;
	[tilespmem:$0x1FB80] =	vst v63  }
0x383: {  	_ =	swait.ge [sflag:s21], $0x1400  }
0x384: {  	[sflag:s21] =	ssyncset.done $0x0  }
0x385: {  	[sflag:s21] =	ssyncadd.s32 $0xFFFFEC00  }
0x386: {  	[spmem:s3] =	stream.indirect.scatter.add.f32 [tilespmem:s25], [sflag:$0x14], $0x80, s29, s22, $0xb8;
	[tilespmem:$0x1FB80] =	vst v63  }
0x387: {  	s23 =	simm.s32 $0xD  }
0x388: {  	[spmem:s4] =	stream.indirect.scatter.add.f32 [tilespmem:s28], [sflag:$0x14], $0x1, s29, s22, $0xb8;
	[tilespmem:$0x1FB80] =	vst v63  }
0x389: {  	_ =	swait.ge [sflag:s23], $0x1400  }
0x38a: {  	[sflag:s23] =	ssyncset.done $0x0  }
0x38b: {  	[sflag:s23] =	ssyncadd.s32 $0xFFFFEC00  }
0x38c: {  	[spmem:s3] =	stream.indirect.scatter.add.f32 [tilespmem:s7], [sflag:$0x15], $0x80, s19, s22, $0xb8;
	[tilespmem:$0x1FB80] =	vst v63  }
0x38d: {  	s25 =	simm.s32 $0xE  }
0x38e: {  	[spmem:s4] =	stream.indirect.scatter.add.f32 [tilespmem:s28], [sflag:$0x15], $0x1, s19, s22, $0xb8;
	[tilespmem:$0x1FB80] =	vst v63  }
0x38f: {  	_ =	swait.ge [sflag:s25], $0x1400  }
0x390: {  	[sflag:s25] =	ssyncset.done $0x0  }
0x391: {  	s7 =	simm.s32 $0x280;
	[sflag:s25] =	ssyncadd.s32 $0xFFFFEC00  }
0x392: {  	[spmem:s3] =	stream.indirect.scatter.add.f32 [tilespmem:s16], [sflag:$0x16], $0x80, s7, s22, $0xb8;
	[tilespmem:$0x1FB80] =	vst v63  }
0x393: {  	s16 =	simm.s32 $0xF  }
0x394: {  	[spmem:s4] =	stream.indirect.scatter.add.f32 [tilespmem:s28], [sflag:$0x16], $0x1, s7, s22, $0xb8;
	[tilespmem:$0x1FB80] =	vst v63  }
0x395: {  	_ =	swait.ge [sflag:s16], $0x1400  }
0x396: {  	[sflag:s16] =	ssyncset.done $0x0  }
0x397: {  	s19 =	simm.s32 $0x300;
	[sflag:s16] =	ssyncadd.s32 $0xFFFFEC00  }
0x398: {  	[spmem:s3] =	stream.indirect.scatter.add.f32 [tilespmem:s26], [sflag:$0x17], $0x80, s19, s22, $0xb8;
	[tilespmem:$0x1FB80] =	vst v63  }
0x399: {  	s26 =	simm.s32 $0x10  }
0x39a: {  	[spmem:s4] =	stream.indirect.scatter.add.f32 [tilespmem:s28], [sflag:$0x17], $0x1, s19, s22, $0xb8;
	[tilespmem:$0x1FB80] =	vst v63  }
0x39b: {  	_ =	swait.ge [sflag:s26], $0x1400  }
0x39c: {  	[sflag:s26] =	ssyncset.done $0x0  }
0x39d: {  	[sflag:s26] =	ssyncadd.s32 $0xFFFFEC00  }
0x39e: {  	[spmem:s3] =	stream.indirect.scatter.add.f32 [tilespmem:s20], [sflag:$0x18], $0x80, s12, s22, $0xb8;
	[tilespmem:$0x1FB80] =	vst v63  }
0x39f: {  	_ = 	snop  }
0x3a0: {  	[spmem:s4] =	stream.indirect.scatter.add.f32 [tilespmem:s28], [sflag:$0x18], $0x1, s12, s22, $0xb8;
	[tilespmem:$0x1FB80] =	vst v63  }
0x3a1: {  	_ =	swait.ge [sflag:s15], $0x1400  }
0x3a2: {  	[sflag:s15] =	ssyncset.done $0x0  }
0x3a3: {  	[sflag:s15] =	ssyncadd.s32 $0xFFFFEC00  }
0x3a4: {  	_ =	swait.ge [sflag:s15], $0x28  }
0x3a5: {  	s21 =	sld [smem:$0x7FC]  }
0x3a6: {  	[sflag:s15] =	ssyncset.done $0x0  }
0x3a7: {  	s16 =	simm.s32 $0x19;
	[sflag:s15] =	ssyncadd.s32 $0xFFFFFFD8  }
0x3a8: {  	[tilespmem:s6], [sflag:$0x19] =	stream.linear.gather [hbm4b:s21+s6], $0x28, $0x38;
	[tilespmem:$0x1FB80] =	vst v63  }
0x3a9: {  	_ =	swait.ge [sflag:s16], $0x28  }
0x3aa: {  	[sflag:s16] =	ssyncset.done $0x0  }
0x3ab: {  	s23 =	simm.s32 $0x16C0;
	[sflag:s16] =	ssyncadd.s32 $0xFFFFFFD8  }
0x3ac: {  	[tilespmem:s24], [sflag:$0x9] =	stream.indirect.gather [hbm4b:s1+s22], $0x80, s23, s22, $0xb8;
	[tilespmem:$0x1FB80] =	vst v63  }
0x3ad: {  	_ =	swait.ge [sflag:s18], $0x1400  }
0x3ae: {  	[sflag:s18] =	ssyncset.done $0x0  }
0x3af: {  	[sflag:s18] =	ssyncadd.s32 $0xFFFFEC00  }
0x3b0: {  	[spmem:s3] =	stream.indirect.scatter.add.f32 [tilespmem:s24], [sflag:$0x19], $0x80, s6, s22, $0xb8;
	[tilespmem:$0x1FB80] =	vst v63  }
0x3b1: {  	_ =	swait.ge [sflag:s16], $0x1400  }
0x3b2: {  	[sflag:s16] =	ssyncset.done $0x0  }
0x3b3: {  	[sflag:s16] =	ssyncadd.s32 $0xFFFFEC00  }
0x3b4: {  	[spmem:s4] =	stream.indirect.scatter.add.f32 [tilespmem:s28], [sflag:$0x19], $0x1, s6, s22, $0xb8;
	[tilespmem:$0x1FB80] =	vst v63  }
0x3b5: {  	_ =	swait.ge [sflag:s16], $0x28  }
0x3b6: {  	[sflag:s16] =	ssyncset.done $0x0  }
0x3b7: {  	[sflag:s16] =	ssyncadd.s32 $0xFFFFFFD8  }
0x3b8: {  	_ =	swait.ge [sflag:s14], $0x1400  }
0x3b9: {  	[sflag:s14] =	ssyncset.done $0x0  }
0x3ba: {  	[sflag:s14] =	ssyncadd.s32 $0xFFFFEC00  }
0x3bb: {  	_ =	swait.ge [sflag:s14], $0x28  }
0x3bc: {  	s24 =	sld [smem:$0x7F2]  }
0x3bd: {  	[sflag:s14] =	ssyncset.done $0x0  }
0x3be: {  	[sflag:s14] =	ssyncadd.s32 $0xFFFFFFD8  }
0x3bf: {  	[tilespmem:s2], [sflag:$0x19] =	stream.linear.gather [hbm4b:s24+s6], $0x28, $0x38;
	[tilespmem:$0x1FB80] =	vst v63  }
0x3c0: {  	_ =	swait.ge [sflag:s16], $0x28  }
0x3c1: {  	[sflag:s16] =	ssyncset.done $0x0  }
0x3c2: {  	s25 =	simm.s32 $0x16E8;
	[sflag:s16] =	ssyncadd.s32 $0xFFFFFFD8  }
0x3c3: {  	[tilespmem:s30], [sflag:$0xA] =	stream.indirect.gather [hbm4b:s1+s22], $0x80, s25, s22, $0xb8;
	[tilespmem:$0x1FB80] =	vst v63  }
0x3c4: {  	_ =	swait.ge [sflag:s17], $0x1400  }
0x3c5: {  	[sflag:s17] =	ssyncset.done $0x0  }
0x3c6: {  	[sflag:s17] =	ssyncadd.s32 $0xFFFFEC00  }
0x3c7: {  	[spmem:s3] =	stream.indirect.scatter.add.f32 [tilespmem:s30], [sflag:$0x19], $0x80, s2, s22, $0xb8;
	[tilespmem:$0x1FB80] =	vst v63  }
0x3c8: {  	_ =	swait.ge [sflag:s16], $0x1400  }
0x3c9: {  	[sflag:s16] =	ssyncset.done $0x0  }
0x3ca: {  	[sflag:s16] =	ssyncadd.s32 $0xFFFFEC00  }
0x3cb: {  	[spmem:s4] =	stream.indirect.scatter.add.f32 [tilespmem:s28], [sflag:$0x19], $0x1, s2, s22, $0xb8;
	[tilespmem:$0x1FB80] =	vst v63  }
0x3cc: {  	_ =	swait.ge [sflag:s16], $0x28  }
0x3cd: {  	[sflag:s16] =	ssyncset.done $0x0  }
0x3ce: {  	[sflag:s16] =	ssyncadd.s32 $0xFFFFFFD8  }
0x3cf: {  	_ =	swait.ge [sflag:s5], $0x1400  }
0x3d0: {  	[sflag:s5] =	ssyncset.done $0x0  }
0x3d1: {  	[sflag:s5] =	ssyncadd.s32 $0xFFFFEC00  }
0x3d2: {  	_ =	swait.ge [sflag:s5], $0x28  }
0x3d3: {  	[sflag:s5] =	ssyncset.done $0x0  }
0x3d4: {  	[sflag:s5] =	ssyncadd.s32 $0xFFFFFFD8  }
0x3d5: {  	_ =	swait.ge [sflag:s8], $0x1400  }
0x3d6: {  	[sflag:s8] =	ssyncset.done $0x0  }
0x3d7: {  	[sflag:s8] =	ssyncadd.s32 $0xFFFFEC00  }
0x3d8: {  	_ =	swait.ge [sflag:s8], $0x28  }
0x3d9: {  	[sflag:s8] =	ssyncset.done $0x0  }
0x3da: {  	[sflag:s8] =	ssyncadd.s32 $0xFFFFFFD8  }
0x3db: {  	_ =	swait.ge [sflag:s9], $0x1400  }
0x3dc: {  	[sflag:s9] =	ssyncset.done $0x0  }
0x3dd: {  	[sflag:s9] =	ssyncadd.s32 $0xFFFFEC00  }
0x3de: {  	_ =	swait.ge [sflag:s9], $0x28  }
0x3df: {  	[sflag:s9] =	ssyncset.done $0x0  }
0x3e0: {  	[sflag:s9] =	ssyncadd.s32 $0xFFFFFFD8  }
0x3e1: {  	_ =	swait.ge [sflag:s10], $0x1400  }
0x3e2: {  	[sflag:s10] =	ssyncset.done $0x0  }
0x3e3: {  	[sflag:s10] =	ssyncadd.s32 $0xFFFFEC00  }
0x3e4: {  	_ =	swait.ge [sflag:s10], $0x28  }
0x3e5: {  	[sflag:s10] =	ssyncset.done $0x0  }
0x3e6: {  	[sflag:s10] =	ssyncadd.s32 $0xFFFFFFD8  }
0x3e7: {  	_ =	swait.ge [sflag:s11], $0x1400  }
0x3e8: {  	[sflag:s11] =	ssyncset.done $0x0  }
0x3e9: {  	[sflag:s11] =	ssyncadd.s32 $0xFFFFEC00  }
0x3ea: {  	_ =	swait.ge [sflag:s11], $0x28  }
0x3eb: {  	[sflag:s11] =	ssyncset.done $0x0  }
0x3ec: {  	[sflag:s11] =	ssyncadd.s32 $0xFFFFFFD8  }
0x3ed: {  	_ =	swait.ge [sflag:s13], $0x1400  }
0x3ee: {  	[sflag:s13] =	ssyncset.done $0x0  }
0x3ef: {  	[sflag:s13] =	ssyncadd.s32 $0xFFFFEC00  }
0x3f0: {  	_ =	swait.ge [sflag:s13], $0x28  }
0x3f1: {  	[sflag:s13] =	ssyncset.done $0x0  }
0x3f2: {  	[sflag:s13] =	ssyncadd.s32 $0xFFFFFFD8  }
0x3f3: {  	[bflag:$0x0] =	sbarrier.arrive $0xFFFF  }
0x3f4: {  	s30 =	stileid.u32;
	s12 =	sld [smem:$0x7F3]  }
0x3f5: {  	s0 =	sshll.u32 s30, $0x6;
	s21 =	rddreg [dreg:$0x1a]  }
0x3f6: {  	s0 =	sor.u32 $0x1C19, s0;
	s2 =	sshrl.u32 s21, $0x3  }
0x3f7: {  	[hbm:s12], [sflag:s0] =	dma.local [spmem:s2], $0x2800  }
0x3f8: {  	_ =	swait.ge [sflag:s16], $0x2800  }
0x3f9: {  	s23 =	sld [smem:$0x7FD]  }
0x3fa: {  	s25 =	sld [smem:$0x7F4]  }
0x3fb: {  	s7 =	simm.s32 $0x1;
	[sflag:s16] =	ssyncset.done $0x0  }
0x3fc: {  	s30 =	simm.s32 $0x20;
	[sflag:s16] =	ssyncadd.s32 $0xFFFFD800;
	s18 =	sshrl.u32 s23, $0x3  }
0x3fd: {  	[hbm:s25@s30], [sflag:s0] =	dma.strided [spmem:s18@s26], $0x50, s7, $0x10   }
0x3fe: {  	_ =	swait.ge [sflag:s16], $0x50  }
0x3ff: {  	s26 =	sld [smem:$0x7D8]  }
0x400: {  	s30 =	sld [smem:$0x7F5];
	_ =	sdelay $0x1  }
0x401: {  	s7 =	sadd.s32 $0x1, s26  }
0x402: {  	p0 =	sne.s32 s7, s30  }
.Ltmp3:
0x403: {  	_ = 	snop;
	(pc) =	sbr.rel @p0 .LBB2_1-.Ltmp3, $4  }
0x404: {  	s31 =	simm.s32 $0x180;
	s29 =	simm.s32 $0x100  }
0x405: {  	s19 =	simm.s32 $0x200;
	s20 =	simm.s32 $0x80;
	[sflag:s16] =	ssyncset.done $0x0  }
0x406: {  	s24 =	simm.s32 $0x300;
	s12 =	simm.s32 $0x280;
	[sflag:s16] =	ssyncadd.s32 $0xFFFFFFB0  }
0x407: {  	s2 =	simm.s32 $0x380;
	s16 =	simm.s32 $0x400;
	s18 =	rddreg [dreg:$0x1]  }
0x408: {  	_ =	sfence.sel $0x180000  }
0x409: {  	[bflag:$0x0] =	sbarrier.arrive $0xFFFF  }
0x40a: {  	_ =	strace $0x90000047  }
0x40b: {  	s0 =	stileid.u32;
	[bflag:$0x2] =	sbarrier.arrive $0xFFFF  }
0x40c: {  	p0 =	sne.s32 s0, $0x0;
	s0 =	rddreg [dreg:$0x5]  }
0x40d: {  	s0 =	sadd.s32 @!p0 $0x100000, s0  }
0x40e: {  	[sflag:s0] =	ssyncadd.tile.s32 @!p0 $0x1;
	_ =	shalt  }
.Lfunc_end2:
_tile_overlayer_lowered:
.L_overlay_start_2:
0x40f: {  	(tag) =	ssettag $0x2  }
0x410: {  	s0 =	rddreg [dreg:$0x0];
	s2 =	stileid.u32  }
0x411: {  	s1 =	rddreg [dreg:$0x1];
	p0 =	sne.s32 s2, $0x0  }
0x412: {  	s3 =	rddreg [dreg:$0x2];
	[bflag:$0x3] =	sbarrier.arrive $0xFFFF;
	s2 =	simm.s32 @!p0 $0x1C19  }
0x413: {  	[timem:s3], [sflag:s2] =	dma.local @!p0 [hbm:s0], s1  }
0x414: {  	s0 =	simm.s32 @!p0 $0x19  }
0x415: {  	_ =	swait.ge @!p0 [sflag:s0], s1  }
0x416: {  	s1 =	ssub.s32 @!p0 $0x0, s1;
	[sflag:s0] =	ssyncset.done @!p0 $0x0  }
0x417: {  	[sflag:s0] =	ssyncadd.s32 @!p0 s1  }
0x418: {  	[bflag:$0x3] =	sbarrier.arrive $0xFFFF  }
0x419: {  	_ =	shalt  }

</sc_bundles>
